<compile_context>
chip_gen: v7x
topology: tpu7x:2x2x1
jax: 0.10.2.dev20260603
libtpu: 0.0.44.dev20260713+nightly
codegen_flags: <defaults>
</compile_context>

<pallas_src>
import functools

import jax
import jax.numpy as jnp
from jax import lax
from jax.experimental import pallas as pl
from jax.experimental.pallas import tpu as pltpu
from jax.experimental.pallas import tpu_sc as plsc

B, T = 1024, 200
KM, KC = 100, 32
KM_P = 112
KC_P = 32
L = 16
NC, NS = 2, 16
NW = NC * NS
RW = B // NW
NG = RW // L
EPS = 1e-9


def _sc_body(amt_hbm, mcc_hbm, cat_hbm,
             s_out, q_out, cm_out, sm_out, qm_out, cc_out, sc_out, qc_out,
             amt_v, mcc_v, cat_v,
             cm_v, sm_v, qm_v, cc_v, sc_v, qc_v, s_st, q_st):
    wid = lax.axis_index("s") * NC + lax.axis_index("c")
    base = wid * RW
    pltpu.sync_copy(amt_hbm.at[pl.ds(base, RW)], amt_v)
    pltpu.sync_copy(mcc_hbm.at[pl.ds(base, RW)], mcc_v)
    pltpu.sync_copy(cat_hbm.at[pl.ds(base, RW)], cat_v)

    zeros = jnp.zeros((L,), jnp.float32)
    ones = jnp.ones((L,), jnp.float32)
    lane = lax.iota(jnp.int32, L)

    for g in range(NG):
        for r in range(L):
            for ch in range(KM_P // L):
                cm_v[r, pl.ds(ch * L, L)] = zeros
                sm_v[r, pl.ds(ch * L, L)] = zeros
                qm_v[r, pl.ds(ch * L, L)] = zeros
            for ch in range(KC_P // L):
                cc_v[r, pl.ds(ch * L, L)] = zeros
                sc_v[r, pl.ds(ch * L, L)] = zeros
                qc_v[r, pl.ds(ch * L, L)] = zeros

        rows = lane + (g * L)

        def t_body(t, carry):
            s, q = carry
            t16 = jnp.full((L,), t, jnp.int32)
            a = plsc.load_gather(amt_v, [rows, t16])
            m = plsc.load_gather(mcc_v, [rows, t16])
            c = plsc.load_gather(cat_v, [rows, t16])
            v = (jnp.exp(jnp.abs(a)) - 1.0) * jnp.sign(a)
            v2 = v * v
            plsc.addupdate_scatter(cm_v, [lane, m], ones)
            plsc.addupdate_scatter(sm_v, [lane, m], v)
            plsc.addupdate_scatter(qm_v, [lane, m], v2)
            plsc.addupdate_scatter(cc_v, [lane, c], ones)
            plsc.addupdate_scatter(sc_v, [lane, c], v)
            plsc.addupdate_scatter(qc_v, [lane, c], v2)
            return s + v, q + v2

        s, q = lax.fori_loop(0, T, t_body, (zeros, zeros))
        s_st[...] = s
        q_st[...] = q

        gbase = base + g * L
        pltpu.sync_copy(s_st, s_out.at[pl.ds(gbase, L)])
        pltpu.sync_copy(q_st, q_out.at[pl.ds(gbase, L)])
        pltpu.sync_copy(cm_v, cm_out.at[pl.ds(gbase, L)])
        pltpu.sync_copy(sm_v, sm_out.at[pl.ds(gbase, L)])
        pltpu.sync_copy(qm_v, qm_out.at[pl.ds(gbase, L)])
        pltpu.sync_copy(cc_v, cc_out.at[pl.ds(gbase, L)])
        pltpu.sync_copy(sc_v, sc_out.at[pl.ds(gbase, L)])
        pltpu.sync_copy(qc_v, qc_out.at[pl.ds(gbase, L)])


def _sc_aggregate(amount, mcc, category):
    f32 = jnp.float32
    out_type = [
        jax.ShapeDtypeStruct((B,), f32),
        jax.ShapeDtypeStruct((B,), f32),
        jax.ShapeDtypeStruct((B, KM_P), f32),
        jax.ShapeDtypeStruct((B, KM_P), f32),
        jax.ShapeDtypeStruct((B, KM_P), f32),
        jax.ShapeDtypeStruct((B, KC_P), f32),
        jax.ShapeDtypeStruct((B, KC_P), f32),
        jax.ShapeDtypeStruct((B, KC_P), f32),
    ]
    scratch = [
        pltpu.VMEM((RW, T), f32),
        pltpu.VMEM((RW, T), jnp.int32),
        pltpu.VMEM((RW, T), jnp.int32),
        pltpu.VMEM((L, KM_P), f32),
        pltpu.VMEM((L, KM_P), f32),
        pltpu.VMEM((L, KM_P), f32),
        pltpu.VMEM((L, KC_P), f32),
        pltpu.VMEM((L, KC_P), f32),
        pltpu.VMEM((L, KC_P), f32),
        pltpu.VMEM((L,), f32),
        pltpu.VMEM((L,), f32),
    ]
    mesh = plsc.VectorSubcoreMesh(core_axis_name="c", subcore_axis_name="s",
                                  num_cores=NC, num_subcores=NS)
    fn = pl.kernel(_sc_body, out_type=out_type, mesh=mesh,
                   scratch_types=scratch,
                   compiler_params=pltpu.CompilerParams(
                       use_tc_tiling_on_sc=False,
                       needs_layout_passes=False))
    return fn(amount, mcc, category)


def _tc_finalize_body(sl_ref, s_ref, q_ref, cm_ref, sm_ref, qm_ref,
                      cc_ref, sc_ref, qc_ref, out_ref):
    sl = sl_ref[...]
    s = s_ref[...]
    q = q_ref[...]
    sl_e = sl + EPS
    mean_row = s / sl_e
    a_row = jnp.clip(q - (s * s) / sl_e, 0.0, None)
    std_row = jnp.sqrt(a_row / (jnp.clip(sl - 1.0, 0.0, None) + EPS))

    def block(cnt, sm, qm, k):
        kcols = lax.broadcasted_iota(jnp.int32, cnt.shape, 1)
        cnt_m = jnp.where(kcols == 0, 0.0, cnt)
        mean = sm / (cnt_m + EPS)
        a2 = jnp.clip(qm - (sm * sm) / (cnt_m + EPS), 0.0, None)
        std = jnp.sqrt(a2 / (jnp.clip(cnt_m - 1.0, 0.0, None) + EPS))
        ndist = jnp.sum((cnt_m > 0.0).astype(jnp.float32), axis=1,
                        keepdims=True)
        return cnt_m[:, :k], mean[:, :k], std[:, :k], ndist

    cm, mm, tm, nm = block(cm_ref[...], sm_ref[...], qm_ref[...], KM)
    cc, mc, tc, nc = block(cc_ref[...], sc_ref[...], qc_ref[...], KC)
    out_ref[...] = jnp.concatenate(
        [sl, s, mean_row, std_row, cm, mm, tm, cc, mc, tc, nm, nc], axis=1)


def _tc_finalize(sl, s, q, cm, sm, qm, cc, sc, qc):
    nfeat = 4 + 3 * KM + 3 * KC + 2
    return pl.pallas_call(
        _tc_finalize_body,
        out_shape=jax.ShapeDtypeStruct((B, nfeat), jnp.float32),
    )(sl, s, q, cm, sm, qm, cc, sc, qc)


def kernel(amount, mcc, category, seq_lens):
    amount = amount.astype(jnp.float32)
    mcc = mcc.astype(jnp.int32)
    category = category.astype(jnp.int32)
    s, q, cm, sm, qm, cc, sc, qc = _sc_aggregate(amount, mcc, category)
    sl = seq_lens.astype(jnp.float32).reshape(B, 1)
    return _tc_finalize(sl, s.reshape(B, 1), q.reshape(B, 1),
                        cm, sm, qm, cc, sc, qc)

# --- scband reference (transcript-rebuilt; emitter-appended) ---
"""Pipeline reference for scband-agg-feature-model-75952201662966 (READ-ONLY COPY).

The authoritative reference and input builder live on the scoring server;
editing this copy changes nothing except your own understanding.
"""

import jax, jax.numpy as jnp
import numpy as np

B, T = 1024, 200
K_MCC, K_CAT = 100, 32
EPS = 1e-09
LOG_SCALE = 1.0


def setup_inputs(seed: int = 0) -> dict:
    key = jax.random.key(seed)
    k1, k2, k3, k4 = jax.random.split(key, 4)
    amount = jax.random.normal(k1, (B, T), dtype=jnp.float32)
    mcc = jax.random.randint(k2, (B, T), 0, K_MCC)
    category = jax.random.randint(k3, (B, T), 0, K_CAT)
    seq_lens = jax.random.randint(k4, (B,), 0, T)
    return {"amount": amount, "mcc": mcc, "category": category, "seq_lens": seq_lens}


def reference(amount, mcc, category, seq_lens):
    sl = seq_lens.astype(jnp.float32)
    processed = [sl[:, None]]
    # numeric column 'amount', was_logified=True (str option)
    val = jnp.expm1(LOG_SCALE * jnp.abs(amount)) * jnp.sign(amount)
    s = val.sum(axis=1)
    processed.append(s[:, None])
    processed.append((s / (sl + EPS))[:, None])
    a = jnp.clip((val ** 2).sum(axis=1) - (s ** 2) / (sl + EPS), 0.0, None)
    processed.append(jnp.power(a / (jnp.clip(sl - 1.0, 0.0, None) + EPS), 0.5)[:, None])
    for idx, size in ((mcc, K_MCC), (category, K_CAT)):
        ohe_t = jax.nn.one_hot(idx, size, dtype=jnp.float32)  # [B, T, size], gather of diag buffer
        mask = (1.0 - jax.nn.one_hot(0, size, dtype=jnp.float32))[None, :]
        e_cnt = ohe_t.sum(axis=1) * mask
        processed.append(e_cnt)
        m_sum = ohe_t * val[:, :, None]
        e_sum = m_sum.sum(axis=1)
        processed.append(e_sum / (e_cnt + 1e-09))
        a2 = jnp.clip((m_sum ** 2).sum(axis=1) - (e_sum ** 2) / (e_cnt + 1e-09), 0.0, None)
        processed.append(jnp.power(a2 / (jnp.clip(e_cnt - 1.0, 0.0, None) + 1e-09), 0.5))
    for idx, size in ((mcc, K_MCC), (category, K_CAT)):
        ohe_t = jax.nn.one_hot(idx, size, dtype=jnp.float32)
        mask = (1.0 - jax.nn.one_hot(0, size, dtype=jnp.float32))[None, :]
        e_cnt = ohe_t.sum(axis=1) * mask
        processed.append((e_cnt > 0.0).astype(jnp.float32).sum(axis=1, keepdims=True))
    return jnp.concatenate(processed, axis=1)

if __name__ == "__main__":
    import jax
    _d = setup_inputs()
    print(jax.jit(kernel)(*tuple(_d.values())))

</pallas_src>

<mosaic_0001>
#map = affine_map<(d0, d1) -> (0, 0)>
#map1 = affine_map<(d0, d1) -> (0)>
module attributes {stable_mosaic.version = 14 : i64} {
  func.func @_sc_body(%arg0: i32, %arg1: i32, %arg2: memref<1024x200xf32, #tpu.memory_space<hbm>>, %arg3: memref<1024x200xi32, #tpu.memory_space<hbm>>, %arg4: memref<1024x200xi32, #tpu.memory_space<hbm>>, %arg5: memref<1024xf32, #tpu.memory_space<hbm>>, %arg6: memref<1024xf32, #tpu.memory_space<hbm>>, %arg7: memref<1024x112xf32, #tpu.memory_space<hbm>>, %arg8: memref<1024x112xf32, #tpu.memory_space<hbm>>, %arg9: memref<1024x112xf32, #tpu.memory_space<hbm>>, %arg10: memref<1024x32xf32, #tpu.memory_space<hbm>>, %arg11: memref<1024x32xf32, #tpu.memory_space<hbm>>, %arg12: memref<1024x32xf32, #tpu.memory_space<hbm>>, %arg13: memref<32x200xf32, #tpu.memory_space<vmem>>, %arg14: memref<32x200xi32, #tpu.memory_space<vmem>>, %arg15: memref<32x200xi32, #tpu.memory_space<vmem>>, %arg16: memref<16x112xf32, #tpu.memory_space<vmem>>, %arg17: memref<16x112xf32, #tpu.memory_space<vmem>>, %arg18: memref<16x112xf32, #tpu.memory_space<vmem>>, %arg19: memref<16x32xf32, #tpu.memory_space<vmem>>, %arg20: memref<16x32xf32, #tpu.memory_space<vmem>>, %arg21: memref<16x32xf32, #tpu.memory_space<vmem>>, %arg22: memref<16xf32, #tpu.memory_space<vmem>>, %arg23: memref<16xf32, #tpu.memory_space<vmem>>) attributes {dimension_semantics = [#tpu.dimension_semantics<core_parallel>, #tpu.dimension_semantics<subcore_parallel>], iteration_bounds = array<i64: 2, 16>, scalar_prefetch = 0 : i64, scratch_operands = 11 : i64, tpu.core_type = #tpu.core_type<sc_vector_subcore>, window_params = [{transform_indices = #map}, {transform_indices = #map}, {transform_indices = #map}, {transform_indices = #map1}, {transform_indices = #map1}, {transform_indices = #map}, {transform_indices = #map}, {transform_indices = #map}, {transform_indices = #map}, {transform_indices = #map}, {transform_indices = #map}]} {
    %mul3A = arith.constant 2 : i32
    %mul3A_0 = arith.muli %arg1, %mul3A : i32
    %add3A = arith.addi %mul3A_0, %arg0 : i32
    %mul3A_1 = arith.constant 32 : i32
    %mul3A_2 = arith.muli %add3A, %mul3A_1 : i32
    "tpu.region"() ({
      %run_scoped3A = tpu.sem_alloc : memref<!tpu.dma_semaphore, #tpu.memory_space<semaphore_mem>>
      %dma_start3A = arith.constant 0 : i32
      %dma_start3A_3490 = tpu.memref_slice %arg2[%mul3A_2, %dma_start3A] : memref<1024x200xf32, #tpu.memory_space<hbm>> -> memref<32x200xf32, #tpu.memory_space<hbm>>
      %dma_start3A_3491 = arith.constant 0 : i32
      %dma_start3A_3492 = tpu.memref_slice %arg2[%mul3A_2, %dma_start3A_3491] : memref<1024x200xf32, #tpu.memory_space<hbm>> -> memref<32x200xf32, #tpu.memory_space<hbm>>
      tpu.enqueue_dma source(%dma_start3A_3492 : memref<32x200xf32, #tpu.memory_space<hbm>>) target(%arg13 : memref<32x200xf32, #tpu.memory_space<vmem>>) target_semaphore(%run_scoped3A : memref<!tpu.dma_semaphore, #tpu.memory_space<semaphore_mem>>)
      %dma_wait3A = arith.constant 0 : i32
      %dma_wait3A_3493 = tpu.memref_slice %arg2[%mul3A_2, %dma_wait3A] : memref<1024x200xf32, #tpu.memory_space<hbm>> -> memref<32x200xf32, #tpu.memory_space<hbm>>
      %dma_wait3A_3494 = arith.constant 0 : i32
      %dma_wait3A_3495 = tpu.memref_slice %arg2[%mul3A_2, %dma_wait3A_3494] : memref<1024x200xf32, #tpu.memory_space<hbm>> -> memref<32x200xf32, #tpu.memory_space<hbm>>
      tpu.wait_dma2 semaphore(%run_scoped3A : memref<!tpu.dma_semaphore, #tpu.memory_space<semaphore_mem>>) src(%dma_wait3A_3495 : memref<32x200xf32, #tpu.memory_space<hbm>>) dst(%arg13 : memref<32x200xf32, #tpu.memory_space<vmem>>)
      tpu.yield
    }) : () -> ()
    "tpu.region"() ({
      %run_scoped3A = tpu.sem_alloc : memref<!tpu.dma_semaphore, #tpu.memory_space<semaphore_mem>>
      %dma_start3A = arith.constant 0 : i32
      %dma_start3A_3490 = tpu.memref_slice %arg3[%mul3A_2, %dma_start3A] : memref<1024x200xi32, #tpu.memory_space<hbm>> -> memref<32x200xi32, #tpu.memory_space<hbm>>
      %dma_start3A_3491 = arith.constant 0 : i32
      %dma_start3A_3492 = tpu.memref_slice %arg3[%mul3A_2, %dma_start3A_3491] : memref<1024x200xi32, #tpu.memory_space<hbm>> -> memref<32x200xi32, #tpu.memory_space<hbm>>
      tpu.enqueue_dma source(%dma_start3A_3492 : memref<32x200xi32, #tpu.memory_space<hbm>>) target(%arg14 : memref<32x200xi32, #tpu.memory_space<vmem>>) target_semaphore(%run_scoped3A : memref<!tpu.dma_semaphore, #tpu.memory_space<semaphore_mem>>)
      %dma_wait3A = arith.constant 0 : i32
      %dma_wait3A_3493 = tpu.memref_slice %arg3[%mul3A_2, %dma_wait3A] : memref<1024x200xi32, #tpu.memory_space<hbm>> -> memref<32x200xi32, #tpu.memory_space<hbm>>
      %dma_wait3A_3494 = arith.constant 0 : i32
      %dma_wait3A_3495 = tpu.memref_slice %arg3[%mul3A_2, %dma_wait3A_3494] : memref<1024x200xi32, #tpu.memory_space<hbm>> -> memref<32x200xi32, #tpu.memory_space<hbm>>
      tpu.wait_dma2 semaphore(%run_scoped3A : memref<!tpu.dma_semaphore, #tpu.memory_space<semaphore_mem>>) src(%dma_wait3A_3495 : memref<32x200xi32, #tpu.memory_space<hbm>>) dst(%arg14 : memref<32x200xi32, #tpu.memory_space<vmem>>)
      tpu.yield
    }) : () -> ()
    "tpu.region"() ({
      %run_scoped3A = tpu.sem_alloc : memref<!tpu.dma_semaphore, #tpu.memory_space<semaphore_mem>>
      %dma_start3A = arith.constant 0 : i32
      %dma_start3A_3490 = tpu.memref_slice %arg4[%mul3A_2, %dma_start3A] : memref<1024x200xi32, #tpu.memory_space<hbm>> -> memref<32x200xi32, #tpu.memory_space<hbm>>
      %dma_start3A_3491 = arith.constant 0 : i32
      %dma_start3A_3492 = tpu.memref_slice %arg4[%mul3A_2, %dma_start3A_3491] : memref<1024x200xi32, #tpu.memory_space<hbm>> -> memref<32x200xi32, #tpu.memory_space<hbm>>
      tpu.enqueue_dma source(%dma_start3A_3492 : memref<32x200xi32, #tpu.memory_space<hbm>>) target(%arg15 : memref<32x200xi32, #tpu.memory_space<vmem>>) target_semaphore(%run_scoped3A : memref<!tpu.dma_semaphore, #tpu.memory_space<semaphore_mem>>)
      %dma_wait3A = arith.constant 0 : i32
      %dma_wait3A_3493 = tpu.memref_slice %arg4[%mul3A_2, %dma_wait3A] : memref<1024x200xi32, #tpu.memory_space<hbm>> -> memref<32x200xi32, #tpu.memory_space<hbm>>
      %dma_wait3A_3494 = arith.constant 0 : i32
      %dma_wait3A_3495 = tpu.memref_slice %arg4[%mul3A_2, %dma_wait3A_3494] : memref<1024x200xi32, #tpu.memory_space<hbm>> -> memref<32x200xi32, #tpu.memory_space<hbm>>
      tpu.wait_dma2 semaphore(%run_scoped3A : memref<!tpu.dma_semaphore, #tpu.memory_space<semaphore_mem>>) src(%dma_wait3A_3495 : memref<32x200xi32, #tpu.memory_space<hbm>>) dst(%arg15 : memref<32x200xi32, #tpu.memory_space<vmem>>)
      tpu.yield
    }) : () -> ()
    %broadcast_in_dim3A = arith.constant 0.000000e+00 : f32
    %broadcast_in_dim3A_3 = vector.broadcast %broadcast_in_dim3A : f32 to vector<16xf32>
    %broadcast_in_dim3A_4 = arith.constant 1.000000e+00 : f32
    %broadcast_in_dim3A_5 = vector.broadcast %broadcast_in_dim3A_4 : f32 to vector<16xf32>
    %iota3A = tpu.iota {dimensions = array<i32: 0>} : vector<16xi32>
    %swap3A = arith.constant 0 : i32
    %swap3A_6 = arith.index_cast %swap3A : i32 to index
    %swap3A_7 = arith.constant 0 : index
    %swap3A_8 = tpu.vector_load %arg16[%swap3A_6, %swap3A_7] {strides = array<i32>} : memref<16x112xf32, #tpu.memory_space<vmem>>, vector<16xf32>,
    tpu.vector_store %arg16[%swap3A_6, %swap3A_7], %broadcast_in_dim3A_3 {strides = array<i32>} : memref<16x112xf32, #tpu.memory_space<vmem>>, vector<16xf32>,
    %swap3A_9 = arith.constant 0 : i32
    %swap3A_10 = arith.index_cast %swap3A_9 : i32 to index
    %swap3A_11 = arith.constant 0 : index
    %swap3A_12 = tpu.vector_load %arg17[%swap3A_10, %swap3A_11] {strides = array<i32>} : memref<16x112xf32, #tpu.memory_space<vmem>>, vector<16xf32>,
    tpu.vector_store %arg17[%swap3A_10, %swap3A_11], %broadcast_in_dim3A_3 {strides = array<i32>} : memref<16x112xf32, #tpu.memory_space<vmem>>, vector<16xf32>,
    %swap3A_13 = arith.constant 0 : i32
    %swap3A_14 = arith.index_cast %swap3A_13 : i32 to index
    %swap3A_15 = arith.constant 0 : index
    %swap3A_16 = tpu.vector_load %arg18[%swap3A_14, %swap3A_15] {strides = array<i32>} : memref<16x112xf32, #tpu.memory_space<vmem>>, vector<16xf32>,
    tpu.vector_store %arg18[%swap3A_14, %swap3A_15], %broadcast_in_dim3A_3 {strides = array<i32>} : memref<16x112xf32, #tpu.memory_space<vmem>>, vector<16xf32>,
    %swap3A_17 = arith.constant 0 : i32
    %swap3A_18 = arith.index_cast %swap3A_17 : i32 to index
    %swap3A_19 = arith.constant 16 : index
    %swap3A_20 = tpu.vector_load %arg16[%swap3A_18, %swap3A_19] {strides = array<i32>} : memref<16x112xf32, #tpu.memory_space<vmem>>, vector<16xf32>,
    tpu.vector_store %arg16[%swap3A_18, %swap3A_19], %broadcast_in_dim3A_3 {strides = array<i32>} : memref<16x112xf32, #tpu.memory_space<vmem>>, vector<16xf32>,
    %swap3A_21 = arith.constant 0 : i32
    %swap3A_22 = arith.index_cast %swap3A_21 : i32 to index
    %swap3A_23 = arith.constant 16 : index
    %swap3A_24 = tpu.vector_load %arg17[%swap3A_22, %swap3A_23] {strides = array<i32>} : memref<16x112xf32, #tpu.memory_space<vmem>>, vector<16xf32>,
    tpu.vector_store %arg17[%swap3A_22, %swap3A_23], %broadcast_in_dim3A_3 {strides = array<i32>} : memref<16x112xf32, #tpu.memory_space<vmem>>, vector<16xf32>,
    %swap3A_25 = arith.constant 0 : i32
    %swap3A_26 = arith.index_cast %swap3A_25 : i32 to index
    %swap3A_27 = arith.constant 16 : index
    %swap3A_28 = tpu.vector_load %arg18[%swap3A_26, %swap3A_27] {strides = array<i32>} : memref<16x112xf32, #tpu.memory_space<vmem>>, vector<16xf32>,
    tpu.vector_store %arg18[%swap3A_26, %swap3A_27], %broadcast_in_dim3A_3 {strides = array<i32>} : memref<16x112xf32, #tpu.memory_space<vmem>>, vector<16xf32>,
    %swap3A_29 = arith.constant 0 : i32
    %swap3A_30 = arith.index_cast %swap3A_29 : i32 to index
    %swap3A_31 = arith.constant 32 : index
    %swap3A_32 = tpu.vector_load %arg16[%swap3A_30, %swap3A_31] {strides = array<i32>} : memref<16x112xf32, #tpu.memory_space<vmem>>, vector<16xf32>,
    tpu.vector_store %arg16[%swap3A_30, %swap3A_31], %broadcast_in_dim3A_3 {strides = array<i32>} : memref<16x112xf32, #tpu.memory_space<vmem>>, vector<16xf32>,
    %swap3A_33 = arith.constant 0 : i32
    %swap3A_34 = arith.index_cast %swap3A_33 : i32 to index
    %swap3A_35 = arith.constant 32 : index
    %swap3A_36 = tpu.vector_load %arg17[%swap3A_34, %swap3A_35] {strides = array<i32>} : memref<16x112xf32, #tpu.memory_space<vmem>>, vector<16xf32>,
    tpu.vector_store %arg17[%swap3A_34, %swap3A_35], %broadcast_in_dim3A_3 {strides = array<i32>} : memref<16x112xf32, #tpu.memory_space<vmem>>, vector<16xf32>,
    %swap3A_37 = arith.constant 0 : i32
    %swap3A_38 = arith.index_cast %swap3A_37 : i32 to index
    %swap3A_39 = arith.constant 32 : index
    %swap3A_40 = tpu.vector_load %arg18[%swap3A_38, %swap3A_39] {strides = array<i32>} : memref<16x112xf32, #tpu.memory_space<vmem>>, vector<16xf32>,
    tpu.vector_store %arg18[%swap3A_38, %swap3A_39], %broadcast_in_dim3A_3 {strides = array<i32>} : memref<16x112xf32, #tpu.memory_space<vmem>>, vector<16xf32>,
    %swap3A_41 = arith.constant 0 : i32
    %swap3A_42 = arith.index_cast %swap3A_41 : i32 to index
    %swap3A_43 = arith.constant 48 : index
    %swap3A_44 = tpu.vector_load %arg16[%swap3A_42, %swap3A_43] {strides = array<i32>} : memref<16x112xf32, #tpu.memory_space<vmem>>, vector<16xf32>,
    tpu.vector_store %arg16[%swap3A_42, %swap3A_43], %broadcast_in_dim3A_3 {strides = array<i32>} : memref<16x112xf32, #tpu.memory_space<vmem>>, vector<16xf32>,
    %swap3A_45 = arith.constant 0 : i32
    %swap3A_46 = arith.index_cast %swap3A_45 : i32 to index
    %swap3A_47 = arith.constant 48 : index
    %swap3A_48 = tpu.vector_load %arg17[%swap3A_46, %swap3A_47] {strides = array<i32>} : memref<16x112xf32, #tpu.memory_space<vmem>>, vector<16xf32>,
    tpu.vector_store %arg17[%swap3A_46, %swap3A_47], %broadcast_in_dim3A_3 {strides = array<i32>} : memref<16x112xf32, #tpu.memory_space<vmem>>, vector<16xf32>,
    %swap3A_49 = arith.constant 0 : i32
    %swap3A_50 = arith.index_cast %swap3A_49 : i32 to index
    %swap3A_51 = arith.constant 48 : index
    %swap3A_52 = tpu.vector_load %arg18[%swap3A_50, %swap3A_51] {strides = array<i32>} : memref<16x112xf32, #tpu.memory_space<vmem>>, vector<16xf32>,
    tpu.vector_store %arg18[%swap3A_50, %swap3A_51], %broadcast_in_dim3A_3 {strides = array<i32>} : memref<16x112xf32, #tpu.memory_space<vmem>>, vector<16xf32>,
    %swap3A_53 = arith.constant 0 : i32
    %swap3A_54 = arith.index_cast %swap3A_53 : i32 to index
    %swap3A_55 = arith.constant 64 : index
    %swap3A_56 = tpu.vector_load %arg16[%swap3A_54, %swap3A_55] {strides = array<i32>} : memref<16x112xf32, #tpu.memory_space<vmem>>, vector<16xf32>,
    tpu.vector_store %arg16[%swap3A_54, %swap3A_55], %broadcast_in_dim3A_3 {strides = array<i32>} : memref<16x112xf32, #tpu.memory_space<vmem>>, vector<16xf32>,
    %swap3A_57 = arith.constant 0 : i32
    %swap3A_58 = arith.index_cast %swap3A_57 : i32 to index
    %swap3A_59 = arith.constant 64 : index
    %swap3A_60 = tpu.vector_load %arg17[%swap3A_58, %swap3A_59] {strides = array<i32>} : memref<16x112xf32, #tpu.memory_space<vmem>>, vector<16xf32>,
    tpu.vector_store %arg17[%swap3A_58, %swap3A_59], %broadcast_in_dim3A_3 {strides = array<i32>} : memref<16x112xf32, #tpu.memory_space<vmem>>, vector<16xf32>,
    %swap3A_61 = arith.constant 0 : i32
    %swap3A_62 = arith.index_cast %swap3A_61 : i32 to index
    %swap3A_63 = arith.constant 64 : index
    %swap3A_64 = tpu.vector_load %arg18[%swap3A_62, %swap3A_63] {strides = array<i32>} : memref<16x112xf32, #tpu.memory_space<vmem>>, vector<16xf32>,
    tpu.vector_store %arg18[%swap3A_62, %swap3A_63], %broadcast_in_dim3A_3 {strides = array<i32>} : memref<16x112xf32, #tpu.memory_space<vmem>>, vector<16xf32>,
    %swap3A_65 = arith.constant 0 : i32
    %swap3A_66 = arith.index_cast %swap3A_65 : i32 to index
    %swap3A_67 = arith.constant 80 : index
    %swap3A_68 = tpu.vector_load %arg16[%swap3A_66, %swap3A_67] {strides = array<i32>} : memref<16x112xf32, #tpu.memory_space<vmem>>, vector<16xf32>,
    tpu.vector_store %arg16[%swap3A_66, %swap3A_67], %broadcast_in_dim3A_3 {strides = array<i32>} : memref<16x112xf32, #tpu.memory_space<vmem>>, vector<16xf32>,
    %swap3A_69 = arith.constant 0 : i32
    %swap3A_70 = arith.index_cast %swap3A_69 : i32 to index
    %swap3A_71 = arith.constant 80 : index
    %swap3A_72 = tpu.vector_load %arg17[%swap3A_70, %swap3A_71] {strides = array<i32>} : memref<16x112xf32, #tpu.memory_space<vmem>>, vector<16xf32>,
    tpu.vector_store %arg17[%swap3A_70, %swap3A_71], %broadcast_in_dim3A_3 {strides = array<i32>} : memref<16x112xf32, #tpu.memory_space<vmem>>, vector<16xf32>,
    %swap3A_73 = arith.constant 0 : i32
    %swap3A_74 = arith.index_cast %swap3A_73 : i32 to index
    %swap3A_75 = arith.constant 80 : index
    %swap3A_76 = tpu.vector_load %arg18[%swap3A_74, %swap3A_75] {strides = array<i32>} : memref<16x112xf32, #tpu.memory_space<vmem>>, vector<16xf32>,
    tpu.vector_store %arg18[%swap3A_74, %swap3A_75], %broadcast_in_dim3A_3 {strides = array<i32>} : memref<16x112xf32, #tpu.memory_space<vmem>>, vector<16xf32>,
    %swap3A_77 = arith.constant 0 : i32
    %swap3A_78 = arith.index_cast %swap3A_77 : i32 to index
    %swap3A_79 = arith.constant 96 : index
    %swap3A_80 = tpu.vector_load %arg16[%swap3A_78, %swap3A_79] {strides = array<i32>} : memref<16x112xf32, #tpu.memory_space<vmem>>, vector<16xf32>,
    tpu.vector_store %arg16[%swap3A_78, %swap3A_79], %broadcast_in_dim3A_3 {strides = array<i32>} : memref<16x112xf32, #tpu.memory_space<vmem>>, vector<16xf32>,
    %swap3A_81 = arith.constant 0 : i32
    %swap3A_82 = arith.index_cast %swap3A_81 : i32 to index
    %swap3A_83 = arith.constant 96 : index
    %swap3A_84 = tpu.vector_load %arg17[%swap3A_82, %swap3A_83] {strides = array<i32>} : memref<16x112xf32, #tpu.memory_space<vmem>>, vector<16xf32>,
    tpu.vector_store %arg17[%swap3A_82, %swap3A_83], %broadcast_in_dim3A_3 {strides = array<i32>} : memref<16x112xf32, #tpu.memory_space<vmem>>, vector<16xf32>,
    %swap3A_85 = arith.constant 0 : i32
    %swap3A_86 = arith.index_cast %swap3A_85 : i32 to index
    %swap3A_87 = arith.constant 96 : index
    %swap3A_88 = tpu.vector_load %arg18[%swap3A_86, %swap3A_87] {strides = array<i32>} : memref<16x112xf32, #tpu.memory_space<vmem>>, vector<16xf32>,
    tpu.vector_store %arg18[%swap3A_86, %swap3A_87], %broadcast_in_dim3A_3 {strides = array<i32>} : memref<16x112xf32, #tpu.memory_space<vmem>>, vector<16xf32>,
    %swap3A_89 = arith.constant 0 : i32
    %swap3A_90 = arith.index_cast %swap3A_89 : i32 to index
    %swap3A_91 = arith.constant 0 : index
    %swap3A_92 = tpu.vector_load %arg19[%swap3A_90, %swap3A_91] {strides = array<i32>} : memref<16x32xf32, #tpu.memory_space<vmem>>, vector<16xf32>,
    tpu.vector_store %arg19[%swap3A_90, %swap3A_91], %broadcast_in_dim3A_3 {strides = array<i32>} : memref<16x32xf32, #tpu.memory_space<vmem>>, vector<16xf32>,
    %swap3A_93 = arith.constant 0 : i32
    %swap3A_94 = arith.index_cast %swap3A_93 : i32 to index
    %swap3A_95 = arith.constant 0 : index
    %swap3A_96 = tpu.vector_load %arg20[%swap3A_94, %swap3A_95] {strides = array<i32>} : memref<16x32xf32, #tpu.memory_space<vmem>>, vector<16xf32>,
    tpu.vector_store %arg20[%swap3A_94, %swap3A_95], %broadcast_in_dim3A_3 {strides = array<i32>} : memref<16x32xf32, #tpu.memory_space<vmem>>, vector<16xf32>,
    %swap3A_97 = arith.constant 0 : i32
    %swap3A_98 = arith.index_cast %swap3A_97 : i32 to index
    %swap3A_99 = arith.constant 0 : index
    %swap3A_100 = tpu.vector_load %arg21[%swap3A_98, %swap3A_99] {strides = array<i32>} : memref<16x32xf32, #tpu.memory_space<vmem>>, vector<16xf32>,
    tpu.vector_store %arg21[%swap3A_98, %swap3A_99], %broadcast_in_dim3A_3 {strides = array<i32>} : memref<16x32xf32, #tpu.memory_space<vmem>>, vector<16xf32>,
    %swap3A_101 = arith.constant 0 : i32
    %swap3A_102 = arith.index_cast %swap3A_101 : i32 to index
    %swap3A_103 = arith.constant 16 : index
    %swap3A_104 = tpu.vector_load %arg19[%swap3A_102, %swap3A_103] {strides = array<i32>} : memref<16x32xf32, #tpu.memory_space<vmem>>, vector<16xf32>,
    tpu.vector_store %arg19[%swap3A_102, %swap3A_103], %broadcast_in_dim3A_3 {strides = array<i32>} : memref<16x32xf32, #tpu.memory_space<vmem>>, vector<16xf32>,
    %swap3A_105 = arith.constant 0 : i32
    %swap3A_106 = arith.index_cast %swap3A_105 : i32 to index
    %swap3A_107 = arith.constant 16 : index
    %swap3A_108 = tpu.vector_load %arg20[%swap3A_106, %swap3A_107] {strides = array<i32>} : memref<16x32xf32, #tpu.memory_space<vmem>>, vector<16xf32>,
    tpu.vector_store %arg20[%swap3A_106, %swap3A_107], %broadcast_in_dim3A_3 {strides = array<i32>} : memref<16x32xf32, #tpu.memory_space<vmem>>, vector<16xf32>,
    %swap3A_109 = arith.constant 0 : i32
    %swap3A_110 = arith.index_cast %swap3A_109 : i32 to index
    %swap3A_111 = arith.constant 16 : index
    %swap3A_112 = tpu.vector_load %arg21[%swap3A_110, %swap3A_111] {strides = array<i32>} : memref<16x32xf32, #tpu.memory_space<vmem>>, vector<16xf32>,
    tpu.vector_store %arg21[%swap3A_110, %swap3A_111], %broadcast_in_dim3A_3 {strides = array<i32>} : memref<16x32xf32, #tpu.memory_space<vmem>>, vector<16xf32>,
    %swap3A_113 = arith.constant 1 : i32
    %swap3A_114 = arith.index_cast %swap3A_113 : i32 to index
    %swap3A_115 = arith.constant 0 : index
    %swap3A_116 = tpu.vector_load %arg16[%swap3A_114, %swap3A_115] {strides = array<i32>} : memref<16x112xf32, #tpu.memory_space<vmem>>, vector<16xf32>,
    tpu.vector_store %arg16[%swap3A_114, %swap3A_115], %broadcast_in_dim3A_3 {strides = array<i32>} : memref<16x112xf32, #tpu.memory_space<vmem>>, vector<16xf32>,
    %swap3A_117 = arith.constant 1 : i32
    %swap3A_118 = arith.index_cast %swap3A_117 : i32 to index
    %swap3A_119 = arith.constant 0 : index
    %swap3A_120 = tpu.vector_load %arg17[%swap3A_118, %swap3A_119] {strides = array<i32>} : memref<16x112xf32, #tpu.memory_space<vmem>>, vector<16xf32>,
    tpu.vector_store %arg17[%swap3A_118, %swap3A_119], %broadcast_in_dim3A_3 {strides = array<i32>} : memref<16x112xf32, #tpu.memory_space<vmem>>, vector<16xf32>,
    %swap3A_121 = arith.constant 1 : i32
    %swap3A_122 = arith.index_cast %swap3A_121 : i32 to index
    %swap3A_123 = arith.constant 0 : index
    %swap3A_124 = tpu.vector_load %arg18[%swap3A_122, %swap3A_123] {strides = array<i32>} : memref<16x112xf32, #tpu.memory_space<vmem>>, vector<16xf32>,
    tpu.vector_store %arg18[%swap3A_122, %swap3A_123], %broadcast_in_dim3A_3 {strides = array<i32>} : memref<16x112xf32, #tpu.memory_space<vmem>>, vector<16xf32>,
    %swap3A_125 = arith.constant 1 : i32
    %swap3A_126 = arith.index_cast %swap3A_125 : i32 to index
    %swap3A_127 = arith.constant 16 : index
    %swap3A_128 = tpu.vector_load %arg16[%swap3A_126, %swap3A_127] {strides = array<i32>} : memref<16x112xf32, #tpu.memory_space<vmem>>, vector<16xf32>,
    tpu.vector_store %arg16[%swap3A_126, %swap3A_127], %broadcast_in_dim3A_3 {strides = array<i32>} : memref<16x112xf32, #tpu.memory_space<vmem>>, vector<16xf32>,
    %swap3A_129 = arith.constant 1 : i32
    %swap3A_130 = arith.index_cast %swap3A_129 : i32 to index
    %swap3A_131 = arith.constant 16 : index
    %swap3A_132 = tpu.vector_load %arg17[%swap3A_130, %swap3A_131] {strides = array<i32>} : memref<16x112xf32, #tpu.memory_space<vmem>>, vector<16xf32>,
    tpu.vector_store %arg17[%swap3A_130, %swap3A_131], %broadcast_in_dim3A_3 {strides = array<i32>} : memref<16x112xf32, #tpu.memory_space<vmem>>, vector<16xf32>,
    %swap3A_133 = arith.constant 1 : i32
    %swap3A_134 = arith.index_cast %swap3A_133 : i32 to index
    %swap3A_135 = arith.constant 16 : index
    %swap3A_136 = tpu.vector_load %arg18[%swap3A_134, %swap3A_135] {strides = array<i32>} : memref<16x112xf32, #tpu.memory_space<vmem>>, vector<16xf32>,
    tpu.vector_store %arg18[%swap3A_134, %swap3A_135], %broadcast_in_dim3A_3 {strides = array<i32>} : memref<16x112xf32, #tpu.memory_space<vmem>>, vector<16xf32>,
    %swap3A_137 = arith.constant 1 : i32
    %swap3A_138 = arith.index_cast %swap3A_137 : i32 to index
    %swap3A_139 = arith.constant 32 : index
    %swap3A_140 = tpu.vector_load %arg16[%swap3A_138, %swap3A_139] {strides = array<i32>} : memref<16x112xf32, #tpu.memory_space<vmem>>, vector<16xf32>,
    tpu.vector_store %arg16[%swap3A_138, %swap3A_139], %broadcast_in_dim3A_3 {strides = array<i32>} : memref<16x112xf32, #tpu.memory_space<vmem>>, vector<16xf32>,
    %swap3A_141 = arith.constant 1 : i32
    %swap3A_142 = arith.index_cast %swap3A_141 : i32 to index
    %swap3A_143 = arith.constant 32 : index
    %swap3A_144 = tpu.vector_load %arg17[%swap3A_142, %swap3A_143] {strides = array<i32>} : memref<16x112xf32, #tpu.memory_space<vmem>>, vector<16xf32>,
    tpu.vector_store %arg17[%swap3A_142, %swap3A_143], %broadcast_in_dim3A_3 {strides = array<i32>} : memref<16x112xf32, #tpu.memory_space<vmem>>, vector<16xf32>,
    %swap3A_145 = arith.constant 1 : i32
    %swap3A_146 = arith.index_cast %swap3A_145 : i32 to index
    %swap3A_147 = arith.constant 32 : index
    %swap3A_148 = tpu.vector_load %arg18[%swap3A_146, %swap3A_147] {strides = array<i32>} : memref<16x112xf32, #tpu.memory_space<vmem>>, vector<16xf32>,
    tpu.vector_store %arg18[%swap3A_146, %swap3A_147], %broadcast_in_dim3A_3 {strides = array<i32>} : memref<16x112xf32, #tpu.memory_space<vmem>>, vector<16xf32>,
    %swap3A_149 = arith.constant 1 : i32
    %swap3A_150 = arith.index_cast %swap3A_149 : i32 to index
    %swap3A_151 = arith.constant 48 : index
    %swap3A_152 = tpu.vector_load %arg16[%swap3A_150, %swap3A_151] {strides = array<i32>} : memref<16x112xf32, #tpu.memory_space<vmem>>, vector<16xf32>,
    tpu.vector_store %arg16[%swap3A_150, %swap3A_151], %broadcast_in_dim3A_3 {strides = array<i32>} : memref<16x112xf32, #tpu.memory_space<vmem>>, vector<16xf32>,
    %swap3A_153 = arith.constant 1 : i32
    %swap3A_154 = arith.index_cast %swap3A_153 : i32 to index
    %swap3A_155 = arith.constant 48 : index
    %swap3A_156 = tpu.vector_load %arg17[%swap3A_154, %swap3A_155] {strides = array<i32>} : memref<16x112xf32, #tpu.memory_space<vmem>>, vector<16xf32>,
    tpu.vector_store %arg17[%swap3A_154, %swap3A_155], %broadcast_in_dim3A_3 {strides = array<i32>} : memref<16x112xf32, #tpu.memory_space<vmem>>, vector<16xf32>,
    %swap3A_157 = arith.constant 1 : i32
    %swap3A_158 = arith.index_cast %swap3A_157 : i32 to index
    %swap3A_159 = arith.constant 48 : index
    %swap3A_160 = tpu.vector_load %arg18[%swap3A_158, %swap3A_159] {strides = array<i32>} : memref<16x112xf32, #tpu.memory_space<vmem>>, vector<16xf32>,
    tpu.vector_store %arg18[%swap3A_158, %swap3A_159], %broadcast_in_dim3A_3 {strides = array<i32>} : memref<16x112xf32, #tpu.memory_space<vmem>>, vector<16xf32>,
    %swap3A_161 = arith.constant 1 : i32
    %swap3A_162 = arith.index_cast %swap3A_161 : i32 to index
    %swap3A_163 = arith.constant 64 : index
    %swap3A_164 = tpu.vector_load %arg16[%swap3A_162, %swap3A_163] {strides = array<i32>} : memref<16x112xf32, #tpu.memory_space<vmem>>, vector<16xf32>,
    tpu.vector_store %arg16[%swap3A_162, %swap3A_163], %broadcast_in_dim3A_3 {strides = array<i32>} : memref<16x112xf32, #tpu.memory_space<vmem>>, vector<16xf32>,
    %swap3A_165 = arith.constant 1 : i32
    %swap3A_166 = arith.index_cast %swap3A_165 : i32 to index
    %swap3A_167 = arith.constant 64 : index
    %swap3A_168 = tpu.vector_load %arg17[%swap3A_166, %swap3A_167] {strides = array<i32>} : memref<16x112xf32, #tpu.memory_space<vmem>>, vector<16xf32>,
    tpu.vector_store %arg17[%swap3A_166, %swap3A_167], %broadcast_in_dim3A_3 {strides = array<i32>} : memref<16x112xf32, #tpu.memory_space<vmem>>, vector<16xf32>,
    %swap3A_169 = arith.constant 1 : i32
    %swap3A_170 = arith.index_cast %swap3A_169 : i32 to index
    %swap3A_171 = arith.constant 64 : index
    %swap3A_172 = tpu.vector_load %arg18[%swap3A_170, %swap3A_171] {strides = array<i32>} : memref<16x112xf32, #tpu.memory_space<vmem>>, vector<16xf32>,
    tpu.vector_store %arg18[%swap3A_170, %swap3A_171], %broadcast_in_dim3A_3 {strides = array<i32>} : memref<16x112xf32, #tpu.memory_space<vmem>>, vector<16xf32>,
    %swap3A_173 = arith.constant 1 : i32
    %swap3A_174 = arith.index_cast %swap3A_173 : i32 to index
    %swap3A_175 = arith.constant 80 : index
    %swap3A_176 = tpu.vector_load %arg16[%swap3A_174, %swap3A_175] {strides = array<i32>} : memref<16x112xf32, #tpu.memory_space<vmem>>, vector<16xf32>,
    tpu.vector_store %arg16[%swap3A_174, %swap3A_175], %broadcast_in_dim3A_3 {strides = array<i32>} : memref<16x112xf32, #tpu.memory_space<vmem>>, vector<16xf32>,
    %swap3A_177 = arith.constant 1 : i32
    %swap3A_178 = arith.index_cast %swap3A_177 : i32 to index
    %swap3A_179 = arith.constant 80 : index
    %swap3A_180 = tpu.vector_load %arg17[%swap3A_178, %swap3A_179] {strides = array<i32>} : memref<16x112xf32, #tpu.memory_space<vmem>>, vector<16xf32>,
    tpu.vector_store %arg17[%swap3A_178, %swap3A_179], %broadcast_in_dim3A_3 {strides = array<i32>} : memref<16x112xf32, #tpu.memory_space<vmem>>, vector<16xf32>,
    %swap3A_181 = arith.constant 1 : i32
    %swap3A_182 = arith.index_cast %swap3A_181 : i32 to index
    %swap3A_183 = arith.constant 80 : index
    %swap3A_184 = tpu.vector_load %arg18[%swap3A_182, %swap3A_183] {strides = array<i32>} : memref<16x112xf32, #tpu.memory_space<vmem>>, vector<16xf32>,
    tpu.vector_store %arg18[%swap3A_182, %swap3A_183], %broadcast_in_dim3A_3 {strides = array<i32>} : memref<16x112xf32, #tpu.memory_space<vmem>>, vector<16xf32>,
    %swap3A_185 = arith.constant 1 : i32
    %swap3A_186 = arith.index_cast %swap3A_185 : i32 to index
    %swap3A_187 = arith.constant 96 : index
    %swap3A_188 = tpu.vector_load %arg16[%swap3A_186, %swap3A_187] {strides = array<i32>} : memref<16x112xf32, #tpu.memory_space<vmem>>, vector<16xf32>,
    tpu.vector_store %arg16[%swap3A_186, %swap3A_187], %broadcast_in_dim3A_3 {strides = array<i32>} : memref<16x112xf32, #tpu.memory_space<vmem>>, vector<16xf32>,
    %swap3A_189 = arith.constant 1 : i32
    %swap3A_190 = arith.index_cast %swap3A_189 : i32 to index
    %swap3A_191 = arith.constant 96 : index
    %swap3A_192 = tpu.vector_load %arg17[%swap3A_190, %swap3A_191] {strides = array<i32>} : memref<16x112xf32, #tpu.memory_space<vmem>>, vector<16xf32>,
    tpu.vector_store %arg17[%swap3A_190, %swap3A_191], %broadcast_in_dim3A_3 {strides = array<i32>} : memref<16x112xf32, #tpu.memory_space<vmem>>, vector<16xf32>,
    %swap3A_193 = arith.constant 1 : i32
    %swap3A_194 = arith.index_cast %swap3A_193 : i32 to index
    %swap3A_195 = arith.constant 96 : index
    %swap3A_196 = tpu.vector_load %arg18[%swap3A_194, %swap3A_195] {strides = array<i32>} : memref<16x112xf32, #tpu.memory_space<vmem>>, vector<16xf32>,
    tpu.vector_store %arg18[%swap3A_194, %swap3A_195], %broadcast_in_dim3A_3 {strides = array<i32>} : memref<16x112xf32, #tpu.memory_space<vmem>>, vector<16xf32>,
    %swap3A_197 = arith.constant 1 : i32
    %swap3A_198 = arith.index_cast %swap3A_197 : i32 to index
    %swap3A_199 = arith.constant 0 : index
    %swap3A_200 = tpu.vector_load %arg19[%swap3A_198, %swap3A_199] {strides = array<i32>} : memref<16x32xf32, #tpu.memory_space<vmem>>, vector<16xf32>,
    tpu.vector_store %arg19[%swap3A_198, %swap3A_199], %broadcast_in_dim3A_3 {strides = array<i32>} : memref<16x32xf32, #tpu.memory_space<vmem>>, vector<16xf32>,
    %swap3A_201 = arith.constant 1 : i32
    %swap3A_202 = arith.index_cast %swap3A_201 : i32 to index
    %swap3A_203 = arith.constant 0 : index
    %swap3A_204 = tpu.vector_load %arg20[%swap3A_202, %swap3A_203] {strides = array<i32>} : memref<16x32xf32, #tpu.memory_space<vmem>>, vector<16xf32>,
    tpu.vector_store %arg20[%swap3A_202, %swap3A_203], %broadcast_in_dim3A_3 {strides = array<i32>} : memref<16x32xf32, #tpu.memory_space<vmem>>, vector<16xf32>,
    %swap3A_205 = arith.constant 1 : i32
    %swap3A_206 = arith.index_cast %swap3A_205 : i32 to index
    %swap3A_207 = arith.constant 0 : index
    %swap3A_208 = tpu.vector_load %arg21[%swap3A_206, %swap3A_207] {strides = array<i32>} : memref<16x32xf32, #tpu.memory_space<vmem>>, vector<16xf32>,
    tpu.vector_store %arg21[%swap3A_206, %swap3A_207], %broadcast_in_dim3A_3 {strides = array<i32>} : memref<16x32xf32, #tpu.memory_space<vmem>>, vector<16xf32>,
    %swap3A_209 = arith.constant 1 : i32
    %swap3A_210 = arith.index_cast %swap3A_209 : i32 to index
    %swap3A_211 = arith.constant 16 : index
    %swap3A_212 = tpu.vector_load %arg19[%swap3A_210, %swap3A_211] {strides = array<i32>} : memref<16x32xf32, #tpu.memory_space<vmem>>, vector<16xf32>,
    tpu.vector_store %arg19[%swap3A_210, %swap3A_211], %broadcast_in_dim3A_3 {strides = array<i32>} : memref<16x32xf32, #tpu.memory_space<vmem>>, vector<16xf32>,
    %swap3A_213 = arith.constant 1 : i32
    %swap3A_214 = arith.index_cast %swap3A_213 : i32 to index
    %swap3A_215 = arith.constant 16 : index
    %swap3A_216 = tpu.vector_load %arg20[%swap3A_214, %swap3A_215] {strides = array<i32>} : memref<16x32xf32, #tpu.memory_space<vmem>>, vector<16xf32>,
    tpu.vector_store %arg20[%swap3A_214, %swap3A_215], %broadcast_in_dim3A_3 {strides = array<i32>} : memref<16x32xf32, #tpu.memory_space<vmem>>, vector<16xf32>,
    %swap3A_217 = arith.constant 1 : i32
    %swap3A_218 = arith.index_cast %swap3A_217 : i32 to index
    %swap3A_219 = arith.constant 16 : index
    %swap3A_220 = tpu.vector_load %arg21[%swap3A_218, %swap3A_219] {strides = array<i32>} : memref<16x32xf32, #tpu.memory_space<vmem>>, vector<16xf32>,
    tpu.vector_store %arg21[%swap3A_218, %swap3A_219], %broadcast_in_dim3A_3 {strides = array<i32>} : memref<16x32xf32, #tpu.memory_space<vmem>>, vector<16xf32>,
    %swap3A_221 = arith.constant 2 : i32
    %swap3A_222 = arith.index_cast %swap3A_221 : i32 to index
    %swap3A_223 = arith.constant 0 : index
    %swap3A_224 = tpu.vector_load %arg16[%swap3A_222, %swap3A_223] {strides = array<i32>} : memref<16x112xf32, #tpu.memory_space<vmem>>, vector<16xf32>,
    tpu.vector_store %arg16[%swap3A_222, %swap3A_223], %broadcast_in_dim3A_3 {strides = array<i32>} : memref<16x112xf32, #tpu.memory_space<vmem>>, vector<16xf32>,
    %swap3A_225 = arith.constant 2 : i32
    %swap3A_226 = arith.index_cast %swap3A_225 : i32 to index
    %swap3A_227 = arith.constant 0 : index
    %swap3A_228 = tpu.vector_load %arg17[%swap3A_226, %swap3A_227] {strides = array<i32>} : memref<16x112xf32, #tpu.memory_space<vmem>>, vector<16xf32>,
    tpu.vector_store %arg17[%swap3A_226, %swap3A_227], %broadcast_in_dim3A_3 {strides = array<i32>} : memref<16x112xf32, #tpu.memory_space<vmem>>, vector<16xf32>,
    %swap3A_229 = arith.constant 2 : i32
    %swap3A_230 = arith.index_cast %swap3A_229 : i32 to index
    %swap3A_231 = arith.constant 0 : index
    %swap3A_232 = tpu.vector_load %arg18[%swap3A_230, %swap3A_231] {strides = array<i32>} : memref<16x112xf32, #tpu.memory_space<vmem>>, vector<16xf32>,
    tpu.vector_store %arg18[%swap3A_230, %swap3A_231], %broadcast_in_dim3A_3 {strides = array<i32>} : memref<16x112xf32, #tpu.memory_space<vmem>>, vector<16xf32>,
    %swap3A_233 = arith.constant 2 : i32
    %swap3A_234 = arith.index_cast %swap3A_233 : i32 to index
    %swap3A_235 = arith.constant 16 : index
    %swap3A_236 = tpu.vector_load %arg16[%swap3A_234, %swap3A_235] {strides = array<i32>} : memref<16x112xf32, #tpu.memory_space<vmem>>, vector<16xf32>,
    tpu.vector_store %arg16[%swap3A_234, %swap3A_235], %broadcast_in_dim3A_3 {strides = array<i32>} : memref<16x112xf32, #tpu.memory_space<vmem>>, vector<16xf32>,
    %swap3A_237 = arith.constant 2 : i32
    %swap3A_238 = arith.index_cast %swap3A_237 : i32 to index
    %swap3A_239 = arith.constant 16 : index
    %swap3A_240 = tpu.vector_load %arg17[%swap3A_238, %swap3A_239] {strides = array<i32>} : memref<16x112xf32, #tpu.memory_space<vmem>>, vector<16xf32>,
    tpu.vector_store %arg17[%swap3A_238, %swap3A_239], %broadcast_in_dim3A_3 {strides = array<i32>} : memref<16x112xf32, #tpu.memory_space<vmem>>, vector<16xf32>,
    %swap3A_241 = arith.constant 2 : i32
    %swap3A_242 = arith.index_cast %swap3A_241 : i32 to index
    %swap3A_243 = arith.constant 16 : index
    %swap3A_244 = tpu.vector_load %arg18[%swap3A_242, %swap3A_243] {strides = array<i32>} : memref<16x112xf32, #tpu.memory_space<vmem>>, vector<16xf32>,
    tpu.vector_store %arg18[%swap3A_242, %swap3A_243], %broadcast_in_dim3A_3 {strides = array<i32>} : memref<16x112xf32, #tpu.memory_space<vmem>>, vector<16xf32>,
    %swap3A_245 = arith.constant 2 : i32
    %swap3A_246 = arith.index_cast %swap3A_245 : i32 to index
    %swap3A_247 = arith.constant 32 : index
    %swap3A_248 = tpu.vector_load %arg16[%swap3A_246, %swap3A_247] {strides = array<i32>} : memref<16x112xf32, #tpu.memory_space<vmem>>, vector<16xf32>,
    tpu.vector_store %arg16[%swap3A_246, %swap3A_247], %broadcast_in_dim3A_3 {strides = array<i32>} : memref<16x112xf32, #tpu.memory_space<vmem>>, vector<16xf32>,
    %swap3A_249 = arith.constant 2 : i32
    %swap3A_250 = arith.index_cast %swap3A_249 : i32 to index
    %swap3A_251 = arith.constant 32 : index
    %swap3A_252 = tpu.vector_load %arg17[%swap3A_250, %swap3A_251] {strides = array<i32>} : memref<16x112xf32, #tpu.memory_space<vmem>>, vector<16xf32>,
    tpu.vector_store %arg17[%swap3A_250, %swap3A_251], %broadcast_in_dim3A_3 {strides = array<i32>} : memref<16x112xf32, #tpu.memory_space<vmem>>, vector<16xf32>,
    %swap3A_253 = arith.constant 2 : i32
    %swap3A_254 = arith.index_cast %swap3A_253 : i32 to index
    %swap3A_255 = arith.constant 32 : index
    %swap3A_256 = tpu.vector_load %arg18[%swap3A_254, %swap3A_255] {strides = array<i32>} : memref<16x112xf32, #tpu.memory_space<vmem>>, vector<16xf32>,
    tpu.vector_store %arg18[%swap3A_254, %swap3A_255], %broadcast_in_dim3A_3 {strides = array<i32>} : memref<16x112xf32, #tpu.memory_space<vmem>>, vector<16xf32>,
    %swap3A_257 = arith.constant 2 : i32
    %swap3A_258 = arith.index_cast %swap3A_257 : i32 to index
    %swap3A_259 = arith.constant 48 : index
    %swap3A_260 = tpu.vector_load %arg16[%swap3A_258, %swap3A_259] {strides = array<i32>} : memref<16x112xf32, #tpu.memory_space<vmem>>, vector<16xf32>,
    tpu.vector_store %arg16[%swap3A_258, %swap3A_259], %broadcast_in_dim3A_3 {strides = array<i32>} : memref<16x112xf32, #tpu.memory_space<vmem>>, vector<16xf32>,
    %swap3A_261 = arith.constant 2 : i32
    %swap3A_262 = arith.index_cast %swap3A_261 : i32 to index
    %swap3A_263 = arith.constant 48 : index
    %swap3A_264 = tpu.vector_load %arg17[%swap3A_262, %swap3A_263] {strides = array<i32>} : memref<16x112xf32, #tpu.memory_space<vmem>>, vector<16xf32>,
    tpu.vector_store %arg17[%swap3A_262, %swap3A_263], %broadcast_in_dim3A_3 {strides = array<i32>} : memref<16x112xf32, #tpu.memory_space<vmem>>, vector<16xf32>,
    %swap3A_265 = arith.constant 2 : i32
    %swap3A_266 = arith.index_cast %swap3A_265 : i32 to index
    %swap3A_267 = arith.constant 48 : index
    %swap3A_268 = tpu.vector_load %arg18[%swap3A_266, %swap3A_267] {strides = array<i32>} : memref<16x112xf32, #tpu.memory_space<vmem>>, vector<16xf32>,
    tpu.vector_store %arg18[%swap3A_266, %swap3A_267], %broadcast_in_dim3A_3 {strides = array<i32>} : memref<16x112xf32, #tpu.memory_space<vmem>>, vector<16xf32>,
    %swap3A_269 = arith.constant 2 : i32
    %swap3A_270 = arith.index_cast %swap3A_269 : i32 to index
    %swap3A_271 = arith.constant 64 : index
    %swap3A_272 = tpu.vector_load %arg16[%swap3A_270, %swap3A_271] {strides = array<i32>} : memref<16x112xf32, #tpu.memory_space<vmem>>, vector<16xf32>,
    tpu.vector_store %arg16[%swap3A_270, %swap3A_271], %broadcast_in_dim3A_3 {strides = array<i32>} : memref<16x112xf32, #tpu.memory_space<vmem>>, vector<16xf32>,
    %swap3A_273 = arith.constant 2 : i32
    %swap3A_274 = arith.index_cast %swap3A_273 : i32 to index
    %swap3A_275 = arith.constant 64 : index
    %swap3A_276 = tpu.vector_load %arg17[%swap3A_274, %swap3A_275] {strides = array<i32>} : memref<16x112xf32, #tpu.memory_space<vmem>>, vector<16xf32>,
    tpu.vector_store %arg17[%swap3A_274, %swap3A_275], %broadcast_in_dim3A_3 {strides = array<i32>} : memref<16x112xf32, #tpu.memory_space<vmem>>, vector<16xf32>,
    %swap3A_277 = arith.constant 2 : i32
    %swap3A_278 = arith.index_cast %swap3A_277 : i32 to index
    %swap3A_279 = arith.constant 64 : index
    %swap3A_280 = tpu.vector_load %arg18[%swap3A_278, %swap3A_279] {strides = array<i32>} : memref<16x112xf32, #tpu.memory_space<vmem>>, vector<16xf32>,
    tpu.vector_store %arg18[%swap3A_278, %swap3A_279], %broadcast_in_dim3A_3 {strides = array<i32>} : memref<16x112xf32, #tpu.memory_space<vmem>>, vector<16xf32>,
    %swap3A_281 = arith.constant 2 : i32
    %swap3A_282 = arith.index_cast %swap3A_281 : i32 to index
    %swap3A_283 = arith.constant 80 : index
    %swap3A_284 = tpu.vector_load %arg16[%swap3A_282, %swap3A_283] {strides = array<i32>} : memref<16x112xf32, #tpu.memory_space<vmem>>, vector<16xf32>,
    tpu.vector_store %arg16[%swap3A_282, %swap3A_283], %broadcast_in_dim3A_3 {strides = array<i32>} : memref<16x112xf32, #tpu.memory_space<vmem>>, vector<16xf32>,
    %swap3A_285 = arith.constant 2 : i32
    %swap3A_286 = arith.index_cast %swap3A_285 : i32 to index
    %swap3A_287 = arith.constant 80 : index
    %swap3A_288 = tpu.vector_load %arg17[%swap3A_286, %swap3A_287] {strides = array<i32>} : memref<16x112xf32, #tpu.memory_space<vmem>>, vector<16xf32>,
    tpu.vector_store %arg17[%swap3A_286, %swap3A_287], %broadcast_in_dim3A_3 {strides = array<i32>} : memref<16x112xf32, #tpu.memory_space<vmem>>, vector<16xf32>,
    %swap3A_289 = arith.constant 2 : i32
    %swap3A_290 = arith.index_cast %swap3A_289 : i32 to index
    %swap3A_291 = arith.constant 80 : index
    %swap3A_292 = tpu.vector_load %arg18[%swap3A_290, %swap3A_291] {strides = array<i32>} : memref<16x112xf32, #tpu.memory_space<vmem>>, vector<16xf32>,
    tpu.vector_store %arg18[%swap3A_290, %swap3A_291], %broadcast_in_dim3A_3 {strides = array<i32>} : memref<16x112xf32, #tpu.memory_space<vmem>>, vector<16xf32>,
    %swap3A_293 = arith.constant 2 : i32
    %swap3A_294 = arith.index_cast %swap3A_293 : i32 to index
    %swap3A_295 = arith.constant 96 : index
    %swap3A_296 = tpu.vector_load %arg16[%swap3A_294, %swap3A_295] {strides = array<i32>} : memref<16x112xf32, #tpu.memory_space<vmem>>, vector<16xf32>,
    tpu.vector_store %arg16[%swap3A_294, %swap3A_295], %broadcast_in_dim3A_3 {strides = array<i32>} : memref<16x112xf32, #tpu.memory_space<vmem>>, vector<16xf32>,
    %swap3A_297 = arith.constant 2 : i32
    %swap3A_298 = arith.index_cast %swap3A_297 : i32 to index
    %swap3A_299 = arith.constant 96 : index
    %swap3A_300 = tpu.vector_load %arg17[%swap3A_298, %swap3A_299] {strides = array<i32>} : memref<16x112xf32, #tpu.memory_space<vmem>>, vector<16xf32>,
    tpu.vector_store %arg17[%swap3A_298, %swap3A_299], %broadcast_in_dim3A_3 {strides = array<i32>} : memref<16x112xf32, #tpu.memory_space<vmem>>, vector<16xf32>,
    %swap3A_301 = arith.constant 2 : i32
    %swap3A_302 = arith.index_cast %swap3A_301 : i32 to index
    %swap3A_303 = arith.constant 96 : index
    %swap3A_304 = tpu.vector_load %arg18[%swap3A_302, %swap3A_303] {strides = array<i32>} : memref<16x112xf32, #tpu.memory_space<vmem>>, vector<16xf32>,
    tpu.vector_store %arg18[%swap3A_302, %swap3A_303], %broadcast_in_dim3A_3 {strides = array<i32>} : memref<16x112xf32, #tpu.memory_space<vmem>>, vector<16xf32>,
    %swap3A_305 = arith.constant 2 : i32
    %swap3A_306 = arith.index_cast %swap3A_305 : i32 to index
    %swap3A_307 = arith.constant 0 : index
    %swap3A_308 = tpu.vector_load %arg19[%swap3A_306, %swap3A_307] {strides = array<i32>} : memref<16x32xf32, #tpu.memory_space<vmem>>, vector<16xf32>,
    tpu.vector_store %arg19[%swap3A_306, %swap3A_307], %broadcast_in_dim3A_3 {strides = array<i32>} : memref<16x32xf32, #tpu.memory_space<vmem>>, vector<16xf32>,
    %swap3A_309 = arith.constant 2 : i32
    %swap3A_310 = arith.index_cast %swap3A_309 : i32 to index
    %swap3A_311 = arith.constant 0 : index
    %swap3A_312 = tpu.vector_load %arg20[%swap3A_310, %swap3A_311] {strides = array<i32>} : memref<16x32xf32, #tpu.memory_space<vmem>>, vector<16xf32>,
    tpu.vector_store %arg20[%swap3A_310, %swap3A_311], %broadcast_in_dim3A_3 {strides = array<i32>} : memref<16x32xf32, #tpu.memory_space<vmem>>, vector<16xf32>,
    %swap3A_313 = arith.constant 2 : i32
    %swap3A_314 = arith.index_cast %swap3A_313 : i32 to index
    %swap3A_315 = arith.constant 0 : index
    %swap3A_316 = tpu.vector_load %arg21[%swap3A_314, %swap3A_315] {strides = array<i32>} : memref<16x32xf32, #tpu.memory_space<vmem>>, vector<16xf32>,
    tpu.vector_store %arg21[%swap3A_314, %swap3A_315], %broadcast_in_dim3A_3 {strides = array<i32>} : memref<16x32xf32, #tpu.memory_space<vmem>>, vector<16xf32>,
    %swap3A_317 = arith.constant 2 : i32
    %swap3A_318 = arith.index_cast %swap3A_317 : i32 to index
    %swap3A_319 = arith.constant 16 : index
    %swap3A_320 = tpu.vector_load %arg19[%swap3A_318, %swap3A_319] {strides = array<i32>} : memref<16x32xf32, #tpu.memory_space<vmem>>, vector<16xf32>,
    tpu.vector_store %arg19[%swap3A_318, %swap3A_319], %broadcast_in_dim3A_3 {strides = array<i32>} : memref<16x32xf32, #tpu.memory_space<vmem>>, vector<16xf32>,
    %swap3A_321 = arith.constant 2 : i32
    %swap3A_322 = arith.index_cast %swap3A_321 : i32 to index
    %swap3A_323 = arith.constant 16 : index
    %swap3A_324 = tpu.vector_load %arg20[%swap3A_322, %swap3A_323] {strides = array<i32>} : memref<16x32xf32, #tpu.memory_space<vmem>>, vector<16xf32>,
    tpu.vector_store %arg20[%swap3A_322, %swap3A_323], %broadcast_in_dim3A_3 {strides = array<i32>} : memref<16x32xf32, #tpu.memory_space<vmem>>, vector<16xf32>,
    %swap3A_325 = arith.constant 2 : i32
    %swap3A_326 = arith.index_cast %swap3A_325 : i32 to index
    %swap3A_327 = arith.constant 16 : index
    %swap3A_328 = tpu.vector_load %arg21[%swap3A_326, %swap3A_327] {strides = array<i32>} : memref<16x32xf32, #tpu.memory_space<vmem>>, vector<16xf32>,
    tpu.vector_store %arg21[%swap3A_326, %swap3A_327], %broadcast_in_dim3A_3 {strides = array<i32>} : memref<16x32xf32, #tpu.memory_space<vmem>>, vector<16xf32>,
    %swap3A_329 = arith.constant 3 : i32
    %swap3A_330 = arith.index_cast %swap3A_329 : i32 to index
    %swap3A_331 = arith.constant 0 : index
    %swap3A_332 = tpu.vector_load %arg16[%swap3A_330, %swap3A_331] {strides = array<i32>} : memref<16x112xf32, #tpu.memory_space<vmem>>, vector<16xf32>,
    tpu.vector_store %arg16[%swap3A_330, %swap3A_331], %broadcast_in_dim3A_3 {strides = array<i32>} : memref<16x112xf32, #tpu.memory_space<vmem>>, vector<16xf32>,
    %swap3A_333 = arith.constant 3 : i32
    %swap3A_334 = arith.index_cast %swap3A_333 : i32 to index
    %swap3A_335 = arith.constant 0 : index
    %swap3A_336 = tpu.vector_load %arg17[%swap3A_334, %swap3A_335] {strides = array<i32>} : memref<16x112xf32, #tpu.memory_space<vmem>>, vector<16xf32>,
    tpu.vector_store %arg17[%swap3A_334, %swap3A_335], %broadcast_in_dim3A_3 {strides = array<i32>} : memref<16x112xf32, #tpu.memory_space<vmem>>, vector<16xf32>,
    %swap3A_337 = arith.constant 3 : i32
    %swap3A_338 = arith.index_cast %swap3A_337 : i32 to index
    %swap3A_339 = arith.constant 0 : index
    %swap3A_340 = tpu.vector_load %arg18[%swap3A_338, %swap3A_339] {strides = array<i32>} : memref<16x112xf32, #tpu.memory_space<vmem>>, vector<16xf32>,
    tpu.vector_store %arg18[%swap3A_338, %swap3A_339], %broadcast_in_dim3A_3 {strides = array<i32>} : memref<16x112xf32, #tpu.memory_space<vmem>>, vector<16xf32>,
    %swap3A_341 = arith.constant 3 : i32
    %swap3A_342 = arith.index_cast %swap3A_341 : i32 to index
    %swap3A_343 = arith.constant 16 : index
    %swap3A_344 = tpu.vector_load %arg16[%swap3A_342, %swap3A_343] {strides = array<i32>} : memref<16x112xf32, #tpu.memory_space<vmem>>, vector<16xf32>,
    tpu.vector_store %arg16[%swap3A_342, %swap3A_343], %broadcast_in_dim3A_3 {strides = array<i32>} : memref<16x112xf32, #tpu.memory_space<vmem>>, vector<16xf32>,
    %swap3A_345 = arith.constant 3 : i32
    %swap3A_346 = arith.index_cast %swap3A_345 : i32 to index
    %swap3A_347 = arith.constant 16 : index
    %swap3A_348 = tpu.vector_load %arg17[%swap3A_346, %swap3A_347] {strides = array<i32>} : memref<16x112xf32, #tpu.memory_space<vmem>>, vector<16xf32>,
    tpu.vector_store %arg17[%swap3A_346, %swap3A_347], %broadcast_in_dim3A_3 {strides = array<i32>} : memref<16x112xf32, #tpu.memory_space<vmem>>, vector<16xf32>,
    %swap3A_349 = arith.constant 3 : i32
    %swap3A_350 = arith.index_cast %swap3A_349 : i32 to index
    %swap3A_351 = arith.constant 16 : index
    %swap3A_352 = tpu.vector_load %arg18[%swap3A_350, %swap3A_351] {strides = array<i32>} : memref<16x112xf32, #tpu.memory_space<vmem>>, vector<16xf32>,
    tpu.vector_store %arg18[%swap3A_350, %swap3A_351], %broadcast_in_dim3A_3 {strides = array<i32>} : memref<16x112xf32, #tpu.memory_space<vmem>>, vector<16xf32>,
    %swap3A_353 = arith.constant 3 : i32
    %swap3A_354 = arith.index_cast %swap3A_353 : i32 to index
    %swap3A_355 = arith.constant 32 : index
    %swap3A_356 = tpu.vector_load %arg16[%swap3A_354, %swap3A_355] {strides = array<i32>} : memref<16x112xf32, #tpu.memory_space<vmem>>, vector<16xf32>,
    tpu.vector_store %arg16[%swap3A_354, %swap3A_355], %broadcast_in_dim3A_3 {strides = array<i32>} : memref<16x112xf32, #tpu.memory_space<vmem>>, vector<16xf32>,
    %swap3A_357 = arith.constant 3 : i32
    %swap3A_358 = arith.index_cast %swap3A_357 : i32 to index
    %swap3A_359 = arith.constant 32 : index
    %swap3A_360 = tpu.vector_load %arg17[%swap3A_358, %swap3A_359] {strides = array<i32>} : memref<16x112xf32, #tpu.memory_space<vmem>>, vector<16xf32>,
    tpu.vector_store %arg17[%swap3A_358, %swap3A_359], %broadcast_in_dim3A_3 {strides = array<i32>} : memref<16x112xf32, #tpu.memory_space<vmem>>, vector<16xf32>,
    %swap3A_361 = arith.constant 3 : i32
    %swap3A_362 = arith.index_cast %swap3A_361 : i32 to index
    %swap3A_363 = arith.constant 32 : index
    %swap3A_364 = tpu.vector_load %arg18[%swap3A_362, %swap3A_363] {strides = array<i32>} : memref<16x112xf32, #tpu.memory_space<vmem>>, vector<16xf32>,
    tpu.vector_store %arg18[%swap3A_362, %swap3A_363], %broadcast_in_dim3A_3 {strides = array<i32>} : memref<16x112xf32, #tpu.memory_space<vmem>>, vector<16xf32>,
    %swap3A_365 = arith.constant 3 : i32
    %swap3A_366 = arith.index_cast %swap3A_365 : i32 to index
    %swap3A_367 = arith.constant 48 : index
    %swap3A_368 = tpu.vector_load %arg16[%swap3A_366, %swap3A_367] {strides = array<i32>} : memref<16x112xf32, #tpu.memory_space<vmem>>, vector<16xf32>,
    tpu.vector_store %arg16[%swap3A_366, %swap3A_367], %broadcast_in_dim3A_3 {strides = array<i32>} : memref<16x112xf32, #tpu.memory_space<vmem>>, vector<16xf32>,
    %swap3A_369 = arith.constant 3 : i32
    %swap3A_370 = arith.index_cast %swap3A_369 : i32 to index
    %swap3A_371 = arith.constant 48 : index
    %swap3A_372 = tpu.vector_load %arg17[%swap3A_370, %swap3A_371] {strides = array<i32>} : memref<16x112xf32, #tpu.memory_space<vmem>>, vector<16xf32>,
    tpu.vector_store %arg17[%swap3A_370, %swap3A_371], %broadcast_in_dim3A_3 {strides = array<i32>} : memref<16x112xf32, #tpu.memory_space<vmem>>, vector<16xf32>,
    %swap3A_373 = arith.constant 3 : i32
    %swap3A_374 = arith.index_cast %swap3A_373 : i32 to index
    %swap3A_375 = arith.constant 48 : index
    %swap3A_376 = tpu.vector_load %arg18[%swap3A_374, %swap3A_375] {strides = array<i32>} : memref<16x112xf32, #tpu.memory_space<vmem>>, vector<16xf32>,
    tpu.vector_store %arg18[%swap3A_374, %swap3A_375], %broadcast_in_dim3A_3 {strides = array<i32>} : memref<16x112xf32, #tpu.memory_space<vmem>>, vector<16xf32>,
    %swap3A_377 = arith.constant 3 : i32
    %swap3A_378 = arith.index_cast %swap3A_377 : i32 to index
    %swap3A_379 = arith.constant 64 : index
    %swap3A_380 = tpu.vector_load %arg16[%swap3A_378, %swap3A_379] {strides = array<i32>} : memref<16x112xf32, #tpu.memory_space<vmem>>, vector<16xf32>,
    tpu.vector_store %arg16[%swap3A_378, %swap3A_379], %broadcast_in_dim3A_3 {strides = array<i32>} : memref<16x112xf32, #tpu.memory_space<vmem>>, vector<16xf32>,
    %swap3A_381 = arith.constant 3 : i32
    %swap3A_382 = arith.index_cast %swap3A_381 : i32 to index
    %swap3A_383 = arith.constant 64 : index
    %swap3A_384 = tpu.vector_load %arg17[%swap3A_382, %swap3A_383] {strides = array<i32>} : memref<16x112xf32, #tpu.memory_space<vmem>>, vector<16xf32>,
    tpu.vector_store %arg17[%swap3A_382, %swap3A_383], %broadcast_in_dim3A_3 {strides = array<i32>} : memref<16x112xf32, #tpu.memory_space<vmem>>, vector<16xf32>,
    %swap3A_385 = arith.constant 3 : i32
    %swap3A_386 = arith.index_cast %swap3A_385 : i32 to index
    %swap3A_387 = arith.constant 64 : index
    %swap3A_388 = tpu.vector_load %arg18[%swap3A_386, %swap3A_387] {strides = array<i32>} : memref<16x112xf32, #tpu.memory_space<vmem>>, vector<16xf32>,
    tpu.vector_store %arg18[%swap3A_386, %swap3A_387], %broadcast_in_dim3A_3 {strides = array<i32>} : memref<16x112xf32, #tpu.memory_space<vmem>>, vector<16xf32>,
    %swap3A_389 = arith.constant 3 : i32
    %swap3A_390 = arith.index_cast %swap3A_389 : i32 to index
    %swap3A_391 = arith.constant 80 : index
    %swap3A_392 = tpu.vector_load %arg16[%swap3A_390, %swap3A_391] {strides = array<i32>} : memref<16x112xf32, #tpu.memory_space<vmem>>, vector<16xf32>,
    tpu.vector_store %arg16[%swap3A_390, %swap3A_391], %broadcast_in_dim3A_3 {strides = array<i32>} : memref<16x112xf32, #tpu.memory_space<vmem>>, vector<16xf32>,
    %swap3A_393 = arith.constant 3 : i32
    %swap3A_394 = arith.index_cast %swap3A_393 : i32 to index
    %swap3A_395 = arith.constant 80 : index
    %swap3A_396 = tpu.vector_load %arg17[%swap3A_394, %swap3A_395] {strides = array<i32>} : memref<16x112xf32, #tpu.memory_space<vmem>>, vector<16xf32>,
    tpu.vector_store %arg17[%swap3A_394, %swap3A_395], %broadcast_in_dim3A_3 {strides = array<i32>} : memref<16x112xf32, #tpu.memory_space<vmem>>, vector<16xf32>,
    %swap3A_397 = arith.constant 3 : i32
    %swap3A_398 = arith.index_cast %swap3A_397 : i32 to index
    %swap3A_399 = arith.constant 80 : index
    %swap3A_400 = tpu.vector_load %arg18[%swap3A_398, %swap3A_399] {strides = array<i32>} : memref<16x112xf32, #tpu.memory_space<vmem>>, vector<16xf32>,
    tpu.vector_store %arg18[%swap3A_398, %swap3A_399], %broadcast_in_dim3A_3 {strides = array<i32>} : memref<16x112xf32, #tpu.memory_space<vmem>>, vector<16xf32>,
    %swap3A_401 = arith.constant 3 : i32
    %swap3A_402 = arith.index_cast %swap3A_401 : i32 to index
    %swap3A_403 = arith.constant 96 : index
    %swap3A_404 = tpu.vector_load %arg16[%swap3A_402, %swap3A_403] {strides = array<i32>} : memref<16x112xf32, #tpu.memory_space<vmem>>, vector<16xf32>,
    tpu.vector_store %arg16[%swap3A_402, %swap3A_403], %broadcast_in_dim3A_3 {strides = array<i32>} : memref<16x112xf32, #tpu.memory_space<vmem>>, vector<16xf32>,
    %swap3A_405 = arith.constant 3 : i32
    %swap3A_406 = arith.index_cast %swap3A_405 : i32 to index
    %swap3A_407 = arith.constant 96 : index
    %swap3A_408 = tpu.vector_load %arg17[%swap3A_406, %swap3A_407] {strides = array<i32>} : memref<16x112xf32, #tpu.memory_space<vmem>>, vector<16xf32>,
    tpu.vector_store %arg17[%swap3A_406, %swap3A_407], %broadcast_in_dim3A_3 {strides = array<i32>} : memref<16x112xf32, #tpu.memory_space<vmem>>, vector<16xf32>,
    %swap3A_409 = arith.constant 3 : i32
    %swap3A_410 = arith.index_cast %swap3A_409 : i32 to index
    %swap3A_411 = arith.constant 96 : index
    %swap3A_412 = tpu.vector_load %arg18[%swap3A_410, %swap3A_411] {strides = array<i32>} : memref<16x112xf32, #tpu.memory_space<vmem>>, vector<16xf32>,
    tpu.vector_store %arg18[%swap3A_410, %swap3A_411], %broadcast_in_dim3A_3 {strides = array<i32>} : memref<16x112xf32, #tpu.memory_space<vmem>>, vector<16xf32>,
    %swap3A_413 = arith.constant 3 : i32
    %swap3A_414 = arith.index_cast %swap3A_413 : i32 to index
    %swap3A_415 = arith.constant 0 : index
    %swap3A_416 = tpu.vector_load %arg19[%swap3A_414, %swap3A_415] {strides = array<i32>} : memref<16x32xf32, #tpu.memory_space<vmem>>, vector<16xf32>,
    tpu.vector_store %arg19[%swap3A_414, %swap3A_415], %broadcast_in_dim3A_3 {strides = array<i32>} : memref<16x32xf32, #tpu.memory_space<vmem>>, vector<16xf32>,
    %swap3A_417 = arith.constant 3 : i32
    %swap3A_418 = arith.index_cast %swap3A_417 : i32 to index
    %swap3A_419 = arith.constant 0 : index
    %swap3A_420 = tpu.vector_load %arg20[%swap3A_418, %swap3A_419] {strides = array<i32>} : memref<16x32xf32, #tpu.memory_space<vmem>>, vector<16xf32>,
    tpu.vector_store %arg20[%swap3A_418, %swap3A_419], %broadcast_in_dim3A_3 {strides = array<i32>} : memref<16x32xf32, #tpu.memory_space<vmem>>, vector<16xf32>,
    %swap3A_421 = arith.constant 3 : i32
    %swap3A_422 = arith.index_cast %swap3A_421 : i32 to index
    %swap3A_423 = arith.constant 0 : index
    %swap3A_424 = tpu.vector_load %arg21[%swap3A_422, %swap3A_423] {strides = array<i32>} : memref<16x32xf32, #tpu.memory_space<vmem>>, vector<16xf32>,
    tpu.vector_store %arg21[%swap3A_422, %swap3A_423], %broadcast_in_dim3A_3 {strides = array<i32>} : memref<16x32xf32, #tpu.memory_space<vmem>>, vector<16xf32>,
    %swap3A_425 = arith.constant 3 : i32
    %swap3A_426 = arith.index_cast %swap3A_425 : i32 to index
    %swap3A_427 = arith.constant 16 : index
    %swap3A_428 = tpu.vector_load %arg19[%swap3A_426, %swap3A_427] {strides = array<i32>} : memref<16x32xf32, #tpu.memory_space<vmem>>, vector<16xf32>,
    tpu.vector_store %arg19[%swap3A_426, %swap3A_427], %broadcast_in_dim3A_3 {strides = array<i32>} : memref<16x32xf32, #tpu.memory_space<vmem>>, vector<16xf32>,
    %swap3A_429 = arith.constant 3 : i32
    %swap3A_430 = arith.index_cast %swap3A_429 : i32 to index
    %swap3A_431 = arith.constant 16 : index
    %swap3A_432 = tpu.vector_load %arg20[%swap3A_430, %swap3A_431] {strides = array<i32>} : memref<16x32xf32, #tpu.memory_space<vmem>>, vector<16xf32>,
    tpu.vector_store %arg20[%swap3A_430, %swap3A_431], %broadcast_in_dim3A_3 {strides = array<i32>} : memref<16x32xf32, #tpu.memory_space<vmem>>, vector<16xf32>,
    %swap3A_433 = arith.constant 3 : i32
    %swap3A_434 = arith.index_cast %swap3A_433 : i32 to index
    %swap3A_435 = arith.constant 16 : index
    %swap3A_436 = tpu.vector_load %arg21[%swap3A_434, %swap3A_435] {strides = array<i32>} : memref<16x32xf32, #tpu.memory_space<vmem>>, vector<16xf32>,
    tpu.vector_store %arg21[%swap3A_434, %swap3A_435], %broadcast_in_dim3A_3 {strides = array<i32>} : memref<16x32xf32, #tpu.memory_space<vmem>>, vector<16xf32>,
    %swap3A_437 = arith.constant 4 : i32
    %swap3A_438 = arith.index_cast %swap3A_437 : i32 to index
    %swap3A_439 = arith.constant 0 : index
    %swap3A_440 = tpu.vector_load %arg16[%swap3A_438, %swap3A_439] {strides = array<i32>} : memref<16x112xf32, #tpu.memory_space<vmem>>, vector<16xf32>,
    tpu.vector_store %arg16[%swap3A_438, %swap3A_439], %broadcast_in_dim3A_3 {strides = array<i32>} : memref<16x112xf32, #tpu.memory_space<vmem>>, vector<16xf32>,
    %swap3A_441 = arith.constant 4 : i32
    %swap3A_442 = arith.index_cast %swap3A_441 : i32 to index
    %swap3A_443 = arith.constant 0 : index
    %swap3A_444 = tpu.vector_load %arg17[%swap3A_442, %swap3A_443] {strides = array<i32>} : memref<16x112xf32, #tpu.memory_space<vmem>>, vector<16xf32>,
    tpu.vector_store %arg17[%swap3A_442, %swap3A_443], %broadcast_in_dim3A_3 {strides = array<i32>} : memref<16x112xf32, #tpu.memory_space<vmem>>, vector<16xf32>,
    %swap3A_445 = arith.constant 4 : i32
    %swap3A_446 = arith.index_cast %swap3A_445 : i32 to index
    %swap3A_447 = arith.constant 0 : index
    %swap3A_448 = tpu.vector_load %arg18[%swap3A_446, %swap3A_447] {strides = array<i32>} : memref<16x112xf32, #tpu.memory_space<vmem>>, vector<16xf32>,
    tpu.vector_store %arg18[%swap3A_446, %swap3A_447], %broadcast_in_dim3A_3 {strides = array<i32>} : memref<16x112xf32, #tpu.memory_space<vmem>>, vector<16xf32>,
    %swap3A_449 = arith.constant 4 : i32
    %swap3A_450 = arith.index_cast %swap3A_449 : i32 to index
    %swap3A_451 = arith.constant 16 : index
    %swap3A_452 = tpu.vector_load %arg16[%swap3A_450, %swap3A_451] {strides = array<i32>} : memref<16x112xf32, #tpu.memory_space<vmem>>, vector<16xf32>,
    tpu.vector_store %arg16[%swap3A_450, %swap3A_451], %broadcast_in_dim3A_3 {strides = array<i32>} : memref<16x112xf32, #tpu.memory_space<vmem>>, vector<16xf32>,
    %swap3A_453 = arith.constant 4 : i32
    %swap3A_454 = arith.index_cast %swap3A_453 : i32 to index
    %swap3A_455 = arith.constant 16 : index
    %swap3A_456 = tpu.vector_load %arg17[%swap3A_454, %swap3A_455] {strides = array<i32>} : memref<16x112xf32, #tpu.memory_space<vmem>>, vector<16xf32>,
    tpu.vector_store %arg17[%swap3A_454, %swap3A_455], %broadcast_in_dim3A_3 {strides = array<i32>} : memref<16x112xf32, #tpu.memory_space<vmem>>, vector<16xf32>,
    %swap3A_457 = arith.constant 4 : i32
    %swap3A_458 = arith.index_cast %swap3A_457 : i32 to index
    %swap3A_459 = arith.constant 16 : index
    %swap3A_460 = tpu.vector_load %arg18[%swap3A_458, %swap3A_459] {strides = array<i32>} : memref<16x112xf32, #tpu.memory_space<vmem>>, vector<16xf32>,
    tpu.vector_store %arg18[%swap3A_458, %swap3A_459], %broadcast_in_dim3A_3 {strides = array<i32>} : memref<16x112xf32, #tpu.memory_space<vmem>>, vector<16xf32>,
    %swap3A_461 = arith.constant 4 : i32
    %swap3A_462 = arith.index_cast %swap3A_461 : i32 to index
    %swap3A_463 = arith.constant 32 : index
    %swap3A_464 = tpu.vector_load %arg16[%swap3A_462, %swap3A_463] {strides = array<i32>} : memref<16x112xf32, #tpu.memory_space<vmem>>, vector<16xf32>,
    tpu.vector_store %arg16[%swap3A_462, %swap3A_463], %broadcast_in_dim3A_3 {strides = array<i32>} : memref<16x112xf32, #tpu.memory_space<vmem>>, vector<16xf32>,
    %swap3A_465 = arith.constant 4 : i32
    %swap3A_466 = arith.index_cast %swap3A_465 : i32 to index
    %swap3A_467 = arith.constant 32 : index
    %swap3A_468 = tpu.vector_load %arg17[%swap3A_466, %swap3A_467] {strides = array<i32>} : memref<16x112xf32, #tpu.memory_space<vmem>>, vector<16xf32>,
    tpu.vector_store %arg17[%swap3A_466, %swap3A_467], %broadcast_in_dim3A_3 {strides = array<i32>} : memref<16x112xf32, #tpu.memory_space<vmem>>, vector<16xf32>,
    %swap3A_469 = arith.constant 4 : i32
    %swap3A_470 = arith.index_cast %swap3A_469 : i32 to index
    %swap3A_471 = arith.constant 32 : index
    %swap3A_472 = tpu.vector_load %arg18[%swap3A_470, %swap3A_471] {strides = array<i32>} : memref<16x112xf32, #tpu.memory_space<vmem>>, vector<16xf32>,
    tpu.vector_store %arg18[%swap3A_470, %swap3A_471], %broadcast_in_dim3A_3 {strides = array<i32>} : memref<16x112xf32, #tpu.memory_space<vmem>>, vector<16xf32>,
    %swap3A_473 = arith.constant 4 : i32
    %swap3A_474 = arith.index_cast %swap3A_473 : i32 to index
    %swap3A_475 = arith.constant 48 : index
    %swap3A_476 = tpu.vector_load %arg16[%swap3A_474, %swap3A_475] {strides = array<i32>} : memref<16x112xf32, #tpu.memory_space<vmem>>, vector<16xf32>,
    tpu.vector_store %arg16[%swap3A_474, %swap3A_475], %broadcast_in_dim3A_3 {strides = array<i32>} : memref<16x112xf32, #tpu.memory_space<vmem>>, vector<16xf32>,
    %swap3A_477 = arith.constant 4 : i32
    %swap3A_478 = arith.index_cast %swap3A_477 : i32 to index
    %swap3A_479 = arith.constant 48 : index
    %swap3A_480 = tpu.vector_load %arg17[%swap3A_478, %swap3A_479] {strides = array<i32>} : memref<16x112xf32, #tpu.memory_space<vmem>>, vector<16xf32>,
    tpu.vector_store %arg17[%swap3A_478, %swap3A_479], %broadcast_in_dim3A_3 {strides = array<i32>} : memref<16x112xf32, #tpu.memory_space<vmem>>, vector<16xf32>,
    %swap3A_481 = arith.constant 4 : i32
    %swap3A_482 = arith.index_cast %swap3A_481 : i32 to index
    %swap3A_483 = arith.constant 48 : index
    %swap3A_484 = tpu.vector_load %arg18[%swap3A_482, %swap3A_483] {strides = array<i32>} : memref<16x112xf32, #tpu.memory_space<vmem>>, vector<16xf32>,
    tpu.vector_store %arg18[%swap3A_482, %swap3A_483], %broadcast_in_dim3A_3 {strides = array<i32>} : memref<16x112xf32, #tpu.memory_space<vmem>>, vector<16xf32>,
    %swap3A_485 = arith.constant 4 : i32
    %swap3A_486 = arith.index_cast %swap3A_485 : i32 to index
    %swap3A_487 = arith.constant 64 : index
    %swap3A_488 = tpu.vector_load %arg16[%swap3A_486, %swap3A_487] {strides = array<i32>} : memref<16x112xf32, #tpu.memory_space<vmem>>, vector<16xf32>,
    tpu.vector_store %arg16[%swap3A_486, %swap3A_487], %broadcast_in_dim3A_3 {strides = array<i32>} : memref<16x112xf32, #tpu.memory_space<vmem>>, vector<16xf32>,
    %swap3A_489 = arith.constant 4 : i32
    %swap3A_490 = arith.index_cast %swap3A_489 : i32 to index
    %swap3A_491 = arith.constant 64 : index
    %swap3A_492 = tpu.vector_load %arg17[%swap3A_490, %swap3A_491] {strides = array<i32>} : memref<16x112xf32, #tpu.memory_space<vmem>>, vector<16xf32>,
    tpu.vector_store %arg17[%swap3A_490, %swap3A_491], %broadcast_in_dim3A_3 {strides = array<i32>} : memref<16x112xf32, #tpu.memory_space<vmem>>, vector<16xf32>,
    %swap3A_493 = arith.constant 4 : i32
    %swap3A_494 = arith.index_cast %swap3A_493 : i32 to index
    %swap3A_495 = arith.constant 64 : index
    %swap3A_496 = tpu.vector_load %arg18[%swap3A_494, %swap3A_495] {strides = array<i32>} : memref<16x112xf32, #tpu.memory_space<vmem>>, vector<16xf32>,
    tpu.vector_store %arg18[%swap3A_494, %swap3A_495], %broadcast_in_dim3A_3 {strides = array<i32>} : memref<16x112xf32, #tpu.memory_space<vmem>>, vector<16xf32>,
    %swap3A_497 = arith.constant 4 : i32
    %swap3A_498 = arith.index_cast %swap3A_497 : i32 to index
    %swap3A_499 = arith.constant 80 : index
    %swap3A_500 = tpu.vector_load %arg16[%swap3A_498, %swap3A_499] {strides = array<i32>} : memref<16x112xf32, #tpu.memory_space<vmem>>, vector<16xf32>,
    tpu.vector_store %arg16[%swap3A_498, %swap3A_499], %broadcast_in_dim3A_3 {strides = array<i32>} : memref<16x112xf32, #tpu.memory_space<vmem>>, vector<16xf32>,
    %swap3A_501 = arith.constant 4 : i32
    %swap3A_502 = arith.index_cast %swap3A_501 : i32 to index
    %swap3A_503 = arith.constant 80 : index
    %swap3A_504 = tpu.vector_load %arg17[%swap3A_502, %swap3A_503] {strides = array<i32>} : memref<16x112xf32, #tpu.memory_space<vmem>>, vector<16xf32>,
    tpu.vector_store %arg17[%swap3A_502, %swap3A_503], %broadcast_in_dim3A_3 {strides = array<i32>} : memref<16x112xf32, #tpu.memory_space<vmem>>, vector<16xf32>,
    %swap3A_505 = arith.constant 4 : i32
    %swap3A_506 = arith.index_cast %swap3A_505 : i32 to index
    %swap3A_507 = arith.constant 80 : index
    %swap3A_508 = tpu.vector_load %arg18[%swap3A_506, %swap3A_507] {strides = array<i32>} : memref<16x112xf32, #tpu.memory_space<vmem>>, vector<16xf32>,
    tpu.vector_store %arg18[%swap3A_506, %swap3A_507], %broadcast_in_dim3A_3 {strides = array<i32>} : memref<16x112xf32, #tpu.memory_space<vmem>>, vector<16xf32>,
    %swap3A_509 = arith.constant 4 : i32
    %swap3A_510 = arith.index_cast %swap3A_509 : i32 to index
    %swap3A_511 = arith.constant 96 : index
    %swap3A_512 = tpu.vector_load %arg16[%swap3A_510, %swap3A_511] {strides = array<i32>} : memref<16x112xf32, #tpu.memory_space<vmem>>, vector<16xf32>,
    tpu.vector_store %arg16[%swap3A_510, %swap3A_511], %broadcast_in_dim3A_3 {strides = array<i32>} : memref<16x112xf32, #tpu.memory_space<vmem>>, vector<16xf32>,
    %swap3A_513 = arith.constant 4 : i32
    %swap3A_514 = arith.index_cast %swap3A_513 : i32 to index
    %swap3A_515 = arith.constant 96 : index
    %swap3A_516 = tpu.vector_load %arg17[%swap3A_514, %swap3A_515] {strides = array<i32>} : memref<16x112xf32, #tpu.memory_space<vmem>>, vector<16xf32>,
    tpu.vector_store %arg17[%swap3A_514, %swap3A_515], %broadcast_in_dim3A_3 {strides = array<i32>} : memref<16x112xf32, #tpu.memory_space<vmem>>, vector<16xf32>,
    %swap3A_517 = arith.constant 4 : i32
    %swap3A_518 = arith.index_cast %swap3A_517 : i32 to index
    %swap3A_519 = arith.constant 96 : index
    %swap3A_520 = tpu.vector_load %arg18[%swap3A_518, %swap3A_519] {strides = array<i32>} : memref<16x112xf32, #tpu.memory_space<vmem>>, vector<16xf32>,
    tpu.vector_store %arg18[%swap3A_518, %swap3A_519], %broadcast_in_dim3A_3 {strides = array<i32>} : memref<16x112xf32, #tpu.memory_space<vmem>>, vector<16xf32>,
    %swap3A_521 = arith.constant 4 : i32
    %swap3A_522 = arith.index_cast %swap3A_521 : i32 to index
    %swap3A_523 = arith.constant 0 : index
    %swap3A_524 = tpu.vector_load %arg19[%swap3A_522, %swap3A_523] {strides = array<i32>} : memref<16x32xf32, #tpu.memory_space<vmem>>, vector<16xf32>,
    tpu.vector_store %arg19[%swap3A_522, %swap3A_523], %broadcast_in_dim3A_3 {strides = array<i32>} : memref<16x32xf32, #tpu.memory_space<vmem>>, vector<16xf32>,
    %swap3A_525 = arith.constant 4 : i32
    %swap3A_526 = arith.index_cast %swap3A_525 : i32 to index
    %swap3A_527 = arith.constant 0 : index
    %swap3A_528 = tpu.vector_load %arg20[%swap3A_526, %swap3A_527] {strides = array<i32>} : memref<16x32xf32, #tpu.memory_space<vmem>>, vector<16xf32>,
    tpu.vector_store %arg20[%swap3A_526, %swap3A_527], %broadcast_in_dim3A_3 {strides = array<i32>} : memref<16x32xf32, #tpu.memory_space<vmem>>, vector<16xf32>,
    %swap3A_529 = arith.constant 4 : i32
    %swap3A_530 = arith.index_cast %swap3A_529 : i32 to index
    %swap3A_531 = arith.constant 0 : index
    %swap3A_532 = tpu.vector_load %arg21[%swap3A_530, %swap3A_531] {strides = array<i32>} : memref<16x32xf32, #tpu.memory_space<vmem>>, vector<16xf32>,
    tpu.vector_store %arg21[%swap3A_530, %swap3A_531], %broadcast_in_dim3A_3 {strides = array<i32>} : memref<16x32xf32, #tpu.memory_space<vmem>>, vector<16xf32>,
    %swap3A_533 = arith.constant 4 : i32
    %swap3A_534 = arith.index_cast %swap3A_533 : i32 to index
    %swap3A_535 = arith.constant 16 : index
    %swap3A_536 = tpu.vector_load %arg19[%swap3A_534, %swap3A_535] {strides = array<i32>} : memref<16x32xf32, #tpu.memory_space<vmem>>, vector<16xf32>,
    tpu.vector_store %arg19[%swap3A_534, %swap3A_535], %broadcast_in_dim3A_3 {strides = array<i32>} : memref<16x32xf32, #tpu.memory_space<vmem>>, vector<16xf32>,
    %swap3A_537 = arith.constant 4 : i32
    %swap3A_538 = arith.index_cast %swap3A_537 : i32 to index
    %swap3A_539 = arith.constant 16 : index
    %swap3A_540 = tpu.vector_load %arg20[%swap3A_538, %swap3A_539] {strides = array<i32>} : memref<16x32xf32, #tpu.memory_space<vmem>>, vector<16xf32>,
    tpu.vector_store %arg20[%swap3A_538, %swap3A_539], %broadcast_in_dim3A_3 {strides = array<i32>} : memref<16x32xf32, #tpu.memory_space<vmem>>, vector<16xf32>,
    %swap3A_541 = arith.constant 4 : i32
    %swap3A_542 = arith.index_cast %swap3A_541 : i32 to index
    %swap3A_543 = arith.constant 16 : index
    %swap3A_544 = tpu.vector_load %arg21[%swap3A_542, %swap3A_543] {strides = array<i32>} : memref<16x32xf32, #tpu.memory_space<vmem>>, vector<16xf32>,
    tpu.vector_store %arg21[%swap3A_542, %swap3A_543], %broadcast_in_dim3A_3 {strides = array<i32>} : memref<16x32xf32, #tpu.memory_space<vmem>>, vector<16xf32>,
    %swap3A_545 = arith.constant 5 : i32
    %swap3A_546 = arith.index_cast %swap3A_545 : i32 to index
    %swap3A_547 = arith.constant 0 : index
    %swap3A_548 = tpu.vector_load %arg16[%swap3A_546, %swap3A_547] {strides = array<i32>} : memref<16x112xf32, #tpu.memory_space<vmem>>, vector<16xf32>,
    tpu.vector_store %arg16[%swap3A_546, %swap3A_547], %broadcast_in_dim3A_3 {strides = array<i32>} : memref<16x112xf32, #tpu.memory_space<vmem>>, vector<16xf32>,
    %swap3A_549 = arith.constant 5 : i32
    %swap3A_550 = arith.index_cast %swap3A_549 : i32 to index
    %swap3A_551 = arith.constant 0 : index
    %swap3A_552 = tpu.vector_load %arg17[%swap3A_550, %swap3A_551] {strides = array<i32>} : memref<16x112xf32, #tpu.memory_space<vmem>>, vector<16xf32>,
    tpu.vector_store %arg17[%swap3A_550, %swap3A_551], %broadcast_in_dim3A_3 {strides = array<i32>} : memref<16x112xf32, #tpu.memory_space<vmem>>, vector<16xf32>,
    %swap3A_553 = arith.constant 5 : i32
    %swap3A_554 = arith.index_cast %swap3A_553 : i32 to index
    %swap3A_555 = arith.constant 0 : index
    %swap3A_556 = tpu.vector_load %arg18[%swap3A_554, %swap3A_555] {strides = array<i32>} : memref<16x112xf32, #tpu.memory_space<vmem>>, vector<16xf32>,
    tpu.vector_store %arg18[%swap3A_554, %swap3A_555], %broadcast_in_dim3A_3 {strides = array<i32>} : memref<16x112xf32, #tpu.memory_space<vmem>>, vector<16xf32>,
    %swap3A_557 = arith.constant 5 : i32
    %swap3A_558 = arith.index_cast %swap3A_557 : i32 to index
    %swap3A_559 = arith.constant 16 : index
    %swap3A_560 = tpu.vector_load %arg16[%swap3A_558, %swap3A_559] {strides = array<i32>} : memref<16x112xf32, #tpu.memory_space<vmem>>, vector<16xf32>,
    tpu.vector_store %arg16[%swap3A_558, %swap3A_559], %broadcast_in_dim3A_3 {strides = array<i32>} : memref<16x112xf32, #tpu.memory_space<vmem>>, vector<16xf32>,
    %swap3A_561 = arith.constant 5 : i32
    %swap3A_562 = arith.index_cast %swap3A_561 : i32 to index
    %swap3A_563 = arith.constant 16 : index
    %swap3A_564 = tpu.vector_load %arg17[%swap3A_562, %swap3A_563] {strides = array<i32>} : memref<16x112xf32, #tpu.memory_space<vmem>>, vector<16xf32>,
    tpu.vector_store %arg17[%swap3A_562, %swap3A_563], %broadcast_in_dim3A_3 {strides = array<i32>} : memref<16x112xf32, #tpu.memory_space<vmem>>, vector<16xf32>,
    %swap3A_565 = arith.constant 5 : i32
    %swap3A_566 = arith.index_cast %swap3A_565 : i32 to index
    %swap3A_567 = arith.constant 16 : index
    %swap3A_568 = tpu.vector_load %arg18[%swap3A_566, %swap3A_567] {strides = array<i32>} : memref<16x112xf32, #tpu.memory_space<vmem>>, vector<16xf32>,
    tpu.vector_store %arg18[%swap3A_566, %swap3A_567], %broadcast_in_dim3A_3 {strides = array<i32>} : memref<16x112xf32, #tpu.memory_space<vmem>>, vector<16xf32>,
    %swap3A_569 = arith.constant 5 : i32
    %swap3A_570 = arith.index_cast %swap3A_569 : i32 to index
    %swap3A_571 = arith.constant 32 : index
    %swap3A_572 = tpu.vector_load %arg16[%swap3A_570, %swap3A_571] {strides = array<i32>} : memref<16x112xf32, #tpu.memory_space<vmem>>, vector<16xf32>,
    tpu.vector_store %arg16[%swap3A_570, %swap3A_571], %broadcast_in_dim3A_3 {strides = array<i32>} : memref<16x112xf32, #tpu.memory_space<vmem>>, vector<16xf32>,
    %swap3A_573 = arith.constant 5 : i32
    %swap3A_574 = arith.index_cast %swap3A_573 : i32 to index
    %swap3A_575 = arith.constant 32 : index
    %swap3A_576 = tpu.vector_load %arg17[%swap3A_574, %swap3A_575] {strides = array<i32>} : memref<16x112xf32, #tpu.memory_space<vmem>>, vector<16xf32>,
    tpu.vector_store %arg17[%swap3A_574, %swap3A_575], %broadcast_in_dim3A_3 {strides = array<i32>} : memref<16x112xf32, #tpu.memory_space<vmem>>, vector<16xf32>,
    %swap3A_577 = arith.constant 5 : i32
    %swap3A_578 = arith.index_cast %swap3A_577 : i32 to index
    %swap3A_579 = arith.constant 32 : index
    %swap3A_580 = tpu.vector_load %arg18[%swap3A_578, %swap3A_579] {strides = array<i32>} : memref<16x112xf32, #tpu.memory_space<vmem>>, vector<16xf32>,
    tpu.vector_store %arg18[%swap3A_578, %swap3A_579], %broadcast_in_dim3A_3 {strides = array<i32>} : memref<16x112xf32, #tpu.memory_space<vmem>>, vector<16xf32>,
    %swap3A_581 = arith.constant 5 : i32
    %swap3A_582 = arith.index_cast %swap3A_581 : i32 to index
    %swap3A_583 = arith.constant 48 : index
    %swap3A_584 = tpu.vector_load %arg16[%swap3A_582, %swap3A_583] {strides = array<i32>} : memref<16x112xf32, #tpu.memory_space<vmem>>, vector<16xf32>,
    tpu.vector_store %arg16[%swap3A_582, %swap3A_583], %broadcast_in_dim3A_3 {strides = array<i32>} : memref<16x112xf32, #tpu.memory_space<vmem>>, vector<16xf32>,
    %swap3A_585 = arith.constant 5 : i32
    %swap3A_586 = arith.index_cast %swap3A_585 : i32 to index
    %swap3A_587 = arith.constant 48 : index
    %swap3A_588 = tpu.vector_load %arg17[%swap3A_586, %swap3A_587] {strides = array<i32>} : memref<16x112xf32, #tpu.memory_space<vmem>>, vector<16xf32>,
    tpu.vector_store %arg17[%swap3A_586, %swap3A_587], %broadcast_in_dim3A_3 {strides = array<i32>} : memref<16x112xf32, #tpu.memory_space<vmem>>, vector<16xf32>,
    %swap3A_589 = arith.constant 5 : i32
    %swap3A_590 = arith.index_cast %swap3A_589 : i32 to index
    %swap3A_591 = arith.constant 48 : index
    %swap3A_592 = tpu.vector_load %arg18[%swap3A_590, %swap3A_591] {strides = array<i32>} : memref<16x112xf32, #tpu.memory_space<vmem>>, vector<16xf32>,
    tpu.vector_store %arg18[%swap3A_590, %swap3A_591], %broadcast_in_dim3A_3 {strides = array<i32>} : memref<16x112xf32, #tpu.memory_space<vmem>>, vector<16xf32>,
    %swap3A_593 = arith.constant 5 : i32
    %swap3A_594 = arith.index_cast %swap3A_593 : i32 to index
    %swap3A_595 = arith.constant 64 : index
    %swap3A_596 = tpu.vector_load %arg16[%swap3A_594, %swap3A_595] {strides = array<i32>} : memref<16x112xf32, #tpu.memory_space<vmem>>, vector<16xf32>,
    tpu.vector_store %arg16[%swap3A_594, %swap3A_595], %broadcast_in_dim3A_3 {strides = array<i32>} : memref<16x112xf32, #tpu.memory_space<vmem>>, vector<16xf32>,
    %swap3A_597 = arith.constant 5 : i32
    %swap3A_598 = arith.index_cast %swap3A_597 : i32 to index
    %swap3A_599 = arith.constant 64 : index
    %swap3A_600 = tpu.vector_load %arg17[%swap3A_598, %swap3A_599] {strides = array<i32>} : memref<16x112xf32, #tpu.memory_space<vmem>>, vector<16xf32>,
    tpu.vector_store %arg17[%swap3A_598, %swap3A_599], %broadcast_in_dim3A_3 {strides = array<i32>} : memref<16x112xf32, #tpu.memory_space<vmem>>, vector<16xf32>,
    %swap3A_601 = arith.constant 5 : i32
    %swap3A_602 = arith.index_cast %swap3A_601 : i32 to index
    %swap3A_603 = arith.constant 64 : index
    %swap3A_604 = tpu.vector_load %arg18[%swap3A_602, %swap3A_603] {strides = array<i32>} : memref<16x112xf32, #tpu.memory_space<vmem>>, vector<16xf32>,
    tpu.vector_store %arg18[%swap3A_602, %swap3A_603], %broadcast_in_dim3A_3 {strides = array<i32>} : memref<16x112xf32, #tpu.memory_space<vmem>>, vector<16xf32>,
    %swap3A_605 = arith.constant 5 : i32
    %swap3A_606 = arith.index_cast %swap3A_605 : i32 to index
    %swap3A_607 = arith.constant 80 : index
    %swap3A_608 = tpu.vector_load %arg16[%swap3A_606, %swap3A_607] {strides = array<i32>} : memref<16x112xf32, #tpu.memory_space<vmem>>, vector<16xf32>,
    tpu.vector_store %arg16[%swap3A_606, %swap3A_607], %broadcast_in_dim3A_3 {strides = array<i32>} : memref<16x112xf32, #tpu.memory_space<vmem>>, vector<16xf32>,
    %swap3A_609 = arith.constant 5 : i32
    %swap3A_610 = arith.index_cast %swap3A_609 : i32 to index
    %swap3A_611 = arith.constant 80 : index
    %swap3A_612 = tpu.vector_load %arg17[%swap3A_610, %swap3A_611] {strides = array<i32>} : memref<16x112xf32, #tpu.memory_space<vmem>>, vector<16xf32>,
    tpu.vector_store %arg17[%swap3A_610, %swap3A_611], %broadcast_in_dim3A_3 {strides = array<i32>} : memref<16x112xf32, #tpu.memory_space<vmem>>, vector<16xf32>,
    %swap3A_613 = arith.constant 5 : i32
    %swap3A_614 = arith.index_cast %swap3A_613 : i32 to index
    %swap3A_615 = arith.constant 80 : index
    %swap3A_616 = tpu.vector_load %arg18[%swap3A_614, %swap3A_615] {strides = array<i32>} : memref<16x112xf32, #tpu.memory_space<vmem>>, vector<16xf32>,
    tpu.vector_store %arg18[%swap3A_614, %swap3A_615], %broadcast_in_dim3A_3 {strides = array<i32>} : memref<16x112xf32, #tpu.memory_space<vmem>>, vector<16xf32>,
    %swap3A_617 = arith.constant 5 : i32
    %swap3A_618 = arith.index_cast %swap3A_617 : i32 to index
    %swap3A_619 = arith.constant 96 : index
    %swap3A_620 = tpu.vector_load %arg16[%swap3A_618, %swap3A_619] {strides = array<i32>} : memref<16x112xf32, #tpu.memory_space<vmem>>, vector<16xf32>,
    tpu.vector_store %arg16[%swap3A_618, %swap3A_619], %broadcast_in_dim3A_3 {strides = array<i32>} : memref<16x112xf32, #tpu.memory_space<vmem>>, vector<16xf32>,
    %swap3A_621 = arith.constant 5 : i32
    %swap3A_622 = arith.index_cast %swap3A_621 : i32 to index
    %swap3A_623 = arith.constant 96 : index
    %swap3A_624 = tpu.vector_load %arg17[%swap3A_622, %swap3A_623] {strides = array<i32>} : memref<16x112xf32, #tpu.memory_space<vmem>>, vector<16xf32>,
    tpu.vector_store %arg17[%swap3A_622, %swap3A_623], %broadcast_in_dim3A_3 {strides = array<i32>} : memref<16x112xf32, #tpu.memory_space<vmem>>, vector<16xf32>,
    %swap3A_625 = arith.constant 5 : i32
    %swap3A_626 = arith.index_cast %swap3A_625 : i32 to index
    %swap3A_627 = arith.constant 96 : index
    %swap3A_628 = tpu.vector_load %arg18[%swap3A_626, %swap3A_627] {strides = array<i32>} : memref<16x112xf32, #tpu.memory_space<vmem>>, vector<16xf32>,
    tpu.vector_store %arg18[%swap3A_626, %swap3A_627], %broadcast_in_dim3A_3 {strides = array<i32>} : memref<16x112xf32, #tpu.memory_space<vmem>>, vector<16xf32>,
    %swap3A_629 = arith.constant 5 : i32
    %swap3A_630 = arith.index_cast %swap3A_629 : i32 to index
    %swap3A_631 = arith.constant 0 : index
    %swap3A_632 = tpu.vector_load %arg19[%swap3A_630, %swap3A_631] {strides = array<i32>} : memref<16x32xf32, #tpu.memory_space<vmem>>, vector<16xf32>,
    tpu.vector_store %arg19[%swap3A_630, %swap3A_631], %broadcast_in_dim3A_3 {strides = array<i32>} : memref<16x32xf32, #tpu.memory_space<vmem>>, vector<16xf32>,
    %swap3A_633 = arith.constant 5 : i32
    %swap3A_634 = arith.index_cast %swap3A_633 : i32 to index
    %swap3A_635 = arith.constant 0 : index
    %swap3A_636 = tpu.vector_load %arg20[%swap3A_634, %swap3A_635] {strides = array<i32>} : memref<16x32xf32, #tpu.memory_space<vmem>>, vector<16xf32>,
    tpu.vector_store %arg20[%swap3A_634, %swap3A_635], %broadcast_in_dim3A_3 {strides = array<i32>} : memref<16x32xf32, #tpu.memory_space<vmem>>, vector<16xf32>,
    %swap3A_637 = arith.constant 5 : i32
    %swap3A_638 = arith.index_cast %swap3A_637 : i32 to index
    %swap3A_639 = arith.constant 0 : index
    %swap3A_640 = tpu.vector_load %arg21[%swap3A_638, %swap3A_639] {strides = array<i32>} : memref<16x32xf32, #tpu.memory_space<vmem>>, vector<16xf32>,
    tpu.vector_store %arg21[%swap3A_638, %swap3A_639], %broadcast_in_dim3A_3 {strides = array<i32>} : memref<16x32xf32, #tpu.memory_space<vmem>>, vector<16xf32>,
    %swap3A_641 = arith.constant 5 : i32
    %swap3A_642 = arith.index_cast %swap3A_641 : i32 to index
    %swap3A_643 = arith.constant 16 : index
    %swap3A_644 = tpu.vector_load %arg19[%swap3A_642, %swap3A_643] {strides = array<i32>} : memref<16x32xf32, #tpu.memory_space<vmem>>, vector<16xf32>,
    tpu.vector_store %arg19[%swap3A_642, %swap3A_643], %broadcast_in_dim3A_3 {strides = array<i32>} : memref<16x32xf32, #tpu.memory_space<vmem>>, vector<16xf32>,
    %swap3A_645 = arith.constant 5 : i32
    %swap3A_646 = arith.index_cast %swap3A_645 : i32 to index
    %swap3A_647 = arith.constant 16 : index
    %swap3A_648 = tpu.vector_load %arg20[%swap3A_646, %swap3A_647] {strides = array<i32>} : memref<16x32xf32, #tpu.memory_space<vmem>>, vector<16xf32>,
    tpu.vector_store %arg20[%swap3A_646, %swap3A_647], %broadcast_in_dim3A_3 {strides = array<i32>} : memref<16x32xf32, #tpu.memory_space<vmem>>, vector<16xf32>,
    %swap3A_649 = arith.constant 5 : i32
    %swap3A_650 = arith.index_cast %swap3A_649 : i32 to index
    %swap3A_651 = arith.constant 16 : index
    %swap3A_652 = tpu.vector_load %arg21[%swap3A_650, %swap3A_651] {strides = array<i32>} : memref<16x32xf32, #tpu.memory_space<vmem>>, vector<16xf32>,
    tpu.vector_store %arg21[%swap3A_650, %swap3A_651], %broadcast_in_dim3A_3 {strides = array<i32>} : memref<16x32xf32, #tpu.memory_space<vmem>>, vector<16xf32>,
    %swap3A_653 = arith.constant 6 : i32
    %swap3A_654 = arith.index_cast %swap3A_653 : i32 to index
    %swap3A_655 = arith.constant 0 : index
    %swap3A_656 = tpu.vector_load %arg16[%swap3A_654, %swap3A_655] {strides = array<i32>} : memref<16x112xf32, #tpu.memory_space<vmem>>, vector<16xf32>,
    tpu.vector_store %arg16[%swap3A_654, %swap3A_655], %broadcast_in_dim3A_3 {strides = array<i32>} : memref<16x112xf32, #tpu.memory_space<vmem>>, vector<16xf32>,
    %swap3A_657 = arith.constant 6 : i32
    %swap3A_658 = arith.index_cast %swap3A_657 : i32 to index
    %swap3A_659 = arith.constant 0 : index
    %swap3A_660 = tpu.vector_load %arg17[%swap3A_658, %swap3A_659] {strides = array<i32>} : memref<16x112xf32, #tpu.memory_space<vmem>>, vector<16xf32>,
    tpu.vector_store %arg17[%swap3A_658, %swap3A_659], %broadcast_in_dim3A_3 {strides = array<i32>} : memref<16x112xf32, #tpu.memory_space<vmem>>, vector<16xf32>,
    %swap3A_661 = arith.constant 6 : i32
    %swap3A_662 = arith.index_cast %swap3A_661 : i32 to index
    %swap3A_663 = arith.constant 0 : index
    %swap3A_664 = tpu.vector_load %arg18[%swap3A_662, %swap3A_663] {strides = array<i32>} : memref<16x112xf32, #tpu.memory_space<vmem>>, vector<16xf32>,
    tpu.vector_store %arg18[%swap3A_662, %swap3A_663], %broadcast_in_dim3A_3 {strides = array<i32>} : memref<16x112xf32, #tpu.memory_space<vmem>>, vector<16xf32>,
    %swap3A_665 = arith.constant 6 : i32
    %swap3A_666 = arith.index_cast %swap3A_665 : i32 to index
    %swap3A_667 = arith.constant 16 : index
    %swap3A_668 = tpu.vector_load %arg16[%swap3A_666, %swap3A_667] {strides = array<i32>} : memref<16x112xf32, #tpu.memory_space<vmem>>, vector<16xf32>,
    tpu.vector_store %arg16[%swap3A_666, %swap3A_667], %broadcast_in_dim3A_3 {strides = array<i32>} : memref<16x112xf32, #tpu.memory_space<vmem>>, vector<16xf32>,
    %swap3A_669 = arith.constant 6 : i32
    %swap3A_670 = arith.index_cast %swap3A_669 : i32 to index
    %swap3A_671 = arith.constant 16 : index
    %swap3A_672 = tpu.vector_load %arg17[%swap3A_670, %swap3A_671] {strides = array<i32>} : memref<16x112xf32, #tpu.memory_space<vmem>>, vector<16xf32>,
    tpu.vector_store %arg17[%swap3A_670, %swap3A_671], %broadcast_in_dim3A_3 {strides = array<i32>} : memref<16x112xf32, #tpu.memory_space<vmem>>, vector<16xf32>,
    %swap3A_673 = arith.constant 6 : i32
    %swap3A_674 = arith.index_cast %swap3A_673 : i32 to index
    %swap3A_675 = arith.constant 16 : index
    %swap3A_676 = tpu.vector_load %arg18[%swap3A_674, %swap3A_675] {strides = array<i32>} : memref<16x112xf32, #tpu.memory_space<vmem>>, vector<16xf32>,
    tpu.vector_store %arg18[%swap3A_674, %swap3A_675], %broadcast_in_dim3A_3 {strides = array<i32>} : memref<16x112xf32, #tpu.memory_space<vmem>>, vector<16xf32>,
    %swap3A_677 = arith.constant 6 : i32
    %swap3A_678 = arith.index_cast %swap3A_677 : i32 to index
    %swap3A_679 = arith.constant 32 : index
    %swap3A_680 = tpu.vector_load %arg16[%swap3A_678, %swap3A_679] {strides = array<i32>} : memref<16x112xf32, #tpu.memory_space<vmem>>, vector<16xf32>,
    tpu.vector_store %arg16[%swap3A_678, %swap3A_679], %broadcast_in_dim3A_3 {strides = array<i32>} : memref<16x112xf32, #tpu.memory_space<vmem>>, vector<16xf32>,
    %swap3A_681 = arith.constant 6 : i32
    %swap3A_682 = arith.index_cast %swap3A_681 : i32 to index
    %swap3A_683 = arith.constant 32 : index
    %swap3A_684 = tpu.vector_load %arg17[%swap3A_682, %swap3A_683] {strides = array<i32>} : memref<16x112xf32, #tpu.memory_space<vmem>>, vector<16xf32>,
    tpu.vector_store %arg17[%swap3A_682, %swap3A_683], %broadcast_in_dim3A_3 {strides = array<i32>} : memref<16x112xf32, #tpu.memory_space<vmem>>, vector<16xf32>,
    %swap3A_685 = arith.constant 6 : i32
    %swap3A_686 = arith.index_cast %swap3A_685 : i32 to index
    %swap3A_687 = arith.constant 32 : index
    %swap3A_688 = tpu.vector_load %arg18[%swap3A_686, %swap3A_687] {strides = array<i32>} : memref<16x112xf32, #tpu.memory_space<vmem>>, vector<16xf32>,
    tpu.vector_store %arg18[%swap3A_686, %swap3A_687], %broadcast_in_dim3A_3 {strides = array<i32>} : memref<16x112xf32, #tpu.memory_space<vmem>>, vector<16xf32>,
    %swap3A_689 = arith.constant 6 : i32
    %swap3A_690 = arith.index_cast %swap3A_689 : i32 to index
    %swap3A_691 = arith.constant 48 : index
    %swap3A_692 = tpu.vector_load %arg16[%swap3A_690, %swap3A_691] {strides = array<i32>} : memref<16x112xf32, #tpu.memory_space<vmem>>, vector<16xf32>,
    tpu.vector_store %arg16[%swap3A_690, %swap3A_691], %broadcast_in_dim3A_3 {strides = array<i32>} : memref<16x112xf32, #tpu.memory_space<vmem>>, vector<16xf32>,
    %swap3A_693 = arith.constant 6 : i32
    %swap3A_694 = arith.index_cast %swap3A_693 : i32 to index
    %swap3A_695 = arith.constant 48 : index
    %swap3A_696 = tpu.vector_load %arg17[%swap3A_694, %swap3A_695] {strides = array<i32>} : memref<16x112xf32, #tpu.memory_space<vmem>>, vector<16xf32>,
    tpu.vector_store %arg17[%swap3A_694, %swap3A_695], %broadcast_in_dim3A_3 {strides = array<i32>} : memref<16x112xf32, #tpu.memory_space<vmem>>, vector<16xf32>,
    %swap3A_697 = arith.constant 6 : i32
    %swap3A_698 = arith.index_cast %swap3A_697 : i32 to index
    %swap3A_699 = arith.constant 48 : index
    %swap3A_700 = tpu.vector_load %arg18[%swap3A_698, %swap3A_699] {strides = array<i32>} : memref<16x112xf32, #tpu.memory_space<vmem>>, vector<16xf32>,
    tpu.vector_store %arg18[%swap3A_698, %swap3A_699], %broadcast_in_dim3A_3 {strides = array<i32>} : memref<16x112xf32, #tpu.memory_space<vmem>>, vector<16xf32>,
    %swap3A_701 = arith.constant 6 : i32
    %swap3A_702 = arith.index_cast %swap3A_701 : i32 to index
    %swap3A_703 = arith.constant 64 : index
    %swap3A_704 = tpu.vector_load %arg16[%swap3A_702, %swap3A_703] {strides = array<i32>} : memref<16x112xf32, #tpu.memory_space<vmem>>, vector<16xf32>,
    tpu.vector_store %arg16[%swap3A_702, %swap3A_703], %broadcast_in_dim3A_3 {strides = array<i32>} : memref<16x112xf32, #tpu.memory_space<vmem>>, vector<16xf32>,
    %swap3A_705 = arith.constant 6 : i32
    %swap3A_706 = arith.index_cast %swap3A_705 : i32 to index
    %swap3A_707 = arith.constant 64 : index
    %swap3A_708 = tpu.vector_load %arg17[%swap3A_706, %swap3A_707] {strides = array<i32>} : memref<16x112xf32, #tpu.memory_space<vmem>>, vector<16xf32>,
    tpu.vector_store %arg17[%swap3A_706, %swap3A_707], %broadcast_in_dim3A_3 {strides = array<i32>} : memref<16x112xf32, #tpu.memory_space<vmem>>, vector<16xf32>,
    %swap3A_709 = arith.constant 6 : i32
    %swap3A_710 = arith.index_cast %swap3A_709 : i32 to index
    %swap3A_711 = arith.constant 64 : index
    %swap3A_712 = tpu.vector_load %arg18[%swap3A_710, %swap3A_711] {strides = array<i32>} : memref<16x112xf32, #tpu.memory_space<vmem>>, vector<16xf32>,
    tpu.vector_store %arg18[%swap3A_710, %swap3A_711], %broadcast_in_dim3A_3 {strides = array<i32>} : memref<16x112xf32, #tpu.memory_space<vmem>>, vector<16xf32>,
    %swap3A_713 = arith.constant 6 : i32
    %swap3A_714 = arith.index_cast %swap3A_713 : i32 to index
    %swap3A_715 = arith.constant 80 : index
    %swap3A_716 = tpu.vector_load %arg16[%swap3A_714, %swap3A_715] {strides = array<i32>} : memref<16x112xf32, #tpu.memory_space<vmem>>, vector<16xf32>,
    tpu.vector_store %arg16[%swap3A_714, %swap3A_715], %broadcast_in_dim3A_3 {strides = array<i32>} : memref<16x112xf32, #tpu.memory_space<vmem>>, vector<16xf32>,
    %swap3A_717 = arith.constant 6 : i32
    %swap3A_718 = arith.index_cast %swap3A_717 : i32 to index
    %swap3A_719 = arith.constant 80 : index
    %swap3A_720 = tpu.vector_load %arg17[%swap3A_718, %swap3A_719] {strides = array<i32>} : memref<16x112xf32, #tpu.memory_space<vmem>>, vector<16xf32>,
    tpu.vector_store %arg17[%swap3A_718, %swap3A_719], %broadcast_in_dim3A_3 {strides = array<i32>} : memref<16x112xf32, #tpu.memory_space<vmem>>, vector<16xf32>,
    %swap3A_721 = arith.constant 6 : i32
    %swap3A_722 = arith.index_cast %swap3A_721 : i32 to index
    %swap3A_723 = arith.constant 80 : index
    %swap3A_724 = tpu.vector_load %arg18[%swap3A_722, %swap3A_723] {strides = array<i32>} : memref<16x112xf32, #tpu.memory_space<vmem>>, vector<16xf32>,
    tpu.vector_store %arg18[%swap3A_722, %swap3A_723], %broadcast_in_dim3A_3 {strides = array<i32>} : memref<16x112xf32, #tpu.memory_space<vmem>>, vector<16xf32>,
    %swap3A_725 = arith.constant 6 : i32
    %swap3A_726 = arith.index_cast %swap3A_725 : i32 to index
    %swap3A_727 = arith.constant 96 : index
    %swap3A_728 = tpu.vector_load %arg16[%swap3A_726, %swap3A_727] {strides = array<i32>} : memref<16x112xf32, #tpu.memory_space<vmem>>, vector<16xf32>,
    tpu.vector_store %arg16[%swap3A_726, %swap3A_727], %broadcast_in_dim3A_3 {strides = array<i32>} : memref<16x112xf32, #tpu.memory_space<vmem>>, vector<16xf32>,
    %swap3A_729 = arith.constant 6 : i32
    %swap3A_730 = arith.index_cast %swap3A_729 : i32 to index
    %swap3A_731 = arith.constant 96 : index
    %swap3A_732 = tpu.vector_load %arg17[%swap3A_730, %swap3A_731] {strides = array<i32>} : memref<16x112xf32, #tpu.memory_space<vmem>>, vector<16xf32>,
    tpu.vector_store %arg17[%swap3A_730, %swap3A_731], %broadcast_in_dim3A_3 {strides = array<i32>} : memref<16x112xf32, #tpu.memory_space<vmem>>, vector<16xf32>,
    %swap3A_733 = arith.constant 6 : i32
    %swap3A_734 = arith.index_cast %swap3A_733 : i32 to index
    %swap3A_735 = arith.constant 96 : index
    %swap3A_736 = tpu.vector_load %arg18[%swap3A_734, %swap3A_735] {strides = array<i32>} : memref<16x112xf32, #tpu.memory_space<vmem>>, vector<16xf32>,
    tpu.vector_store %arg18[%swap3A_734, %swap3A_735], %broadcast_in_dim3A_3 {strides = array<i32>} : memref<16x112xf32, #tpu.memory_space<vmem>>, vector<16xf32>,
    %swap3A_737 = arith.constant 6 : i32
    %swap3A_738 = arith.index_cast %swap3A_737 : i32 to index
    %swap3A_739 = arith.constant 0 : index
    %swap3A_740 = tpu.vector_load %arg19[%swap3A_738, %swap3A_739] {strides = array<i32>} : memref<16x32xf32, #tpu.memory_space<vmem>>, vector<16xf32>,
    tpu.vector_store %arg19[%swap3A_738, %swap3A_739], %broadcast_in_dim3A_3 {strides = array<i32>} : memref<16x32xf32, #tpu.memory_space<vmem>>, vector<16xf32>,
    %swap3A_741 = arith.constant 6 : i32
    %swap3A_742 = arith.index_cast %swap3A_741 : i32 to index
    %swap3A_743 = arith.constant 0 : index
    %swap3A_744 = tpu.vector_load %arg20[%swap3A_742, %swap3A_743] {strides = array<i32>} : memref<16x32xf32, #tpu.memory_space<vmem>>, vector<16xf32>,
    tpu.vector_store %arg20[%swap3A_742, %swap3A_743], %broadcast_in_dim3A_3 {strides = array<i32>} : memref<16x32xf32, #tpu.memory_space<vmem>>, vector<16xf32>,
    %swap3A_745 = arith.constant 6 : i32
    %swap3A_746 = arith.index_cast %swap3A_745 : i32 to index
    %swap3A_747 = arith.constant 0 : index
    %swap3A_748 = tpu.vector_load %arg21[%swap3A_746, %swap3A_747] {strides = array<i32>} : memref<16x32xf32, #tpu.memory_space<vmem>>, vector<16xf32>,
    tpu.vector_store %arg21[%swap3A_746, %swap3A_747], %broadcast_in_dim3A_3 {strides = array<i32>} : memref<16x32xf32, #tpu.memory_space<vmem>>, vector<16xf32>,
    %swap3A_749 = arith.constant 6 : i32
    %swap3A_750 = arith.index_cast %swap3A_749 : i32 to index
    %swap3A_751 = arith.constant 16 : index
    %swap3A_752 = tpu.vector_load %arg19[%swap3A_750, %swap3A_751] {strides = array<i32>} : memref<16x32xf32, #tpu.memory_space<vmem>>, vector<16xf32>,
    tpu.vector_store %arg19[%swap3A_750, %swap3A_751], %broadcast_in_dim3A_3 {strides = array<i32>} : memref<16x32xf32, #tpu.memory_space<vmem>>, vector<16xf32>,
    %swap3A_753 = arith.constant 6 : i32
    %swap3A_754 = arith.index_cast %swap3A_753 : i32 to index
    %swap3A_755 = arith.constant 16 : index
    %swap3A_756 = tpu.vector_load %arg20[%swap3A_754, %swap3A_755] {strides = array<i32>} : memref<16x32xf32, #tpu.memory_space<vmem>>, vector<16xf32>,
    tpu.vector_store %arg20[%swap3A_754, %swap3A_755], %broadcast_in_dim3A_3 {strides = array<i32>} : memref<16x32xf32, #tpu.memory_space<vmem>>, vector<16xf32>,
    %swap3A_757 = arith.constant 6 : i32
    %swap3A_758 = arith.index_cast %swap3A_757 : i32 to index
    %swap3A_759 = arith.constant 16 : index
    %swap3A_760 = tpu.vector_load %arg21[%swap3A_758, %swap3A_759] {strides = array<i32>} : memref<16x32xf32, #tpu.memory_space<vmem>>, vector<16xf32>,
    tpu.vector_store %arg21[%swap3A_758, %swap3A_759], %broadcast_in_dim3A_3 {strides = array<i32>} : memref<16x32xf32, #tpu.memory_space<vmem>>, vector<16xf32>,
    %swap3A_761 = arith.constant 7 : i32
    %swap3A_762 = arith.index_cast %swap3A_761 : i32 to index
    %swap3A_763 = arith.constant 0 : index
    %swap3A_764 = tpu.vector_load %arg16[%swap3A_762, %swap3A_763] {strides = array<i32>} : memref<16x112xf32, #tpu.memory_space<vmem>>, vector<16xf32>,
    tpu.vector_store %arg16[%swap3A_762, %swap3A_763], %broadcast_in_dim3A_3 {strides = array<i32>} : memref<16x112xf32, #tpu.memory_space<vmem>>, vector<16xf32>,
    %swap3A_765 = arith.constant 7 : i32
    %swap3A_766 = arith.index_cast %swap3A_765 : i32 to index
    %swap3A_767 = arith.constant 0 : index
    %swap3A_768 = tpu.vector_load %arg17[%swap3A_766, %swap3A_767] {strides = array<i32>} : memref<16x112xf32, #tpu.memory_space<vmem>>, vector<16xf32>,
    tpu.vector_store %arg17[%swap3A_766, %swap3A_767], %broadcast_in_dim3A_3 {strides = array<i32>} : memref<16x112xf32, #tpu.memory_space<vmem>>, vector<16xf32>,
    %swap3A_769 = arith.constant 7 : i32
    %swap3A_770 = arith.index_cast %swap3A_769 : i32 to index
    %swap3A_771 = arith.constant 0 : index
    %swap3A_772 = tpu.vector_load %arg18[%swap3A_770, %swap3A_771] {strides = array<i32>} : memref<16x112xf32, #tpu.memory_space<vmem>>, vector<16xf32>,
    tpu.vector_store %arg18[%swap3A_770, %swap3A_771], %broadcast_in_dim3A_3 {strides = array<i32>} : memref<16x112xf32, #tpu.memory_space<vmem>>, vector<16xf32>,
    %swap3A_773 = arith.constant 7 : i32
    %swap3A_774 = arith.index_cast %swap3A_773 : i32 to index
    %swap3A_775 = arith.constant 16 : index
    %swap3A_776 = tpu.vector_load %arg16[%swap3A_774, %swap3A_775] {strides = array<i32>} : memref<16x112xf32, #tpu.memory_space<vmem>>, vector<16xf32>,
    tpu.vector_store %arg16[%swap3A_774, %swap3A_775], %broadcast_in_dim3A_3 {strides = array<i32>} : memref<16x112xf32, #tpu.memory_space<vmem>>, vector<16xf32>,
    %swap3A_777 = arith.constant 7 : i32
    %swap3A_778 = arith.index_cast %swap3A_777 : i32 to index
    %swap3A_779 = arith.constant 16 : index
    %swap3A_780 = tpu.vector_load %arg17[%swap3A_778, %swap3A_779] {strides = array<i32>} : memref<16x112xf32, #tpu.memory_space<vmem>>, vector<16xf32>,
    tpu.vector_store %arg17[%swap3A_778, %swap3A_779], %broadcast_in_dim3A_3 {strides = array<i32>} : memref<16x112xf32, #tpu.memory_space<vmem>>, vector<16xf32>,
    %swap3A_781 = arith.constant 7 : i32
    %swap3A_782 = arith.index_cast %swap3A_781 : i32 to index
    %swap3A_783 = arith.constant 16 : index
    %swap3A_784 = tpu.vector_load %arg18[%swap3A_782, %swap3A_783] {strides = array<i32>} : memref<16x112xf32, #tpu.memory_space<vmem>>, vector<16xf32>,
    tpu.vector_store %arg18[%swap3A_782, %swap3A_783], %broadcast_in_dim3A_3 {strides = array<i32>} : memref<16x112xf32, #tpu.memory_space<vmem>>, vector<16xf32>,
    %swap3A_785 = arith.constant 7 : i32
    %swap3A_786 = arith.index_cast %swap3A_785 : i32 to index
    %swap3A_787 = arith.constant 32 : index
    %swap3A_788 = tpu.vector_load %arg16[%swap3A_786, %swap3A_787] {strides = array<i32>} : memref<16x112xf32, #tpu.memory_space<vmem>>, vector<16xf32>,
    tpu.vector_store %arg16[%swap3A_786, %swap3A_787], %broadcast_in_dim3A_3 {strides = array<i32>} : memref<16x112xf32, #tpu.memory_space<vmem>>, vector<16xf32>,
    %swap3A_789 = arith.constant 7 : i32
    %swap3A_790 = arith.index_cast %swap3A_789 : i32 to index
    %swap3A_791 = arith.constant 32 : index
    %swap3A_792 = tpu.vector_load %arg17[%swap3A_790, %swap3A_791] {strides = array<i32>} : memref<16x112xf32, #tpu.memory_space<vmem>>, vector<16xf32>,
    tpu.vector_store %arg17[%swap3A_790, %swap3A_791], %broadcast_in_dim3A_3 {strides = array<i32>} : memref<16x112xf32, #tpu.memory_space<vmem>>, vector<16xf32>,
    %swap3A_793 = arith.constant 7 : i32
    %swap3A_794 = arith.index_cast %swap3A_793 : i32 to index
    %swap3A_795 = arith.constant 32 : index
    %swap3A_796 = tpu.vector_load %arg18[%swap3A_794, %swap3A_795] {strides = array<i32>} : memref<16x112xf32, #tpu.memory_space<vmem>>, vector<16xf32>,
    tpu.vector_store %arg18[%swap3A_794, %swap3A_795], %broadcast_in_dim3A_3 {strides = array<i32>} : memref<16x112xf32, #tpu.memory_space<vmem>>, vector<16xf32>,
    %swap3A_797 = arith.constant 7 : i32
    %swap3A_798 = arith.index_cast %swap3A_797 : i32 to index
    %swap3A_799 = arith.constant 48 : index
    %swap3A_800 = tpu.vector_load %arg16[%swap3A_798, %swap3A_799] {strides = array<i32>} : memref<16x112xf32, #tpu.memory_space<vmem>>, vector<16xf32>,
    tpu.vector_store %arg16[%swap3A_798, %swap3A_799], %broadcast_in_dim3A_3 {strides = array<i32>} : memref<16x112xf32, #tpu.memory_space<vmem>>, vector<16xf32>,
    %swap3A_801 = arith.constant 7 : i32
    %swap3A_802 = arith.index_cast %swap3A_801 : i32 to index
    %swap3A_803 = arith.constant 48 : index
    %swap3A_804 = tpu.vector_load %arg17[%swap3A_802, %swap3A_803] {strides = array<i32>} : memref<16x112xf32, #tpu.memory_space<vmem>>, vector<16xf32>,
    tpu.vector_store %arg17[%swap3A_802, %swap3A_803], %broadcast_in_dim3A_3 {strides = array<i32>} : memref<16x112xf32, #tpu.memory_space<vmem>>, vector<16xf32>,
    %swap3A_805 = arith.constant 7 : i32
    %swap3A_806 = arith.index_cast %swap3A_805 : i32 to index
    %swap3A_807 = arith.constant 48 : index
    %swap3A_808 = tpu.vector_load %arg18[%swap3A_806, %swap3A_807] {strides = array<i32>} : memref<16x112xf32, #tpu.memory_space<vmem>>, vector<16xf32>,
    tpu.vector_store %arg18[%swap3A_806, %swap3A_807], %broadcast_in_dim3A_3 {strides = array<i32>} : memref<16x112xf32, #tpu.memory_space<vmem>>, vector<16xf32>,
    %swap3A_809 = arith.constant 7 : i32
    %swap3A_810 = arith.index_cast %swap3A_809 : i32 to index
    %swap3A_811 = arith.constant 64 : index
    %swap3A_812 = tpu.vector_load %arg16[%swap3A_810, %swap3A_811] {strides = array<i32>} : memref<16x112xf32, #tpu.memory_space<vmem>>, vector<16xf32>,
    tpu.vector_store %arg16[%swap3A_810, %swap3A_811], %broadcast_in_dim3A_3 {strides = array<i32>} : memref<16x112xf32, #tpu.memory_space<vmem>>, vector<16xf32>,
    %swap3A_813 = arith.constant 7 : i32
    %swap3A_814 = arith.index_cast %swap3A_813 : i32 to index
    %swap3A_815 = arith.constant 64 : index
    %swap3A_816 = tpu.vector_load %arg17[%swap3A_814, %swap3A_815] {strides = array<i32>} : memref<16x112xf32, #tpu.memory_space<vmem>>, vector<16xf32>,
    tpu.vector_store %arg17[%swap3A_814, %swap3A_815], %broadcast_in_dim3A_3 {strides = array<i32>} : memref<16x112xf32, #tpu.memory_space<vmem>>, vector<16xf32>,
    %swap3A_817 = arith.constant 7 : i32
    %swap3A_818 = arith.index_cast %swap3A_817 : i32 to index
    %swap3A_819 = arith.constant 64 : index
    %swap3A_820 = tpu.vector_load %arg18[%swap3A_818, %swap3A_819] {strides = array<i32>} : memref<16x112xf32, #tpu.memory_space<vmem>>, vector<16xf32>,
    tpu.vector_store %arg18[%swap3A_818, %swap3A_819], %broadcast_in_dim3A_3 {strides = array<i32>} : memref<16x112xf32, #tpu.memory_space<vmem>>, vector<16xf32>,
    %swap3A_821 = arith.constant 7 : i32
    %swap3A_822 = arith.index_cast %swap3A_821 : i32 to index
    %swap3A_823 = arith.constant 80 : index
    %swap3A_824 = tpu.vector_load %arg16[%swap3A_822, %swap3A_823] {strides = array<i32>} : memref<16x112xf32, #tpu.memory_space<vmem>>, vector<16xf32>,
    tpu.vector_store %arg16[%swap3A_822, %swap3A_823], %broadcast_in_dim3A_3 {strides = array<i32>} : memref<16x112xf32, #tpu.memory_space<vmem>>, vector<16xf32>,
    %swap3A_825 = arith.constant 7 : i32
    %swap3A_826 = arith.index_cast %swap3A_825 : i32 to index
    %swap3A_827 = arith.constant 80 : index
    %swap3A_828 = tpu.vector_load %arg17[%swap3A_826, %swap3A_827] {strides = array<i32>} : memref<16x112xf32, #tpu.memory_space<vmem>>, vector<16xf32>,
    tpu.vector_store %arg17[%swap3A_826, %swap3A_827], %broadcast_in_dim3A_3 {strides = array<i32>} : memref<16x112xf32, #tpu.memory_space<vmem>>, vector<16xf32>,
    %swap3A_829 = arith.constant 7 : i32
    %swap3A_830 = arith.index_cast %swap3A_829 : i32 to index
    %swap3A_831 = arith.constant 80 : index
    %swap3A_832 = tpu.vector_load %arg18[%swap3A_830, %swap3A_831] {strides = array<i32>} : memref<16x112xf32, #tpu.memory_space<vmem>>, vector<16xf32>,
    tpu.vector_store %arg18[%swap3A_830, %swap3A_831], %broadcast_in_dim3A_3 {strides = array<i32>} : memref<16x112xf32, #tpu.memory_space<vmem>>, vector<16xf32>,
    %swap3A_833 = arith.constant 7 : i32
    %swap3A_834 = arith.index_cast %swap3A_833 : i32 to index
    %swap3A_835 = arith.constant 96 : index
    %swap3A_836 = tpu.vector_load %arg16[%swap3A_834, %swap3A_835] {strides = array<i32>} : memref<16x112xf32, #tpu.memory_space<vmem>>, vector<16xf32>,
    tpu.vector_store %arg16[%swap3A_834, %swap3A_835], %broadcast_in_dim3A_3 {strides = array<i32>} : memref<16x112xf32, #tpu.memory_space<vmem>>, vector<16xf32>,
    %swap3A_837 = arith.constant 7 : i32
    %swap3A_838 = arith.index_cast %swap3A_837 : i32 to index
    %swap3A_839 = arith.constant 96 : index
    %swap3A_840 = tpu.vector_load %arg17[%swap3A_838, %swap3A_839] {strides = array<i32>} : memref<16x112xf32, #tpu.memory_space<vmem>>, vector<16xf32>,
    tpu.vector_store %arg17[%swap3A_838, %swap3A_839], %broadcast_in_dim3A_3 {strides = array<i32>} : memref<16x112xf32, #tpu.memory_space<vmem>>, vector<16xf32>,
    %swap3A_841 = arith.constant 7 : i32
    %swap3A_842 = arith.index_cast %swap3A_841 : i32 to index
    %swap3A_843 = arith.constant 96 : index
    %swap3A_844 = tpu.vector_load %arg18[%swap3A_842, %swap3A_843] {strides = array<i32>} : memref<16x112xf32, #tpu.memory_space<vmem>>, vector<16xf32>,
    tpu.vector_store %arg18[%swap3A_842, %swap3A_843], %broadcast_in_dim3A_3 {strides = array<i32>} : memref<16x112xf32, #tpu.memory_space<vmem>>, vector<16xf32>,
    %swap3A_845 = arith.constant 7 : i32
    %swap3A_846 = arith.index_cast %swap3A_845 : i32 to index
    %swap3A_847 = arith.constant 0 : index
    %swap3A_848 = tpu.vector_load %arg19[%swap3A_846, %swap3A_847] {strides = array<i32>} : memref<16x32xf32, #tpu.memory_space<vmem>>, vector<16xf32>,
    tpu.vector_store %arg19[%swap3A_846, %swap3A_847], %broadcast_in_dim3A_3 {strides = array<i32>} : memref<16x32xf32, #tpu.memory_space<vmem>>, vector<16xf32>,
    %swap3A_849 = arith.constant 7 : i32
    %swap3A_850 = arith.index_cast %swap3A_849 : i32 to index
    %swap3A_851 = arith.constant 0 : index
    %swap3A_852 = tpu.vector_load %arg20[%swap3A_850, %swap3A_851] {strides = array<i32>} : memref<16x32xf32, #tpu.memory_space<vmem>>, vector<16xf32>,
    tpu.vector_store %arg20[%swap3A_850, %swap3A_851], %broadcast_in_dim3A_3 {strides = array<i32>} : memref<16x32xf32, #tpu.memory_space<vmem>>, vector<16xf32>,
    %swap3A_853 = arith.constant 7 : i32
    %swap3A_854 = arith.index_cast %swap3A_853 : i32 to index
    %swap3A_855 = arith.constant 0 : index
    %swap3A_856 = tpu.vector_load %arg21[%swap3A_854, %swap3A_855] {strides = array<i32>} : memref<16x32xf32, #tpu.memory_space<vmem>>, vector<16xf32>,
    tpu.vector_store %arg21[%swap3A_854, %swap3A_855], %broadcast_in_dim3A_3 {strides = array<i32>} : memref<16x32xf32, #tpu.memory_space<vmem>>, vector<16xf32>,
    %swap3A_857 = arith.constant 7 : i32
    %swap3A_858 = arith.index_cast %swap3A_857 : i32 to index
    %swap3A_859 = arith.constant 16 : index
    %swap3A_860 = tpu.vector_load %arg19[%swap3A_858, %swap3A_859] {strides = array<i32>} : memref<16x32xf32, #tpu.memory_space<vmem>>, vector<16xf32>,
    tpu.vector_store %arg19[%swap3A_858, %swap3A_859], %broadcast_in_dim3A_3 {strides = array<i32>} : memref<16x32xf32, #tpu.memory_space<vmem>>, vector<16xf32>,
    %swap3A_861 = arith.constant 7 : i32
    %swap3A_862 = arith.index_cast %swap3A_861 : i32 to index
    %swap3A_863 = arith.constant 16 : index
    %swap3A_864 = tpu.vector_load %arg20[%swap3A_862, %swap3A_863] {strides = array<i32>} : memref<16x32xf32, #tpu.memory_space<vmem>>, vector<16xf32>,
    tpu.vector_store %arg20[%swap3A_862, %swap3A_863], %broadcast_in_dim3A_3 {strides = array<i32>} : memref<16x32xf32, #tpu.memory_space<vmem>>, vector<16xf32>,
    %swap3A_865 = arith.constant 7 : i32
    %swap3A_866 = arith.index_cast %swap3A_865 : i32 to index
    %swap3A_867 = arith.constant 16 : index
    %swap3A_868 = tpu.vector_load %arg21[%swap3A_866, %swap3A_867] {strides = array<i32>} : memref<16x32xf32, #tpu.memory_space<vmem>>, vector<16xf32>,
    tpu.vector_store %arg21[%swap3A_866, %swap3A_867], %broadcast_in_dim3A_3 {strides = array<i32>} : memref<16x32xf32, #tpu.memory_space<vmem>>, vector<16xf32>,
    %swap3A_869 = arith.constant 8 : i32
    %swap3A_870 = arith.index_cast %swap3A_869 : i32 to index
    %swap3A_871 = arith.constant 0 : index
    %swap3A_872 = tpu.vector_load %arg16[%swap3A_870, %swap3A_871] {strides = array<i32>} : memref<16x112xf32, #tpu.memory_space<vmem>>, vector<16xf32>,
    tpu.vector_store %arg16[%swap3A_870, %swap3A_871], %broadcast_in_dim3A_3 {strides = array<i32>} : memref<16x112xf32, #tpu.memory_space<vmem>>, vector<16xf32>,
    %swap3A_873 = arith.constant 8 : i32
    %swap3A_874 = arith.index_cast %swap3A_873 : i32 to index
    %swap3A_875 = arith.constant 0 : index
    %swap3A_876 = tpu.vector_load %arg17[%swap3A_874, %swap3A_875] {strides = array<i32>} : memref<16x112xf32, #tpu.memory_space<vmem>>, vector<16xf32>,
    tpu.vector_store %arg17[%swap3A_874, %swap3A_875], %broadcast_in_dim3A_3 {strides = array<i32>} : memref<16x112xf32, #tpu.memory_space<vmem>>, vector<16xf32>,
    %swap3A_877 = arith.constant 8 : i32
    %swap3A_878 = arith.index_cast %swap3A_877 : i32 to index
    %swap3A_879 = arith.constant 0 : index
    %swap3A_880 = tpu.vector_load %arg18[%swap3A_878, %swap3A_879] {strides = array<i32>} : memref<16x112xf32, #tpu.memory_space<vmem>>, vector<16xf32>,
    tpu.vector_store %arg18[%swap3A_878, %swap3A_879], %broadcast_in_dim3A_3 {strides = array<i32>} : memref<16x112xf32, #tpu.memory_space<vmem>>, vector<16xf32>,
    %swap3A_881 = arith.constant 8 : i32
    %swap3A_882 = arith.index_cast %swap3A_881 : i32 to index
    %swap3A_883 = arith.constant 16 : index
    %swap3A_884 = tpu.vector_load %arg16[%swap3A_882, %swap3A_883] {strides = array<i32>} : memref<16x112xf32, #tpu.memory_space<vmem>>, vector<16xf32>,
    tpu.vector_store %arg16[%swap3A_882, %swap3A_883], %broadcast_in_dim3A_3 {strides = array<i32>} : memref<16x112xf32, #tpu.memory_space<vmem>>, vector<16xf32>,
    %swap3A_885 = arith.constant 8 : i32
    %swap3A_886 = arith.index_cast %swap3A_885 : i32 to index
    %swap3A_887 = arith.constant 16 : index
    %swap3A_888 = tpu.vector_load %arg17[%swap3A_886, %swap3A_887] {strides = array<i32>} : memref<16x112xf32, #tpu.memory_space<vmem>>, vector<16xf32>,
    tpu.vector_store %arg17[%swap3A_886, %swap3A_887], %broadcast_in_dim3A_3 {strides = array<i32>} : memref<16x112xf32, #tpu.memory_space<vmem>>, vector<16xf32>,
    %swap3A_889 = arith.constant 8 : i32
    %swap3A_890 = arith.index_cast %swap3A_889 : i32 to index
    %swap3A_891 = arith.constant 16 : index
    %swap3A_892 = tpu.vector_load %arg18[%swap3A_890, %swap3A_891] {strides = array<i32>} : memref<16x112xf32, #tpu.memory_space<vmem>>, vector<16xf32>,
    tpu.vector_store %arg18[%swap3A_890, %swap3A_891], %broadcast_in_dim3A_3 {strides = array<i32>} : memref<16x112xf32, #tpu.memory_space<vmem>>, vector<16xf32>,
    %swap3A_893 = arith.constant 8 : i32
    %swap3A_894 = arith.index_cast %swap3A_893 : i32 to index
    %swap3A_895 = arith.constant 32 : index
    %swap3A_896 = tpu.vector_load %arg16[%swap3A_894, %swap3A_895] {strides = array<i32>} : memref<16x112xf32, #tpu.memory_space<vmem>>, vector<16xf32>,
    tpu.vector_store %arg16[%swap3A_894, %swap3A_895], %broadcast_in_dim3A_3 {strides = array<i32>} : memref<16x112xf32, #tpu.memory_space<vmem>>, vector<16xf32>,
    %swap3A_897 = arith.constant 8 : i32
    %swap3A_898 = arith.index_cast %swap3A_897 : i32 to index
    %swap3A_899 = arith.constant 32 : index
    %swap3A_900 = tpu.vector_load %arg17[%swap3A_898, %swap3A_899] {strides = array<i32>} : memref<16x112xf32, #tpu.memory_space<vmem>>, vector<16xf32>,
    tpu.vector_store %arg17[%swap3A_898, %swap3A_899], %broadcast_in_dim3A_3 {strides = array<i32>} : memref<16x112xf32, #tpu.memory_space<vmem>>, vector<16xf32>,
    %swap3A_901 = arith.constant 8 : i32
    %swap3A_902 = arith.index_cast %swap3A_901 : i32 to index
    %swap3A_903 = arith.constant 32 : index
    %swap3A_904 = tpu.vector_load %arg18[%swap3A_902, %swap3A_903] {strides = array<i32>} : memref<16x112xf32, #tpu.memory_space<vmem>>, vector<16xf32>,
    tpu.vector_store %arg18[%swap3A_902, %swap3A_903], %broadcast_in_dim3A_3 {strides = array<i32>} : memref<16x112xf32, #tpu.memory_space<vmem>>, vector<16xf32>,
    %swap3A_905 = arith.constant 8 : i32
    %swap3A_906 = arith.index_cast %swap3A_905 : i32 to index
    %swap3A_907 = arith.constant 48 : index
    %swap3A_908 = tpu.vector_load %arg16[%swap3A_906, %swap3A_907] {strides = array<i32>} : memref<16x112xf32, #tpu.memory_space<vmem>>, vector<16xf32>,
    tpu.vector_store %arg16[%swap3A_906, %swap3A_907], %broadcast_in_dim3A_3 {strides = array<i32>} : memref<16x112xf32, #tpu.memory_space<vmem>>, vector<16xf32>,
    %swap3A_909 = arith.constant 8 : i32
    %swap3A_910 = arith.index_cast %swap3A_909 : i32 to index
    %swap3A_911 = arith.constant 48 : index
    %swap3A_912 = tpu.vector_load %arg17[%swap3A_910, %swap3A_911] {strides = array<i32>} : memref<16x112xf32, #tpu.memory_space<vmem>>, vector<16xf32>,
    tpu.vector_store %arg17[%swap3A_910, %swap3A_911], %broadcast_in_dim3A_3 {strides = array<i32>} : memref<16x112xf32, #tpu.memory_space<vmem>>, vector<16xf32>,
    %swap3A_913 = arith.constant 8 : i32
    %swap3A_914 = arith.index_cast %swap3A_913 : i32 to index
    %swap3A_915 = arith.constant 48 : index
    %swap3A_916 = tpu.vector_load %arg18[%swap3A_914, %swap3A_915] {strides = array<i32>} : memref<16x112xf32, #tpu.memory_space<vmem>>, vector<16xf32>,
    tpu.vector_store %arg18[%swap3A_914, %swap3A_915], %broadcast_in_dim3A_3 {strides = array<i32>} : memref<16x112xf32, #tpu.memory_space<vmem>>, vector<16xf32>,
    %swap3A_917 = arith.constant 8 : i32
    %swap3A_918 = arith.index_cast %swap3A_917 : i32 to index
    %swap3A_919 = arith.constant 64 : index
    %swap3A_920 = tpu.vector_load %arg16[%swap3A_918, %swap3A_919] {strides = array<i32>} : memref<16x112xf32, #tpu.memory_space<vmem>>, vector<16xf32>,
    tpu.vector_store %arg16[%swap3A_918, %swap3A_919], %broadcast_in_dim3A_3 {strides = array<i32>} : memref<16x112xf32, #tpu.memory_space<vmem>>, vector<16xf32>,
    %swap3A_921 = arith.constant 8 : i32
    %swap3A_922 = arith.index_cast %swap3A_921 : i32 to index
    %swap3A_923 = arith.constant 64 : index
    %swap3A_924 = tpu.vector_load %arg17[%swap3A_922, %swap3A_923] {strides = array<i32>} : memref<16x112xf32, #tpu.memory_space<vmem>>, vector<16xf32>,
    tpu.vector_store %arg17[%swap3A_922, %swap3A_923], %broadcast_in_dim3A_3 {strides = array<i32>} : memref<16x112xf32, #tpu.memory_space<vmem>>, vector<16xf32>,
    %swap3A_925 = arith.constant 8 : i32
    %swap3A_926 = arith.index_cast %swap3A_925 : i32 to index
    %swap3A_927 = arith.constant 64 : index
    %swap3A_928 = tpu.vector_load %arg18[%swap3A_926, %swap3A_927] {strides = array<i32>} : memref<16x112xf32, #tpu.memory_space<vmem>>, vector<16xf32>,
    tpu.vector_store %arg18[%swap3A_926, %swap3A_927], %broadcast_in_dim3A_3 {strides = array<i32>} : memref<16x112xf32, #tpu.memory_space<vmem>>, vector<16xf32>,
    %swap3A_929 = arith.constant 8 : i32
    %swap3A_930 = arith.index_cast %swap3A_929 : i32 to index
    %swap3A_931 = arith.constant 80 : index
    %swap3A_932 = tpu.vector_load %arg16[%swap3A_930, %swap3A_931] {strides = array<i32>} : memref<16x112xf32, #tpu.memory_space<vmem>>, vector<16xf32>,
    tpu.vector_store %arg16[%swap3A_930, %swap3A_931], %broadcast_in_dim3A_3 {strides = array<i32>} : memref<16x112xf32, #tpu.memory_space<vmem>>, vector<16xf32>,
    %swap3A_933 = arith.constant 8 : i32
    %swap3A_934 = arith.index_cast %swap3A_933 : i32 to index
    %swap3A_935 = arith.constant 80 : index
    %swap3A_936 = tpu.vector_load %arg17[%swap3A_934, %swap3A_935] {strides = array<i32>} : memref<16x112xf32, #tpu.memory_space<vmem>>, vector<16xf32>,
    tpu.vector_store %arg17[%swap3A_934, %swap3A_935], %broadcast_in_dim3A_3 {strides = array<i32>} : memref<16x112xf32, #tpu.memory_space<vmem>>, vector<16xf32>,
    %swap3A_937 = arith.constant 8 : i32
    %swap3A_938 = arith.index_cast %swap3A_937 : i32 to index
    %swap3A_939 = arith.constant 80 : index
    %swap3A_940 = tpu.vector_load %arg18[%swap3A_938, %swap3A_939] {strides = array<i32>} : memref<16x112xf32, #tpu.memory_space<vmem>>, vector<16xf32>,
    tpu.vector_store %arg18[%swap3A_938, %swap3A_939], %broadcast_in_dim3A_3 {strides = array<i32>} : memref<16x112xf32, #tpu.memory_space<vmem>>, vector<16xf32>,
    %swap3A_941 = arith.constant 8 : i32
    %swap3A_942 = arith.index_cast %swap3A_941 : i32 to index
    %swap3A_943 = arith.constant 96 : index
    %swap3A_944 = tpu.vector_load %arg16[%swap3A_942, %swap3A_943] {strides = array<i32>} : memref<16x112xf32, #tpu.memory_space<vmem>>, vector<16xf32>,
    tpu.vector_store %arg16[%swap3A_942, %swap3A_943], %broadcast_in_dim3A_3 {strides = array<i32>} : memref<16x112xf32, #tpu.memory_space<vmem>>, vector<16xf32>,
    %swap3A_945 = arith.constant 8 : i32
    %swap3A_946 = arith.index_cast %swap3A_945 : i32 to index
    %swap3A_947 = arith.constant 96 : index
    %swap3A_948 = tpu.vector_load %arg17[%swap3A_946, %swap3A_947] {strides = array<i32>} : memref<16x112xf32, #tpu.memory_space<vmem>>, vector<16xf32>,
    tpu.vector_store %arg17[%swap3A_946, %swap3A_947], %broadcast_in_dim3A_3 {strides = array<i32>} : memref<16x112xf32, #tpu.memory_space<vmem>>, vector<16xf32>,
    %swap3A_949 = arith.constant 8 : i32
    %swap3A_950 = arith.index_cast %swap3A_949 : i32 to index
    %swap3A_951 = arith.constant 96 : index
    %swap3A_952 = tpu.vector_load %arg18[%swap3A_950, %swap3A_951] {strides = array<i32>} : memref<16x112xf32, #tpu.memory_space<vmem>>, vector<16xf32>,
    tpu.vector_store %arg18[%swap3A_950, %swap3A_951], %broadcast_in_dim3A_3 {strides = array<i32>} : memref<16x112xf32, #tpu.memory_space<vmem>>, vector<16xf32>,
    %swap3A_953 = arith.constant 8 : i32
    %swap3A_954 = arith.index_cast %swap3A_953 : i32 to index
    %swap3A_955 = arith.constant 0 : index
    %swap3A_956 = tpu.vector_load %arg19[%swap3A_954, %swap3A_955] {strides = array<i32>} : memref<16x32xf32, #tpu.memory_space<vmem>>, vector<16xf32>,
    tpu.vector_store %arg19[%swap3A_954, %swap3A_955], %broadcast_in_dim3A_3 {strides = array<i32>} : memref<16x32xf32, #tpu.memory_space<vmem>>, vector<16xf32>,
    %swap3A_957 = arith.constant 8 : i32
    %swap3A_958 = arith.index_cast %swap3A_957 : i32 to index
    %swap3A_959 = arith.constant 0 : index
    %swap3A_960 = tpu.vector_load %arg20[%swap3A_958, %swap3A_959] {strides = array<i32>} : memref<16x32xf32, #tpu.memory_space<vmem>>, vector<16xf32>,
    tpu.vector_store %arg20[%swap3A_958, %swap3A_959], %broadcast_in_dim3A_3 {strides = array<i32>} : memref<16x32xf32, #tpu.memory_space<vmem>>, vector<16xf32>,
    %swap3A_961 = arith.constant 8 : i32
    %swap3A_962 = arith.index_cast %swap3A_961 : i32 to index
    %swap3A_963 = arith.constant 0 : index
    %swap3A_964 = tpu.vector_load %arg21[%swap3A_962, %swap3A_963] {strides = array<i32>} : memref<16x32xf32, #tpu.memory_space<vmem>>, vector<16xf32>,
    tpu.vector_store %arg21[%swap3A_962, %swap3A_963], %broadcast_in_dim3A_3 {strides = array<i32>} : memref<16x32xf32, #tpu.memory_space<vmem>>, vector<16xf32>,
    %swap3A_965 = arith.constant 8 : i32
    %swap3A_966 = arith.index_cast %swap3A_965 : i32 to index
    %swap3A_967 = arith.constant 16 : index
    %swap3A_968 = tpu.vector_load %arg19[%swap3A_966, %swap3A_967] {strides = array<i32>} : memref<16x32xf32, #tpu.memory_space<vmem>>, vector<16xf32>,
    tpu.vector_store %arg19[%swap3A_966, %swap3A_967], %broadcast_in_dim3A_3 {strides = array<i32>} : memref<16x32xf32, #tpu.memory_space<vmem>>, vector<16xf32>,
    %swap3A_969 = arith.constant 8 : i32
    %swap3A_970 = arith.index_cast %swap3A_969 : i32 to index
    %swap3A_971 = arith.constant 16 : index
    %swap3A_972 = tpu.vector_load %arg20[%swap3A_970, %swap3A_971] {strides = array<i32>} : memref<16x32xf32, #tpu.memory_space<vmem>>, vector<16xf32>,
    tpu.vector_store %arg20[%swap3A_970, %swap3A_971], %broadcast_in_dim3A_3 {strides = array<i32>} : memref<16x32xf32, #tpu.memory_space<vmem>>, vector<16xf32>,
    %swap3A_973 = arith.constant 8 : i32
    %swap3A_974 = arith.index_cast %swap3A_973 : i32 to index
    %swap3A_975 = arith.constant 16 : index
    %swap3A_976 = tpu.vector_load %arg21[%swap3A_974, %swap3A_975] {strides = array<i32>} : memref<16x32xf32, #tpu.memory_space<vmem>>, vector<16xf32>,
    tpu.vector_store %arg21[%swap3A_974, %swap3A_975], %broadcast_in_dim3A_3 {strides = array<i32>} : memref<16x32xf32, #tpu.memory_space<vmem>>, vector<16xf32>,
    %swap3A_977 = arith.constant 9 : i32
    %swap3A_978 = arith.index_cast %swap3A_977 : i32 to index
    %swap3A_979 = arith.constant 0 : index
    %swap3A_980 = tpu.vector_load %arg16[%swap3A_978, %swap3A_979] {strides = array<i32>} : memref<16x112xf32, #tpu.memory_space<vmem>>, vector<16xf32>,
    tpu.vector_store %arg16[%swap3A_978, %swap3A_979], %broadcast_in_dim3A_3 {strides = array<i32>} : memref<16x112xf32, #tpu.memory_space<vmem>>, vector<16xf32>,
    %swap3A_981 = arith.constant 9 : i32
    %swap3A_982 = arith.index_cast %swap3A_981 : i32 to index
    %swap3A_983 = arith.constant 0 : index
    %swap3A_984 = tpu.vector_load %arg17[%swap3A_982, %swap3A_983] {strides = array<i32>} : memref<16x112xf32, #tpu.memory_space<vmem>>, vector<16xf32>,
    tpu.vector_store %arg17[%swap3A_982, %swap3A_983], %broadcast_in_dim3A_3 {strides = array<i32>} : memref<16x112xf32, #tpu.memory_space<vmem>>, vector<16xf32>,
    %swap3A_985 = arith.constant 9 : i32
    %swap3A_986 = arith.index_cast %swap3A_985 : i32 to index
    %swap3A_987 = arith.constant 0 : index
    %swap3A_988 = tpu.vector_load %arg18[%swap3A_986, %swap3A_987] {strides = array<i32>} : memref<16x112xf32, #tpu.memory_space<vmem>>, vector<16xf32>,
    tpu.vector_store %arg18[%swap3A_986, %swap3A_987], %broadcast_in_dim3A_3 {strides = array<i32>} : memref<16x112xf32, #tpu.memory_space<vmem>>, vector<16xf32>,
    %swap3A_989 = arith.constant 9 : i32
    %swap3A_990 = arith.index_cast %swap3A_989 : i32 to index
    %swap3A_991 = arith.constant 16 : index
    %swap3A_992 = tpu.vector_load %arg16[%swap3A_990, %swap3A_991] {strides = array<i32>} : memref<16x112xf32, #tpu.memory_space<vmem>>, vector<16xf32>,
    tpu.vector_store %arg16[%swap3A_990, %swap3A_991], %broadcast_in_dim3A_3 {strides = array<i32>} : memref<16x112xf32, #tpu.memory_space<vmem>>, vector<16xf32>,
    %swap3A_993 = arith.constant 9 : i32
    %swap3A_994 = arith.index_cast %swap3A_993 : i32 to index
    %swap3A_995 = arith.constant 16 : index
    %swap3A_996 = tpu.vector_load %arg17[%swap3A_994, %swap3A_995] {strides = array<i32>} : memref<16x112xf32, #tpu.memory_space<vmem>>, vector<16xf32>,
    tpu.vector_store %arg17[%swap3A_994, %swap3A_995], %broadcast_in_dim3A_3 {strides = array<i32>} : memref<16x112xf32, #tpu.memory_space<vmem>>, vector<16xf32>,
    %swap3A_997 = arith.constant 9 : i32
    %swap3A_998 = arith.index_cast %swap3A_997 : i32 to index
    %swap3A_999 = arith.constant 16 : index
    %swap3A_1000 = tpu.vector_load %arg18[%swap3A_998, %swap3A_999] {strides = array<i32>} : memref<16x112xf32, #tpu.memory_space<vmem>>, vector<16xf32>,
    tpu.vector_store %arg18[%swap3A_998, %swap3A_999], %broadcast_in_dim3A_3 {strides = array<i32>} : memref<16x112xf32, #tpu.memory_space<vmem>>, vector<16xf32>,
    %swap3A_1001 = arith.constant 9 : i32
    %swap3A_1002 = arith.index_cast %swap3A_1001 : i32 to index
    %swap3A_1003 = arith.constant 32 : index
    %swap3A_1004 = tpu.vector_load %arg16[%swap3A_1002, %swap3A_1003] {strides = array<i32>} : memref<16x112xf32, #tpu.memory_space<vmem>>, vector<16xf32>,
    tpu.vector_store %arg16[%swap3A_1002, %swap3A_1003], %broadcast_in_dim3A_3 {strides = array<i32>} : memref<16x112xf32, #tpu.memory_space<vmem>>, vector<16xf32>,
    %swap3A_1005 = arith.constant 9 : i32
    %swap3A_1006 = arith.index_cast %swap3A_1005 : i32 to index
    %swap3A_1007 = arith.constant 32 : index
    %swap3A_1008 = tpu.vector_load %arg17[%swap3A_1006, %swap3A_1007] {strides = array<i32>} : memref<16x112xf32, #tpu.memory_space<vmem>>, vector<16xf32>,
    tpu.vector_store %arg17[%swap3A_1006, %swap3A_1007], %broadcast_in_dim3A_3 {strides = array<i32>} : memref<16x112xf32, #tpu.memory_space<vmem>>, vector<16xf32>,
    %swap3A_1009 = arith.constant 9 : i32
    %swap3A_1010 = arith.index_cast %swap3A_1009 : i32 to index
    %swap3A_1011 = arith.constant 32 : index
    %swap3A_1012 = tpu.vector_load %arg18[%swap3A_1010, %swap3A_1011] {strides = array<i32>} : memref<16x112xf32, #tpu.memory_space<vmem>>, vector<16xf32>,
    tpu.vector_store %arg18[%swap3A_1010, %swap3A_1011], %broadcast_in_dim3A_3 {strides = array<i32>} : memref<16x112xf32, #tpu.memory_space<vmem>>, vector<16xf32>,
    %swap3A_1013 = arith.constant 9 : i32
    %swap3A_1014 = arith.index_cast %swap3A_1013 : i32 to index
    %swap3A_1015 = arith.constant 48 : index
    %swap3A_1016 = tpu.vector_load %arg16[%swap3A_1014, %swap3A_1015] {strides = array<i32>} : memref<16x112xf32, #tpu.memory_space<vmem>>, vector<16xf32>,
    tpu.vector_store %arg16[%swap3A_1014, %swap3A_1015], %broadcast_in_dim3A_3 {strides = array<i32>} : memref<16x112xf32, #tpu.memory_space<vmem>>, vector<16xf32>,
    %swap3A_1017 = arith.constant 9 : i32
    %swap3A_1018 = arith.index_cast %swap3A_1017 : i32 to index
    %swap3A_1019 = arith.constant 48 : index
    %swap3A_1020 = tpu.vector_load %arg17[%swap3A_1018, %swap3A_1019] {strides = array<i32>} : memref<16x112xf32, #tpu.memory_space<vmem>>, vector<16xf32>,
    tpu.vector_store %arg17[%swap3A_1018, %swap3A_1019], %broadcast_in_dim3A_3 {strides = array<i32>} : memref<16x112xf32, #tpu.memory_space<vmem>>, vector<16xf32>,
    %swap3A_1021 = arith.constant 9 : i32
    %swap3A_1022 = arith.index_cast %swap3A_1021 : i32 to index
    %swap3A_1023 = arith.constant 48 : index
    %swap3A_1024 = tpu.vector_load %arg18[%swap3A_1022, %swap3A_1023] {strides = array<i32>} : memref<16x112xf32, #tpu.memory_space<vmem>>, vector<16xf32>,
    tpu.vector_store %arg18[%swap3A_1022, %swap3A_1023], %broadcast_in_dim3A_3 {strides = array<i32>} : memref<16x112xf32, #tpu.memory_space<vmem>>, vector<16xf32>,
    %swap3A_1025 = arith.constant 9 : i32
    %swap3A_1026 = arith.index_cast %swap3A_1025 : i32 to index
    %swap3A_1027 = arith.constant 64 : index
    %swap3A_1028 = tpu.vector_load %arg16[%swap3A_1026, %swap3A_1027] {strides = array<i32>} : memref<16x112xf32, #tpu.memory_space<vmem>>, vector<16xf32>,
    tpu.vector_store %arg16[%swap3A_1026, %swap3A_1027], %broadcast_in_dim3A_3 {strides = array<i32>} : memref<16x112xf32, #tpu.memory_space<vmem>>, vector<16xf32>,
    %swap3A_1029 = arith.constant 9 : i32
    %swap3A_1030 = arith.index_cast %swap3A_1029 : i32 to index
    %swap3A_1031 = arith.constant 64 : index
    %swap3A_1032 = tpu.vector_load %arg17[%swap3A_1030, %swap3A_1031] {strides = array<i32>} : memref<16x112xf32, #tpu.memory_space<vmem>>, vector<16xf32>,
    tpu.vector_store %arg17[%swap3A_1030, %swap3A_1031], %broadcast_in_dim3A_3 {strides = array<i32>} : memref<16x112xf32, #tpu.memory_space<vmem>>, vector<16xf32>,
    %swap3A_1033 = arith.constant 9 : i32
    %swap3A_1034 = arith.index_cast %swap3A_1033 : i32 to index
    %swap3A_1035 = arith.constant 64 : index
    %swap3A_1036 = tpu.vector_load %arg18[%swap3A_1034, %swap3A_1035] {strides = array<i32>} : memref<16x112xf32, #tpu.memory_space<vmem>>, vector<16xf32>,
    tpu.vector_store %arg18[%swap3A_1034, %swap3A_1035], %broadcast_in_dim3A_3 {strides = array<i32>} : memref<16x112xf32, #tpu.memory_space<vmem>>, vector<16xf32>,
    %swap3A_1037 = arith.constant 9 : i32
    %swap3A_1038 = arith.index_cast %swap3A_1037 : i32 to index
    %swap3A_1039 = arith.constant 80 : index
    %swap3A_1040 = tpu.vector_load %arg16[%swap3A_1038, %swap3A_1039] {strides = array<i32>} : memref<16x112xf32, #tpu.memory_space<vmem>>, vector<16xf32>,
    tpu.vector_store %arg16[%swap3A_1038, %swap3A_1039], %broadcast_in_dim3A_3 {strides = array<i32>} : memref<16x112xf32, #tpu.memory_space<vmem>>, vector<16xf32>,
    %swap3A_1041 = arith.constant 9 : i32
    %swap3A_1042 = arith.index_cast %swap3A_1041 : i32 to index
    %swap3A_1043 = arith.constant 80 : index
    %swap3A_1044 = tpu.vector_load %arg17[%swap3A_1042, %swap3A_1043] {strides = array<i32>} : memref<16x112xf32, #tpu.memory_space<vmem>>, vector<16xf32>,
    tpu.vector_store %arg17[%swap3A_1042, %swap3A_1043], %broadcast_in_dim3A_3 {strides = array<i32>} : memref<16x112xf32, #tpu.memory_space<vmem>>, vector<16xf32>,
    %swap3A_1045 = arith.constant 9 : i32
    %swap3A_1046 = arith.index_cast %swap3A_1045 : i32 to index
    %swap3A_1047 = arith.constant 80 : index
    %swap3A_1048 = tpu.vector_load %arg18[%swap3A_1046, %swap3A_1047] {strides = array<i32>} : memref<16x112xf32, #tpu.memory_space<vmem>>, vector<16xf32>,
    tpu.vector_store %arg18[%swap3A_1046, %swap3A_1047], %broadcast_in_dim3A_3 {strides = array<i32>} : memref<16x112xf32, #tpu.memory_space<vmem>>, vector<16xf32>,
    %swap3A_1049 = arith.constant 9 : i32
    %swap3A_1050 = arith.index_cast %swap3A_1049 : i32 to index
    %swap3A_1051 = arith.constant 96 : index
    %swap3A_1052 = tpu.vector_load %arg16[%swap3A_1050, %swap3A_1051] {strides = array<i32>} : memref<16x112xf32, #tpu.memory_space<vmem>>, vector<16xf32>,
    tpu.vector_store %arg16[%swap3A_1050, %swap3A_1051], %broadcast_in_dim3A_3 {strides = array<i32>} : memref<16x112xf32, #tpu.memory_space<vmem>>, vector<16xf32>,
    %swap3A_1053 = arith.constant 9 : i32
    %swap3A_1054 = arith.index_cast %swap3A_1053 : i32 to index
    %swap3A_1055 = arith.constant 96 : index
    %swap3A_1056 = tpu.vector_load %arg17[%swap3A_1054, %swap3A_1055] {strides = array<i32>} : memref<16x112xf32, #tpu.memory_space<vmem>>, vector<16xf32>,
    tpu.vector_store %arg17[%swap3A_1054, %swap3A_1055], %broadcast_in_dim3A_3 {strides = array<i32>} : memref<16x112xf32, #tpu.memory_space<vmem>>, vector<16xf32>,
    %swap3A_1057 = arith.constant 9 : i32
    %swap3A_1058 = arith.index_cast %swap3A_1057 : i32 to index
    %swap3A_1059 = arith.constant 96 : index
    %swap3A_1060 = tpu.vector_load %arg18[%swap3A_1058, %swap3A_1059] {strides = array<i32>} : memref<16x112xf32, #tpu.memory_space<vmem>>, vector<16xf32>,
    tpu.vector_store %arg18[%swap3A_1058, %swap3A_1059], %broadcast_in_dim3A_3 {strides = array<i32>} : memref<16x112xf32, #tpu.memory_space<vmem>>, vector<16xf32>,
    %swap3A_1061 = arith.constant 9 : i32
    %swap3A_1062 = arith.index_cast %swap3A_1061 : i32 to index
    %swap3A_1063 = arith.constant 0 : index
    %swap3A_1064 = tpu.vector_load %arg19[%swap3A_1062, %swap3A_1063] {strides = array<i32>} : memref<16x32xf32, #tpu.memory_space<vmem>>, vector<16xf32>,
    tpu.vector_store %arg19[%swap3A_1062, %swap3A_1063], %broadcast_in_dim3A_3 {strides = array<i32>} : memref<16x32xf32, #tpu.memory_space<vmem>>, vector<16xf32>,
    %swap3A_1065 = arith.constant 9 : i32
    %swap3A_1066 = arith.index_cast %swap3A_1065 : i32 to index
    %swap3A_1067 = arith.constant 0 : index
    %swap3A_1068 = tpu.vector_load %arg20[%swap3A_1066, %swap3A_1067] {strides = array<i32>} : memref<16x32xf32, #tpu.memory_space<vmem>>, vector<16xf32>,
    tpu.vector_store %arg20[%swap3A_1066, %swap3A_1067], %broadcast_in_dim3A_3 {strides = array<i32>} : memref<16x32xf32, #tpu.memory_space<vmem>>, vector<16xf32>,
    %swap3A_1069 = arith.constant 9 : i32
    %swap3A_1070 = arith.index_cast %swap3A_1069 : i32 to index
    %swap3A_1071 = arith.constant 0 : index
    %swap3A_1072 = tpu.vector_load %arg21[%swap3A_1070, %swap3A_1071] {strides = array<i32>} : memref<16x32xf32, #tpu.memory_space<vmem>>, vector<16xf32>,
    tpu.vector_store %arg21[%swap3A_1070, %swap3A_1071], %broadcast_in_dim3A_3 {strides = array<i32>} : memref<16x32xf32, #tpu.memory_space<vmem>>, vector<16xf32>,
    %swap3A_1073 = arith.constant 9 : i32
    %swap3A_1074 = arith.index_cast %swap3A_1073 : i32 to index
    %swap3A_1075 = arith.constant 16 : index
    %swap3A_1076 = tpu.vector_load %arg19[%swap3A_1074, %swap3A_1075] {strides = array<i32>} : memref<16x32xf32, #tpu.memory_space<vmem>>, vector<16xf32>,
    tpu.vector_store %arg19[%swap3A_1074, %swap3A_1075], %broadcast_in_dim3A_3 {strides = array<i32>} : memref<16x32xf32, #tpu.memory_space<vmem>>, vector<16xf32>,
    %swap3A_1077 = arith.constant 9 : i32
    %swap3A_1078 = arith.index_cast %swap3A_1077 : i32 to index
    %swap3A_1079 = arith.constant 16 : index
    %swap3A_1080 = tpu.vector_load %arg20[%swap3A_1078, %swap3A_1079] {strides = array<i32>} : memref<16x32xf32, #tpu.memory_space<vmem>>, vector<16xf32>,
    tpu.vector_store %arg20[%swap3A_1078, %swap3A_1079], %broadcast_in_dim3A_3 {strides = array<i32>} : memref<16x32xf32, #tpu.memory_space<vmem>>, vector<16xf32>,
    %swap3A_1081 = arith.constant 9 : i32
    %swap3A_1082 = arith.index_cast %swap3A_1081 : i32 to index
    %swap3A_1083 = arith.constant 16 : index
    %swap3A_1084 = tpu.vector_load %arg21[%swap3A_1082, %swap3A_1083] {strides = array<i32>} : memref<16x32xf32, #tpu.memory_space<vmem>>, vector<16xf32>,
    tpu.vector_store %arg21[%swap3A_1082, %swap3A_1083], %broadcast_in_dim3A_3 {strides = array<i32>} : memref<16x32xf32, #tpu.memory_space<vmem>>, vector<16xf32>,
    %swap3A_1085 = arith.constant 10 : i32
    %swap3A_1086 = arith.index_cast %swap3A_1085 : i32 to index
    %swap3A_1087 = arith.constant 0 : index
    %swap3A_1088 = tpu.vector_load %arg16[%swap3A_1086, %swap3A_1087] {strides = array<i32>} : memref<16x112xf32, #tpu.memory_space<vmem>>, vector<16xf32>,
    tpu.vector_store %arg16[%swap3A_1086, %swap3A_1087], %broadcast_in_dim3A_3 {strides = array<i32>} : memref<16x112xf32, #tpu.memory_space<vmem>>, vector<16xf32>,
    %swap3A_1089 = arith.constant 10 : i32
    %swap3A_1090 = arith.index_cast %swap3A_1089 : i32 to index
    %swap3A_1091 = arith.constant 0 : index
    %swap3A_1092 = tpu.vector_load %arg17[%swap3A_1090, %swap3A_1091] {strides = array<i32>} : memref<16x112xf32, #tpu.memory_space<vmem>>, vector<16xf32>,
    tpu.vector_store %arg17[%swap3A_1090, %swap3A_1091], %broadcast_in_dim3A_3 {strides = array<i32>} : memref<16x112xf32, #tpu.memory_space<vmem>>, vector<16xf32>,
    %swap3A_1093 = arith.constant 10 : i32
    %swap3A_1094 = arith.index_cast %swap3A_1093 : i32 to index
    %swap3A_1095 = arith.constant 0 : index
    %swap3A_1096 = tpu.vector_load %arg18[%swap3A_1094, %swap3A_1095] {strides = array<i32>} : memref<16x112xf32, #tpu.memory_space<vmem>>, vector<16xf32>,
    tpu.vector_store %arg18[%swap3A_1094, %swap3A_1095], %broadcast_in_dim3A_3 {strides = array<i32>} : memref<16x112xf32, #tpu.memory_space<vmem>>, vector<16xf32>,
    %swap3A_1097 = arith.constant 10 : i32
    %swap3A_1098 = arith.index_cast %swap3A_1097 : i32 to index
    %swap3A_1099 = arith.constant 16 : index
    %swap3A_1100 = tpu.vector_load %arg16[%swap3A_1098, %swap3A_1099] {strides = array<i32>} : memref<16x112xf32, #tpu.memory_space<vmem>>, vector<16xf32>,
    tpu.vector_store %arg16[%swap3A_1098, %swap3A_1099], %broadcast_in_dim3A_3 {strides = array<i32>} : memref<16x112xf32, #tpu.memory_space<vmem>>, vector<16xf32>,
    %swap3A_1101 = arith.constant 10 : i32
    %swap3A_1102 = arith.index_cast %swap3A_1101 : i32 to index
    %swap3A_1103 = arith.constant 16 : index
    %swap3A_1104 = tpu.vector_load %arg17[%swap3A_1102, %swap3A_1103] {strides = array<i32>} : memref<16x112xf32, #tpu.memory_space<vmem>>, vector<16xf32>,
    tpu.vector_store %arg17[%swap3A_1102, %swap3A_1103], %broadcast_in_dim3A_3 {strides = array<i32>} : memref<16x112xf32, #tpu.memory_space<vmem>>, vector<16xf32>,
    %swap3A_1105 = arith.constant 10 : i32
    %swap3A_1106 = arith.index_cast %swap3A_1105 : i32 to index
    %swap3A_1107 = arith.constant 16 : index
    %swap3A_1108 = tpu.vector_load %arg18[%swap3A_1106, %swap3A_1107] {strides = array<i32>} : memref<16x112xf32, #tpu.memory_space<vmem>>, vector<16xf32>,
    tpu.vector_store %arg18[%swap3A_1106, %swap3A_1107], %broadcast_in_dim3A_3 {strides = array<i32>} : memref<16x112xf32, #tpu.memory_space<vmem>>, vector<16xf32>,
    %swap3A_1109 = arith.constant 10 : i32
    %swap3A_1110 = arith.index_cast %swap3A_1109 : i32 to index
    %swap3A_1111 = arith.constant 32 : index
    %swap3A_1112 = tpu.vector_load %arg16[%swap3A_1110, %swap3A_1111] {strides = array<i32>} : memref<16x112xf32, #tpu.memory_space<vmem>>, vector<16xf32>,
    tpu.vector_store %arg16[%swap3A_1110, %swap3A_1111], %broadcast_in_dim3A_3 {strides = array<i32>} : memref<16x112xf32, #tpu.memory_space<vmem>>, vector<16xf32>,
    %swap3A_1113 = arith.constant 10 : i32
    %swap3A_1114 = arith.index_cast %swap3A_1113 : i32 to index
    %swap3A_1115 = arith.constant 32 : index
    %swap3A_1116 = tpu.vector_load %arg17[%swap3A_1114, %swap3A_1115] {strides = array<i32>} : memref<16x112xf32, #tpu.memory_space<vmem>>, vector<16xf32>,
    tpu.vector_store %arg17[%swap3A_1114, %swap3A_1115], %broadcast_in_dim3A_3 {strides = array<i32>} : memref<16x112xf32, #tpu.memory_space<vmem>>, vector<16xf32>,
    %swap3A_1117 = arith.constant 10 : i32
    %swap3A_1118 = arith.index_cast %swap3A_1117 : i32 to index
    %swap3A_1119 = arith.constant 32 : index
    %swap3A_1120 = tpu.vector_load %arg18[%swap3A_1118, %swap3A_1119] {strides = array<i32>} : memref<16x112xf32, #tpu.memory_space<vmem>>, vector<16xf32>,
    tpu.vector_store %arg18[%swap3A_1118, %swap3A_1119], %broadcast_in_dim3A_3 {strides = array<i32>} : memref<16x112xf32, #tpu.memory_space<vmem>>, vector<16xf32>,
    %swap3A_1121 = arith.constant 10 : i32
    %swap3A_1122 = arith.index_cast %swap3A_1121 : i32 to index
    %swap3A_1123 = arith.constant 48 : index
    %swap3A_1124 = tpu.vector_load %arg16[%swap3A_1122, %swap3A_1123] {strides = array<i32>} : memref<16x112xf32, #tpu.memory_space<vmem>>, vector<16xf32>,
    tpu.vector_store %arg16[%swap3A_1122, %swap3A_1123], %broadcast_in_dim3A_3 {strides = array<i32>} : memref<16x112xf32, #tpu.memory_space<vmem>>, vector<16xf32>,
    %swap3A_1125 = arith.constant 10 : i32
    %swap3A_1126 = arith.index_cast %swap3A_1125 : i32 to index
    %swap3A_1127 = arith.constant 48 : index
    %swap3A_1128 = tpu.vector_load %arg17[%swap3A_1126, %swap3A_1127] {strides = array<i32>} : memref<16x112xf32, #tpu.memory_space<vmem>>, vector<16xf32>,
    tpu.vector_store %arg17[%swap3A_1126, %swap3A_1127], %broadcast_in_dim3A_3 {strides = array<i32>} : memref<16x112xf32, #tpu.memory_space<vmem>>, vector<16xf32>,
    %swap3A_1129 = arith.constant 10 : i32
    %swap3A_1130 = arith.index_cast %swap3A_1129 : i32 to index
    %swap3A_1131 = arith.constant 48 : index
    %swap3A_1132 = tpu.vector_load %arg18[%swap3A_1130, %swap3A_1131] {strides = array<i32>} : memref<16x112xf32, #tpu.memory_space<vmem>>, vector<16xf32>,
    tpu.vector_store %arg18[%swap3A_1130, %swap3A_1131], %broadcast_in_dim3A_3 {strides = array<i32>} : memref<16x112xf32, #tpu.memory_space<vmem>>, vector<16xf32>,
    %swap3A_1133 = arith.constant 10 : i32
    %swap3A_1134 = arith.index_cast %swap3A_1133 : i32 to index
    %swap3A_1135 = arith.constant 64 : index
    %swap3A_1136 = tpu.vector_load %arg16[%swap3A_1134, %swap3A_1135] {strides = array<i32>} : memref<16x112xf32, #tpu.memory_space<vmem>>, vector<16xf32>,
    tpu.vector_store %arg16[%swap3A_1134, %swap3A_1135], %broadcast_in_dim3A_3 {strides = array<i32>} : memref<16x112xf32, #tpu.memory_space<vmem>>, vector<16xf32>,
    %swap3A_1137 = arith.constant 10 : i32
    %swap3A_1138 = arith.index_cast %swap3A_1137 : i32 to index
    %swap3A_1139 = arith.constant 64 : index
    %swap3A_1140 = tpu.vector_load %arg17[%swap3A_1138, %swap3A_1139] {strides = array<i32>} : memref<16x112xf32, #tpu.memory_space<vmem>>, vector<16xf32>,
    tpu.vector_store %arg17[%swap3A_1138, %swap3A_1139], %broadcast_in_dim3A_3 {strides = array<i32>} : memref<16x112xf32, #tpu.memory_space<vmem>>, vector<16xf32>,
    %swap3A_1141 = arith.constant 10 : i32
    %swap3A_1142 = arith.index_cast %swap3A_1141 : i32 to index
    %swap3A_1143 = arith.constant 64 : index
    %swap3A_1144 = tpu.vector_load %arg18[%swap3A_1142, %swap3A_1143] {strides = array<i32>} : memref<16x112xf32, #tpu.memory_space<vmem>>, vector<16xf32>,
    tpu.vector_store %arg18[%swap3A_1142, %swap3A_1143], %broadcast_in_dim3A_3 {strides = array<i32>} : memref<16x112xf32, #tpu.memory_space<vmem>>, vector<16xf32>,
    %swap3A_1145 = arith.constant 10 : i32
    %swap3A_1146 = arith.index_cast %swap3A_1145 : i32 to index
    %swap3A_1147 = arith.constant 80 : index
    %swap3A_1148 = tpu.vector_load %arg16[%swap3A_1146, %swap3A_1147] {strides = array<i32>} : memref<16x112xf32, #tpu.memory_space<vmem>>, vector<16xf32>,
    tpu.vector_store %arg16[%swap3A_1146, %swap3A_1147], %broadcast_in_dim3A_3 {strides = array<i32>} : memref<16x112xf32, #tpu.memory_space<vmem>>, vector<16xf32>,
    %swap3A_1149 = arith.constant 10 : i32
    %swap3A_1150 = arith.index_cast %swap3A_1149 : i32 to index
    %swap3A_1151 = arith.constant 80 : index
    %swap3A_1152 = tpu.vector_load %arg17[%swap3A_1150, %swap3A_1151] {strides = array<i32>} : memref<16x112xf32, #tpu.memory_space<vmem>>, vector<16xf32>,
    tpu.vector_store %arg17[%swap3A_1150, %swap3A_1151], %broadcast_in_dim3A_3 {strides = array<i32>} : memref<16x112xf32, #tpu.memory_space<vmem>>, vector<16xf32>,
    %swap3A_1153 = arith.constant 10 : i32
    %swap3A_1154 = arith.index_cast %swap3A_1153 : i32 to index
    %swap3A_1155 = arith.constant 80 : index
    %swap3A_1156 = tpu.vector_load %arg18[%swap3A_1154, %swap3A_1155] {strides = array<i32>} : memref<16x112xf32, #tpu.memory_space<vmem>>, vector<16xf32>,
    tpu.vector_store %arg18[%swap3A_1154, %swap3A_1155], %broadcast_in_dim3A_3 {strides = array<i32>} : memref<16x112xf32, #tpu.memory_space<vmem>>, vector<16xf32>,
    %swap3A_1157 = arith.constant 10 : i32
    %swap3A_1158 = arith.index_cast %swap3A_1157 : i32 to index
    %swap3A_1159 = arith.constant 96 : index
    %swap3A_1160 = tpu.vector_load %arg16[%swap3A_1158, %swap3A_1159] {strides = array<i32>} : memref<16x112xf32, #tpu.memory_space<vmem>>, vector<16xf32>,
    tpu.vector_store %arg16[%swap3A_1158, %swap3A_1159], %broadcast_in_dim3A_3 {strides = array<i32>} : memref<16x112xf32, #tpu.memory_space<vmem>>, vector<16xf32>,
    %swap3A_1161 = arith.constant 10 : i32
    %swap3A_1162 = arith.index_cast %swap3A_1161 : i32 to index
    %swap3A_1163 = arith.constant 96 : index
    %swap3A_1164 = tpu.vector_load %arg17[%swap3A_1162, %swap3A_1163] {strides = array<i32>} : memref<16x112xf32, #tpu.memory_space<vmem>>, vector<16xf32>,
    tpu.vector_store %arg17[%swap3A_1162, %swap3A_1163], %broadcast_in_dim3A_3 {strides = array<i32>} : memref<16x112xf32, #tpu.memory_space<vmem>>, vector<16xf32>,
    %swap3A_1165 = arith.constant 10 : i32
    %swap3A_1166 = arith.index_cast %swap3A_1165 : i32 to index
    %swap3A_1167 = arith.constant 96 : index
    %swap3A_1168 = tpu.vector_load %arg18[%swap3A_1166, %swap3A_1167] {strides = array<i32>} : memref<16x112xf32, #tpu.memory_space<vmem>>, vector<16xf32>,
    tpu.vector_store %arg18[%swap3A_1166, %swap3A_1167], %broadcast_in_dim3A_3 {strides = array<i32>} : memref<16x112xf32, #tpu.memory_space<vmem>>, vector<16xf32>,
    %swap3A_1169 = arith.constant 10 : i32
    %swap3A_1170 = arith.index_cast %swap3A_1169 : i32 to index
    %swap3A_1171 = arith.constant 0 : index
    %swap3A_1172 = tpu.vector_load %arg19[%swap3A_1170, %swap3A_1171] {strides = array<i32>} : memref<16x32xf32, #tpu.memory_space<vmem>>, vector<16xf32>,
    tpu.vector_store %arg19[%swap3A_1170, %swap3A_1171], %broadcast_in_dim3A_3 {strides = array<i32>} : memref<16x32xf32, #tpu.memory_space<vmem>>, vector<16xf32>,
    %swap3A_1173 = arith.constant 10 : i32
    %swap3A_1174 = arith.index_cast %swap3A_1173 : i32 to index
    %swap3A_1175 = arith.constant 0 : index
    %swap3A_1176 = tpu.vector_load %arg20[%swap3A_1174, %swap3A_1175] {strides = array<i32>} : memref<16x32xf32, #tpu.memory_space<vmem>>, vector<16xf32>,
    tpu.vector_store %arg20[%swap3A_1174, %swap3A_1175], %broadcast_in_dim3A_3 {strides = array<i32>} : memref<16x32xf32, #tpu.memory_space<vmem>>, vector<16xf32>,
    %swap3A_1177 = arith.constant 10 : i32
    %swap3A_1178 = arith.index_cast %swap3A_1177 : i32 to index
    %swap3A_1179 = arith.constant 0 : index
    %swap3A_1180 = tpu.vector_load %arg21[%swap3A_1178, %swap3A_1179] {strides = array<i32>} : memref<16x32xf32, #tpu.memory_space<vmem>>, vector<16xf32>,
    tpu.vector_store %arg21[%swap3A_1178, %swap3A_1179], %broadcast_in_dim3A_3 {strides = array<i32>} : memref<16x32xf32, #tpu.memory_space<vmem>>, vector<16xf32>,
    %swap3A_1181 = arith.constant 10 : i32
    %swap3A_1182 = arith.index_cast %swap3A_1181 : i32 to index
    %swap3A_1183 = arith.constant 16 : index
    %swap3A_1184 = tpu.vector_load %arg19[%swap3A_1182, %swap3A_1183] {strides = array<i32>} : memref<16x32xf32, #tpu.memory_space<vmem>>, vector<16xf32>,
    tpu.vector_store %arg19[%swap3A_1182, %swap3A_1183], %broadcast_in_dim3A_3 {strides = array<i32>} : memref<16x32xf32, #tpu.memory_space<vmem>>, vector<16xf32>,
    %swap3A_1185 = arith.constant 10 : i32
    %swap3A_1186 = arith.index_cast %swap3A_1185 : i32 to index
    %swap3A_1187 = arith.constant 16 : index
    %swap3A_1188 = tpu.vector_load %arg20[%swap3A_1186, %swap3A_1187] {strides = array<i32>} : memref<16x32xf32, #tpu.memory_space<vmem>>, vector<16xf32>,
    tpu.vector_store %arg20[%swap3A_1186, %swap3A_1187], %broadcast_in_dim3A_3 {strides = array<i32>} : memref<16x32xf32, #tpu.memory_space<vmem>>, vector<16xf32>,
    %swap3A_1189 = arith.constant 10 : i32
    %swap3A_1190 = arith.index_cast %swap3A_1189 : i32 to index
    %swap3A_1191 = arith.constant 16 : index
    %swap3A_1192 = tpu.vector_load %arg21[%swap3A_1190, %swap3A_1191] {strides = array<i32>} : memref<16x32xf32, #tpu.memory_space<vmem>>, vector<16xf32>,
    tpu.vector_store %arg21[%swap3A_1190, %swap3A_1191], %broadcast_in_dim3A_3 {strides = array<i32>} : memref<16x32xf32, #tpu.memory_space<vmem>>, vector<16xf32>,
    %swap3A_1193 = arith.constant 11 : i32
    %swap3A_1194 = arith.index_cast %swap3A_1193 : i32 to index
    %swap3A_1195 = arith.constant 0 : index
    %swap3A_1196 = tpu.vector_load %arg16[%swap3A_1194, %swap3A_1195] {strides = array<i32>} : memref<16x112xf32, #tpu.memory_space<vmem>>, vector<16xf32>,
    tpu.vector_store %arg16[%swap3A_1194, %swap3A_1195], %broadcast_in_dim3A_3 {strides = array<i32>} : memref<16x112xf32, #tpu.memory_space<vmem>>, vector<16xf32>,
    %swap3A_1197 = arith.constant 11 : i32
    %swap3A_1198 = arith.index_cast %swap3A_1197 : i32 to index
    %swap3A_1199 = arith.constant 0 : index
    %swap3A_1200 = tpu.vector_load %arg17[%swap3A_1198, %swap3A_1199] {strides = array<i32>} : memref<16x112xf32, #tpu.memory_space<vmem>>, vector<16xf32>,
    tpu.vector_store %arg17[%swap3A_1198, %swap3A_1199], %broadcast_in_dim3A_3 {strides = array<i32>} : memref<16x112xf32, #tpu.memory_space<vmem>>, vector<16xf32>,
    %swap3A_1201 = arith.constant 11 : i32
    %swap3A_1202 = arith.index_cast %swap3A_1201 : i32 to index
    %swap3A_1203 = arith.constant 0 : index
    %swap3A_1204 = tpu.vector_load %arg18[%swap3A_1202, %swap3A_1203] {strides = array<i32>} : memref<16x112xf32, #tpu.memory_space<vmem>>, vector<16xf32>,
    tpu.vector_store %arg18[%swap3A_1202, %swap3A_1203], %broadcast_in_dim3A_3 {strides = array<i32>} : memref<16x112xf32, #tpu.memory_space<vmem>>, vector<16xf32>,
    %swap3A_1205 = arith.constant 11 : i32
    %swap3A_1206 = arith.index_cast %swap3A_1205 : i32 to index
    %swap3A_1207 = arith.constant 16 : index
    %swap3A_1208 = tpu.vector_load %arg16[%swap3A_1206, %swap3A_1207] {strides = array<i32>} : memref<16x112xf32, #tpu.memory_space<vmem>>, vector<16xf32>,
    tpu.vector_store %arg16[%swap3A_1206, %swap3A_1207], %broadcast_in_dim3A_3 {strides = array<i32>} : memref<16x112xf32, #tpu.memory_space<vmem>>, vector<16xf32>,
    %swap3A_1209 = arith.constant 11 : i32
    %swap3A_1210 = arith.index_cast %swap3A_1209 : i32 to index
    %swap3A_1211 = arith.constant 16 : index
    %swap3A_1212 = tpu.vector_load %arg17[%swap3A_1210, %swap3A_1211] {strides = array<i32>} : memref<16x112xf32, #tpu.memory_space<vmem>>, vector<16xf32>,
    tpu.vector_store %arg17[%swap3A_1210, %swap3A_1211], %broadcast_in_dim3A_3 {strides = array<i32>} : memref<16x112xf32, #tpu.memory_space<vmem>>, vector<16xf32>,
    %swap3A_1213 = arith.constant 11 : i32
    %swap3A_1214 = arith.index_cast %swap3A_1213 : i32 to index
    %swap3A_1215 = arith.constant 16 : index
    %swap3A_1216 = tpu.vector_load %arg18[%swap3A_1214, %swap3A_1215] {strides = array<i32>} : memref<16x112xf32, #tpu.memory_space<vmem>>, vector<16xf32>,
    tpu.vector_store %arg18[%swap3A_1214, %swap3A_1215], %broadcast_in_dim3A_3 {strides = array<i32>} : memref<16x112xf32, #tpu.memory_space<vmem>>, vector<16xf32>,
    %swap3A_1217 = arith.constant 11 : i32
    %swap3A_1218 = arith.index_cast %swap3A_1217 : i32 to index
    %swap3A_1219 = arith.constant 32 : index
    %swap3A_1220 = tpu.vector_load %arg16[%swap3A_1218, %swap3A_1219] {strides = array<i32>} : memref<16x112xf32, #tpu.memory_space<vmem>>, vector<16xf32>,
    tpu.vector_store %arg16[%swap3A_1218, %swap3A_1219], %broadcast_in_dim3A_3 {strides = array<i32>} : memref<16x112xf32, #tpu.memory_space<vmem>>, vector<16xf32>,
    %swap3A_1221 = arith.constant 11 : i32
    %swap3A_1222 = arith.index_cast %swap3A_1221 : i32 to index
    %swap3A_1223 = arith.constant 32 : index
    %swap3A_1224 = tpu.vector_load %arg17[%swap3A_1222, %swap3A_1223] {strides = array<i32>} : memref<16x112xf32, #tpu.memory_space<vmem>>, vector<16xf32>,
    tpu.vector_store %arg17[%swap3A_1222, %swap3A_1223], %broadcast_in_dim3A_3 {strides = array<i32>} : memref<16x112xf32, #tpu.memory_space<vmem>>, vector<16xf32>,
    %swap3A_1225 = arith.constant 11 : i32
    %swap3A_1226 = arith.index_cast %swap3A_1225 : i32 to index
    %swap3A_1227 = arith.constant 32 : index
    %swap3A_1228 = tpu.vector_load %arg18[%swap3A_1226, %swap3A_1227] {strides = array<i32>} : memref<16x112xf32, #tpu.memory_space<vmem>>, vector<16xf32>,
    tpu.vector_store %arg18[%swap3A_1226, %swap3A_1227], %broadcast_in_dim3A_3 {strides = array<i32>} : memref<16x112xf32, #tpu.memory_space<vmem>>, vector<16xf32>,
    %swap3A_1229 = arith.constant 11 : i32
    %swap3A_1230 = arith.index_cast %swap3A_1229 : i32 to index
    %swap3A_1231 = arith.constant 48 : index
    %swap3A_1232 = tpu.vector_load %arg16[%swap3A_1230, %swap3A_1231] {strides = array<i32>} : memref<16x112xf32, #tpu.memory_space<vmem>>, vector<16xf32>,
    tpu.vector_store %arg16[%swap3A_1230, %swap3A_1231], %broadcast_in_dim3A_3 {strides = array<i32>} : memref<16x112xf32, #tpu.memory_space<vmem>>, vector<16xf32>,
    %swap3A_1233 = arith.constant 11 : i32
    %swap3A_1234 = arith.index_cast %swap3A_1233 : i32 to index
    %swap3A_1235 = arith.constant 48 : index
    %swap3A_1236 = tpu.vector_load %arg17[%swap3A_1234, %swap3A_1235] {strides = array<i32>} : memref<16x112xf32, #tpu.memory_space<vmem>>, vector<16xf32>,
    tpu.vector_store %arg17[%swap3A_1234, %swap3A_1235], %broadcast_in_dim3A_3 {strides = array<i32>} : memref<16x112xf32, #tpu.memory_space<vmem>>, vector<16xf32>,
    %swap3A_1237 = arith.constant 11 : i32
    %swap3A_1238 = arith.index_cast %swap3A_1237 : i32 to index
    %swap3A_1239 = arith.constant 48 : index
    %swap3A_1240 = tpu.vector_load %arg18[%swap3A_1238, %swap3A_1239] {strides = array<i32>} : memref<16x112xf32, #tpu.memory_space<vmem>>, vector<16xf32>,
    tpu.vector_store %arg18[%swap3A_1238, %swap3A_1239], %broadcast_in_dim3A_3 {strides = array<i32>} : memref<16x112xf32, #tpu.memory_space<vmem>>, vector<16xf32>,
    %swap3A_1241 = arith.constant 11 : i32
    %swap3A_1242 = arith.index_cast %swap3A_1241 : i32 to index
    %swap3A_1243 = arith.constant 64 : index
    %swap3A_1244 = tpu.vector_load %arg16[%swap3A_1242, %swap3A_1243] {strides = array<i32>} : memref<16x112xf32, #tpu.memory_space<vmem>>, vector<16xf32>,
    tpu.vector_store %arg16[%swap3A_1242, %swap3A_1243], %broadcast_in_dim3A_3 {strides = array<i32>} : memref<16x112xf32, #tpu.memory_space<vmem>>, vector<16xf32>,
    %swap3A_1245 = arith.constant 11 : i32
    %swap3A_1246 = arith.index_cast %swap3A_1245 : i32 to index
    %swap3A_1247 = arith.constant 64 : index
    %swap3A_1248 = tpu.vector_load %arg17[%swap3A_1246, %swap3A_1247] {strides = array<i32>} : memref<16x112xf32, #tpu.memory_space<vmem>>, vector<16xf32>,
    tpu.vector_store %arg17[%swap3A_1246, %swap3A_1247], %broadcast_in_dim3A_3 {strides = array<i32>} : memref<16x112xf32, #tpu.memory_space<vmem>>, vector<16xf32>,
    %swap3A_1249 = arith.constant 11 : i32
    %swap3A_1250 = arith.index_cast %swap3A_1249 : i32 to index
    %swap3A_1251 = arith.constant 64 : index
    %swap3A_1252 = tpu.vector_load %arg18[%swap3A_1250, %swap3A_1251] {strides = array<i32>} : memref<16x112xf32, #tpu.memory_space<vmem>>, vector<16xf32>,
    tpu.vector_store %arg18[%swap3A_1250, %swap3A_1251], %broadcast_in_dim3A_3 {strides = array<i32>} : memref<16x112xf32, #tpu.memory_space<vmem>>, vector<16xf32>,
    %swap3A_1253 = arith.constant 11 : i32
    %swap3A_1254 = arith.index_cast %swap3A_1253 : i32 to index
    %swap3A_1255 = arith.constant 80 : index
    %swap3A_1256 = tpu.vector_load %arg16[%swap3A_1254, %swap3A_1255] {strides = array<i32>} : memref<16x112xf32, #tpu.memory_space<vmem>>, vector<16xf32>,
    tpu.vector_store %arg16[%swap3A_1254, %swap3A_1255], %broadcast_in_dim3A_3 {strides = array<i32>} : memref<16x112xf32, #tpu.memory_space<vmem>>, vector<16xf32>,
    %swap3A_1257 = arith.constant 11 : i32
    %swap3A_1258 = arith.index_cast %swap3A_1257 : i32 to index
    %swap3A_1259 = arith.constant 80 : index
    %swap3A_1260 = tpu.vector_load %arg17[%swap3A_1258, %swap3A_1259] {strides = array<i32>} : memref<16x112xf32, #tpu.memory_space<vmem>>, vector<16xf32>,
    tpu.vector_store %arg17[%swap3A_1258, %swap3A_1259], %broadcast_in_dim3A_3 {strides = array<i32>} : memref<16x112xf32, #tpu.memory_space<vmem>>, vector<16xf32>,
    %swap3A_1261 = arith.constant 11 : i32
    %swap3A_1262 = arith.index_cast %swap3A_1261 : i32 to index
    %swap3A_1263 = arith.constant 80 : index
    %swap3A_1264 = tpu.vector_load %arg18[%swap3A_1262, %swap3A_1263] {strides = array<i32>} : memref<16x112xf32, #tpu.memory_space<vmem>>, vector<16xf32>,
    tpu.vector_store %arg18[%swap3A_1262, %swap3A_1263], %broadcast_in_dim3A_3 {strides = array<i32>} : memref<16x112xf32, #tpu.memory_space<vmem>>, vector<16xf32>,
    %swap3A_1265 = arith.constant 11 : i32
    %swap3A_1266 = arith.index_cast %swap3A_1265 : i32 to index
    %swap3A_1267 = arith.constant 96 : index
    %swap3A_1268 = tpu.vector_load %arg16[%swap3A_1266, %swap3A_1267] {strides = array<i32>} : memref<16x112xf32, #tpu.memory_space<vmem>>, vector<16xf32>,
    tpu.vector_store %arg16[%swap3A_1266, %swap3A_1267], %broadcast_in_dim3A_3 {strides = array<i32>} : memref<16x112xf32, #tpu.memory_space<vmem>>, vector<16xf32>,
    %swap3A_1269 = arith.constant 11 : i32
    %swap3A_1270 = arith.index_cast %swap3A_1269 : i32 to index
    %swap3A_1271 = arith.constant 96 : index
    %swap3A_1272 = tpu.vector_load %arg17[%swap3A_1270, %swap3A_1271] {strides = array<i32>} : memref<16x112xf32, #tpu.memory_space<vmem>>, vector<16xf32>,
    tpu.vector_store %arg17[%swap3A_1270, %swap3A_1271], %broadcast_in_dim3A_3 {strides = array<i32>} : memref<16x112xf32, #tpu.memory_space<vmem>>, vector<16xf32>,
    %swap3A_1273 = arith.constant 11 : i32
    %swap3A_1274 = arith.index_cast %swap3A_1273 : i32 to index
    %swap3A_1275 = arith.constant 96 : index
    %swap3A_1276 = tpu.vector_load %arg18[%swap3A_1274, %swap3A_1275] {strides = array<i32>} : memref<16x112xf32, #tpu.memory_space<vmem>>, vector<16xf32>,
    tpu.vector_store %arg18[%swap3A_1274, %swap3A_1275], %broadcast_in_dim3A_3 {strides = array<i32>} : memref<16x112xf32, #tpu.memory_space<vmem>>, vector<16xf32>,
    %swap3A_1277 = arith.constant 11 : i32
    %swap3A_1278 = arith.index_cast %swap3A_1277 : i32 to index
    %swap3A_1279 = arith.constant 0 : index
    %swap3A_1280 = tpu.vector_load %arg19[%swap3A_1278, %swap3A_1279] {strides = array<i32>} : memref<16x32xf32, #tpu.memory_space<vmem>>, vector<16xf32>,
    tpu.vector_store %arg19[%swap3A_1278, %swap3A_1279], %broadcast_in_dim3A_3 {strides = array<i32>} : memref<16x32xf32, #tpu.memory_space<vmem>>, vector<16xf32>,
    %swap3A_1281 = arith.constant 11 : i32
    %swap3A_1282 = arith.index_cast %swap3A_1281 : i32 to index
    %swap3A_1283 = arith.constant 0 : index
    %swap3A_1284 = tpu.vector_load %arg20[%swap3A_1282, %swap3A_1283] {strides = array<i32>} : memref<16x32xf32, #tpu.memory_space<vmem>>, vector<16xf32>,
    tpu.vector_store %arg20[%swap3A_1282, %swap3A_1283], %broadcast_in_dim3A_3 {strides = array<i32>} : memref<16x32xf32, #tpu.memory_space<vmem>>, vector<16xf32>,
    %swap3A_1285 = arith.constant 11 : i32
    %swap3A_1286 = arith.index_cast %swap3A_1285 : i32 to index
    %swap3A_1287 = arith.constant 0 : index
    %swap3A_1288 = tpu.vector_load %arg21[%swap3A_1286, %swap3A_1287] {strides = array<i32>} : memref<16x32xf32, #tpu.memory_space<vmem>>, vector<16xf32>,
    tpu.vector_store %arg21[%swap3A_1286, %swap3A_1287], %broadcast_in_dim3A_3 {strides = array<i32>} : memref<16x32xf32, #tpu.memory_space<vmem>>, vector<16xf32>,
    %swap3A_1289 = arith.constant 11 : i32
    %swap3A_1290 = arith.index_cast %swap3A_1289 : i32 to index
    %swap3A_1291 = arith.constant 16 : index
    %swap3A_1292 = tpu.vector_load %arg19[%swap3A_1290, %swap3A_1291] {strides = array<i32>} : memref<16x32xf32, #tpu.memory_space<vmem>>, vector<16xf32>,
    tpu.vector_store %arg19[%swap3A_1290, %swap3A_1291], %broadcast_in_dim3A_3 {strides = array<i32>} : memref<16x32xf32, #tpu.memory_space<vmem>>, vector<16xf32>,
    %swap3A_1293 = arith.constant 11 : i32
    %swap3A_1294 = arith.index_cast %swap3A_1293 : i32 to index
    %swap3A_1295 = arith.constant 16 : index
    %swap3A_1296 = tpu.vector_load %arg20[%swap3A_1294, %swap3A_1295] {strides = array<i32>} : memref<16x32xf32, #tpu.memory_space<vmem>>, vector<16xf32>,
    tpu.vector_store %arg20[%swap3A_1294, %swap3A_1295], %broadcast_in_dim3A_3 {strides = array<i32>} : memref<16x32xf32, #tpu.memory_space<vmem>>, vector<16xf32>,
    %swap3A_1297 = arith.constant 11 : i32
    %swap3A_1298 = arith.index_cast %swap3A_1297 : i32 to index
    %swap3A_1299 = arith.constant 16 : index
    %swap3A_1300 = tpu.vector_load %arg21[%swap3A_1298, %swap3A_1299] {strides = array<i32>} : memref<16x32xf32, #tpu.memory_space<vmem>>, vector<16xf32>,
    tpu.vector_store %arg21[%swap3A_1298, %swap3A_1299], %broadcast_in_dim3A_3 {strides = array<i32>} : memref<16x32xf32, #tpu.memory_space<vmem>>, vector<16xf32>,
    %swap3A_1301 = arith.constant 12 : i32
    %swap3A_1302 = arith.index_cast %swap3A_1301 : i32 to index
    %swap3A_1303 = arith.constant 0 : index
    %swap3A_1304 = tpu.vector_load %arg16[%swap3A_1302, %swap3A_1303] {strides = array<i32>} : memref<16x112xf32, #tpu.memory_space<vmem>>, vector<16xf32>,
    tpu.vector_store %arg16[%swap3A_1302, %swap3A_1303], %broadcast_in_dim3A_3 {strides = array<i32>} : memref<16x112xf32, #tpu.memory_space<vmem>>, vector<16xf32>,
    %swap3A_1305 = arith.constant 12 : i32
    %swap3A_1306 = arith.index_cast %swap3A_1305 : i32 to index
    %swap3A_1307 = arith.constant 0 : index
    %swap3A_1308 = tpu.vector_load %arg17[%swap3A_1306, %swap3A_1307] {strides = array<i32>} : memref<16x112xf32, #tpu.memory_space<vmem>>, vector<16xf32>,
    tpu.vector_store %arg17[%swap3A_1306, %swap3A_1307], %broadcast_in_dim3A_3 {strides = array<i32>} : memref<16x112xf32, #tpu.memory_space<vmem>>, vector<16xf32>,
    %swap3A_1309 = arith.constant 12 : i32
    %swap3A_1310 = arith.index_cast %swap3A_1309 : i32 to index
    %swap3A_1311 = arith.constant 0 : index
    %swap3A_1312 = tpu.vector_load %arg18[%swap3A_1310, %swap3A_1311] {strides = array<i32>} : memref<16x112xf32, #tpu.memory_space<vmem>>, vector<16xf32>,
    tpu.vector_store %arg18[%swap3A_1310, %swap3A_1311], %broadcast_in_dim3A_3 {strides = array<i32>} : memref<16x112xf32, #tpu.memory_space<vmem>>, vector<16xf32>,
    %swap3A_1313 = arith.constant 12 : i32
    %swap3A_1314 = arith.index_cast %swap3A_1313 : i32 to index
    %swap3A_1315 = arith.constant 16 : index
    %swap3A_1316 = tpu.vector_load %arg16[%swap3A_1314, %swap3A_1315] {strides = array<i32>} : memref<16x112xf32, #tpu.memory_space<vmem>>, vector<16xf32>,
    tpu.vector_store %arg16[%swap3A_1314, %swap3A_1315], %broadcast_in_dim3A_3 {strides = array<i32>} : memref<16x112xf32, #tpu.memory_space<vmem>>, vector<16xf32>,
    %swap3A_1317 = arith.constant 12 : i32
    %swap3A_1318 = arith.index_cast %swap3A_1317 : i32 to index
    %swap3A_1319 = arith.constant 16 : index
    %swap3A_1320 = tpu.vector_load %arg17[%swap3A_1318, %swap3A_1319] {strides = array<i32>} : memref<16x112xf32, #tpu.memory_space<vmem>>, vector<16xf32>,
    tpu.vector_store %arg17[%swap3A_1318, %swap3A_1319], %broadcast_in_dim3A_3 {strides = array<i32>} : memref<16x112xf32, #tpu.memory_space<vmem>>, vector<16xf32>,
    %swap3A_1321 = arith.constant 12 : i32
    %swap3A_1322 = arith.index_cast %swap3A_1321 : i32 to index
    %swap3A_1323 = arith.constant 16 : index
    %swap3A_1324 = tpu.vector_load %arg18[%swap3A_1322, %swap3A_1323] {strides = array<i32>} : memref<16x112xf32, #tpu.memory_space<vmem>>, vector<16xf32>,
    tpu.vector_store %arg18[%swap3A_1322, %swap3A_1323], %broadcast_in_dim3A_3 {strides = array<i32>} : memref<16x112xf32, #tpu.memory_space<vmem>>, vector<16xf32>,
    %swap3A_1325 = arith.constant 12 : i32
    %swap3A_1326 = arith.index_cast %swap3A_1325 : i32 to index
    %swap3A_1327 = arith.constant 32 : index
    %swap3A_1328 = tpu.vector_load %arg16[%swap3A_1326, %swap3A_1327] {strides = array<i32>} : memref<16x112xf32, #tpu.memory_space<vmem>>, vector<16xf32>,
    tpu.vector_store %arg16[%swap3A_1326, %swap3A_1327], %broadcast_in_dim3A_3 {strides = array<i32>} : memref<16x112xf32, #tpu.memory_space<vmem>>, vector<16xf32>,
    %swap3A_1329 = arith.constant 12 : i32
    %swap3A_1330 = arith.index_cast %swap3A_1329 : i32 to index
    %swap3A_1331 = arith.constant 32 : index
    %swap3A_1332 = tpu.vector_load %arg17[%swap3A_1330, %swap3A_1331] {strides = array<i32>} : memref<16x112xf32, #tpu.memory_space<vmem>>, vector<16xf32>,
    tpu.vector_store %arg17[%swap3A_1330, %swap3A_1331], %broadcast_in_dim3A_3 {strides = array<i32>} : memref<16x112xf32, #tpu.memory_space<vmem>>, vector<16xf32>,
    %swap3A_1333 = arith.constant 12 : i32
    %swap3A_1334 = arith.index_cast %swap3A_1333 : i32 to index
    %swap3A_1335 = arith.constant 32 : index
    %swap3A_1336 = tpu.vector_load %arg18[%swap3A_1334, %swap3A_1335] {strides = array<i32>} : memref<16x112xf32, #tpu.memory_space<vmem>>, vector<16xf32>,
    tpu.vector_store %arg18[%swap3A_1334, %swap3A_1335], %broadcast_in_dim3A_3 {strides = array<i32>} : memref<16x112xf32, #tpu.memory_space<vmem>>, vector<16xf32>,
    %swap3A_1337 = arith.constant 12 : i32
    %swap3A_1338 = arith.index_cast %swap3A_1337 : i32 to index
    %swap3A_1339 = arith.constant 48 : index
    %swap3A_1340 = tpu.vector_load %arg16[%swap3A_1338, %swap3A_1339] {strides = array<i32>} : memref<16x112xf32, #tpu.memory_space<vmem>>, vector<16xf32>,
    tpu.vector_store %arg16[%swap3A_1338, %swap3A_1339], %broadcast_in_dim3A_3 {strides = array<i32>} : memref<16x112xf32, #tpu.memory_space<vmem>>, vector<16xf32>,
    %swap3A_1341 = arith.constant 12 : i32
    %swap3A_1342 = arith.index_cast %swap3A_1341 : i32 to index
    %swap3A_1343 = arith.constant 48 : index
    %swap3A_1344 = tpu.vector_load %arg17[%swap3A_1342, %swap3A_1343] {strides = array<i32>} : memref<16x112xf32, #tpu.memory_space<vmem>>, vector<16xf32>,
    tpu.vector_store %arg17[%swap3A_1342, %swap3A_1343], %broadcast_in_dim3A_3 {strides = array<i32>} : memref<16x112xf32, #tpu.memory_space<vmem>>, vector<16xf32>,
    %swap3A_1345 = arith.constant 12 : i32
    %swap3A_1346 = arith.index_cast %swap3A_1345 : i32 to index
    %swap3A_1347 = arith.constant 48 : index
    %swap3A_1348 = tpu.vector_load %arg18[%swap3A_1346, %swap3A_1347] {strides = array<i32>} : memref<16x112xf32, #tpu.memory_space<vmem>>, vector<16xf32>,
    tpu.vector_store %arg18[%swap3A_1346, %swap3A_1347], %broadcast_in_dim3A_3 {strides = array<i32>} : memref<16x112xf32, #tpu.memory_space<vmem>>, vector<16xf32>,
    %swap3A_1349 = arith.constant 12 : i32
    %swap3A_1350 = arith.index_cast %swap3A_1349 : i32 to index
    %swap3A_1351 = arith.constant 64 : index
    %swap3A_1352 = tpu.vector_load %arg16[%swap3A_1350, %swap3A_1351] {strides = array<i32>} : memref<16x112xf32, #tpu.memory_space<vmem>>, vector<16xf32>,
    tpu.vector_store %arg16[%swap3A_1350, %swap3A_1351], %broadcast_in_dim3A_3 {strides = array<i32>} : memref<16x112xf32, #tpu.memory_space<vmem>>, vector<16xf32>,
    %swap3A_1353 = arith.constant 12 : i32
    %swap3A_1354 = arith.index_cast %swap3A_1353 : i32 to index
    %swap3A_1355 = arith.constant 64 : index
    %swap3A_1356 = tpu.vector_load %arg17[%swap3A_1354, %swap3A_1355] {strides = array<i32>} : memref<16x112xf32, #tpu.memory_space<vmem>>, vector<16xf32>,
    tpu.vector_store %arg17[%swap3A_1354, %swap3A_1355], %broadcast_in_dim3A_3 {strides = array<i32>} : memref<16x112xf32, #tpu.memory_space<vmem>>, vector<16xf32>,
    %swap3A_1357 = arith.constant 12 : i32
    %swap3A_1358 = arith.index_cast %swap3A_1357 : i32 to index
    %swap3A_1359 = arith.constant 64 : index
    %swap3A_1360 = tpu.vector_load %arg18[%swap3A_1358, %swap3A_1359] {strides = array<i32>} : memref<16x112xf32, #tpu.memory_space<vmem>>, vector<16xf32>,
    tpu.vector_store %arg18[%swap3A_1358, %swap3A_1359], %broadcast_in_dim3A_3 {strides = array<i32>} : memref<16x112xf32, #tpu.memory_space<vmem>>, vector<16xf32>,
    %swap3A_1361 = arith.constant 12 : i32
    %swap3A_1362 = arith.index_cast %swap3A_1361 : i32 to index
    %swap3A_1363 = arith.constant 80 : index
    %swap3A_1364 = tpu.vector_load %arg16[%swap3A_1362, %swap3A_1363] {strides = array<i32>} : memref<16x112xf32, #tpu.memory_space<vmem>>, vector<16xf32>,
    tpu.vector_store %arg16[%swap3A_1362, %swap3A_1363], %broadcast_in_dim3A_3 {strides = array<i32>} : memref<16x112xf32, #tpu.memory_space<vmem>>, vector<16xf32>,
    %swap3A_1365 = arith.constant 12 : i32
    %swap3A_1366 = arith.index_cast %swap3A_1365 : i32 to index
    %swap3A_1367 = arith.constant 80 : index
    %swap3A_1368 = tpu.vector_load %arg17[%swap3A_1366, %swap3A_1367] {strides = array<i32>} : memref<16x112xf32, #tpu.memory_space<vmem>>, vector<16xf32>,
    tpu.vector_store %arg17[%swap3A_1366, %swap3A_1367], %broadcast_in_dim3A_3 {strides = array<i32>} : memref<16x112xf32, #tpu.memory_space<vmem>>, vector<16xf32>,
    %swap3A_1369 = arith.constant 12 : i32
    %swap3A_1370 = arith.index_cast %swap3A_1369 : i32 to index
    %swap3A_1371 = arith.constant 80 : index
    %swap3A_1372 = tpu.vector_load %arg18[%swap3A_1370, %swap3A_1371] {strides = array<i32>} : memref<16x112xf32, #tpu.memory_space<vmem>>, vector<16xf32>,
    tpu.vector_store %arg18[%swap3A_1370, %swap3A_1371], %broadcast_in_dim3A_3 {strides = array<i32>} : memref<16x112xf32, #tpu.memory_space<vmem>>, vector<16xf32>,
    %swap3A_1373 = arith.constant 12 : i32
    %swap3A_1374 = arith.index_cast %swap3A_1373 : i32 to index
    %swap3A_1375 = arith.constant 96 : index
    %swap3A_1376 = tpu.vector_load %arg16[%swap3A_1374, %swap3A_1375] {strides = array<i32>} : memref<16x112xf32, #tpu.memory_space<vmem>>, vector<16xf32>,
    tpu.vector_store %arg16[%swap3A_1374, %swap3A_1375], %broadcast_in_dim3A_3 {strides = array<i32>} : memref<16x112xf32, #tpu.memory_space<vmem>>, vector<16xf32>,
    %swap3A_1377 = arith.constant 12 : i32
    %swap3A_1378 = arith.index_cast %swap3A_1377 : i32 to index
    %swap3A_1379 = arith.constant 96 : index
    %swap3A_1380 = tpu.vector_load %arg17[%swap3A_1378, %swap3A_1379] {strides = array<i32>} : memref<16x112xf32, #tpu.memory_space<vmem>>, vector<16xf32>,
    tpu.vector_store %arg17[%swap3A_1378, %swap3A_1379], %broadcast_in_dim3A_3 {strides = array<i32>} : memref<16x112xf32, #tpu.memory_space<vmem>>, vector<16xf32>,
    %swap3A_1381 = arith.constant 12 : i32
    %swap3A_1382 = arith.index_cast %swap3A_1381 : i32 to index
    %swap3A_1383 = arith.constant 96 : index
    %swap3A_1384 = tpu.vector_load %arg18[%swap3A_1382, %swap3A_1383] {strides = array<i32>} : memref<16x112xf32, #tpu.memory_space<vmem>>, vector<16xf32>,
    tpu.vector_store %arg18[%swap3A_1382, %swap3A_1383], %broadcast_in_dim3A_3 {strides = array<i32>} : memref<16x112xf32, #tpu.memory_space<vmem>>, vector<16xf32>,
    %swap3A_1385 = arith.constant 12 : i32
    %swap3A_1386 = arith.index_cast %swap3A_1385 : i32 to index
    %swap3A_1387 = arith.constant 0 : index
    %swap3A_1388 = tpu.vector_load %arg19[%swap3A_1386, %swap3A_1387] {strides = array<i32>} : memref<16x32xf32, #tpu.memory_space<vmem>>, vector<16xf32>,
    tpu.vector_store %arg19[%swap3A_1386, %swap3A_1387], %broadcast_in_dim3A_3 {strides = array<i32>} : memref<16x32xf32, #tpu.memory_space<vmem>>, vector<16xf32>,
    %swap3A_1389 = arith.constant 12 : i32
    %swap3A_1390 = arith.index_cast %swap3A_1389 : i32 to index
    %swap3A_1391 = arith.constant 0 : index
    %swap3A_1392 = tpu.vector_load %arg20[%swap3A_1390, %swap3A_1391] {strides = array<i32>} : memref<16x32xf32, #tpu.memory_space<vmem>>, vector<16xf32>,
    tpu.vector_store %arg20[%swap3A_1390, %swap3A_1391], %broadcast_in_dim3A_3 {strides = array<i32>} : memref<16x32xf32, #tpu.memory_space<vmem>>, vector<16xf32>,
    %swap3A_1393 = arith.constant 12 : i32
    %swap3A_1394 = arith.index_cast %swap3A_1393 : i32 to index
    %swap3A_1395 = arith.constant 0 : index
    %swap3A_1396 = tpu.vector_load %arg21[%swap3A_1394, %swap3A_1395] {strides = array<i32>} : memref<16x32xf32, #tpu.memory_space<vmem>>, vector<16xf32>,
    tpu.vector_store %arg21[%swap3A_1394, %swap3A_1395], %broadcast_in_dim3A_3 {strides = array<i32>} : memref<16x32xf32, #tpu.memory_space<vmem>>, vector<16xf32>,
    %swap3A_1397 = arith.constant 12 : i32
    %swap3A_1398 = arith.index_cast %swap3A_1397 : i32 to index
    %swap3A_1399 = arith.constant 16 : index
    %swap3A_1400 = tpu.vector_load %arg19[%swap3A_1398, %swap3A_1399] {strides = array<i32>} : memref<16x32xf32, #tpu.memory_space<vmem>>, vector<16xf32>,
    tpu.vector_store %arg19[%swap3A_1398, %swap3A_1399], %broadcast_in_dim3A_3 {strides = array<i32>} : memref<16x32xf32, #tpu.memory_space<vmem>>, vector<16xf32>,
    %swap3A_1401 = arith.constant 12 : i32
    %swap3A_1402 = arith.index_cast %swap3A_1401 : i32 to index
    %swap3A_1403 = arith.constant 16 : index
    %swap3A_1404 = tpu.vector_load %arg20[%swap3A_1402, %swap3A_1403] {strides = array<i32>} : memref<16x32xf32, #tpu.memory_space<vmem>>, vector<16xf32>,
    tpu.vector_store %arg20[%swap3A_1402, %swap3A_1403], %broadcast_in_dim3A_3 {strides = array<i32>} : memref<16x32xf32, #tpu.memory_space<vmem>>, vector<16xf32>,
    %swap3A_1405 = arith.constant 12 : i32
    %swap3A_1406 = arith.index_cast %swap3A_1405 : i32 to index
    %swap3A_1407 = arith.constant 16 : index
    %swap3A_1408 = tpu.vector_load %arg21[%swap3A_1406, %swap3A_1407] {strides = array<i32>} : memref<16x32xf32, #tpu.memory_space<vmem>>, vector<16xf32>,
    tpu.vector_store %arg21[%swap3A_1406, %swap3A_1407], %broadcast_in_dim3A_3 {strides = array<i32>} : memref<16x32xf32, #tpu.memory_space<vmem>>, vector<16xf32>,
    %swap3A_1409 = arith.constant 13 : i32
    %swap3A_1410 = arith.index_cast %swap3A_1409 : i32 to index
    %swap3A_1411 = arith.constant 0 : index
    %swap3A_1412 = tpu.vector_load %arg16[%swap3A_1410, %swap3A_1411] {strides = array<i32>} : memref<16x112xf32, #tpu.memory_space<vmem>>, vector<16xf32>,
    tpu.vector_store %arg16[%swap3A_1410, %swap3A_1411], %broadcast_in_dim3A_3 {strides = array<i32>} : memref<16x112xf32, #tpu.memory_space<vmem>>, vector<16xf32>,
    %swap3A_1413 = arith.constant 13 : i32
    %swap3A_1414 = arith.index_cast %swap3A_1413 : i32 to index
    %swap3A_1415 = arith.constant 0 : index
    %swap3A_1416 = tpu.vector_load %arg17[%swap3A_1414, %swap3A_1415] {strides = array<i32>} : memref<16x112xf32, #tpu.memory_space<vmem>>, vector<16xf32>,
    tpu.vector_store %arg17[%swap3A_1414, %swap3A_1415], %broadcast_in_dim3A_3 {strides = array<i32>} : memref<16x112xf32, #tpu.memory_space<vmem>>, vector<16xf32>,
    %swap3A_1417 = arith.constant 13 : i32
    %swap3A_1418 = arith.index_cast %swap3A_1417 : i32 to index
    %swap3A_1419 = arith.constant 0 : index
    %swap3A_1420 = tpu.vector_load %arg18[%swap3A_1418, %swap3A_1419] {strides = array<i32>} : memref<16x112xf32, #tpu.memory_space<vmem>>, vector<16xf32>,
    tpu.vector_store %arg18[%swap3A_1418, %swap3A_1419], %broadcast_in_dim3A_3 {strides = array<i32>} : memref<16x112xf32, #tpu.memory_space<vmem>>, vector<16xf32>,
    %swap3A_1421 = arith.constant 13 : i32
    %swap3A_1422 = arith.index_cast %swap3A_1421 : i32 to index
    %swap3A_1423 = arith.constant 16 : index
    %swap3A_1424 = tpu.vector_load %arg16[%swap3A_1422, %swap3A_1423] {strides = array<i32>} : memref<16x112xf32, #tpu.memory_space<vmem>>, vector<16xf32>,
    tpu.vector_store %arg16[%swap3A_1422, %swap3A_1423], %broadcast_in_dim3A_3 {strides = array<i32>} : memref<16x112xf32, #tpu.memory_space<vmem>>, vector<16xf32>,
    %swap3A_1425 = arith.constant 13 : i32
    %swap3A_1426 = arith.index_cast %swap3A_1425 : i32 to index
    %swap3A_1427 = arith.constant 16 : index
    %swap3A_1428 = tpu.vector_load %arg17[%swap3A_1426, %swap3A_1427] {strides = array<i32>} : memref<16x112xf32, #tpu.memory_space<vmem>>, vector<16xf32>,
    tpu.vector_store %arg17[%swap3A_1426, %swap3A_1427], %broadcast_in_dim3A_3 {strides = array<i32>} : memref<16x112xf32, #tpu.memory_space<vmem>>, vector<16xf32>,
    %swap3A_1429 = arith.constant 13 : i32
    %swap3A_1430 = arith.index_cast %swap3A_1429 : i32 to index
    %swap3A_1431 = arith.constant 16 : index
    %swap3A_1432 = tpu.vector_load %arg18[%swap3A_1430, %swap3A_1431] {strides = array<i32>} : memref<16x112xf32, #tpu.memory_space<vmem>>, vector<16xf32>,
    tpu.vector_store %arg18[%swap3A_1430, %swap3A_1431], %broadcast_in_dim3A_3 {strides = array<i32>} : memref<16x112xf32, #tpu.memory_space<vmem>>, vector<16xf32>,
    %swap3A_1433 = arith.constant 13 : i32
    %swap3A_1434 = arith.index_cast %swap3A_1433 : i32 to index
    %swap3A_1435 = arith.constant 32 : index
    %swap3A_1436 = tpu.vector_load %arg16[%swap3A_1434, %swap3A_1435] {strides = array<i32>} : memref<16x112xf32, #tpu.memory_space<vmem>>, vector<16xf32>,
    tpu.vector_store %arg16[%swap3A_1434, %swap3A_1435], %broadcast_in_dim3A_3 {strides = array<i32>} : memref<16x112xf32, #tpu.memory_space<vmem>>, vector<16xf32>,
    %swap3A_1437 = arith.constant 13 : i32
    %swap3A_1438 = arith.index_cast %swap3A_1437 : i32 to index
    %swap3A_1439 = arith.constant 32 : index
    %swap3A_1440 = tpu.vector_load %arg17[%swap3A_1438, %swap3A_1439] {strides = array<i32>} : memref<16x112xf32, #tpu.memory_space<vmem>>, vector<16xf32>,
    tpu.vector_store %arg17[%swap3A_1438, %swap3A_1439], %broadcast_in_dim3A_3 {strides = array<i32>} : memref<16x112xf32, #tpu.memory_space<vmem>>, vector<16xf32>,
    %swap3A_1441 = arith.constant 13 : i32
    %swap3A_1442 = arith.index_cast %swap3A_1441 : i32 to index
    %swap3A_1443 = arith.constant 32 : index
    %swap3A_1444 = tpu.vector_load %arg18[%swap3A_1442, %swap3A_1443] {strides = array<i32>} : memref<16x112xf32, #tpu.memory_space<vmem>>, vector<16xf32>,
    tpu.vector_store %arg18[%swap3A_1442, %swap3A_1443], %broadcast_in_dim3A_3 {strides = array<i32>} : memref<16x112xf32, #tpu.memory_space<vmem>>, vector<16xf32>,
    %swap3A_1445 = arith.constant 13 : i32
    %swap3A_1446 = arith.index_cast %swap3A_1445 : i32 to index
    %swap3A_1447 = arith.constant 48 : index
    %swap3A_1448 = tpu.vector_load %arg16[%swap3A_1446, %swap3A_1447] {strides = array<i32>} : memref<16x112xf32, #tpu.memory_space<vmem>>, vector<16xf32>,
    tpu.vector_store %arg16[%swap3A_1446, %swap3A_1447], %broadcast_in_dim3A_3 {strides = array<i32>} : memref<16x112xf32, #tpu.memory_space<vmem>>, vector<16xf32>,
    %swap3A_1449 = arith.constant 13 : i32
    %swap3A_1450 = arith.index_cast %swap3A_1449 : i32 to index
    %swap3A_1451 = arith.constant 48 : index
    %swap3A_1452 = tpu.vector_load %arg17[%swap3A_1450, %swap3A_1451] {strides = array<i32>} : memref<16x112xf32, #tpu.memory_space<vmem>>, vector<16xf32>,
    tpu.vector_store %arg17[%swap3A_1450, %swap3A_1451], %broadcast_in_dim3A_3 {strides = array<i32>} : memref<16x112xf32, #tpu.memory_space<vmem>>, vector<16xf32>,
    %swap3A_1453 = arith.constant 13 : i32
    %swap3A_1454 = arith.index_cast %swap3A_1453 : i32 to index
    %swap3A_1455 = arith.constant 48 : index
    %swap3A_1456 = tpu.vector_load %arg18[%swap3A_1454, %swap3A_1455] {strides = array<i32>} : memref<16x112xf32, #tpu.memory_space<vmem>>, vector<16xf32>,
    tpu.vector_store %arg18[%swap3A_1454, %swap3A_1455], %broadcast_in_dim3A_3 {strides = array<i32>} : memref<16x112xf32, #tpu.memory_space<vmem>>, vector<16xf32>,
    %swap3A_1457 = arith.constant 13 : i32
    %swap3A_1458 = arith.index_cast %swap3A_1457 : i32 to index
    %swap3A_1459 = arith.constant 64 : index
    %swap3A_1460 = tpu.vector_load %arg16[%swap3A_1458, %swap3A_1459] {strides = array<i32>} : memref<16x112xf32, #tpu.memory_space<vmem>>, vector<16xf32>,
    tpu.vector_store %arg16[%swap3A_1458, %swap3A_1459], %broadcast_in_dim3A_3 {strides = array<i32>} : memref<16x112xf32, #tpu.memory_space<vmem>>, vector<16xf32>,
    %swap3A_1461 = arith.constant 13 : i32
    %swap3A_1462 = arith.index_cast %swap3A_1461 : i32 to index
    %swap3A_1463 = arith.constant 64 : index
    %swap3A_1464 = tpu.vector_load %arg17[%swap3A_1462, %swap3A_1463] {strides = array<i32>} : memref<16x112xf32, #tpu.memory_space<vmem>>, vector<16xf32>,
    tpu.vector_store %arg17[%swap3A_1462, %swap3A_1463], %broadcast_in_dim3A_3 {strides = array<i32>} : memref<16x112xf32, #tpu.memory_space<vmem>>, vector<16xf32>,
    %swap3A_1465 = arith.constant 13 : i32
    %swap3A_1466 = arith.index_cast %swap3A_1465 : i32 to index
    %swap3A_1467 = arith.constant 64 : index
    %swap3A_1468 = tpu.vector_load %arg18[%swap3A_1466, %swap3A_1467] {strides = array<i32>} : memref<16x112xf32, #tpu.memory_space<vmem>>, vector<16xf32>,
    tpu.vector_store %arg18[%swap3A_1466, %swap3A_1467], %broadcast_in_dim3A_3 {strides = array<i32>} : memref<16x112xf32, #tpu.memory_space<vmem>>, vector<16xf32>,
    %swap3A_1469 = arith.constant 13 : i32
    %swap3A_1470 = arith.index_cast %swap3A_1469 : i32 to index
    %swap3A_1471 = arith.constant 80 : index
    %swap3A_1472 = tpu.vector_load %arg16[%swap3A_1470, %swap3A_1471] {strides = array<i32>} : memref<16x112xf32, #tpu.memory_space<vmem>>, vector<16xf32>,
    tpu.vector_store %arg16[%swap3A_1470, %swap3A_1471], %broadcast_in_dim3A_3 {strides = array<i32>} : memref<16x112xf32, #tpu.memory_space<vmem>>, vector<16xf32>,
    %swap3A_1473 = arith.constant 13 : i32
    %swap3A_1474 = arith.index_cast %swap3A_1473 : i32 to index
    %swap3A_1475 = arith.constant 80 : index
    %swap3A_1476 = tpu.vector_load %arg17[%swap3A_1474, %swap3A_1475] {strides = array<i32>} : memref<16x112xf32, #tpu.memory_space<vmem>>, vector<16xf32>,
    tpu.vector_store %arg17[%swap3A_1474, %swap3A_1475], %broadcast_in_dim3A_3 {strides = array<i32>} : memref<16x112xf32, #tpu.memory_space<vmem>>, vector<16xf32>,
    %swap3A_1477 = arith.constant 13 : i32
    %swap3A_1478 = arith.index_cast %swap3A_1477 : i32 to index
    %swap3A_1479 = arith.constant 80 : index
    %swap3A_1480 = tpu.vector_load %arg18[%swap3A_1478, %swap3A_1479] {strides = array<i32>} : memref<16x112xf32, #tpu.memory_space<vmem>>, vector<16xf32>,
    tpu.vector_store %arg18[%swap3A_1478, %swap3A_1479], %broadcast_in_dim3A_3 {strides = array<i32>} : memref<16x112xf32, #tpu.memory_space<vmem>>, vector<16xf32>,
    %swap3A_1481 = arith.constant 13 : i32
    %swap3A_1482 = arith.index_cast %swap3A_1481 : i32 to index
    %swap3A_1483 = arith.constant 96 : index
    %swap3A_1484 = tpu.vector_load %arg16[%swap3A_1482, %swap3A_1483] {strides = array<i32>} : memref<16x112xf32, #tpu.memory_space<vmem>>, vector<16xf32>,
    tpu.vector_store %arg16[%swap3A_1482, %swap3A_1483], %broadcast_in_dim3A_3 {strides = array<i32>} : memref<16x112xf32, #tpu.memory_space<vmem>>, vector<16xf32>,
    %swap3A_1485 = arith.constant 13 : i32
    %swap3A_1486 = arith.index_cast %swap3A_1485 : i32 to index
    %swap3A_1487 = arith.constant 96 : index
    %swap3A_1488 = tpu.vector_load %arg17[%swap3A_1486, %swap3A_1487] {strides = array<i32>} : memref<16x112xf32, #tpu.memory_space<vmem>>, vector<16xf32>,
    tpu.vector_store %arg17[%swap3A_1486, %swap3A_1487], %broadcast_in_dim3A_3 {strides = array<i32>} : memref<16x112xf32, #tpu.memory_space<vmem>>, vector<16xf32>,
    %swap3A_1489 = arith.constant 13 : i32
    %swap3A_1490 = arith.index_cast %swap3A_1489 : i32 to index
    %swap3A_1491 = arith.constant 96 : index
    %swap3A_1492 = tpu.vector_load %arg18[%swap3A_1490, %swap3A_1491] {strides = array<i32>} : memref<16x112xf32, #tpu.memory_space<vmem>>, vector<16xf32>,
    tpu.vector_store %arg18[%swap3A_1490, %swap3A_1491], %broadcast_in_dim3A_3 {strides = array<i32>} : memref<16x112xf32, #tpu.memory_space<vmem>>, vector<16xf32>,
    %swap3A_1493 = arith.constant 13 : i32
    %swap3A_1494 = arith.index_cast %swap3A_1493 : i32 to index
    %swap3A_1495 = arith.constant 0 : index
    %swap3A_1496 = tpu.vector_load %arg19[%swap3A_1494, %swap3A_1495] {strides = array<i32>} : memref<16x32xf32, #tpu.memory_space<vmem>>, vector<16xf32>,
    tpu.vector_store %arg19[%swap3A_1494, %swap3A_1495], %broadcast_in_dim3A_3 {strides = array<i32>} : memref<16x32xf32, #tpu.memory_space<vmem>>, vector<16xf32>,
    %swap3A_1497 = arith.constant 13 : i32
    %swap3A_1498 = arith.index_cast %swap3A_1497 : i32 to index
    %swap3A_1499 = arith.constant 0 : index
    %swap3A_1500 = tpu.vector_load %arg20[%swap3A_1498, %swap3A_1499] {strides = array<i32>} : memref<16x32xf32, #tpu.memory_space<vmem>>, vector<16xf32>,
    tpu.vector_store %arg20[%swap3A_1498, %swap3A_1499], %broadcast_in_dim3A_3 {strides = array<i32>} : memref<16x32xf32, #tpu.memory_space<vmem>>, vector<16xf32>,
    %swap3A_1501 = arith.constant 13 : i32
    %swap3A_1502 = arith.index_cast %swap3A_1501 : i32 to index
    %swap3A_1503 = arith.constant 0 : index
    %swap3A_1504 = tpu.vector_load %arg21[%swap3A_1502, %swap3A_1503] {strides = array<i32>} : memref<16x32xf32, #tpu.memory_space<vmem>>, vector<16xf32>,
    tpu.vector_store %arg21[%swap3A_1502, %swap3A_1503], %broadcast_in_dim3A_3 {strides = array<i32>} : memref<16x32xf32, #tpu.memory_space<vmem>>, vector<16xf32>,
    %swap3A_1505 = arith.constant 13 : i32
    %swap3A_1506 = arith.index_cast %swap3A_1505 : i32 to index
    %swap3A_1507 = arith.constant 16 : index
    %swap3A_1508 = tpu.vector_load %arg19[%swap3A_1506, %swap3A_1507] {strides = array<i32>} : memref<16x32xf32, #tpu.memory_space<vmem>>, vector<16xf32>,
    tpu.vector_store %arg19[%swap3A_1506, %swap3A_1507], %broadcast_in_dim3A_3 {strides = array<i32>} : memref<16x32xf32, #tpu.memory_space<vmem>>, vector<16xf32>,
    %swap3A_1509 = arith.constant 13 : i32
    %swap3A_1510 = arith.index_cast %swap3A_1509 : i32 to index
    %swap3A_1511 = arith.constant 16 : index
    %swap3A_1512 = tpu.vector_load %arg20[%swap3A_1510, %swap3A_1511] {strides = array<i32>} : memref<16x32xf32, #tpu.memory_space<vmem>>, vector<16xf32>,
    tpu.vector_store %arg20[%swap3A_1510, %swap3A_1511], %broadcast_in_dim3A_3 {strides = array<i32>} : memref<16x32xf32, #tpu.memory_space<vmem>>, vector<16xf32>,
    %swap3A_1513 = arith.constant 13 : i32
    %swap3A_1514 = arith.index_cast %swap3A_1513 : i32 to index
    %swap3A_1515 = arith.constant 16 : index
    %swap3A_1516 = tpu.vector_load %arg21[%swap3A_1514, %swap3A_1515] {strides = array<i32>} : memref<16x32xf32, #tpu.memory_space<vmem>>, vector<16xf32>,
    tpu.vector_store %arg21[%swap3A_1514, %swap3A_1515], %broadcast_in_dim3A_3 {strides = array<i32>} : memref<16x32xf32, #tpu.memory_space<vmem>>, vector<16xf32>,
    %swap3A_1517 = arith.constant 14 : i32
    %swap3A_1518 = arith.index_cast %swap3A_1517 : i32 to index
    %swap3A_1519 = arith.constant 0 : index
    %swap3A_1520 = tpu.vector_load %arg16[%swap3A_1518, %swap3A_1519] {strides = array<i32>} : memref<16x112xf32, #tpu.memory_space<vmem>>, vector<16xf32>,
    tpu.vector_store %arg16[%swap3A_1518, %swap3A_1519], %broadcast_in_dim3A_3 {strides = array<i32>} : memref<16x112xf32, #tpu.memory_space<vmem>>, vector<16xf32>,
    %swap3A_1521 = arith.constant 14 : i32
    %swap3A_1522 = arith.index_cast %swap3A_1521 : i32 to index
    %swap3A_1523 = arith.constant 0 : index
    %swap3A_1524 = tpu.vector_load %arg17[%swap3A_1522, %swap3A_1523] {strides = array<i32>} : memref<16x112xf32, #tpu.memory_space<vmem>>, vector<16xf32>,
    tpu.vector_store %arg17[%swap3A_1522, %swap3A_1523], %broadcast_in_dim3A_3 {strides = array<i32>} : memref<16x112xf32, #tpu.memory_space<vmem>>, vector<16xf32>,
    %swap3A_1525 = arith.constant 14 : i32
    %swap3A_1526 = arith.index_cast %swap3A_1525 : i32 to index
    %swap3A_1527 = arith.constant 0 : index
    %swap3A_1528 = tpu.vector_load %arg18[%swap3A_1526, %swap3A_1527] {strides = array<i32>} : memref<16x112xf32, #tpu.memory_space<vmem>>, vector<16xf32>,
    tpu.vector_store %arg18[%swap3A_1526, %swap3A_1527], %broadcast_in_dim3A_3 {strides = array<i32>} : memref<16x112xf32, #tpu.memory_space<vmem>>, vector<16xf32>,
    %swap3A_1529 = arith.constant 14 : i32
    %swap3A_1530 = arith.index_cast %swap3A_1529 : i32 to index
    %swap3A_1531 = arith.constant 16 : index
    %swap3A_1532 = tpu.vector_load %arg16[%swap3A_1530, %swap3A_1531] {strides = array<i32>} : memref<16x112xf32, #tpu.memory_space<vmem>>, vector<16xf32>,
    tpu.vector_store %arg16[%swap3A_1530, %swap3A_1531], %broadcast_in_dim3A_3 {strides = array<i32>} : memref<16x112xf32, #tpu.memory_space<vmem>>, vector<16xf32>,
    %swap3A_1533 = arith.constant 14 : i32
    %swap3A_1534 = arith.index_cast %swap3A_1533 : i32 to index
    %swap3A_1535 = arith.constant 16 : index
    %swap3A_1536 = tpu.vector_load %arg17[%swap3A_1534, %swap3A_1535] {strides = array<i32>} : memref<16x112xf32, #tpu.memory_space<vmem>>, vector<16xf32>,
    tpu.vector_store %arg17[%swap3A_1534, %swap3A_1535], %broadcast_in_dim3A_3 {strides = array<i32>} : memref<16x112xf32, #tpu.memory_space<vmem>>, vector<16xf32>,
    %swap3A_1537 = arith.constant 14 : i32
    %swap3A_1538 = arith.index_cast %swap3A_1537 : i32 to index
    %swap3A_1539 = arith.constant 16 : index
    %swap3A_1540 = tpu.vector_load %arg18[%swap3A_1538, %swap3A_1539] {strides = array<i32>} : memref<16x112xf32, #tpu.memory_space<vmem>>, vector<16xf32>,
    tpu.vector_store %arg18[%swap3A_1538, %swap3A_1539], %broadcast_in_dim3A_3 {strides = array<i32>} : memref<16x112xf32, #tpu.memory_space<vmem>>, vector<16xf32>,
    %swap3A_1541 = arith.constant 14 : i32
    %swap3A_1542 = arith.index_cast %swap3A_1541 : i32 to index
    %swap3A_1543 = arith.constant 32 : index
    %swap3A_1544 = tpu.vector_load %arg16[%swap3A_1542, %swap3A_1543] {strides = array<i32>} : memref<16x112xf32, #tpu.memory_space<vmem>>, vector<16xf32>,
    tpu.vector_store %arg16[%swap3A_1542, %swap3A_1543], %broadcast_in_dim3A_3 {strides = array<i32>} : memref<16x112xf32, #tpu.memory_space<vmem>>, vector<16xf32>,
    %swap3A_1545 = arith.constant 14 : i32
    %swap3A_1546 = arith.index_cast %swap3A_1545 : i32 to index
    %swap3A_1547 = arith.constant 32 : index
    %swap3A_1548 = tpu.vector_load %arg17[%swap3A_1546, %swap3A_1547] {strides = array<i32>} : memref<16x112xf32, #tpu.memory_space<vmem>>, vector<16xf32>,
    tpu.vector_store %arg17[%swap3A_1546, %swap3A_1547], %broadcast_in_dim3A_3 {strides = array<i32>} : memref<16x112xf32, #tpu.memory_space<vmem>>, vector<16xf32>,
    %swap3A_1549 = arith.constant 14 : i32
    %swap3A_1550 = arith.index_cast %swap3A_1549 : i32 to index
    %swap3A_1551 = arith.constant 32 : index
    %swap3A_1552 = tpu.vector_load %arg18[%swap3A_1550, %swap3A_1551] {strides = array<i32>} : memref<16x112xf32, #tpu.memory_space<vmem>>, vector<16xf32>,
    tpu.vector_store %arg18[%swap3A_1550, %swap3A_1551], %broadcast_in_dim3A_3 {strides = array<i32>} : memref<16x112xf32, #tpu.memory_space<vmem>>, vector<16xf32>,
    %swap3A_1553 = arith.constant 14 : i32
    %swap3A_1554 = arith.index_cast %swap3A_1553 : i32 to index
    %swap3A_1555 = arith.constant 48 : index
    %swap3A_1556 = tpu.vector_load %arg16[%swap3A_1554, %swap3A_1555] {strides = array<i32>} : memref<16x112xf32, #tpu.memory_space<vmem>>, vector<16xf32>,
    tpu.vector_store %arg16[%swap3A_1554, %swap3A_1555], %broadcast_in_dim3A_3 {strides = array<i32>} : memref<16x112xf32, #tpu.memory_space<vmem>>, vector<16xf32>,
    %swap3A_1557 = arith.constant 14 : i32
    %swap3A_1558 = arith.index_cast %swap3A_1557 : i32 to index
    %swap3A_1559 = arith.constant 48 : index
    %swap3A_1560 = tpu.vector_load %arg17[%swap3A_1558, %swap3A_1559] {strides = array<i32>} : memref<16x112xf32, #tpu.memory_space<vmem>>, vector<16xf32>,
    tpu.vector_store %arg17[%swap3A_1558, %swap3A_1559], %broadcast_in_dim3A_3 {strides = array<i32>} : memref<16x112xf32, #tpu.memory_space<vmem>>, vector<16xf32>,
    %swap3A_1561 = arith.constant 14 : i32
    %swap3A_1562 = arith.index_cast %swap3A_1561 : i32 to index
    %swap3A_1563 = arith.constant 48 : index
    %swap3A_1564 = tpu.vector_load %arg18[%swap3A_1562, %swap3A_1563] {strides = array<i32>} : memref<16x112xf32, #tpu.memory_space<vmem>>, vector<16xf32>,
    tpu.vector_store %arg18[%swap3A_1562, %swap3A_1563], %broadcast_in_dim3A_3 {strides = array<i32>} : memref<16x112xf32, #tpu.memory_space<vmem>>, vector<16xf32>,
    %swap3A_1565 = arith.constant 14 : i32
    %swap3A_1566 = arith.index_cast %swap3A_1565 : i32 to index
    %swap3A_1567 = arith.constant 64 : index
    %swap3A_1568 = tpu.vector_load %arg16[%swap3A_1566, %swap3A_1567] {strides = array<i32>} : memref<16x112xf32, #tpu.memory_space<vmem>>, vector<16xf32>,
    tpu.vector_store %arg16[%swap3A_1566, %swap3A_1567], %broadcast_in_dim3A_3 {strides = array<i32>} : memref<16x112xf32, #tpu.memory_space<vmem>>, vector<16xf32>,
    %swap3A_1569 = arith.constant 14 : i32
    %swap3A_1570 = arith.index_cast %swap3A_1569 : i32 to index
    %swap3A_1571 = arith.constant 64 : index
    %swap3A_1572 = tpu.vector_load %arg17[%swap3A_1570, %swap3A_1571] {strides = array<i32>} : memref<16x112xf32, #tpu.memory_space<vmem>>, vector<16xf32>,
    tpu.vector_store %arg17[%swap3A_1570, %swap3A_1571], %broadcast_in_dim3A_3 {strides = array<i32>} : memref<16x112xf32, #tpu.memory_space<vmem>>, vector<16xf32>,
    %swap3A_1573 = arith.constant 14 : i32
    %swap3A_1574 = arith.index_cast %swap3A_1573 : i32 to index
    %swap3A_1575 = arith.constant 64 : index
    %swap3A_1576 = tpu.vector_load %arg18[%swap3A_1574, %swap3A_1575] {strides = array<i32>} : memref<16x112xf32, #tpu.memory_space<vmem>>, vector<16xf32>,
    tpu.vector_store %arg18[%swap3A_1574, %swap3A_1575], %broadcast_in_dim3A_3 {strides = array<i32>} : memref<16x112xf32, #tpu.memory_space<vmem>>, vector<16xf32>,
    %swap3A_1577 = arith.constant 14 : i32
    %swap3A_1578 = arith.index_cast %swap3A_1577 : i32 to index
    %swap3A_1579 = arith.constant 80 : index
    %swap3A_1580 = tpu.vector_load %arg16[%swap3A_1578, %swap3A_1579] {strides = array<i32>} : memref<16x112xf32, #tpu.memory_space<vmem>>, vector<16xf32>,
    tpu.vector_store %arg16[%swap3A_1578, %swap3A_1579], %broadcast_in_dim3A_3 {strides = array<i32>} : memref<16x112xf32, #tpu.memory_space<vmem>>, vector<16xf32>,
    %swap3A_1581 = arith.constant 14 : i32
    %swap3A_1582 = arith.index_cast %swap3A_1581 : i32 to index
    %swap3A_1583 = arith.constant 80 : index
    %swap3A_1584 = tpu.vector_load %arg17[%swap3A_1582, %swap3A_1583] {strides = array<i32>} : memref<16x112xf32, #tpu.memory_space<vmem>>, vector<16xf32>,
    tpu.vector_store %arg17[%swap3A_1582, %swap3A_1583], %broadcast_in_dim3A_3 {strides = array<i32>} : memref<16x112xf32, #tpu.memory_space<vmem>>, vector<16xf32>,
    %swap3A_1585 = arith.constant 14 : i32
    %swap3A_1586 = arith.index_cast %swap3A_1585 : i32 to index
    %swap3A_1587 = arith.constant 80 : index
    %swap3A_1588 = tpu.vector_load %arg18[%swap3A_1586, %swap3A_1587] {strides = array<i32>} : memref<16x112xf32, #tpu.memory_space<vmem>>, vector<16xf32>,
    tpu.vector_store %arg18[%swap3A_1586, %swap3A_1587], %broadcast_in_dim3A_3 {strides = array<i32>} : memref<16x112xf32, #tpu.memory_space<vmem>>, vector<16xf32>,
    %swap3A_1589 = arith.constant 14 : i32
    %swap3A_1590 = arith.index_cast %swap3A_1589 : i32 to index
    %swap3A_1591 = arith.constant 96 : index
    %swap3A_1592 = tpu.vector_load %arg16[%swap3A_1590, %swap3A_1591] {strides = array<i32>} : memref<16x112xf32, #tpu.memory_space<vmem>>, vector<16xf32>,
    tpu.vector_store %arg16[%swap3A_1590, %swap3A_1591], %broadcast_in_dim3A_3 {strides = array<i32>} : memref<16x112xf32, #tpu.memory_space<vmem>>, vector<16xf32>,
    %swap3A_1593 = arith.constant 14 : i32
    %swap3A_1594 = arith.index_cast %swap3A_1593 : i32 to index
    %swap3A_1595 = arith.constant 96 : index
    %swap3A_1596 = tpu.vector_load %arg17[%swap3A_1594, %swap3A_1595] {strides = array<i32>} : memref<16x112xf32, #tpu.memory_space<vmem>>, vector<16xf32>,
    tpu.vector_store %arg17[%swap3A_1594, %swap3A_1595], %broadcast_in_dim3A_3 {strides = array<i32>} : memref<16x112xf32, #tpu.memory_space<vmem>>, vector<16xf32>,
    %swap3A_1597 = arith.constant 14 : i32
    %swap3A_1598 = arith.index_cast %swap3A_1597 : i32 to index
    %swap3A_1599 = arith.constant 96 : index
    %swap3A_1600 = tpu.vector_load %arg18[%swap3A_1598, %swap3A_1599] {strides = array<i32>} : memref<16x112xf32, #tpu.memory_space<vmem>>, vector<16xf32>,
    tpu.vector_store %arg18[%swap3A_1598, %swap3A_1599], %broadcast_in_dim3A_3 {strides = array<i32>} : memref<16x112xf32, #tpu.memory_space<vmem>>, vector<16xf32>,
    %swap3A_1601 = arith.constant 14 : i32
    %swap3A_1602 = arith.index_cast %swap3A_1601 : i32 to index
    %swap3A_1603 = arith.constant 0 : index
    %swap3A_1604 = tpu.vector_load %arg19[%swap3A_1602, %swap3A_1603] {strides = array<i32>} : memref<16x32xf32, #tpu.memory_space<vmem>>, vector<16xf32>,
    tpu.vector_store %arg19[%swap3A_1602, %swap3A_1603], %broadcast_in_dim3A_3 {strides = array<i32>} : memref<16x32xf32, #tpu.memory_space<vmem>>, vector<16xf32>,
    %swap3A_1605 = arith.constant 14 : i32
    %swap3A_1606 = arith.index_cast %swap3A_1605 : i32 to index
    %swap3A_1607 = arith.constant 0 : index
    %swap3A_1608 = tpu.vector_load %arg20[%swap3A_1606, %swap3A_1607] {strides = array<i32>} : memref<16x32xf32, #tpu.memory_space<vmem>>, vector<16xf32>,
    tpu.vector_store %arg20[%swap3A_1606, %swap3A_1607], %broadcast_in_dim3A_3 {strides = array<i32>} : memref<16x32xf32, #tpu.memory_space<vmem>>, vector<16xf32>,
    %swap3A_1609 = arith.constant 14 : i32
    %swap3A_1610 = arith.index_cast %swap3A_1609 : i32 to index
    %swap3A_1611 = arith.constant 0 : index
    %swap3A_1612 = tpu.vector_load %arg21[%swap3A_1610, %swap3A_1611] {strides = array<i32>} : memref<16x32xf32, #tpu.memory_space<vmem>>, vector<16xf32>,
    tpu.vector_store %arg21[%swap3A_1610, %swap3A_1611], %broadcast_in_dim3A_3 {strides = array<i32>} : memref<16x32xf32, #tpu.memory_space<vmem>>, vector<16xf32>,
    %swap3A_1613 = arith.constant 14 : i32
    %swap3A_1614 = arith.index_cast %swap3A_1613 : i32 to index
    %swap3A_1615 = arith.constant 16 : index
    %swap3A_1616 = tpu.vector_load %arg19[%swap3A_1614, %swap3A_1615] {strides = array<i32>} : memref<16x32xf32, #tpu.memory_space<vmem>>, vector<16xf32>,
    tpu.vector_store %arg19[%swap3A_1614, %swap3A_1615], %broadcast_in_dim3A_3 {strides = array<i32>} : memref<16x32xf32, #tpu.memory_space<vmem>>, vector<16xf32>,
    %swap3A_1617 = arith.constant 14 : i32
    %swap3A_1618 = arith.index_cast %swap3A_1617 : i32 to index
    %swap3A_1619 = arith.constant 16 : index
    %swap3A_1620 = tpu.vector_load %arg20[%swap3A_1618, %swap3A_1619] {strides = array<i32>} : memref<16x32xf32, #tpu.memory_space<vmem>>, vector<16xf32>,
    tpu.vector_store %arg20[%swap3A_1618, %swap3A_1619], %broadcast_in_dim3A_3 {strides = array<i32>} : memref<16x32xf32, #tpu.memory_space<vmem>>, vector<16xf32>,
    %swap3A_1621 = arith.constant 14 : i32
    %swap3A_1622 = arith.index_cast %swap3A_1621 : i32 to index
    %swap3A_1623 = arith.constant 16 : index
    %swap3A_1624 = tpu.vector_load %arg21[%swap3A_1622, %swap3A_1623] {strides = array<i32>} : memref<16x32xf32, #tpu.memory_space<vmem>>, vector<16xf32>,
    tpu.vector_store %arg21[%swap3A_1622, %swap3A_1623], %broadcast_in_dim3A_3 {strides = array<i32>} : memref<16x32xf32, #tpu.memory_space<vmem>>, vector<16xf32>,
    %swap3A_1625 = arith.constant 15 : i32
    %swap3A_1626 = arith.index_cast %swap3A_1625 : i32 to index
    %swap3A_1627 = arith.constant 0 : index
    %swap3A_1628 = tpu.vector_load %arg16[%swap3A_1626, %swap3A_1627] {strides = array<i32>} : memref<16x112xf32, #tpu.memory_space<vmem>>, vector<16xf32>,
    tpu.vector_store %arg16[%swap3A_1626, %swap3A_1627], %broadcast_in_dim3A_3 {strides = array<i32>} : memref<16x112xf32, #tpu.memory_space<vmem>>, vector<16xf32>,
    %swap3A_1629 = arith.constant 15 : i32
    %swap3A_1630 = arith.index_cast %swap3A_1629 : i32 to index
    %swap3A_1631 = arith.constant 0 : index
    %swap3A_1632 = tpu.vector_load %arg17[%swap3A_1630, %swap3A_1631] {strides = array<i32>} : memref<16x112xf32, #tpu.memory_space<vmem>>, vector<16xf32>,
    tpu.vector_store %arg17[%swap3A_1630, %swap3A_1631], %broadcast_in_dim3A_3 {strides = array<i32>} : memref<16x112xf32, #tpu.memory_space<vmem>>, vector<16xf32>,
    %swap3A_1633 = arith.constant 15 : i32
    %swap3A_1634 = arith.index_cast %swap3A_1633 : i32 to index
    %swap3A_1635 = arith.constant 0 : index
    %swap3A_1636 = tpu.vector_load %arg18[%swap3A_1634, %swap3A_1635] {strides = array<i32>} : memref<16x112xf32, #tpu.memory_space<vmem>>, vector<16xf32>,
    tpu.vector_store %arg18[%swap3A_1634, %swap3A_1635], %broadcast_in_dim3A_3 {strides = array<i32>} : memref<16x112xf32, #tpu.memory_space<vmem>>, vector<16xf32>,
    %swap3A_1637 = arith.constant 15 : i32
    %swap3A_1638 = arith.index_cast %swap3A_1637 : i32 to index
    %swap3A_1639 = arith.constant 16 : index
    %swap3A_1640 = tpu.vector_load %arg16[%swap3A_1638, %swap3A_1639] {strides = array<i32>} : memref<16x112xf32, #tpu.memory_space<vmem>>, vector<16xf32>,
    tpu.vector_store %arg16[%swap3A_1638, %swap3A_1639], %broadcast_in_dim3A_3 {strides = array<i32>} : memref<16x112xf32, #tpu.memory_space<vmem>>, vector<16xf32>,
    %swap3A_1641 = arith.constant 15 : i32
    %swap3A_1642 = arith.index_cast %swap3A_1641 : i32 to index
    %swap3A_1643 = arith.constant 16 : index
    %swap3A_1644 = tpu.vector_load %arg17[%swap3A_1642, %swap3A_1643] {strides = array<i32>} : memref<16x112xf32, #tpu.memory_space<vmem>>, vector<16xf32>,
    tpu.vector_store %arg17[%swap3A_1642, %swap3A_1643], %broadcast_in_dim3A_3 {strides = array<i32>} : memref<16x112xf32, #tpu.memory_space<vmem>>, vector<16xf32>,
    %swap3A_1645 = arith.constant 15 : i32
    %swap3A_1646 = arith.index_cast %swap3A_1645 : i32 to index
    %swap3A_1647 = arith.constant 16 : index
    %swap3A_1648 = tpu.vector_load %arg18[%swap3A_1646, %swap3A_1647] {strides = array<i32>} : memref<16x112xf32, #tpu.memory_space<vmem>>, vector<16xf32>,
    tpu.vector_store %arg18[%swap3A_1646, %swap3A_1647], %broadcast_in_dim3A_3 {strides = array<i32>} : memref<16x112xf32, #tpu.memory_space<vmem>>, vector<16xf32>,
    %swap3A_1649 = arith.constant 15 : i32
    %swap3A_1650 = arith.index_cast %swap3A_1649 : i32 to index
    %swap3A_1651 = arith.constant 32 : index
    %swap3A_1652 = tpu.vector_load %arg16[%swap3A_1650, %swap3A_1651] {strides = array<i32>} : memref<16x112xf32, #tpu.memory_space<vmem>>, vector<16xf32>,
    tpu.vector_store %arg16[%swap3A_1650, %swap3A_1651], %broadcast_in_dim3A_3 {strides = array<i32>} : memref<16x112xf32, #tpu.memory_space<vmem>>, vector<16xf32>,
    %swap3A_1653 = arith.constant 15 : i32
    %swap3A_1654 = arith.index_cast %swap3A_1653 : i32 to index
    %swap3A_1655 = arith.constant 32 : index
    %swap3A_1656 = tpu.vector_load %arg17[%swap3A_1654, %swap3A_1655] {strides = array<i32>} : memref<16x112xf32, #tpu.memory_space<vmem>>, vector<16xf32>,
    tpu.vector_store %arg17[%swap3A_1654, %swap3A_1655], %broadcast_in_dim3A_3 {strides = array<i32>} : memref<16x112xf32, #tpu.memory_space<vmem>>, vector<16xf32>,
    %swap3A_1657 = arith.constant 15 : i32
    %swap3A_1658 = arith.index_cast %swap3A_1657 : i32 to index
    %swap3A_1659 = arith.constant 32 : index
    %swap3A_1660 = tpu.vector_load %arg18[%swap3A_1658, %swap3A_1659] {strides = array<i32>} : memref<16x112xf32, #tpu.memory_space<vmem>>, vector<16xf32>,
    tpu.vector_store %arg18[%swap3A_1658, %swap3A_1659], %broadcast_in_dim3A_3 {strides = array<i32>} : memref<16x112xf32, #tpu.memory_space<vmem>>, vector<16xf32>,
    %swap3A_1661 = arith.constant 15 : i32
    %swap3A_1662 = arith.index_cast %swap3A_1661 : i32 to index
    %swap3A_1663 = arith.constant 48 : index
    %swap3A_1664 = tpu.vector_load %arg16[%swap3A_1662, %swap3A_1663] {strides = array<i32>} : memref<16x112xf32, #tpu.memory_space<vmem>>, vector<16xf32>,
    tpu.vector_store %arg16[%swap3A_1662, %swap3A_1663], %broadcast_in_dim3A_3 {strides = array<i32>} : memref<16x112xf32, #tpu.memory_space<vmem>>, vector<16xf32>,
    %swap3A_1665 = arith.constant 15 : i32
    %swap3A_1666 = arith.index_cast %swap3A_1665 : i32 to index
    %swap3A_1667 = arith.constant 48 : index
    %swap3A_1668 = tpu.vector_load %arg17[%swap3A_1666, %swap3A_1667] {strides = array<i32>} : memref<16x112xf32, #tpu.memory_space<vmem>>, vector<16xf32>,
    tpu.vector_store %arg17[%swap3A_1666, %swap3A_1667], %broadcast_in_dim3A_3 {strides = array<i32>} : memref<16x112xf32, #tpu.memory_space<vmem>>, vector<16xf32>,
    %swap3A_1669 = arith.constant 15 : i32
    %swap3A_1670 = arith.index_cast %swap3A_1669 : i32 to index
    %swap3A_1671 = arith.constant 48 : index
    %swap3A_1672 = tpu.vector_load %arg18[%swap3A_1670, %swap3A_1671] {strides = array<i32>} : memref<16x112xf32, #tpu.memory_space<vmem>>, vector<16xf32>,
    tpu.vector_store %arg18[%swap3A_1670, %swap3A_1671], %broadcast_in_dim3A_3 {strides = array<i32>} : memref<16x112xf32, #tpu.memory_space<vmem>>, vector<16xf32>,
    %swap3A_1673 = arith.constant 15 : i32
    %swap3A_1674 = arith.index_cast %swap3A_1673 : i32 to index
    %swap3A_1675 = arith.constant 64 : index
    %swap3A_1676 = tpu.vector_load %arg16[%swap3A_1674, %swap3A_1675] {strides = array<i32>} : memref<16x112xf32, #tpu.memory_space<vmem>>, vector<16xf32>,
    tpu.vector_store %arg16[%swap3A_1674, %swap3A_1675], %broadcast_in_dim3A_3 {strides = array<i32>} : memref<16x112xf32, #tpu.memory_space<vmem>>, vector<16xf32>,
    %swap3A_1677 = arith.constant 15 : i32
    %swap3A_1678 = arith.index_cast %swap3A_1677 : i32 to index
    %swap3A_1679 = arith.constant 64 : index
    %swap3A_1680 = tpu.vector_load %arg17[%swap3A_1678, %swap3A_1679] {strides = array<i32>} : memref<16x112xf32, #tpu.memory_space<vmem>>, vector<16xf32>,
    tpu.vector_store %arg17[%swap3A_1678, %swap3A_1679], %broadcast_in_dim3A_3 {strides = array<i32>} : memref<16x112xf32, #tpu.memory_space<vmem>>, vector<16xf32>,
    %swap3A_1681 = arith.constant 15 : i32
    %swap3A_1682 = arith.index_cast %swap3A_1681 : i32 to index
    %swap3A_1683 = arith.constant 64 : index
    %swap3A_1684 = tpu.vector_load %arg18[%swap3A_1682, %swap3A_1683] {strides = array<i32>} : memref<16x112xf32, #tpu.memory_space<vmem>>, vector<16xf32>,
    tpu.vector_store %arg18[%swap3A_1682, %swap3A_1683], %broadcast_in_dim3A_3 {strides = array<i32>} : memref<16x112xf32, #tpu.memory_space<vmem>>, vector<16xf32>,
    %swap3A_1685 = arith.constant 15 : i32
    %swap3A_1686 = arith.index_cast %swap3A_1685 : i32 to index
    %swap3A_1687 = arith.constant 80 : index
    %swap3A_1688 = tpu.vector_load %arg16[%swap3A_1686, %swap3A_1687] {strides = array<i32>} : memref<16x112xf32, #tpu.memory_space<vmem>>, vector<16xf32>,
    tpu.vector_store %arg16[%swap3A_1686, %swap3A_1687], %broadcast_in_dim3A_3 {strides = array<i32>} : memref<16x112xf32, #tpu.memory_space<vmem>>, vector<16xf32>,
    %swap3A_1689 = arith.constant 15 : i32
    %swap3A_1690 = arith.index_cast %swap3A_1689 : i32 to index
    %swap3A_1691 = arith.constant 80 : index
    %swap3A_1692 = tpu.vector_load %arg17[%swap3A_1690, %swap3A_1691] {strides = array<i32>} : memref<16x112xf32, #tpu.memory_space<vmem>>, vector<16xf32>,
    tpu.vector_store %arg17[%swap3A_1690, %swap3A_1691], %broadcast_in_dim3A_3 {strides = array<i32>} : memref<16x112xf32, #tpu.memory_space<vmem>>, vector<16xf32>,
    %swap3A_1693 = arith.constant 15 : i32
    %swap3A_1694 = arith.index_cast %swap3A_1693 : i32 to index
    %swap3A_1695 = arith.constant 80 : index
    %swap3A_1696 = tpu.vector_load %arg18[%swap3A_1694, %swap3A_1695] {strides = array<i32>} : memref<16x112xf32, #tpu.memory_space<vmem>>, vector<16xf32>,
    tpu.vector_store %arg18[%swap3A_1694, %swap3A_1695], %broadcast_in_dim3A_3 {strides = array<i32>} : memref<16x112xf32, #tpu.memory_space<vmem>>, vector<16xf32>,
    %swap3A_1697 = arith.constant 15 : i32
    %swap3A_1698 = arith.index_cast %swap3A_1697 : i32 to index
    %swap3A_1699 = arith.constant 96 : index
    %swap3A_1700 = tpu.vector_load %arg16[%swap3A_1698, %swap3A_1699] {strides = array<i32>} : memref<16x112xf32, #tpu.memory_space<vmem>>, vector<16xf32>,
    tpu.vector_store %arg16[%swap3A_1698, %swap3A_1699], %broadcast_in_dim3A_3 {strides = array<i32>} : memref<16x112xf32, #tpu.memory_space<vmem>>, vector<16xf32>,
    %swap3A_1701 = arith.constant 15 : i32
    %swap3A_1702 = arith.index_cast %swap3A_1701 : i32 to index
    %swap3A_1703 = arith.constant 96 : index
    %swap3A_1704 = tpu.vector_load %arg17[%swap3A_1702, %swap3A_1703] {strides = array<i32>} : memref<16x112xf32, #tpu.memory_space<vmem>>, vector<16xf32>,
    tpu.vector_store %arg17[%swap3A_1702, %swap3A_1703], %broadcast_in_dim3A_3 {strides = array<i32>} : memref<16x112xf32, #tpu.memory_space<vmem>>, vector<16xf32>,
    %swap3A_1705 = arith.constant 15 : i32
    %swap3A_1706 = arith.index_cast %swap3A_1705 : i32 to index
    %swap3A_1707 = arith.constant 96 : index
    %swap3A_1708 = tpu.vector_load %arg18[%swap3A_1706, %swap3A_1707] {strides = array<i32>} : memref<16x112xf32, #tpu.memory_space<vmem>>, vector<16xf32>,
    tpu.vector_store %arg18[%swap3A_1706, %swap3A_1707], %broadcast_in_dim3A_3 {strides = array<i32>} : memref<16x112xf32, #tpu.memory_space<vmem>>, vector<16xf32>,
    %swap3A_1709 = arith.constant 15 : i32
    %swap3A_1710 = arith.index_cast %swap3A_1709 : i32 to index
    %swap3A_1711 = arith.constant 0 : index
    %swap3A_1712 = tpu.vector_load %arg19[%swap3A_1710, %swap3A_1711] {strides = array<i32>} : memref<16x32xf32, #tpu.memory_space<vmem>>, vector<16xf32>,
    tpu.vector_store %arg19[%swap3A_1710, %swap3A_1711], %broadcast_in_dim3A_3 {strides = array<i32>} : memref<16x32xf32, #tpu.memory_space<vmem>>, vector<16xf32>,
    %swap3A_1713 = arith.constant 15 : i32
    %swap3A_1714 = arith.index_cast %swap3A_1713 : i32 to index
    %swap3A_1715 = arith.constant 0 : index
    %swap3A_1716 = tpu.vector_load %arg20[%swap3A_1714, %swap3A_1715] {strides = array<i32>} : memref<16x32xf32, #tpu.memory_space<vmem>>, vector<16xf32>,
    tpu.vector_store %arg20[%swap3A_1714, %swap3A_1715], %broadcast_in_dim3A_3 {strides = array<i32>} : memref<16x32xf32, #tpu.memory_space<vmem>>, vector<16xf32>,
    %swap3A_1717 = arith.constant 15 : i32
    %swap3A_1718 = arith.index_cast %swap3A_1717 : i32 to index
    %swap3A_1719 = arith.constant 0 : index
    %swap3A_1720 = tpu.vector_load %arg21[%swap3A_1718, %swap3A_1719] {strides = array<i32>} : memref<16x32xf32, #tpu.memory_space<vmem>>, vector<16xf32>,
    tpu.vector_store %arg21[%swap3A_1718, %swap3A_1719], %broadcast_in_dim3A_3 {strides = array<i32>} : memref<16x32xf32, #tpu.memory_space<vmem>>, vector<16xf32>,
    %swap3A_1721 = arith.constant 15 : i32
    %swap3A_1722 = arith.index_cast %swap3A_1721 : i32 to index
    %swap3A_1723 = arith.constant 16 : index
    %swap3A_1724 = tpu.vector_load %arg19[%swap3A_1722, %swap3A_1723] {strides = array<i32>} : memref<16x32xf32, #tpu.memory_space<vmem>>, vector<16xf32>,
    tpu.vector_store %arg19[%swap3A_1722, %swap3A_1723], %broadcast_in_dim3A_3 {strides = array<i32>} : memref<16x32xf32, #tpu.memory_space<vmem>>, vector<16xf32>,
    %swap3A_1725 = arith.constant 15 : i32
    %swap3A_1726 = arith.index_cast %swap3A_1725 : i32 to index
    %swap3A_1727 = arith.constant 16 : index
    %swap3A_1728 = tpu.vector_load %arg20[%swap3A_1726, %swap3A_1727] {strides = array<i32>} : memref<16x32xf32, #tpu.memory_space<vmem>>, vector<16xf32>,
    tpu.vector_store %arg20[%swap3A_1726, %swap3A_1727], %broadcast_in_dim3A_3 {strides = array<i32>} : memref<16x32xf32, #tpu.memory_space<vmem>>, vector<16xf32>,
    %swap3A_1729 = arith.constant 15 : i32
    %swap3A_1730 = arith.index_cast %swap3A_1729 : i32 to index
    %swap3A_1731 = arith.constant 16 : index
    %swap3A_1732 = tpu.vector_load %arg21[%swap3A_1730, %swap3A_1731] {strides = array<i32>} : memref<16x32xf32, #tpu.memory_space<vmem>>, vector<16xf32>,
    tpu.vector_store %arg21[%swap3A_1730, %swap3A_1731], %broadcast_in_dim3A_3 {strides = array<i32>} : memref<16x32xf32, #tpu.memory_space<vmem>>, vector<16xf32>,
    %add3A_1733 = arith.constant 0 : i32
    %add3A_1734 = vector.broadcast %add3A_1733 : i32 to vector<16xi32>
    %add3A_1735 = arith.addi %iota3A, %add3A_1734 : vector<16xi32>
    %scan3A = arith.constant 0 : i32
    %scan3A_1736 = arith.constant 200 : i32
    %scan3A_1737 = arith.addi %scan3A, %scan3A_1736 : i32
    %scan3A_1738 = arith.constant 1 : i32
    %scan3A_1739:2 = scf.for %scan3A_3490 = %scan3A to %scan3A_1737 step %scan3A_1738 iter_args(%scan3A_3491 = %broadcast_in_dim3A_3, %scan3A_3492 = %broadcast_in_dim3A_3) -> (vector<16xf32>, vector<16xf32>)  : i32 {
      %broadcast_in_dim3A_3493 = vector.broadcast %scan3A_3490 : i32 to vector<16xi32>
      %gather3A = tpu.vector_load_idx %arg13[%add3A_1735, %broadcast_in_dim3A_3493] : memref<32x200xf32, #tpu.memory_space<vmem>>[vector<16xi32>, vector<16xi32>], vector<16xf32>,
      %gather3A_3494 = tpu.vector_load_idx %arg14[%add3A_1735, %broadcast_in_dim3A_3493] : memref<32x200xi32, #tpu.memory_space<vmem>>[vector<16xi32>, vector<16xi32>], vector<16xi32>,
      %gather3A_3495 = tpu.vector_load_idx %arg15[%add3A_1735, %broadcast_in_dim3A_3493] : memref<32x200xi32, #tpu.memory_space<vmem>>[vector<16xi32>, vector<16xi32>], vector<16xi32>,
      %abs3A = math.absf %gather3A : vector<16xf32>
      %exp3A = math.exp %abs3A : vector<16xf32>
      %sub3A = arith.constant 1.000000e+00 : f32
      %sub3A_3496 = vector.broadcast %sub3A : f32 to vector<16xf32>
      %sub3A_3497 = arith.subf %exp3A, %sub3A_3496 : vector<16xf32>
      %sign3A = tpu.bitcast %gather3A : vector<16xf32> -> vector<16xi32>
      %sign3A_3498 = arith.constant -2147483648 : i32
      %sign3A_3499 = vector.broadcast %sign3A_3498 : i32 to vector<16xi32>
      %sign3A_3500 = arith.andi %sign3A, %sign3A_3499 : vector<16xi32>
      %sign3A_3501 = arith.constant 1065353216 : i32
      %sign3A_3502 = vector.broadcast %sign3A_3501 : i32 to vector<16xi32>
      %sign3A_3503 = arith.ori %sign3A_3502, %sign3A_3500 : vector<16xi32>
      %sign3A_3504 = tpu.bitcast %sign3A_3503 : vector<16xi32> -> vector<16xf32>
      %sign3A_3505 = math.absf %gather3A : vector<16xf32>
      %sign3A_3506 = arith.constant 0.000000e+00 : f32
      %sign3A_3507 = vector.broadcast %sign3A_3506 : f32 to vector<16xf32>
      %sign3A_3508 = arith.cmpf ogt, %sign3A_3505, %sign3A_3507 : vector<16xf32>
      %sign3A_3509 = arith.select %sign3A_3508, %sign3A_3504, %gather3A : vector<16xi1>, vector<16xf32>
      %mul3A_3510 = arith.mulf %sub3A_3497, %sign3A_3509 : vector<16xf32>
      %mul3A_3511 = arith.mulf %mul3A_3510, %mul3A_3510 : vector<16xf32>
      tpu.vector_store_idx %arg16[%iota3A, %gather3A_3494], %broadcast_in_dim3A_5 {add = true} : memref<16x112xf32, #tpu.memory_space<vmem>>[vector<16xi32>, vector<16xi32>], vector<16xf32>,
      tpu.vector_store_idx %arg17[%iota3A, %gather3A_3494], %mul3A_3510 {add = true} : memref<16x112xf32, #tpu.memory_space<vmem>>[vector<16xi32>, vector<16xi32>], vector<16xf32>,
      tpu.vector_store_idx %arg18[%iota3A, %gather3A_3494], %mul3A_3511 {add = true} : memref<16x112xf32, #tpu.memory_space<vmem>>[vector<16xi32>, vector<16xi32>], vector<16xf32>,
      tpu.vector_store_idx %arg19[%iota3A, %gather3A_3495], %broadcast_in_dim3A_5 {add = true} : memref<16x32xf32, #tpu.memory_space<vmem>>[vector<16xi32>, vector<16xi32>], vector<16xf32>,
      tpu.vector_store_idx %arg20[%iota3A, %gather3A_3495], %mul3A_3510 {add = true} : memref<16x32xf32, #tpu.memory_space<vmem>>[vector<16xi32>, vector<16xi32>], vector<16xf32>,
      tpu.vector_store_idx %arg21[%iota3A, %gather3A_3495], %mul3A_3511 {add = true} : memref<16x32xf32, #tpu.memory_space<vmem>>[vector<16xi32>, vector<16xi32>], vector<16xf32>,
      %add3A_3512 = arith.addf %scan3A_3491, %mul3A_3510 : vector<16xf32>
      %add3A_3513 = arith.addf %scan3A_3492, %mul3A_3511 : vector<16xf32>
      scf.yield %add3A_3512, %add3A_3513 : vector<16xf32>, vector<16xf32>
    }
    %scan3A_1740 = arith.constant 200 : i32
    %swap3A_1741 = arith.constant 0 : index
    %swap3A_1742 = tpu.vector_load %arg22[%swap3A_1741] {strides = array<i32>} : memref<16xf32, #tpu.memory_space<vmem>>, vector<16xf32>,
    tpu.vector_store %arg22[%swap3A_1741], %scan3A_1739#0 {strides = array<i32>} : memref<16xf32, #tpu.memory_space<vmem>>, vector<16xf32>,
    %swap3A_1743 = arith.constant 0 : index
    %swap3A_1744 = tpu.vector_load %arg23[%swap3A_1743] {strides = array<i32>} : memref<16xf32, #tpu.memory_space<vmem>>, vector<16xf32>,
    tpu.vector_store %arg23[%swap3A_1743], %scan3A_1739#1 {strides = array<i32>} : memref<16xf32, #tpu.memory_space<vmem>>, vector<16xf32>,
    %add3A_1745 = arith.constant 0 : i32
    %add3A_1746 = arith.addi %mul3A_2, %add3A_1745 : i32
    "tpu.region"() ({
      %run_scoped3A = tpu.sem_alloc : memref<!tpu.dma_semaphore, #tpu.memory_space<semaphore_mem>>
      %dma_start3A = tpu.memref_slice %arg5[%add3A_1746] : memref<1024xf32, #tpu.memory_space<hbm>> -> memref<16xf32, #tpu.memory_space<hbm>>
      %dma_start3A_3490 = tpu.memref_slice %arg5[%add3A_1746] : memref<1024xf32, #tpu.memory_space<hbm>> -> memref<16xf32, #tpu.memory_space<hbm>>
      tpu.enqueue_dma source(%arg22 : memref<16xf32, #tpu.memory_space<vmem>>) target(%dma_start3A_3490 : memref<16xf32, #tpu.memory_space<hbm>>) target_semaphore(%run_scoped3A : memref<!tpu.dma_semaphore, #tpu.memory_space<semaphore_mem>>)
      %dma_wait3A = tpu.memref_slice %arg5[%add3A_1746] : memref<1024xf32, #tpu.memory_space<hbm>> -> memref<16xf32, #tpu.memory_space<hbm>>
      %dma_wait3A_3491 = tpu.memref_slice %arg5[%add3A_1746] : memref<1024xf32, #tpu.memory_space<hbm>> -> memref<16xf32, #tpu.memory_space<hbm>>
      tpu.wait_dma2 semaphore(%run_scoped3A : memref<!tpu.dma_semaphore, #tpu.memory_space<semaphore_mem>>) src(%arg22 : memref<16xf32, #tpu.memory_space<vmem>>) dst(%dma_wait3A_3491 : memref<16xf32, #tpu.memory_space<hbm>>)
      tpu.yield
    }) : () -> ()
    "tpu.region"() ({
      %run_scoped3A = tpu.sem_alloc : memref<!tpu.dma_semaphore, #tpu.memory_space<semaphore_mem>>
      %dma_start3A = tpu.memref_slice %arg6[%add3A_1746] : memref<1024xf32, #tpu.memory_space<hbm>> -> memref<16xf32, #tpu.memory_space<hbm>>
      %dma_start3A_3490 = tpu.memref_slice %arg6[%add3A_1746] : memref<1024xf32, #tpu.memory_space<hbm>> -> memref<16xf32, #tpu.memory_space<hbm>>
      tpu.enqueue_dma source(%arg23 : memref<16xf32, #tpu.memory_space<vmem>>) target(%dma_start3A_3490 : memref<16xf32, #tpu.memory_space<hbm>>) target_semaphore(%run_scoped3A : memref<!tpu.dma_semaphore, #tpu.memory_space<semaphore_mem>>)
      %dma_wait3A = tpu.memref_slice %arg6[%add3A_1746] : memref<1024xf32, #tpu.memory_space<hbm>> -> memref<16xf32, #tpu.memory_space<hbm>>
      %dma_wait3A_3491 = tpu.memref_slice %arg6[%add3A_1746] : memref<1024xf32, #tpu.memory_space<hbm>> -> memref<16xf32, #tpu.memory_space<hbm>>
      tpu.wait_dma2 semaphore(%run_scoped3A : memref<!tpu.dma_semaphore, #tpu.memory_space<semaphore_mem>>) src(%arg23 : memref<16xf32, #tpu.memory_space<vmem>>) dst(%dma_wait3A_3491 : memref<16xf32, #tpu.memory_space<hbm>>)
      tpu.yield
    }) : () -> ()
    "tpu.region"() ({
      %run_scoped3A = tpu.sem_alloc : memref<!tpu.dma_semaphore, #tpu.memory_space<semaphore_mem>>
      %dma_start3A = arith.constant 0 : i32
      %dma_start3A_3490 = tpu.memref_slice %arg7[%add3A_1746, %dma_start3A] : memref<1024x112xf32, #tpu.memory_space<hbm>> -> memref<16x112xf32, #tpu.memory_space<hbm>>
      %dma_start3A_3491 = arith.constant 0 : i32
      %dma_start3A_3492 = tpu.memref_slice %arg7[%add3A_1746, %dma_start3A_3491] : memref<1024x112xf32, #tpu.memory_space<hbm>> -> memref<16x112xf32, #tpu.memory_space<hbm>>
      tpu.enqueue_dma source(%arg16 : memref<16x112xf32, #tpu.memory_space<vmem>>) target(%dma_start3A_3492 : memref<16x112xf32, #tpu.memory_space<hbm>>) target_semaphore(%run_scoped3A : memref<!tpu.dma_semaphore, #tpu.memory_space<semaphore_mem>>)
      %dma_wait3A = arith.constant 0 : i32
      %dma_wait3A_3493 = tpu.memref_slice %arg7[%add3A_1746, %dma_wait3A] : memref<1024x112xf32, #tpu.memory_space<hbm>> -> memref<16x112xf32, #tpu.memory_space<hbm>>
      %dma_wait3A_3494 = arith.constant 0 : i32
      %dma_wait3A_3495 = tpu.memref_slice %arg7[%add3A_1746, %dma_wait3A_3494] : memref<1024x112xf32, #tpu.memory_space<hbm>> -> memref<16x112xf32, #tpu.memory_space<hbm>>
      tpu.wait_dma2 semaphore(%run_scoped3A : memref<!tpu.dma_semaphore, #tpu.memory_space<semaphore_mem>>) src(%arg16 : memref<16x112xf32, #tpu.memory_space<vmem>>) dst(%dma_wait3A_3495 : memref<16x112xf32, #tpu.memory_space<hbm>>)
      tpu.yield
    }) : () -> ()
    "tpu.region"() ({
      %run_scoped3A = tpu.sem_alloc : memref<!tpu.dma_semaphore, #tpu.memory_space<semaphore_mem>>
      %dma_start3A = arith.constant 0 : i32
      %dma_start3A_3490 = tpu.memref_slice %arg8[%add3A_1746, %dma_start3A] : memref<1024x112xf32, #tpu.memory_space<hbm>> -> memref<16x112xf32, #tpu.memory_space<hbm>>
      %dma_start3A_3491 = arith.constant 0 : i32
      %dma_start3A_3492 = tpu.memref_slice %arg8[%add3A_1746, %dma_start3A_3491] : memref<1024x112xf32, #tpu.memory_space<hbm>> -> memref<16x112xf32, #tpu.memory_space<hbm>>
      tpu.enqueue_dma source(%arg17 : memref<16x112xf32, #tpu.memory_space<vmem>>) target(%dma_start3A_3492 : memref<16x112xf32, #tpu.memory_space<hbm>>) target_semaphore(%run_scoped3A : memref<!tpu.dma_semaphore, #tpu.memory_space<semaphore_mem>>)
      %dma_wait3A = arith.constant 0 : i32
      %dma_wait3A_3493 = tpu.memref_slice %arg8[%add3A_1746, %dma_wait3A] : memref<1024x112xf32, #tpu.memory_space<hbm>> -> memref<16x112xf32, #tpu.memory_space<hbm>>
      %dma_wait3A_3494 = arith.constant 0 : i32
      %dma_wait3A_3495 = tpu.memref_slice %arg8[%add3A_1746, %dma_wait3A_3494] : memref<1024x112xf32, #tpu.memory_space<hbm>> -> memref<16x112xf32, #tpu.memory_space<hbm>>
      tpu.wait_dma2 semaphore(%run_scoped3A : memref<!tpu.dma_semaphore, #tpu.memory_space<semaphore_mem>>) src(%arg17 : memref<16x112xf32, #tpu.memory_space<vmem>>) dst(%dma_wait3A_3495 : memref<16x112xf32, #tpu.memory_space<hbm>>)
      tpu.yield
    }) : () -> ()
    "tpu.region"() ({
      %run_scoped3A = tpu.sem_alloc : memref<!tpu.dma_semaphore, #tpu.memory_space<semaphore_mem>>
      %dma_start3A = arith.constant 0 : i32
      %dma_start3A_3490 = tpu.memref_slice %arg9[%add3A_1746, %dma_start3A] : memref<1024x112xf32, #tpu.memory_space<hbm>> -> memref<16x112xf32, #tpu.memory_space<hbm>>
      %dma_start3A_3491 = arith.constant 0 : i32
      %dma_start3A_3492 = tpu.memref_slice %arg9[%add3A_1746, %dma_start3A_3491] : memref<1024x112xf32, #tpu.memory_space<hbm>> -> memref<16x112xf32, #tpu.memory_space<hbm>>
      tpu.enqueue_dma source(%arg18 : memref<16x112xf32, #tpu.memory_space<vmem>>) target(%dma_start3A_3492 : memref<16x112xf32, #tpu.memory_space<hbm>>) target_semaphore(%run_scoped3A : memref<!tpu.dma_semaphore, #tpu.memory_space<semaphore_mem>>)
      %dma_wait3A = arith.constant 0 : i32
      %dma_wait3A_3493 = tpu.memref_slice %arg9[%add3A_1746, %dma_wait3A] : memref<1024x112xf32, #tpu.memory_space<hbm>> -> memref<16x112xf32, #tpu.memory_space<hbm>>
      %dma_wait3A_3494 = arith.constant 0 : i32
      %dma_wait3A_3495 = tpu.memref_slice %arg9[%add3A_1746, %dma_wait3A_3494] : memref<1024x112xf32, #tpu.memory_space<hbm>> -> memref<16x112xf32, #tpu.memory_space<hbm>>
      tpu.wait_dma2 semaphore(%run_scoped3A : memref<!tpu.dma_semaphore, #tpu.memory_space<semaphore_mem>>) src(%arg18 : memref<16x112xf32, #tpu.memory_space<vmem>>) dst(%dma_wait3A_3495 : memref<16x112xf32, #tpu.memory_space<hbm>>)
      tpu.yield
    }) : () -> ()
    "tpu.region"() ({
      %run_scoped3A = tpu.sem_alloc : memref<!tpu.dma_semaphore, #tpu.memory_space<semaphore_mem>>
      %dma_start3A = arith.constant 0 : i32
      %dma_start3A_3490 = tpu.memref_slice %arg10[%add3A_1746, %dma_start3A] : memref<1024x32xf32, #tpu.memory_space<hbm>> -> memref<16x32xf32, #tpu.memory_space<hbm>>
      %dma_start3A_3491 = arith.constant 0 : i32
      %dma_start3A_3492 = tpu.memref_slice %arg10[%add3A_1746, %dma_start3A_3491] : memref<1024x32xf32, #tpu.memory_space<hbm>> -> memref<16x32xf32, #tpu.memory_space<hbm>>
      tpu.enqueue_dma source(%arg19 : memref<16x32xf32, #tpu.memory_space<vmem>>) target(%dma_start3A_3492 : memref<16x32xf32, #tpu.memory_space<hbm>>) target_semaphore(%run_scoped3A : memref<!tpu.dma_semaphore, #tpu.memory_space<semaphore_mem>>)
      %dma_wait3A = arith.constant 0 : i32
      %dma_wait3A_3493 = tpu.memref_slice %arg10[%add3A_1746, %dma_wait3A] : memref<1024x32xf32, #tpu.memory_space<hbm>> -> memref<16x32xf32, #tpu.memory_space<hbm>>
      %dma_wait3A_3494 = arith.constant 0 : i32
      %dma_wait3A_3495 = tpu.memref_slice %arg10[%add3A_1746, %dma_wait3A_3494] : memref<1024x32xf32, #tpu.memory_space<hbm>> -> memref<16x32xf32, #tpu.memory_space<hbm>>
      tpu.wait_dma2 semaphore(%run_scoped3A : memref<!tpu.dma_semaphore, #tpu.memory_space<semaphore_mem>>) src(%arg19 : memref<16x32xf32, #tpu.memory_space<vmem>>) dst(%dma_wait3A_3495 : memref<16x32xf32, #tpu.memory_space<hbm>>)
      tpu.yield
    }) : () -> ()
    "tpu.region"() ({
      %run_scoped3A = tpu.sem_alloc : memref<!tpu.dma_semaphore, #tpu.memory_space<semaphore_mem>>
      %dma_start3A = arith.constant 0 : i32
      %dma_start3A_3490 = tpu.memref_slice %arg11[%add3A_1746, %dma_start3A] : memref<1024x32xf32, #tpu.memory_space<hbm>> -> memref<16x32xf32, #tpu.memory_space<hbm>>
      %dma_start3A_3491 = arith.constant 0 : i32
      %dma_start3A_3492 = tpu.memref_slice %arg11[%add3A_1746, %dma_start3A_3491] : memref<1024x32xf32, #tpu.memory_space<hbm>> -> memref<16x32xf32, #tpu.memory_space<hbm>>
      tpu.enqueue_dma source(%arg20 : memref<16x32xf32, #tpu.memory_space<vmem>>) target(%dma_start3A_3492 : memref<16x32xf32, #tpu.memory_space<hbm>>) target_semaphore(%run_scoped3A : memref<!tpu.dma_semaphore, #tpu.memory_space<semaphore_mem>>)
      %dma_wait3A = arith.constant 0 : i32
      %dma_wait3A_3493 = tpu.memref_slice %arg11[%add3A_1746, %dma_wait3A] : memref<1024x32xf32, #tpu.memory_space<hbm>> -> memref<16x32xf32, #tpu.memory_space<hbm>>
      %dma_wait3A_3494 = arith.constant 0 : i32
      %dma_wait3A_3495 = tpu.memref_slice %arg11[%add3A_1746, %dma_wait3A_3494] : memref<1024x32xf32, #tpu.memory_space<hbm>> -> memref<16x32xf32, #tpu.memory_space<hbm>>
      tpu.wait_dma2 semaphore(%run_scoped3A : memref<!tpu.dma_semaphore, #tpu.memory_space<semaphore_mem>>) src(%arg20 : memref<16x32xf32, #tpu.memory_space<vmem>>) dst(%dma_wait3A_3495 : memref<16x32xf32, #tpu.memory_space<hbm>>)
      tpu.yield
    }) : () -> ()
    "tpu.region"() ({
      %run_scoped3A = tpu.sem_alloc : memref<!tpu.dma_semaphore, #tpu.memory_space<semaphore_mem>>
      %dma_start3A = arith.constant 0 : i32
      %dma_start3A_3490 = tpu.memref_slice %arg12[%add3A_1746, %dma_start3A] : memref<1024x32xf32, #tpu.memory_space<hbm>> -> memref<16x32xf32, #tpu.memory_space<hbm>>
      %dma_start3A_3491 = arith.constant 0 : i32
      %dma_start3A_3492 = tpu.memref_slice %arg12[%add3A_1746, %dma_start3A_3491] : memref<1024x32xf32, #tpu.memory_space<hbm>> -> memref<16x32xf32, #tpu.memory_space<hbm>>
      tpu.enqueue_dma source(%arg21 : memref<16x32xf32, #tpu.memory_space<vmem>>) target(%dma_start3A_3492 : memref<16x32xf32, #tpu.memory_space<hbm>>) target_semaphore(%run_scoped3A : memref<!tpu.dma_semaphore, #tpu.memory_space<semaphore_mem>>)
      %dma_wait3A = arith.constant 0 : i32
      %dma_wait3A_3493 = tpu.memref_slice %arg12[%add3A_1746, %dma_wait3A] : memref<1024x32xf32, #tpu.memory_space<hbm>> -> memref<16x32xf32, #tpu.memory_space<hbm>>
      %dma_wait3A_3494 = arith.constant 0 : i32
      %dma_wait3A_3495 = tpu.memref_slice %arg12[%add3A_1746, %dma_wait3A_3494] : memref<1024x32xf32, #tpu.memory_space<hbm>> -> memref<16x32xf32, #tpu.memory_space<hbm>>
      tpu.wait_dma2 semaphore(%run_scoped3A : memref<!tpu.dma_semaphore, #tpu.memory_space<semaphore_mem>>) src(%arg21 : memref<16x32xf32, #tpu.memory_space<vmem>>) dst(%dma_wait3A_3495 : memref<16x32xf32, #tpu.memory_space<hbm>>)
      tpu.yield
    }) : () -> ()
    %swap3A_1747 = arith.constant 0 : i32
    %swap3A_1748 = arith.index_cast %swap3A_1747 : i32 to index
    %swap3A_1749 = arith.constant 0 : index
    %swap3A_1750 = tpu.vector_load %arg16[%swap3A_1748, %swap3A_1749] {strides = array<i32>} : memref<16x112xf32, #tpu.memory_space<vmem>>, vector<16xf32>,
    tpu.vector_store %arg16[%swap3A_1748, %swap3A_1749], %broadcast_in_dim3A_3 {strides = array<i32>} : memref<16x112xf32, #tpu.memory_space<vmem>>, vector<16xf32>,
    %swap3A_1751 = arith.constant 0 : i32
    %swap3A_1752 = arith.index_cast %swap3A_1751 : i32 to index
    %swap3A_1753 = arith.constant 0 : index
    %swap3A_1754 = tpu.vector_load %arg17[%swap3A_1752, %swap3A_1753] {strides = array<i32>} : memref<16x112xf32, #tpu.memory_space<vmem>>, vector<16xf32>,
    tpu.vector_store %arg17[%swap3A_1752, %swap3A_1753], %broadcast_in_dim3A_3 {strides = array<i32>} : memref<16x112xf32, #tpu.memory_space<vmem>>, vector<16xf32>,
    %swap3A_1755 = arith.constant 0 : i32
    %swap3A_1756 = arith.index_cast %swap3A_1755 : i32 to index
    %swap3A_1757 = arith.constant 0 : index
    %swap3A_1758 = tpu.vector_load %arg18[%swap3A_1756, %swap3A_1757] {strides = array<i32>} : memref<16x112xf32, #tpu.memory_space<vmem>>, vector<16xf32>,
    tpu.vector_store %arg18[%swap3A_1756, %swap3A_1757], %broadcast_in_dim3A_3 {strides = array<i32>} : memref<16x112xf32, #tpu.memory_space<vmem>>, vector<16xf32>,
    %swap3A_1759 = arith.constant 0 : i32
    %swap3A_1760 = arith.index_cast %swap3A_1759 : i32 to index
    %swap3A_1761 = arith.constant 16 : index
    %swap3A_1762 = tpu.vector_load %arg16[%swap3A_1760, %swap3A_1761] {strides = array<i32>} : memref<16x112xf32, #tpu.memory_space<vmem>>, vector<16xf32>,
    tpu.vector_store %arg16[%swap3A_1760, %swap3A_1761], %broadcast_in_dim3A_3 {strides = array<i32>} : memref<16x112xf32, #tpu.memory_space<vmem>>, vector<16xf32>,
    %swap3A_1763 = arith.constant 0 : i32
    %swap3A_1764 = arith.index_cast %swap3A_1763 : i32 to index
    %swap3A_1765 = arith.constant 16 : index
    %swap3A_1766 = tpu.vector_load %arg17[%swap3A_1764, %swap3A_1765] {strides = array<i32>} : memref<16x112xf32, #tpu.memory_space<vmem>>, vector<16xf32>,
    tpu.vector_store %arg17[%swap3A_1764, %swap3A_1765], %broadcast_in_dim3A_3 {strides = array<i32>} : memref<16x112xf32, #tpu.memory_space<vmem>>, vector<16xf32>,
    %swap3A_1767 = arith.constant 0 : i32
    %swap3A_1768 = arith.index_cast %swap3A_1767 : i32 to index
    %swap3A_1769 = arith.constant 16 : index
    %swap3A_1770 = tpu.vector_load %arg18[%swap3A_1768, %swap3A_1769] {strides = array<i32>} : memref<16x112xf32, #tpu.memory_space<vmem>>, vector<16xf32>,
    tpu.vector_store %arg18[%swap3A_1768, %swap3A_1769], %broadcast_in_dim3A_3 {strides = array<i32>} : memref<16x112xf32, #tpu.memory_space<vmem>>, vector<16xf32>,
    %swap3A_1771 = arith.constant 0 : i32
    %swap3A_1772 = arith.index_cast %swap3A_1771 : i32 to index
    %swap3A_1773 = arith.constant 32 : index
    %swap3A_1774 = tpu.vector_load %arg16[%swap3A_1772, %swap3A_1773] {strides = array<i32>} : memref<16x112xf32, #tpu.memory_space<vmem>>, vector<16xf32>,
    tpu.vector_store %arg16[%swap3A_1772, %swap3A_1773], %broadcast_in_dim3A_3 {strides = array<i32>} : memref<16x112xf32, #tpu.memory_space<vmem>>, vector<16xf32>,
    %swap3A_1775 = arith.constant 0 : i32
    %swap3A_1776 = arith.index_cast %swap3A_1775 : i32 to index
    %swap3A_1777 = arith.constant 32 : index
    %swap3A_1778 = tpu.vector_load %arg17[%swap3A_1776, %swap3A_1777] {strides = array<i32>} : memref<16x112xf32, #tpu.memory_space<vmem>>, vector<16xf32>,
    tpu.vector_store %arg17[%swap3A_1776, %swap3A_1777], %broadcast_in_dim3A_3 {strides = array<i32>} : memref<16x112xf32, #tpu.memory_space<vmem>>, vector<16xf32>,
    %swap3A_1779 = arith.constant 0 : i32
    %swap3A_1780 = arith.index_cast %swap3A_1779 : i32 to index
    %swap3A_1781 = arith.constant 32 : index
    %swap3A_1782 = tpu.vector_load %arg18[%swap3A_1780, %swap3A_1781] {strides = array<i32>} : memref<16x112xf32, #tpu.memory_space<vmem>>, vector<16xf32>,
    tpu.vector_store %arg18[%swap3A_1780, %swap3A_1781], %broadcast_in_dim3A_3 {strides = array<i32>} : memref<16x112xf32, #tpu.memory_space<vmem>>, vector<16xf32>,
    %swap3A_1783 = arith.constant 0 : i32
    %swap3A_1784 = arith.index_cast %swap3A_1783 : i32 to index
    %swap3A_1785 = arith.constant 48 : index
    %swap3A_1786 = tpu.vector_load %arg16[%swap3A_1784, %swap3A_1785] {strides = array<i32>} : memref<16x112xf32, #tpu.memory_space<vmem>>, vector<16xf32>,
    tpu.vector_store %arg16[%swap3A_1784, %swap3A_1785], %broadcast_in_dim3A_3 {strides = array<i32>} : memref<16x112xf32, #tpu.memory_space<vmem>>, vector<16xf32>,
    %swap3A_1787 = arith.constant 0 : i32
    %swap3A_1788 = arith.index_cast %swap3A_1787 : i32 to index
    %swap3A_1789 = arith.constant 48 : index
    %swap3A_1790 = tpu.vector_load %arg17[%swap3A_1788, %swap3A_1789] {strides = array<i32>} : memref<16x112xf32, #tpu.memory_space<vmem>>, vector<16xf32>,
    tpu.vector_store %arg17[%swap3A_1788, %swap3A_1789], %broadcast_in_dim3A_3 {strides = array<i32>} : memref<16x112xf32, #tpu.memory_space<vmem>>, vector<16xf32>,
    %swap3A_1791 = arith.constant 0 : i32
    %swap3A_1792 = arith.index_cast %swap3A_1791 : i32 to index
    %swap3A_1793 = arith.constant 48 : index
    %swap3A_1794 = tpu.vector_load %arg18[%swap3A_1792, %swap3A_1793] {strides = array<i32>} : memref<16x112xf32, #tpu.memory_space<vmem>>, vector<16xf32>,
    tpu.vector_store %arg18[%swap3A_1792, %swap3A_1793], %broadcast_in_dim3A_3 {strides = array<i32>} : memref<16x112xf32, #tpu.memory_space<vmem>>, vector<16xf32>,
    %swap3A_1795 = arith.constant 0 : i32
    %swap3A_1796 = arith.index_cast %swap3A_1795 : i32 to index
    %swap3A_1797 = arith.constant 64 : index
    %swap3A_1798 = tpu.vector_load %arg16[%swap3A_1796, %swap3A_1797] {strides = array<i32>} : memref<16x112xf32, #tpu.memory_space<vmem>>, vector<16xf32>,
    tpu.vector_store %arg16[%swap3A_1796, %swap3A_1797], %broadcast_in_dim3A_3 {strides = array<i32>} : memref<16x112xf32, #tpu.memory_space<vmem>>, vector<16xf32>,
    %swap3A_1799 = arith.constant 0 : i32
    %swap3A_1800 = arith.index_cast %swap3A_1799 : i32 to index
    %swap3A_1801 = arith.constant 64 : index
    %swap3A_1802 = tpu.vector_load %arg17[%swap3A_1800, %swap3A_1801] {strides = array<i32>} : memref<16x112xf32, #tpu.memory_space<vmem>>, vector<16xf32>,
    tpu.vector_store %arg17[%swap3A_1800, %swap3A_1801], %broadcast_in_dim3A_3 {strides = array<i32>} : memref<16x112xf32, #tpu.memory_space<vmem>>, vector<16xf32>,
    %swap3A_1803 = arith.constant 0 : i32
    %swap3A_1804 = arith.index_cast %swap3A_1803 : i32 to index
    %swap3A_1805 = arith.constant 64 : index
    %swap3A_1806 = tpu.vector_load %arg18[%swap3A_1804, %swap3A_1805] {strides = array<i32>} : memref<16x112xf32, #tpu.memory_space<vmem>>, vector<16xf32>,
    tpu.vector_store %arg18[%swap3A_1804, %swap3A_1805], %broadcast_in_dim3A_3 {strides = array<i32>} : memref<16x112xf32, #tpu.memory_space<vmem>>, vector<16xf32>,
    %swap3A_1807 = arith.constant 0 : i32
    %swap3A_1808 = arith.index_cast %swap3A_1807 : i32 to index
    %swap3A_1809 = arith.constant 80 : index
    %swap3A_1810 = tpu.vector_load %arg16[%swap3A_1808, %swap3A_1809] {strides = array<i32>} : memref<16x112xf32, #tpu.memory_space<vmem>>, vector<16xf32>,
    tpu.vector_store %arg16[%swap3A_1808, %swap3A_1809], %broadcast_in_dim3A_3 {strides = array<i32>} : memref<16x112xf32, #tpu.memory_space<vmem>>, vector<16xf32>,
    %swap3A_1811 = arith.constant 0 : i32
    %swap3A_1812 = arith.index_cast %swap3A_1811 : i32 to index
    %swap3A_1813 = arith.constant 80 : index
    %swap3A_1814 = tpu.vector_load %arg17[%swap3A_1812, %swap3A_1813] {strides = array<i32>} : memref<16x112xf32, #tpu.memory_space<vmem>>, vector<16xf32>,
    tpu.vector_store %arg17[%swap3A_1812, %swap3A_1813], %broadcast_in_dim3A_3 {strides = array<i32>} : memref<16x112xf32, #tpu.memory_space<vmem>>, vector<16xf32>,
    %swap3A_1815 = arith.constant 0 : i32
    %swap3A_1816 = arith.index_cast %swap3A_1815 : i32 to index
    %swap3A_1817 = arith.constant 80 : index
    %swap3A_1818 = tpu.vector_load %arg18[%swap3A_1816, %swap3A_1817] {strides = array<i32>} : memref<16x112xf32, #tpu.memory_space<vmem>>, vector<16xf32>,
    tpu.vector_store %arg18[%swap3A_1816, %swap3A_1817], %broadcast_in_dim3A_3 {strides = array<i32>} : memref<16x112xf32, #tpu.memory_space<vmem>>, vector<16xf32>,
    %swap3A_1819 = arith.constant 0 : i32
    %swap3A_1820 = arith.index_cast %swap3A_1819 : i32 to index
    %swap3A_1821 = arith.constant 96 : index
    %swap3A_1822 = tpu.vector_load %arg16[%swap3A_1820, %swap3A_1821] {strides = array<i32>} : memref<16x112xf32, #tpu.memory_space<vmem>>, vector<16xf32>,
    tpu.vector_store %arg16[%swap3A_1820, %swap3A_1821], %broadcast_in_dim3A_3 {strides = array<i32>} : memref<16x112xf32, #tpu.memory_space<vmem>>, vector<16xf32>,
    %swap3A_1823 = arith.constant 0 : i32
    %swap3A_1824 = arith.index_cast %swap3A_1823 : i32 to index
    %swap3A_1825 = arith.constant 96 : index
    %swap3A_1826 = tpu.vector_load %arg17[%swap3A_1824, %swap3A_1825] {strides = array<i32>} : memref<16x112xf32, #tpu.memory_space<vmem>>, vector<16xf32>,
    tpu.vector_store %arg17[%swap3A_1824, %swap3A_1825], %broadcast_in_dim3A_3 {strides = array<i32>} : memref<16x112xf32, #tpu.memory_space<vmem>>, vector<16xf32>,
    %swap3A_1827 = arith.constant 0 : i32
    %swap3A_1828 = arith.index_cast %swap3A_1827 : i32 to index
    %swap3A_1829 = arith.constant 96 : index
    %swap3A_1830 = tpu.vector_load %arg18[%swap3A_1828, %swap3A_1829] {strides = array<i32>} : memref<16x112xf32, #tpu.memory_space<vmem>>, vector<16xf32>,
    tpu.vector_store %arg18[%swap3A_1828, %swap3A_1829], %broadcast_in_dim3A_3 {strides = array<i32>} : memref<16x112xf32, #tpu.memory_space<vmem>>, vector<16xf32>,
    %swap3A_1831 = arith.constant 0 : i32
    %swap3A_1832 = arith.index_cast %swap3A_1831 : i32 to index
    %swap3A_1833 = arith.constant 0 : index
    %swap3A_1834 = tpu.vector_load %arg19[%swap3A_1832, %swap3A_1833] {strides = array<i32>} : memref<16x32xf32, #tpu.memory_space<vmem>>, vector<16xf32>,
    tpu.vector_store %arg19[%swap3A_1832, %swap3A_1833], %broadcast_in_dim3A_3 {strides = array<i32>} : memref<16x32xf32, #tpu.memory_space<vmem>>, vector<16xf32>,
    %swap3A_1835 = arith.constant 0 : i32
    %swap3A_1836 = arith.index_cast %swap3A_1835 : i32 to index
    %swap3A_1837 = arith.constant 0 : index
    %swap3A_1838 = tpu.vector_load %arg20[%swap3A_1836, %swap3A_1837] {strides = array<i32>} : memref<16x32xf32, #tpu.memory_space<vmem>>, vector<16xf32>,
    tpu.vector_store %arg20[%swap3A_1836, %swap3A_1837], %broadcast_in_dim3A_3 {strides = array<i32>} : memref<16x32xf32, #tpu.memory_space<vmem>>, vector<16xf32>,
    %swap3A_1839 = arith.constant 0 : i32
    %swap3A_1840 = arith.index_cast %swap3A_1839 : i32 to index
    %swap3A_1841 = arith.constant 0 : index
    %swap3A_1842 = tpu.vector_load %arg21[%swap3A_1840, %swap3A_1841] {strides = array<i32>} : memref<16x32xf32, #tpu.memory_space<vmem>>, vector<16xf32>,
    tpu.vector_store %arg21[%swap3A_1840, %swap3A_1841], %broadcast_in_dim3A_3 {strides = array<i32>} : memref<16x32xf32, #tpu.memory_space<vmem>>, vector<16xf32>,
    %swap3A_1843 = arith.constant 0 : i32
    %swap3A_1844 = arith.index_cast %swap3A_1843 : i32 to index
    %swap3A_1845 = arith.constant 16 : index
    %swap3A_1846 = tpu.vector_load %arg19[%swap3A_1844, %swap3A_1845] {strides = array<i32>} : memref<16x32xf32, #tpu.memory_space<vmem>>, vector<16xf32>,
    tpu.vector_store %arg19[%swap3A_1844, %swap3A_1845], %broadcast_in_dim3A_3 {strides = array<i32>} : memref<16x32xf32, #tpu.memory_space<vmem>>, vector<16xf32>,
    %swap3A_1847 = arith.constant 0 : i32
    %swap3A_1848 = arith.index_cast %swap3A_1847 : i32 to index
    %swap3A_1849 = arith.constant 16 : index
    %swap3A_1850 = tpu.vector_load %arg20[%swap3A_1848, %swap3A_1849] {strides = array<i32>} : memref<16x32xf32, #tpu.memory_space<vmem>>, vector<16xf32>,
    tpu.vector_store %arg20[%swap3A_1848, %swap3A_1849], %broadcast_in_dim3A_3 {strides = array<i32>} : memref<16x32xf32, #tpu.memory_space<vmem>>, vector<16xf32>,
    %swap3A_1851 = arith.constant 0 : i32
    %swap3A_1852 = arith.index_cast %swap3A_1851 : i32 to index
    %swap3A_1853 = arith.constant 16 : index
    %swap3A_1854 = tpu.vector_load %arg21[%swap3A_1852, %swap3A_1853] {strides = array<i32>} : memref<16x32xf32, #tpu.memory_space<vmem>>, vector<16xf32>,
    tpu.vector_store %arg21[%swap3A_1852, %swap3A_1853], %broadcast_in_dim3A_3 {strides = array<i32>} : memref<16x32xf32, #tpu.memory_space<vmem>>, vector<16xf32>,
    %swap3A_1855 = arith.constant 1 : i32
    %swap3A_1856 = arith.index_cast %swap3A_1855 : i32 to index
    %swap3A_1857 = arith.constant 0 : index
    %swap3A_1858 = tpu.vector_load %arg16[%swap3A_1856, %swap3A_1857] {strides = array<i32>} : memref<16x112xf32, #tpu.memory_space<vmem>>, vector<16xf32>,
    tpu.vector_store %arg16[%swap3A_1856, %swap3A_1857], %broadcast_in_dim3A_3 {strides = array<i32>} : memref<16x112xf32, #tpu.memory_space<vmem>>, vector<16xf32>,
    %swap3A_1859 = arith.constant 1 : i32
    %swap3A_1860 = arith.index_cast %swap3A_1859 : i32 to index
    %swap3A_1861 = arith.constant 0 : index
    %swap3A_1862 = tpu.vector_load %arg17[%swap3A_1860, %swap3A_1861] {strides = array<i32>} : memref<16x112xf32, #tpu.memory_space<vmem>>, vector<16xf32>,
    tpu.vector_store %arg17[%swap3A_1860, %swap3A_1861], %broadcast_in_dim3A_3 {strides = array<i32>} : memref<16x112xf32, #tpu.memory_space<vmem>>, vector<16xf32>,
    %swap3A_1863 = arith.constant 1 : i32
    %swap3A_1864 = arith.index_cast %swap3A_1863 : i32 to index
    %swap3A_1865 = arith.constant 0 : index
    %swap3A_1866 = tpu.vector_load %arg18[%swap3A_1864, %swap3A_1865] {strides = array<i32>} : memref<16x112xf32, #tpu.memory_space<vmem>>, vector<16xf32>,
    tpu.vector_store %arg18[%swap3A_1864, %swap3A_1865], %broadcast_in_dim3A_3 {strides = array<i32>} : memref<16x112xf32, #tpu.memory_space<vmem>>, vector<16xf32>,
    %swap3A_1867 = arith.constant 1 : i32
    %swap3A_1868 = arith.index_cast %swap3A_1867 : i32 to index
    %swap3A_1869 = arith.constant 16 : index
    %swap3A_1870 = tpu.vector_load %arg16[%swap3A_1868, %swap3A_1869] {strides = array<i32>} : memref<16x112xf32, #tpu.memory_space<vmem>>, vector<16xf32>,
    tpu.vector_store %arg16[%swap3A_1868, %swap3A_1869], %broadcast_in_dim3A_3 {strides = array<i32>} : memref<16x112xf32, #tpu.memory_space<vmem>>, vector<16xf32>,
    %swap3A_1871 = arith.constant 1 : i32
    %swap3A_1872 = arith.index_cast %swap3A_1871 : i32 to index
    %swap3A_1873 = arith.constant 16 : index
    %swap3A_1874 = tpu.vector_load %arg17[%swap3A_1872, %swap3A_1873] {strides = array<i32>} : memref<16x112xf32, #tpu.memory_space<vmem>>, vector<16xf32>,
    tpu.vector_store %arg17[%swap3A_1872, %swap3A_1873], %broadcast_in_dim3A_3 {strides = array<i32>} : memref<16x112xf32, #tpu.memory_space<vmem>>, vector<16xf32>,
    %swap3A_1875 = arith.constant 1 : i32
    %swap3A_1876 = arith.index_cast %swap3A_1875 : i32 to index
    %swap3A_1877 = arith.constant 16 : index
    %swap3A_1878 = tpu.vector_load %arg18[%swap3A_1876, %swap3A_1877] {strides = array<i32>} : memref<16x112xf32, #tpu.memory_space<vmem>>, vector<16xf32>,
    tpu.vector_store %arg18[%swap3A_1876, %swap3A_1877], %broadcast_in_dim3A_3 {strides = array<i32>} : memref<16x112xf32, #tpu.memory_space<vmem>>, vector<16xf32>,
    %swap3A_1879 = arith.constant 1 : i32
    %swap3A_1880 = arith.index_cast %swap3A_1879 : i32 to index
    %swap3A_1881 = arith.constant 32 : index
    %swap3A_1882 = tpu.vector_load %arg16[%swap3A_1880, %swap3A_1881] {strides = array<i32>} : memref<16x112xf32, #tpu.memory_space<vmem>>, vector<16xf32>,
    tpu.vector_store %arg16[%swap3A_1880, %swap3A_1881], %broadcast_in_dim3A_3 {strides = array<i32>} : memref<16x112xf32, #tpu.memory_space<vmem>>, vector<16xf32>,
    %swap3A_1883 = arith.constant 1 : i32
    %swap3A_1884 = arith.index_cast %swap3A_1883 : i32 to index
    %swap3A_1885 = arith.constant 32 : index
    %swap3A_1886 = tpu.vector_load %arg17[%swap3A_1884, %swap3A_1885] {strides = array<i32>} : memref<16x112xf32, #tpu.memory_space<vmem>>, vector<16xf32>,
    tpu.vector_store %arg17[%swap3A_1884, %swap3A_1885], %broadcast_in_dim3A_3 {strides = array<i32>} : memref<16x112xf32, #tpu.memory_space<vmem>>, vector<16xf32>,
    %swap3A_1887 = arith.constant 1 : i32
    %swap3A_1888 = arith.index_cast %swap3A_1887 : i32 to index
    %swap3A_1889 = arith.constant 32 : index
    %swap3A_1890 = tpu.vector_load %arg18[%swap3A_1888, %swap3A_1889] {strides = array<i32>} : memref<16x112xf32, #tpu.memory_space<vmem>>, vector<16xf32>,
    tpu.vector_store %arg18[%swap3A_1888, %swap3A_1889], %broadcast_in_dim3A_3 {strides = array<i32>} : memref<16x112xf32, #tpu.memory_space<vmem>>, vector<16xf32>,
    %swap3A_1891 = arith.constant 1 : i32
    %swap3A_1892 = arith.index_cast %swap3A_1891 : i32 to index
    %swap3A_1893 = arith.constant 48 : index
    %swap3A_1894 = tpu.vector_load %arg16[%swap3A_1892, %swap3A_1893] {strides = array<i32>} : memref<16x112xf32, #tpu.memory_space<vmem>>, vector<16xf32>,
    tpu.vector_store %arg16[%swap3A_1892, %swap3A_1893], %broadcast_in_dim3A_3 {strides = array<i32>} : memref<16x112xf32, #tpu.memory_space<vmem>>, vector<16xf32>,
    %swap3A_1895 = arith.constant 1 : i32
    %swap3A_1896 = arith.index_cast %swap3A_1895 : i32 to index
    %swap3A_1897 = arith.constant 48 : index
    %swap3A_1898 = tpu.vector_load %arg17[%swap3A_1896, %swap3A_1897] {strides = array<i32>} : memref<16x112xf32, #tpu.memory_space<vmem>>, vector<16xf32>,
    tpu.vector_store %arg17[%swap3A_1896, %swap3A_1897], %broadcast_in_dim3A_3 {strides = array<i32>} : memref<16x112xf32, #tpu.memory_space<vmem>>, vector<16xf32>,
    %swap3A_1899 = arith.constant 1 : i32
    %swap3A_1900 = arith.index_cast %swap3A_1899 : i32 to index
    %swap3A_1901 = arith.constant 48 : index
    %swap3A_1902 = tpu.vector_load %arg18[%swap3A_1900, %swap3A_1901] {strides = array<i32>} : memref<16x112xf32, #tpu.memory_space<vmem>>, vector<16xf32>,
    tpu.vector_store %arg18[%swap3A_1900, %swap3A_1901], %broadcast_in_dim3A_3 {strides = array<i32>} : memref<16x112xf32, #tpu.memory_space<vmem>>, vector<16xf32>,
    %swap3A_1903 = arith.constant 1 : i32
    %swap3A_1904 = arith.index_cast %swap3A_1903 : i32 to index
    %swap3A_1905 = arith.constant 64 : index
    %swap3A_1906 = tpu.vector_load %arg16[%swap3A_1904, %swap3A_1905] {strides = array<i32>} : memref<16x112xf32, #tpu.memory_space<vmem>>, vector<16xf32>,
    tpu.vector_store %arg16[%swap3A_1904, %swap3A_1905], %broadcast_in_dim3A_3 {strides = array<i32>} : memref<16x112xf32, #tpu.memory_space<vmem>>, vector<16xf32>,
    %swap3A_1907 = arith.constant 1 : i32
    %swap3A_1908 = arith.index_cast %swap3A_1907 : i32 to index
    %swap3A_1909 = arith.constant 64 : index
    %swap3A_1910 = tpu.vector_load %arg17[%swap3A_1908, %swap3A_1909] {strides = array<i32>} : memref<16x112xf32, #tpu.memory_space<vmem>>, vector<16xf32>,
    tpu.vector_store %arg17[%swap3A_1908, %swap3A_1909], %broadcast_in_dim3A_3 {strides = array<i32>} : memref<16x112xf32, #tpu.memory_space<vmem>>, vector<16xf32>,
    %swap3A_1911 = arith.constant 1 : i32
    %swap3A_1912 = arith.index_cast %swap3A_1911 : i32 to index
    %swap3A_1913 = arith.constant 64 : index
    %swap3A_1914 = tpu.vector_load %arg18[%swap3A_1912, %swap3A_1913] {strides = array<i32>} : memref<16x112xf32, #tpu.memory_space<vmem>>, vector<16xf32>,
    tpu.vector_store %arg18[%swap3A_1912, %swap3A_1913], %broadcast_in_dim3A_3 {strides = array<i32>} : memref<16x112xf32, #tpu.memory_space<vmem>>, vector<16xf32>,
    %swap3A_1915 = arith.constant 1 : i32
    %swap3A_1916 = arith.index_cast %swap3A_1915 : i32 to index
    %swap3A_1917 = arith.constant 80 : index
    %swap3A_1918 = tpu.vector_load %arg16[%swap3A_1916, %swap3A_1917] {strides = array<i32>} : memref<16x112xf32, #tpu.memory_space<vmem>>, vector<16xf32>,
    tpu.vector_store %arg16[%swap3A_1916, %swap3A_1917], %broadcast_in_dim3A_3 {strides = array<i32>} : memref<16x112xf32, #tpu.memory_space<vmem>>, vector<16xf32>,
    %swap3A_1919 = arith.constant 1 : i32
    %swap3A_1920 = arith.index_cast %swap3A_1919 : i32 to index
    %swap3A_1921 = arith.constant 80 : index
    %swap3A_1922 = tpu.vector_load %arg17[%swap3A_1920, %swap3A_1921] {strides = array<i32>} : memref<16x112xf32, #tpu.memory_space<vmem>>, vector<16xf32>,
    tpu.vector_store %arg17[%swap3A_1920, %swap3A_1921], %broadcast_in_dim3A_3 {strides = array<i32>} : memref<16x112xf32, #tpu.memory_space<vmem>>, vector<16xf32>,
    %swap3A_1923 = arith.constant 1 : i32
    %swap3A_1924 = arith.index_cast %swap3A_1923 : i32 to index
    %swap3A_1925 = arith.constant 80 : index
    %swap3A_1926 = tpu.vector_load %arg18[%swap3A_1924, %swap3A_1925] {strides = array<i32>} : memref<16x112xf32, #tpu.memory_space<vmem>>, vector<16xf32>,
    tpu.vector_store %arg18[%swap3A_1924, %swap3A_1925], %broadcast_in_dim3A_3 {strides = array<i32>} : memref<16x112xf32, #tpu.memory_space<vmem>>, vector<16xf32>,
    %swap3A_1927 = arith.constant 1 : i32
    %swap3A_1928 = arith.index_cast %swap3A_1927 : i32 to index
    %swap3A_1929 = arith.constant 96 : index
    %swap3A_1930 = tpu.vector_load %arg16[%swap3A_1928, %swap3A_1929] {strides = array<i32>} : memref<16x112xf32, #tpu.memory_space<vmem>>, vector<16xf32>,
    tpu.vector_store %arg16[%swap3A_1928, %swap3A_1929], %broadcast_in_dim3A_3 {strides = array<i32>} : memref<16x112xf32, #tpu.memory_space<vmem>>, vector<16xf32>,
    %swap3A_1931 = arith.constant 1 : i32
    %swap3A_1932 = arith.index_cast %swap3A_1931 : i32 to index
    %swap3A_1933 = arith.constant 96 : index
    %swap3A_1934 = tpu.vector_load %arg17[%swap3A_1932, %swap3A_1933] {strides = array<i32>} : memref<16x112xf32, #tpu.memory_space<vmem>>, vector<16xf32>,
    tpu.vector_store %arg17[%swap3A_1932, %swap3A_1933], %broadcast_in_dim3A_3 {strides = array<i32>} : memref<16x112xf32, #tpu.memory_space<vmem>>, vector<16xf32>,
    %swap3A_1935 = arith.constant 1 : i32
    %swap3A_1936 = arith.index_cast %swap3A_1935 : i32 to index
    %swap3A_1937 = arith.constant 96 : index
    %swap3A_1938 = tpu.vector_load %arg18[%swap3A_1936, %swap3A_1937] {strides = array<i32>} : memref<16x112xf32, #tpu.memory_space<vmem>>, vector<16xf32>,
    tpu.vector_store %arg18[%swap3A_1936, %swap3A_1937], %broadcast_in_dim3A_3 {strides = array<i32>} : memref<16x112xf32, #tpu.memory_space<vmem>>, vector<16xf32>,
    %swap3A_1939 = arith.constant 1 : i32
    %swap3A_1940 = arith.index_cast %swap3A_1939 : i32 to index
    %swap3A_1941 = arith.constant 0 : index
    %swap3A_1942 = tpu.vector_load %arg19[%swap3A_1940, %swap3A_1941] {strides = array<i32>} : memref<16x32xf32, #tpu.memory_space<vmem>>, vector<16xf32>,
    tpu.vector_store %arg19[%swap3A_1940, %swap3A_1941], %broadcast_in_dim3A_3 {strides = array<i32>} : memref<16x32xf32, #tpu.memory_space<vmem>>, vector<16xf32>,
    %swap3A_1943 = arith.constant 1 : i32
    %swap3A_1944 = arith.index_cast %swap3A_1943 : i32 to index
    %swap3A_1945 = arith.constant 0 : index
    %swap3A_1946 = tpu.vector_load %arg20[%swap3A_1944, %swap3A_1945] {strides = array<i32>} : memref<16x32xf32, #tpu.memory_space<vmem>>, vector<16xf32>,
    tpu.vector_store %arg20[%swap3A_1944, %swap3A_1945], %broadcast_in_dim3A_3 {strides = array<i32>} : memref<16x32xf32, #tpu.memory_space<vmem>>, vector<16xf32>,
    %swap3A_1947 = arith.constant 1 : i32
    %swap3A_1948 = arith.index_cast %swap3A_1947 : i32 to index
    %swap3A_1949 = arith.constant 0 : index
    %swap3A_1950 = tpu.vector_load %arg21[%swap3A_1948, %swap3A_1949] {strides = array<i32>} : memref<16x32xf32, #tpu.memory_space<vmem>>, vector<16xf32>,
    tpu.vector_store %arg21[%swap3A_1948, %swap3A_1949], %broadcast_in_dim3A_3 {strides = array<i32>} : memref<16x32xf32, #tpu.memory_space<vmem>>, vector<16xf32>,
    %swap3A_1951 = arith.constant 1 : i32
    %swap3A_1952 = arith.index_cast %swap3A_1951 : i32 to index
    %swap3A_1953 = arith.constant 16 : index
    %swap3A_1954 = tpu.vector_load %arg19[%swap3A_1952, %swap3A_1953] {strides = array<i32>} : memref<16x32xf32, #tpu.memory_space<vmem>>, vector<16xf32>,
    tpu.vector_store %arg19[%swap3A_1952, %swap3A_1953], %broadcast_in_dim3A_3 {strides = array<i32>} : memref<16x32xf32, #tpu.memory_space<vmem>>, vector<16xf32>,
    %swap3A_1955 = arith.constant 1 : i32
    %swap3A_1956 = arith.index_cast %swap3A_1955 : i32 to index
    %swap3A_1957 = arith.constant 16 : index
    %swap3A_1958 = tpu.vector_load %arg20[%swap3A_1956, %swap3A_1957] {strides = array<i32>} : memref<16x32xf32, #tpu.memory_space<vmem>>, vector<16xf32>,
    tpu.vector_store %arg20[%swap3A_1956, %swap3A_1957], %broadcast_in_dim3A_3 {strides = array<i32>} : memref<16x32xf32, #tpu.memory_space<vmem>>, vector<16xf32>,
    %swap3A_1959 = arith.constant 1 : i32
    %swap3A_1960 = arith.index_cast %swap3A_1959 : i32 to index
    %swap3A_1961 = arith.constant 16 : index
    %swap3A_1962 = tpu.vector_load %arg21[%swap3A_1960, %swap3A_1961] {strides = array<i32>} : memref<16x32xf32, #tpu.memory_space<vmem>>, vector<16xf32>,
    tpu.vector_store %arg21[%swap3A_1960, %swap3A_1961], %broadcast_in_dim3A_3 {strides = array<i32>} : memref<16x32xf32, #tpu.memory_space<vmem>>, vector<16xf32>,
    %swap3A_1963 = arith.constant 2 : i32
    %swap3A_1964 = arith.index_cast %swap3A_1963 : i32 to index
    %swap3A_1965 = arith.constant 0 : index
    %swap3A_1966 = tpu.vector_load %arg16[%swap3A_1964, %swap3A_1965] {strides = array<i32>} : memref<16x112xf32, #tpu.memory_space<vmem>>, vector<16xf32>,
    tpu.vector_store %arg16[%swap3A_1964, %swap3A_1965], %broadcast_in_dim3A_3 {strides = array<i32>} : memref<16x112xf32, #tpu.memory_space<vmem>>, vector<16xf32>,
    %swap3A_1967 = arith.constant 2 : i32
    %swap3A_1968 = arith.index_cast %swap3A_1967 : i32 to index
    %swap3A_1969 = arith.constant 0 : index
    %swap3A_1970 = tpu.vector_load %arg17[%swap3A_1968, %swap3A_1969] {strides = array<i32>} : memref<16x112xf32, #tpu.memory_space<vmem>>, vector<16xf32>,
    tpu.vector_store %arg17[%swap3A_1968, %swap3A_1969], %broadcast_in_dim3A_3 {strides = array<i32>} : memref<16x112xf32, #tpu.memory_space<vmem>>, vector<16xf32>,
    %swap3A_1971 = arith.constant 2 : i32
    %swap3A_1972 = arith.index_cast %swap3A_1971 : i32 to index
    %swap3A_1973 = arith.constant 0 : index
    %swap3A_1974 = tpu.vector_load %arg18[%swap3A_1972, %swap3A_1973] {strides = array<i32>} : memref<16x112xf32, #tpu.memory_space<vmem>>, vector<16xf32>,
    tpu.vector_store %arg18[%swap3A_1972, %swap3A_1973], %broadcast_in_dim3A_3 {strides = array<i32>} : memref<16x112xf32, #tpu.memory_space<vmem>>, vector<16xf32>,
    %swap3A_1975 = arith.constant 2 : i32
    %swap3A_1976 = arith.index_cast %swap3A_1975 : i32 to index
    %swap3A_1977 = arith.constant 16 : index
    %swap3A_1978 = tpu.vector_load %arg16[%swap3A_1976, %swap3A_1977] {strides = array<i32>} : memref<16x112xf32, #tpu.memory_space<vmem>>, vector<16xf32>,
    tpu.vector_store %arg16[%swap3A_1976, %swap3A_1977], %broadcast_in_dim3A_3 {strides = array<i32>} : memref<16x112xf32, #tpu.memory_space<vmem>>, vector<16xf32>,
    %swap3A_1979 = arith.constant 2 : i32
    %swap3A_1980 = arith.index_cast %swap3A_1979 : i32 to index
    %swap3A_1981 = arith.constant 16 : index
    %swap3A_1982 = tpu.vector_load %arg17[%swap3A_1980, %swap3A_1981] {strides = array<i32>} : memref<16x112xf32, #tpu.memory_space<vmem>>, vector<16xf32>,
    tpu.vector_store %arg17[%swap3A_1980, %swap3A_1981], %broadcast_in_dim3A_3 {strides = array<i32>} : memref<16x112xf32, #tpu.memory_space<vmem>>, vector<16xf32>,
    %swap3A_1983 = arith.constant 2 : i32
    %swap3A_1984 = arith.index_cast %swap3A_1983 : i32 to index
    %swap3A_1985 = arith.constant 16 : index
    %swap3A_1986 = tpu.vector_load %arg18[%swap3A_1984, %swap3A_1985] {strides = array<i32>} : memref<16x112xf32, #tpu.memory_space<vmem>>, vector<16xf32>,
    tpu.vector_store %arg18[%swap3A_1984, %swap3A_1985], %broadcast_in_dim3A_3 {strides = array<i32>} : memref<16x112xf32, #tpu.memory_space<vmem>>, vector<16xf32>,
    %swap3A_1987 = arith.constant 2 : i32
    %swap3A_1988 = arith.index_cast %swap3A_1987 : i32 to index
    %swap3A_1989 = arith.constant 32 : index
    %swap3A_1990 = tpu.vector_load %arg16[%swap3A_1988, %swap3A_1989] {strides = array<i32>} : memref<16x112xf32, #tpu.memory_space<vmem>>, vector<16xf32>,
    tpu.vector_store %arg16[%swap3A_1988, %swap3A_1989], %broadcast_in_dim3A_3 {strides = array<i32>} : memref<16x112xf32, #tpu.memory_space<vmem>>, vector<16xf32>,
    %swap3A_1991 = arith.constant 2 : i32
    %swap3A_1992 = arith.index_cast %swap3A_1991 : i32 to index
    %swap3A_1993 = arith.constant 32 : index
    %swap3A_1994 = tpu.vector_load %arg17[%swap3A_1992, %swap3A_1993] {strides = array<i32>} : memref<16x112xf32, #tpu.memory_space<vmem>>, vector<16xf32>,
    tpu.vector_store %arg17[%swap3A_1992, %swap3A_1993], %broadcast_in_dim3A_3 {strides = array<i32>} : memref<16x112xf32, #tpu.memory_space<vmem>>, vector<16xf32>,
    %swap3A_1995 = arith.constant 2 : i32
    %swap3A_1996 = arith.index_cast %swap3A_1995 : i32 to index
    %swap3A_1997 = arith.constant 32 : index
    %swap3A_1998 = tpu.vector_load %arg18[%swap3A_1996, %swap3A_1997] {strides = array<i32>} : memref<16x112xf32, #tpu.memory_space<vmem>>, vector<16xf32>,
    tpu.vector_store %arg18[%swap3A_1996, %swap3A_1997], %broadcast_in_dim3A_3 {strides = array<i32>} : memref<16x112xf32, #tpu.memory_space<vmem>>, vector<16xf32>,
    %swap3A_1999 = arith.constant 2 : i32
    %swap3A_2000 = arith.index_cast %swap3A_1999 : i32 to index
    %swap3A_2001 = arith.constant 48 : index
    %swap3A_2002 = tpu.vector_load %arg16[%swap3A_2000, %swap3A_2001] {strides = array<i32>} : memref<16x112xf32, #tpu.memory_space<vmem>>, vector<16xf32>,
    tpu.vector_store %arg16[%swap3A_2000, %swap3A_2001], %broadcast_in_dim3A_3 {strides = array<i32>} : memref<16x112xf32, #tpu.memory_space<vmem>>, vector<16xf32>,
    %swap3A_2003 = arith.constant 2 : i32
    %swap3A_2004 = arith.index_cast %swap3A_2003 : i32 to index
    %swap3A_2005 = arith.constant 48 : index
    %swap3A_2006 = tpu.vector_load %arg17[%swap3A_2004, %swap3A_2005] {strides = array<i32>} : memref<16x112xf32, #tpu.memory_space<vmem>>, vector<16xf32>,
    tpu.vector_store %arg17[%swap3A_2004, %swap3A_2005], %broadcast_in_dim3A_3 {strides = array<i32>} : memref<16x112xf32, #tpu.memory_space<vmem>>, vector<16xf32>,
    %swap3A_2007 = arith.constant 2 : i32
    %swap3A_2008 = arith.index_cast %swap3A_2007 : i32 to index
    %swap3A_2009 = arith.constant 48 : index
    %swap3A_2010 = tpu.vector_load %arg18[%swap3A_2008, %swap3A_2009] {strides = array<i32>} : memref<16x112xf32, #tpu.memory_space<vmem>>, vector<16xf32>,
    tpu.vector_store %arg18[%swap3A_2008, %swap3A_2009], %broadcast_in_dim3A_3 {strides = array<i32>} : memref<16x112xf32, #tpu.memory_space<vmem>>, vector<16xf32>,
    %swap3A_2011 = arith.constant 2 : i32
    %swap3A_2012 = arith.index_cast %swap3A_2011 : i32 to index
    %swap3A_2013 = arith.constant 64 : index
    %swap3A_2014 = tpu.vector_load %arg16[%swap3A_2012, %swap3A_2013] {strides = array<i32>} : memref<16x112xf32, #tpu.memory_space<vmem>>, vector<16xf32>,
    tpu.vector_store %arg16[%swap3A_2012, %swap3A_2013], %broadcast_in_dim3A_3 {strides = array<i32>} : memref<16x112xf32, #tpu.memory_space<vmem>>, vector<16xf32>,
    %swap3A_2015 = arith.constant 2 : i32
    %swap3A_2016 = arith.index_cast %swap3A_2015 : i32 to index
    %swap3A_2017 = arith.constant 64 : index
    %swap3A_2018 = tpu.vector_load %arg17[%swap3A_2016, %swap3A_2017] {strides = array<i32>} : memref<16x112xf32, #tpu.memory_space<vmem>>, vector<16xf32>,
    tpu.vector_store %arg17[%swap3A_2016, %swap3A_2017], %broadcast_in_dim3A_3 {strides = array<i32>} : memref<16x112xf32, #tpu.memory_space<vmem>>, vector<16xf32>,
    %swap3A_2019 = arith.constant 2 : i32
    %swap3A_2020 = arith.index_cast %swap3A_2019 : i32 to index
    %swap3A_2021 = arith.constant 64 : index
    %swap3A_2022 = tpu.vector_load %arg18[%swap3A_2020, %swap3A_2021] {strides = array<i32>} : memref<16x112xf32, #tpu.memory_space<vmem>>, vector<16xf32>,
    tpu.vector_store %arg18[%swap3A_2020, %swap3A_2021], %broadcast_in_dim3A_3 {strides = array<i32>} : memref<16x112xf32, #tpu.memory_space<vmem>>, vector<16xf32>,
    %swap3A_2023 = arith.constant 2 : i32
    %swap3A_2024 = arith.index_cast %swap3A_2023 : i32 to index
    %swap3A_2025 = arith.constant 80 : index
    %swap3A_2026 = tpu.vector_load %arg16[%swap3A_2024, %swap3A_2025] {strides = array<i32>} : memref<16x112xf32, #tpu.memory_space<vmem>>, vector<16xf32>,
    tpu.vector_store %arg16[%swap3A_2024, %swap3A_2025], %broadcast_in_dim3A_3 {strides = array<i32>} : memref<16x112xf32, #tpu.memory_space<vmem>>, vector<16xf32>,
    %swap3A_2027 = arith.constant 2 : i32
    %swap3A_2028 = arith.index_cast %swap3A_2027 : i32 to index
    %swap3A_2029 = arith.constant 80 : index
    %swap3A_2030 = tpu.vector_load %arg17[%swap3A_2028, %swap3A_2029] {strides = array<i32>} : memref<16x112xf32, #tpu.memory_space<vmem>>, vector<16xf32>,
    tpu.vector_store %arg17[%swap3A_2028, %swap3A_2029], %broadcast_in_dim3A_3 {strides = array<i32>} : memref<16x112xf32, #tpu.memory_space<vmem>>, vector<16xf32>,
    %swap3A_2031 = arith.constant 2 : i32
    %swap3A_2032 = arith.index_cast %swap3A_2031 : i32 to index
    %swap3A_2033 = arith.constant 80 : index
    %swap3A_2034 = tpu.vector_load %arg18[%swap3A_2032, %swap3A_2033] {strides = array<i32>} : memref<16x112xf32, #tpu.memory_space<vmem>>, vector<16xf32>,
    tpu.vector_store %arg18[%swap3A_2032, %swap3A_2033], %broadcast_in_dim3A_3 {strides = array<i32>} : memref<16x112xf32, #tpu.memory_space<vmem>>, vector<16xf32>,
    %swap3A_2035 = arith.constant 2 : i32
    %swap3A_2036 = arith.index_cast %swap3A_2035 : i32 to index
    %swap3A_2037 = arith.constant 96 : index
    %swap3A_2038 = tpu.vector_load %arg16[%swap3A_2036, %swap3A_2037] {strides = array<i32>} : memref<16x112xf32, #tpu.memory_space<vmem>>, vector<16xf32>,
    tpu.vector_store %arg16[%swap3A_2036, %swap3A_2037], %broadcast_in_dim3A_3 {strides = array<i32>} : memref<16x112xf32, #tpu.memory_space<vmem>>, vector<16xf32>,
    %swap3A_2039 = arith.constant 2 : i32
    %swap3A_2040 = arith.index_cast %swap3A_2039 : i32 to index
    %swap3A_2041 = arith.constant 96 : index
    %swap3A_2042 = tpu.vector_load %arg17[%swap3A_2040, %swap3A_2041] {strides = array<i32>} : memref<16x112xf32, #tpu.memory_space<vmem>>, vector<16xf32>,
    tpu.vector_store %arg17[%swap3A_2040, %swap3A_2041], %broadcast_in_dim3A_3 {strides = array<i32>} : memref<16x112xf32, #tpu.memory_space<vmem>>, vector<16xf32>,
    %swap3A_2043 = arith.constant 2 : i32
    %swap3A_2044 = arith.index_cast %swap3A_2043 : i32 to index
    %swap3A_2045 = arith.constant 96 : index
    %swap3A_2046 = tpu.vector_load %arg18[%swap3A_2044, %swap3A_2045] {strides = array<i32>} : memref<16x112xf32, #tpu.memory_space<vmem>>, vector<16xf32>,
    tpu.vector_store %arg18[%swap3A_2044, %swap3A_2045], %broadcast_in_dim3A_3 {strides = array<i32>} : memref<16x112xf32, #tpu.memory_space<vmem>>, vector<16xf32>,
    %swap3A_2047 = arith.constant 2 : i32
    %swap3A_2048 = arith.index_cast %swap3A_2047 : i32 to index
    %swap3A_2049 = arith.constant 0 : index
    %swap3A_2050 = tpu.vector_load %arg19[%swap3A_2048, %swap3A_2049] {strides = array<i32>} : memref<16x32xf32, #tpu.memory_space<vmem>>, vector<16xf32>,
    tpu.vector_store %arg19[%swap3A_2048, %swap3A_2049], %broadcast_in_dim3A_3 {strides = array<i32>} : memref<16x32xf32, #tpu.memory_space<vmem>>, vector<16xf32>,
    %swap3A_2051 = arith.constant 2 : i32
    %swap3A_2052 = arith.index_cast %swap3A_2051 : i32 to index
    %swap3A_2053 = arith.constant 0 : index
    %swap3A_2054 = tpu.vector_load %arg20[%swap3A_2052, %swap3A_2053] {strides = array<i32>} : memref<16x32xf32, #tpu.memory_space<vmem>>, vector<16xf32>,
    tpu.vector_store %arg20[%swap3A_2052, %swap3A_2053], %broadcast_in_dim3A_3 {strides = array<i32>} : memref<16x32xf32, #tpu.memory_space<vmem>>, vector<16xf32>,
    %swap3A_2055 = arith.constant 2 : i32
    %swap3A_2056 = arith.index_cast %swap3A_2055 : i32 to index
    %swap3A_2057 = arith.constant 0 : index
    %swap3A_2058 = tpu.vector_load %arg21[%swap3A_2056, %swap3A_2057] {strides = array<i32>} : memref<16x32xf32, #tpu.memory_space<vmem>>, vector<16xf32>,
    tpu.vector_store %arg21[%swap3A_2056, %swap3A_2057], %broadcast_in_dim3A_3 {strides = array<i32>} : memref<16x32xf32, #tpu.memory_space<vmem>>, vector<16xf32>,
    %swap3A_2059 = arith.constant 2 : i32
    %swap3A_2060 = arith.index_cast %swap3A_2059 : i32 to index
    %swap3A_2061 = arith.constant 16 : index
    %swap3A_2062 = tpu.vector_load %arg19[%swap3A_2060, %swap3A_2061] {strides = array<i32>} : memref<16x32xf32, #tpu.memory_space<vmem>>, vector<16xf32>,
    tpu.vector_store %arg19[%swap3A_2060, %swap3A_2061], %broadcast_in_dim3A_3 {strides = array<i32>} : memref<16x32xf32, #tpu.memory_space<vmem>>, vector<16xf32>,
    %swap3A_2063 = arith.constant 2 : i32
    %swap3A_2064 = arith.index_cast %swap3A_2063 : i32 to index
    %swap3A_2065 = arith.constant 16 : index
    %swap3A_2066 = tpu.vector_load %arg20[%swap3A_2064, %swap3A_2065] {strides = array<i32>} : memref<16x32xf32, #tpu.memory_space<vmem>>, vector<16xf32>,
    tpu.vector_store %arg20[%swap3A_2064, %swap3A_2065], %broadcast_in_dim3A_3 {strides = array<i32>} : memref<16x32xf32, #tpu.memory_space<vmem>>, vector<16xf32>,
    %swap3A_2067 = arith.constant 2 : i32
    %swap3A_2068 = arith.index_cast %swap3A_2067 : i32 to index
    %swap3A_2069 = arith.constant 16 : index
    %swap3A_2070 = tpu.vector_load %arg21[%swap3A_2068, %swap3A_2069] {strides = array<i32>} : memref<16x32xf32, #tpu.memory_space<vmem>>, vector<16xf32>,
    tpu.vector_store %arg21[%swap3A_2068, %swap3A_2069], %broadcast_in_dim3A_3 {strides = array<i32>} : memref<16x32xf32, #tpu.memory_space<vmem>>, vector<16xf32>,
    %swap3A_2071 = arith.constant 3 : i32
    %swap3A_2072 = arith.index_cast %swap3A_2071 : i32 to index
    %swap3A_2073 = arith.constant 0 : index
    %swap3A_2074 = tpu.vector_load %arg16[%swap3A_2072, %swap3A_2073] {strides = array<i32>} : memref<16x112xf32, #tpu.memory_space<vmem>>, vector<16xf32>,
    tpu.vector_store %arg16[%swap3A_2072, %swap3A_2073], %broadcast_in_dim3A_3 {strides = array<i32>} : memref<16x112xf32, #tpu.memory_space<vmem>>, vector<16xf32>,
    %swap3A_2075 = arith.constant 3 : i32
    %swap3A_2076 = arith.index_cast %swap3A_2075 : i32 to index
    %swap3A_2077 = arith.constant 0 : index
    %swap3A_2078 = tpu.vector_load %arg17[%swap3A_2076, %swap3A_2077] {strides = array<i32>} : memref<16x112xf32, #tpu.memory_space<vmem>>, vector<16xf32>,
    tpu.vector_store %arg17[%swap3A_2076, %swap3A_2077], %broadcast_in_dim3A_3 {strides = array<i32>} : memref<16x112xf32, #tpu.memory_space<vmem>>, vector<16xf32>,
    %swap3A_2079 = arith.constant 3 : i32
    %swap3A_2080 = arith.index_cast %swap3A_2079 : i32 to index
    %swap3A_2081 = arith.constant 0 : index
    %swap3A_2082 = tpu.vector_load %arg18[%swap3A_2080, %swap3A_2081] {strides = array<i32>} : memref<16x112xf32, #tpu.memory_space<vmem>>, vector<16xf32>,
    tpu.vector_store %arg18[%swap3A_2080, %swap3A_2081], %broadcast_in_dim3A_3 {strides = array<i32>} : memref<16x112xf32, #tpu.memory_space<vmem>>, vector<16xf32>,
    %swap3A_2083 = arith.constant 3 : i32
    %swap3A_2084 = arith.index_cast %swap3A_2083 : i32 to index
    %swap3A_2085 = arith.constant 16 : index
    %swap3A_2086 = tpu.vector_load %arg16[%swap3A_2084, %swap3A_2085] {strides = array<i32>} : memref<16x112xf32, #tpu.memory_space<vmem>>, vector<16xf32>,
    tpu.vector_store %arg16[%swap3A_2084, %swap3A_2085], %broadcast_in_dim3A_3 {strides = array<i32>} : memref<16x112xf32, #tpu.memory_space<vmem>>, vector<16xf32>,
    %swap3A_2087 = arith.constant 3 : i32
    %swap3A_2088 = arith.index_cast %swap3A_2087 : i32 to index
    %swap3A_2089 = arith.constant 16 : index
    %swap3A_2090 = tpu.vector_load %arg17[%swap3A_2088, %swap3A_2089] {strides = array<i32>} : memref<16x112xf32, #tpu.memory_space<vmem>>, vector<16xf32>,
    tpu.vector_store %arg17[%swap3A_2088, %swap3A_2089], %broadcast_in_dim3A_3 {strides = array<i32>} : memref<16x112xf32, #tpu.memory_space<vmem>>, vector<16xf32>,
    %swap3A_2091 = arith.constant 3 : i32
    %swap3A_2092 = arith.index_cast %swap3A_2091 : i32 to index
    %swap3A_2093 = arith.constant 16 : index
    %swap3A_2094 = tpu.vector_load %arg18[%swap3A_2092, %swap3A_2093] {strides = array<i32>} : memref<16x112xf32, #tpu.memory_space<vmem>>, vector<16xf32>,
    tpu.vector_store %arg18[%swap3A_2092, %swap3A_2093], %broadcast_in_dim3A_3 {strides = array<i32>} : memref<16x112xf32, #tpu.memory_space<vmem>>, vector<16xf32>,
    %swap3A_2095 = arith.constant 3 : i32
    %swap3A_2096 = arith.index_cast %swap3A_2095 : i32 to index
    %swap3A_2097 = arith.constant 32 : index
    %swap3A_2098 = tpu.vector_load %arg16[%swap3A_2096, %swap3A_2097] {strides = array<i32>} : memref<16x112xf32, #tpu.memory_space<vmem>>, vector<16xf32>,
    tpu.vector_store %arg16[%swap3A_2096, %swap3A_2097], %broadcast_in_dim3A_3 {strides = array<i32>} : memref<16x112xf32, #tpu.memory_space<vmem>>, vector<16xf32>,
    %swap3A_2099 = arith.constant 3 : i32
    %swap3A_2100 = arith.index_cast %swap3A_2099 : i32 to index
    %swap3A_2101 = arith.constant 32 : index
    %swap3A_2102 = tpu.vector_load %arg17[%swap3A_2100, %swap3A_2101] {strides = array<i32>} : memref<16x112xf32, #tpu.memory_space<vmem>>, vector<16xf32>,
    tpu.vector_store %arg17[%swap3A_2100, %swap3A_2101], %broadcast_in_dim3A_3 {strides = array<i32>} : memref<16x112xf32, #tpu.memory_space<vmem>>, vector<16xf32>,
    %swap3A_2103 = arith.constant 3 : i32
    %swap3A_2104 = arith.index_cast %swap3A_2103 : i32 to index
    %swap3A_2105 = arith.constant 32 : index
    %swap3A_2106 = tpu.vector_load %arg18[%swap3A_2104, %swap3A_2105] {strides = array<i32>} : memref<16x112xf32, #tpu.memory_space<vmem>>, vector<16xf32>,
    tpu.vector_store %arg18[%swap3A_2104, %swap3A_2105], %broadcast_in_dim3A_3 {strides = array<i32>} : memref<16x112xf32, #tpu.memory_space<vmem>>, vector<16xf32>,
    %swap3A_2107 = arith.constant 3 : i32
    %swap3A_2108 = arith.index_cast %swap3A_2107 : i32 to index
    %swap3A_2109 = arith.constant 48 : index
    %swap3A_2110 = tpu.vector_load %arg16[%swap3A_2108, %swap3A_2109] {strides = array<i32>} : memref<16x112xf32, #tpu.memory_space<vmem>>, vector<16xf32>,
    tpu.vector_store %arg16[%swap3A_2108, %swap3A_2109], %broadcast_in_dim3A_3 {strides = array<i32>} : memref<16x112xf32, #tpu.memory_space<vmem>>, vector<16xf32>,
    %swap3A_2111 = arith.constant 3 : i32
    %swap3A_2112 = arith.index_cast %swap3A_2111 : i32 to index
    %swap3A_2113 = arith.constant 48 : index
    %swap3A_2114 = tpu.vector_load %arg17[%swap3A_2112, %swap3A_2113] {strides = array<i32>} : memref<16x112xf32, #tpu.memory_space<vmem>>, vector<16xf32>,
    tpu.vector_store %arg17[%swap3A_2112, %swap3A_2113], %broadcast_in_dim3A_3 {strides = array<i32>} : memref<16x112xf32, #tpu.memory_space<vmem>>, vector<16xf32>,
    %swap3A_2115 = arith.constant 3 : i32
    %swap3A_2116 = arith.index_cast %swap3A_2115 : i32 to index
    %swap3A_2117 = arith.constant 48 : index
    %swap3A_2118 = tpu.vector_load %arg18[%swap3A_2116, %swap3A_2117] {strides = array<i32>} : memref<16x112xf32, #tpu.memory_space<vmem>>, vector<16xf32>,
    tpu.vector_store %arg18[%swap3A_2116, %swap3A_2117], %broadcast_in_dim3A_3 {strides = array<i32>} : memref<16x112xf32, #tpu.memory_space<vmem>>, vector<16xf32>,
    %swap3A_2119 = arith.constant 3 : i32
    %swap3A_2120 = arith.index_cast %swap3A_2119 : i32 to index
    %swap3A_2121 = arith.constant 64 : index
    %swap3A_2122 = tpu.vector_load %arg16[%swap3A_2120, %swap3A_2121] {strides = array<i32>} : memref<16x112xf32, #tpu.memory_space<vmem>>, vector<16xf32>,
    tpu.vector_store %arg16[%swap3A_2120, %swap3A_2121], %broadcast_in_dim3A_3 {strides = array<i32>} : memref<16x112xf32, #tpu.memory_space<vmem>>, vector<16xf32>,
    %swap3A_2123 = arith.constant 3 : i32
    %swap3A_2124 = arith.index_cast %swap3A_2123 : i32 to index
    %swap3A_2125 = arith.constant 64 : index
    %swap3A_2126 = tpu.vector_load %arg17[%swap3A_2124, %swap3A_2125] {strides = array<i32>} : memref<16x112xf32, #tpu.memory_space<vmem>>, vector<16xf32>,
    tpu.vector_store %arg17[%swap3A_2124, %swap3A_2125], %broadcast_in_dim3A_3 {strides = array<i32>} : memref<16x112xf32, #tpu.memory_space<vmem>>, vector<16xf32>,
    %swap3A_2127 = arith.constant 3 : i32
    %swap3A_2128 = arith.index_cast %swap3A_2127 : i32 to index
    %swap3A_2129 = arith.constant 64 : index
    %swap3A_2130 = tpu.vector_load %arg18[%swap3A_2128, %swap3A_2129] {strides = array<i32>} : memref<16x112xf32, #tpu.memory_space<vmem>>, vector<16xf32>,
    tpu.vector_store %arg18[%swap3A_2128, %swap3A_2129], %broadcast_in_dim3A_3 {strides = array<i32>} : memref<16x112xf32, #tpu.memory_space<vmem>>, vector<16xf32>,
    %swap3A_2131 = arith.constant 3 : i32
    %swap3A_2132 = arith.index_cast %swap3A_2131 : i32 to index
    %swap3A_2133 = arith.constant 80 : index
    %swap3A_2134 = tpu.vector_load %arg16[%swap3A_2132, %swap3A_2133] {strides = array<i32>} : memref<16x112xf32, #tpu.memory_space<vmem>>, vector<16xf32>,
    tpu.vector_store %arg16[%swap3A_2132, %swap3A_2133], %broadcast_in_dim3A_3 {strides = array<i32>} : memref<16x112xf32, #tpu.memory_space<vmem>>, vector<16xf32>,
    %swap3A_2135 = arith.constant 3 : i32
    %swap3A_2136 = arith.index_cast %swap3A_2135 : i32 to index
    %swap3A_2137 = arith.constant 80 : index
    %swap3A_2138 = tpu.vector_load %arg17[%swap3A_2136, %swap3A_2137] {strides = array<i32>} : memref<16x112xf32, #tpu.memory_space<vmem>>, vector<16xf32>,
    tpu.vector_store %arg17[%swap3A_2136, %swap3A_2137], %broadcast_in_dim3A_3 {strides = array<i32>} : memref<16x112xf32, #tpu.memory_space<vmem>>, vector<16xf32>,
    %swap3A_2139 = arith.constant 3 : i32
    %swap3A_2140 = arith.index_cast %swap3A_2139 : i32 to index
    %swap3A_2141 = arith.constant 80 : index
    %swap3A_2142 = tpu.vector_load %arg18[%swap3A_2140, %swap3A_2141] {strides = array<i32>} : memref<16x112xf32, #tpu.memory_space<vmem>>, vector<16xf32>,
    tpu.vector_store %arg18[%swap3A_2140, %swap3A_2141], %broadcast_in_dim3A_3 {strides = array<i32>} : memref<16x112xf32, #tpu.memory_space<vmem>>, vector<16xf32>,
    %swap3A_2143 = arith.constant 3 : i32
    %swap3A_2144 = arith.index_cast %swap3A_2143 : i32 to index
    %swap3A_2145 = arith.constant 96 : index
    %swap3A_2146 = tpu.vector_load %arg16[%swap3A_2144, %swap3A_2145] {strides = array<i32>} : memref<16x112xf32, #tpu.memory_space<vmem>>, vector<16xf32>,
    tpu.vector_store %arg16[%swap3A_2144, %swap3A_2145], %broadcast_in_dim3A_3 {strides = array<i32>} : memref<16x112xf32, #tpu.memory_space<vmem>>, vector<16xf32>,
    %swap3A_2147 = arith.constant 3 : i32
    %swap3A_2148 = arith.index_cast %swap3A_2147 : i32 to index
    %swap3A_2149 = arith.constant 96 : index
    %swap3A_2150 = tpu.vector_load %arg17[%swap3A_2148, %swap3A_2149] {strides = array<i32>} : memref<16x112xf32, #tpu.memory_space<vmem>>, vector<16xf32>,
    tpu.vector_store %arg17[%swap3A_2148, %swap3A_2149], %broadcast_in_dim3A_3 {strides = array<i32>} : memref<16x112xf32, #tpu.memory_space<vmem>>, vector<16xf32>,
    %swap3A_2151 = arith.constant 3 : i32
    %swap3A_2152 = arith.index_cast %swap3A_2151 : i32 to index
    %swap3A_2153 = arith.constant 96 : index
    %swap3A_2154 = tpu.vector_load %arg18[%swap3A_2152, %swap3A_2153] {strides = array<i32>} : memref<16x112xf32, #tpu.memory_space<vmem>>, vector<16xf32>,
    tpu.vector_store %arg18[%swap3A_2152, %swap3A_2153], %broadcast_in_dim3A_3 {strides = array<i32>} : memref<16x112xf32, #tpu.memory_space<vmem>>, vector<16xf32>,
    %swap3A_2155 = arith.constant 3 : i32
    %swap3A_2156 = arith.index_cast %swap3A_2155 : i32 to index
    %swap3A_2157 = arith.constant 0 : index
    %swap3A_2158 = tpu.vector_load %arg19[%swap3A_2156, %swap3A_2157] {strides = array<i32>} : memref<16x32xf32, #tpu.memory_space<vmem>>, vector<16xf32>,
    tpu.vector_store %arg19[%swap3A_2156, %swap3A_2157], %broadcast_in_dim3A_3 {strides = array<i32>} : memref<16x32xf32, #tpu.memory_space<vmem>>, vector<16xf32>,
    %swap3A_2159 = arith.constant 3 : i32
    %swap3A_2160 = arith.index_cast %swap3A_2159 : i32 to index
    %swap3A_2161 = arith.constant 0 : index
    %swap3A_2162 = tpu.vector_load %arg20[%swap3A_2160, %swap3A_2161] {strides = array<i32>} : memref<16x32xf32, #tpu.memory_space<vmem>>, vector<16xf32>,
    tpu.vector_store %arg20[%swap3A_2160, %swap3A_2161], %broadcast_in_dim3A_3 {strides = array<i32>} : memref<16x32xf32, #tpu.memory_space<vmem>>, vector<16xf32>,
    %swap3A_2163 = arith.constant 3 : i32
    %swap3A_2164 = arith.index_cast %swap3A_2163 : i32 to index
    %swap3A_2165 = arith.constant 0 : index
    %swap3A_2166 = tpu.vector_load %arg21[%swap3A_2164, %swap3A_2165] {strides = array<i32>} : memref<16x32xf32, #tpu.memory_space<vmem>>, vector<16xf32>,
    tpu.vector_store %arg21[%swap3A_2164, %swap3A_2165], %broadcast_in_dim3A_3 {strides = array<i32>} : memref<16x32xf32, #tpu.memory_space<vmem>>, vector<16xf32>,
    %swap3A_2167 = arith.constant 3 : i32
    %swap3A_2168 = arith.index_cast %swap3A_2167 : i32 to index
    %swap3A_2169 = arith.constant 16 : index
    %swap3A_2170 = tpu.vector_load %arg19[%swap3A_2168, %swap3A_2169] {strides = array<i32>} : memref<16x32xf32, #tpu.memory_space<vmem>>, vector<16xf32>,
    tpu.vector_store %arg19[%swap3A_2168, %swap3A_2169], %broadcast_in_dim3A_3 {strides = array<i32>} : memref<16x32xf32, #tpu.memory_space<vmem>>, vector<16xf32>,
    %swap3A_2171 = arith.constant 3 : i32
    %swap3A_2172 = arith.index_cast %swap3A_2171 : i32 to index
    %swap3A_2173 = arith.constant 16 : index
    %swap3A_2174 = tpu.vector_load %arg20[%swap3A_2172, %swap3A_2173] {strides = array<i32>} : memref<16x32xf32, #tpu.memory_space<vmem>>, vector<16xf32>,
    tpu.vector_store %arg20[%swap3A_2172, %swap3A_2173], %broadcast_in_dim3A_3 {strides = array<i32>} : memref<16x32xf32, #tpu.memory_space<vmem>>, vector<16xf32>,
    %swap3A_2175 = arith.constant 3 : i32
    %swap3A_2176 = arith.index_cast %swap3A_2175 : i32 to index
    %swap3A_2177 = arith.constant 16 : index
    %swap3A_2178 = tpu.vector_load %arg21[%swap3A_2176, %swap3A_2177] {strides = array<i32>} : memref<16x32xf32, #tpu.memory_space<vmem>>, vector<16xf32>,
    tpu.vector_store %arg21[%swap3A_2176, %swap3A_2177], %broadcast_in_dim3A_3 {strides = array<i32>} : memref<16x32xf32, #tpu.memory_space<vmem>>, vector<16xf32>,
    %swap3A_2179 = arith.constant 4 : i32
    %swap3A_2180 = arith.index_cast %swap3A_2179 : i32 to index
    %swap3A_2181 = arith.constant 0 : index
    %swap3A_2182 = tpu.vector_load %arg16[%swap3A_2180, %swap3A_2181] {strides = array<i32>} : memref<16x112xf32, #tpu.memory_space<vmem>>, vector<16xf32>,
    tpu.vector_store %arg16[%swap3A_2180, %swap3A_2181], %broadcast_in_dim3A_3 {strides = array<i32>} : memref<16x112xf32, #tpu.memory_space<vmem>>, vector<16xf32>,
    %swap3A_2183 = arith.constant 4 : i32
    %swap3A_2184 = arith.index_cast %swap3A_2183 : i32 to index
    %swap3A_2185 = arith.constant 0 : index
    %swap3A_2186 = tpu.vector_load %arg17[%swap3A_2184, %swap3A_2185] {strides = array<i32>} : memref<16x112xf32, #tpu.memory_space<vmem>>, vector<16xf32>,
    tpu.vector_store %arg17[%swap3A_2184, %swap3A_2185], %broadcast_in_dim3A_3 {strides = array<i32>} : memref<16x112xf32, #tpu.memory_space<vmem>>, vector<16xf32>,
    %swap3A_2187 = arith.constant 4 : i32
    %swap3A_2188 = arith.index_cast %swap3A_2187 : i32 to index
    %swap3A_2189 = arith.constant 0 : index
    %swap3A_2190 = tpu.vector_load %arg18[%swap3A_2188, %swap3A_2189] {strides = array<i32>} : memref<16x112xf32, #tpu.memory_space<vmem>>, vector<16xf32>,
    tpu.vector_store %arg18[%swap3A_2188, %swap3A_2189], %broadcast_in_dim3A_3 {strides = array<i32>} : memref<16x112xf32, #tpu.memory_space<vmem>>, vector<16xf32>,
    %swap3A_2191 = arith.constant 4 : i32
    %swap3A_2192 = arith.index_cast %swap3A_2191 : i32 to index
    %swap3A_2193 = arith.constant 16 : index
    %swap3A_2194 = tpu.vector_load %arg16[%swap3A_2192, %swap3A_2193] {strides = array<i32>} : memref<16x112xf32, #tpu.memory_space<vmem>>, vector<16xf32>,
    tpu.vector_store %arg16[%swap3A_2192, %swap3A_2193], %broadcast_in_dim3A_3 {strides = array<i32>} : memref<16x112xf32, #tpu.memory_space<vmem>>, vector<16xf32>,
    %swap3A_2195 = arith.constant 4 : i32
    %swap3A_2196 = arith.index_cast %swap3A_2195 : i32 to index
    %swap3A_2197 = arith.constant 16 : index
    %swap3A_2198 = tpu.vector_load %arg17[%swap3A_2196, %swap3A_2197] {strides = array<i32>} : memref<16x112xf32, #tpu.memory_space<vmem>>, vector<16xf32>,
    tpu.vector_store %arg17[%swap3A_2196, %swap3A_2197], %broadcast_in_dim3A_3 {strides = array<i32>} : memref<16x112xf32, #tpu.memory_space<vmem>>, vector<16xf32>,
    %swap3A_2199 = arith.constant 4 : i32
    %swap3A_2200 = arith.index_cast %swap3A_2199 : i32 to index
    %swap3A_2201 = arith.constant 16 : index
    %swap3A_2202 = tpu.vector_load %arg18[%swap3A_2200, %swap3A_2201] {strides = array<i32>} : memref<16x112xf32, #tpu.memory_space<vmem>>, vector<16xf32>,
    tpu.vector_store %arg18[%swap3A_2200, %swap3A_2201], %broadcast_in_dim3A_3 {strides = array<i32>} : memref<16x112xf32, #tpu.memory_space<vmem>>, vector<16xf32>,
    %swap3A_2203 = arith.constant 4 : i32
    %swap3A_2204 = arith.index_cast %swap3A_2203 : i32 to index
    %swap3A_2205 = arith.constant 32 : index
    %swap3A_2206 = tpu.vector_load %arg16[%swap3A_2204, %swap3A_2205] {strides = array<i32>} : memref<16x112xf32, #tpu.memory_space<vmem>>, vector<16xf32>,
    tpu.vector_store %arg16[%swap3A_2204, %swap3A_2205], %broadcast_in_dim3A_3 {strides = array<i32>} : memref<16x112xf32, #tpu.memory_space<vmem>>, vector<16xf32>,
    %swap3A_2207 = arith.constant 4 : i32
    %swap3A_2208 = arith.index_cast %swap3A_2207 : i32 to index
    %swap3A_2209 = arith.constant 32 : index
    %swap3A_2210 = tpu.vector_load %arg17[%swap3A_2208, %swap3A_2209] {strides = array<i32>} : memref<16x112xf32, #tpu.memory_space<vmem>>, vector<16xf32>,
    tpu.vector_store %arg17[%swap3A_2208, %swap3A_2209], %broadcast_in_dim3A_3 {strides = array<i32>} : memref<16x112xf32, #tpu.memory_space<vmem>>, vector<16xf32>,
    %swap3A_2211 = arith.constant 4 : i32
    %swap3A_2212 = arith.index_cast %swap3A_2211 : i32 to index
    %swap3A_2213 = arith.constant 32 : index
    %swap3A_2214 = tpu.vector_load %arg18[%swap3A_2212, %swap3A_2213] {strides = array<i32>} : memref<16x112xf32, #tpu.memory_space<vmem>>, vector<16xf32>,
    tpu.vector_store %arg18[%swap3A_2212, %swap3A_2213], %broadcast_in_dim3A_3 {strides = array<i32>} : memref<16x112xf32, #tpu.memory_space<vmem>>, vector<16xf32>,
    %swap3A_2215 = arith.constant 4 : i32
    %swap3A_2216 = arith.index_cast %swap3A_2215 : i32 to index
    %swap3A_2217 = arith.constant 48 : index
    %swap3A_2218 = tpu.vector_load %arg16[%swap3A_2216, %swap3A_2217] {strides = array<i32>} : memref<16x112xf32, #tpu.memory_space<vmem>>, vector<16xf32>,
    tpu.vector_store %arg16[%swap3A_2216, %swap3A_2217], %broadcast_in_dim3A_3 {strides = array<i32>} : memref<16x112xf32, #tpu.memory_space<vmem>>, vector<16xf32>,
    %swap3A_2219 = arith.constant 4 : i32
    %swap3A_2220 = arith.index_cast %swap3A_2219 : i32 to index
    %swap3A_2221 = arith.constant 48 : index
    %swap3A_2222 = tpu.vector_load %arg17[%swap3A_2220, %swap3A_2221] {strides = array<i32>} : memref<16x112xf32, #tpu.memory_space<vmem>>, vector<16xf32>,
    tpu.vector_store %arg17[%swap3A_2220, %swap3A_2221], %broadcast_in_dim3A_3 {strides = array<i32>} : memref<16x112xf32, #tpu.memory_space<vmem>>, vector<16xf32>,
    %swap3A_2223 = arith.constant 4 : i32
    %swap3A_2224 = arith.index_cast %swap3A_2223 : i32 to index
    %swap3A_2225 = arith.constant 48 : index
    %swap3A_2226 = tpu.vector_load %arg18[%swap3A_2224, %swap3A_2225] {strides = array<i32>} : memref<16x112xf32, #tpu.memory_space<vmem>>, vector<16xf32>,
    tpu.vector_store %arg18[%swap3A_2224, %swap3A_2225], %broadcast_in_dim3A_3 {strides = array<i32>} : memref<16x112xf32, #tpu.memory_space<vmem>>, vector<16xf32>,
    %swap3A_2227 = arith.constant 4 : i32
    %swap3A_2228 = arith.index_cast %swap3A_2227 : i32 to index
    %swap3A_2229 = arith.constant 64 : index
    %swap3A_2230 = tpu.vector_load %arg16[%swap3A_2228, %swap3A_2229] {strides = array<i32>} : memref<16x112xf32, #tpu.memory_space<vmem>>, vector<16xf32>,
    tpu.vector_store %arg16[%swap3A_2228, %swap3A_2229], %broadcast_in_dim3A_3 {strides = array<i32>} : memref<16x112xf32, #tpu.memory_space<vmem>>, vector<16xf32>,
    %swap3A_2231 = arith.constant 4 : i32
    %swap3A_2232 = arith.index_cast %swap3A_2231 : i32 to index
    %swap3A_2233 = arith.constant 64 : index
    %swap3A_2234 = tpu.vector_load %arg17[%swap3A_2232, %swap3A_2233] {strides = array<i32>} : memref<16x112xf32, #tpu.memory_space<vmem>>, vector<16xf32>,
    tpu.vector_store %arg17[%swap3A_2232, %swap3A_2233], %broadcast_in_dim3A_3 {strides = array<i32>} : memref<16x112xf32, #tpu.memory_space<vmem>>, vector<16xf32>,
    %swap3A_2235 = arith.constant 4 : i32
    %swap3A_2236 = arith.index_cast %swap3A_2235 : i32 to index
    %swap3A_2237 = arith.constant 64 : index
    %swap3A_2238 = tpu.vector_load %arg18[%swap3A_2236, %swap3A_2237] {strides = array<i32>} : memref<16x112xf32, #tpu.memory_space<vmem>>, vector<16xf32>,
    tpu.vector_store %arg18[%swap3A_2236, %swap3A_2237], %broadcast_in_dim3A_3 {strides = array<i32>} : memref<16x112xf32, #tpu.memory_space<vmem>>, vector<16xf32>,
    %swap3A_2239 = arith.constant 4 : i32
    %swap3A_2240 = arith.index_cast %swap3A_2239 : i32 to index
    %swap3A_2241 = arith.constant 80 : index
    %swap3A_2242 = tpu.vector_load %arg16[%swap3A_2240, %swap3A_2241] {strides = array<i32>} : memref<16x112xf32, #tpu.memory_space<vmem>>, vector<16xf32>,
    tpu.vector_store %arg16[%swap3A_2240, %swap3A_2241], %broadcast_in_dim3A_3 {strides = array<i32>} : memref<16x112xf32, #tpu.memory_space<vmem>>, vector<16xf32>,
    %swap3A_2243 = arith.constant 4 : i32
    %swap3A_2244 = arith.index_cast %swap3A_2243 : i32 to index
    %swap3A_2245 = arith.constant 80 : index
    %swap3A_2246 = tpu.vector_load %arg17[%swap3A_2244, %swap3A_2245] {strides = array<i32>} : memref<16x112xf32, #tpu.memory_space<vmem>>, vector<16xf32>,
    tpu.vector_store %arg17[%swap3A_2244, %swap3A_2245], %broadcast_in_dim3A_3 {strides = array<i32>} : memref<16x112xf32, #tpu.memory_space<vmem>>, vector<16xf32>,
    %swap3A_2247 = arith.constant 4 : i32
    %swap3A_2248 = arith.index_cast %swap3A_2247 : i32 to index
    %swap3A_2249 = arith.constant 80 : index
    %swap3A_2250 = tpu.vector_load %arg18[%swap3A_2248, %swap3A_2249] {strides = array<i32>} : memref<16x112xf32, #tpu.memory_space<vmem>>, vector<16xf32>,
    tpu.vector_store %arg18[%swap3A_2248, %swap3A_2249], %broadcast_in_dim3A_3 {strides = array<i32>} : memref<16x112xf32, #tpu.memory_space<vmem>>, vector<16xf32>,
    %swap3A_2251 = arith.constant 4 : i32
    %swap3A_2252 = arith.index_cast %swap3A_2251 : i32 to index
    %swap3A_2253 = arith.constant 96 : index
    %swap3A_2254 = tpu.vector_load %arg16[%swap3A_2252, %swap3A_2253] {strides = array<i32>} : memref<16x112xf32, #tpu.memory_space<vmem>>, vector<16xf32>,
    tpu.vector_store %arg16[%swap3A_2252, %swap3A_2253], %broadcast_in_dim3A_3 {strides = array<i32>} : memref<16x112xf32, #tpu.memory_space<vmem>>, vector<16xf32>,
    %swap3A_2255 = arith.constant 4 : i32
    %swap3A_2256 = arith.index_cast %swap3A_2255 : i32 to index
    %swap3A_2257 = arith.constant 96 : index
    %swap3A_2258 = tpu.vector_load %arg17[%swap3A_2256, %swap3A_2257] {strides = array<i32>} : memref<16x112xf32, #tpu.memory_space<vmem>>, vector<16xf32>,
    tpu.vector_store %arg17[%swap3A_2256, %swap3A_2257], %broadcast_in_dim3A_3 {strides = array<i32>} : memref<16x112xf32, #tpu.memory_space<vmem>>, vector<16xf32>,
    %swap3A_2259 = arith.constant 4 : i32
    %swap3A_2260 = arith.index_cast %swap3A_2259 : i32 to index
    %swap3A_2261 = arith.constant 96 : index
    %swap3A_2262 = tpu.vector_load %arg18[%swap3A_2260, %swap3A_2261] {strides = array<i32>} : memref<16x112xf32, #tpu.memory_space<vmem>>, vector<16xf32>,
    tpu.vector_store %arg18[%swap3A_2260, %swap3A_2261], %broadcast_in_dim3A_3 {strides = array<i32>} : memref<16x112xf32, #tpu.memory_space<vmem>>, vector<16xf32>,
    %swap3A_2263 = arith.constant 4 : i32
    %swap3A_2264 = arith.index_cast %swap3A_2263 : i32 to index
    %swap3A_2265 = arith.constant 0 : index
    %swap3A_2266 = tpu.vector_load %arg19[%swap3A_2264, %swap3A_2265] {strides = array<i32>} : memref<16x32xf32, #tpu.memory_space<vmem>>, vector<16xf32>,
    tpu.vector_store %arg19[%swap3A_2264, %swap3A_2265], %broadcast_in_dim3A_3 {strides = array<i32>} : memref<16x32xf32, #tpu.memory_space<vmem>>, vector<16xf32>,
    %swap3A_2267 = arith.constant 4 : i32
    %swap3A_2268 = arith.index_cast %swap3A_2267 : i32 to index
    %swap3A_2269 = arith.constant 0 : index
    %swap3A_2270 = tpu.vector_load %arg20[%swap3A_2268, %swap3A_2269] {strides = array<i32>} : memref<16x32xf32, #tpu.memory_space<vmem>>, vector<16xf32>,
    tpu.vector_store %arg20[%swap3A_2268, %swap3A_2269], %broadcast_in_dim3A_3 {strides = array<i32>} : memref<16x32xf32, #tpu.memory_space<vmem>>, vector<16xf32>,
    %swap3A_2271 = arith.constant 4 : i32
    %swap3A_2272 = arith.index_cast %swap3A_2271 : i32 to index
    %swap3A_2273 = arith.constant 0 : index
    %swap3A_2274 = tpu.vector_load %arg21[%swap3A_2272, %swap3A_2273] {strides = array<i32>} : memref<16x32xf32, #tpu.memory_space<vmem>>, vector<16xf32>,
    tpu.vector_store %arg21[%swap3A_2272, %swap3A_2273], %broadcast_in_dim3A_3 {strides = array<i32>} : memref<16x32xf32, #tpu.memory_space<vmem>>, vector<16xf32>,
    %swap3A_2275 = arith.constant 4 : i32
    %swap3A_2276 = arith.index_cast %swap3A_2275 : i32 to index
    %swap3A_2277 = arith.constant 16 : index
    %swap3A_2278 = tpu.vector_load %arg19[%swap3A_2276, %swap3A_2277] {strides = array<i32>} : memref<16x32xf32, #tpu.memory_space<vmem>>, vector<16xf32>,
    tpu.vector_store %arg19[%swap3A_2276, %swap3A_2277], %broadcast_in_dim3A_3 {strides = array<i32>} : memref<16x32xf32, #tpu.memory_space<vmem>>, vector<16xf32>,
    %swap3A_2279 = arith.constant 4 : i32
    %swap3A_2280 = arith.index_cast %swap3A_2279 : i32 to index
    %swap3A_2281 = arith.constant 16 : index
    %swap3A_2282 = tpu.vector_load %arg20[%swap3A_2280, %swap3A_2281] {strides = array<i32>} : memref<16x32xf32, #tpu.memory_space<vmem>>, vector<16xf32>,
    tpu.vector_store %arg20[%swap3A_2280, %swap3A_2281], %broadcast_in_dim3A_3 {strides = array<i32>} : memref<16x32xf32, #tpu.memory_space<vmem>>, vector<16xf32>,
    %swap3A_2283 = arith.constant 4 : i32
    %swap3A_2284 = arith.index_cast %swap3A_2283 : i32 to index
    %swap3A_2285 = arith.constant 16 : index
    %swap3A_2286 = tpu.vector_load %arg21[%swap3A_2284, %swap3A_2285] {strides = array<i32>} : memref<16x32xf32, #tpu.memory_space<vmem>>, vector<16xf32>,
    tpu.vector_store %arg21[%swap3A_2284, %swap3A_2285], %broadcast_in_dim3A_3 {strides = array<i32>} : memref<16x32xf32, #tpu.memory_space<vmem>>, vector<16xf32>,
    %swap3A_2287 = arith.constant 5 : i32
    %swap3A_2288 = arith.index_cast %swap3A_2287 : i32 to index
    %swap3A_2289 = arith.constant 0 : index
    %swap3A_2290 = tpu.vector_load %arg16[%swap3A_2288, %swap3A_2289] {strides = array<i32>} : memref<16x112xf32, #tpu.memory_space<vmem>>, vector<16xf32>,
    tpu.vector_store %arg16[%swap3A_2288, %swap3A_2289], %broadcast_in_dim3A_3 {strides = array<i32>} : memref<16x112xf32, #tpu.memory_space<vmem>>, vector<16xf32>,
    %swap3A_2291 = arith.constant 5 : i32
    %swap3A_2292 = arith.index_cast %swap3A_2291 : i32 to index
    %swap3A_2293 = arith.constant 0 : index
    %swap3A_2294 = tpu.vector_load %arg17[%swap3A_2292, %swap3A_2293] {strides = array<i32>} : memref<16x112xf32, #tpu.memory_space<vmem>>, vector<16xf32>,
    tpu.vector_store %arg17[%swap3A_2292, %swap3A_2293], %broadcast_in_dim3A_3 {strides = array<i32>} : memref<16x112xf32, #tpu.memory_space<vmem>>, vector<16xf32>,
    %swap3A_2295 = arith.constant 5 : i32
    %swap3A_2296 = arith.index_cast %swap3A_2295 : i32 to index
    %swap3A_2297 = arith.constant 0 : index
    %swap3A_2298 = tpu.vector_load %arg18[%swap3A_2296, %swap3A_2297] {strides = array<i32>} : memref<16x112xf32, #tpu.memory_space<vmem>>, vector<16xf32>,
    tpu.vector_store %arg18[%swap3A_2296, %swap3A_2297], %broadcast_in_dim3A_3 {strides = array<i32>} : memref<16x112xf32, #tpu.memory_space<vmem>>, vector<16xf32>,
    %swap3A_2299 = arith.constant 5 : i32
    %swap3A_2300 = arith.index_cast %swap3A_2299 : i32 to index
    %swap3A_2301 = arith.constant 16 : index
    %swap3A_2302 = tpu.vector_load %arg16[%swap3A_2300, %swap3A_2301] {strides = array<i32>} : memref<16x112xf32, #tpu.memory_space<vmem>>, vector<16xf32>,
    tpu.vector_store %arg16[%swap3A_2300, %swap3A_2301], %broadcast_in_dim3A_3 {strides = array<i32>} : memref<16x112xf32, #tpu.memory_space<vmem>>, vector<16xf32>,
    %swap3A_2303 = arith.constant 5 : i32
    %swap3A_2304 = arith.index_cast %swap3A_2303 : i32 to index
    %swap3A_2305 = arith.constant 16 : index
    %swap3A_2306 = tpu.vector_load %arg17[%swap3A_2304, %swap3A_2305] {strides = array<i32>} : memref<16x112xf32, #tpu.memory_space<vmem>>, vector<16xf32>,
    tpu.vector_store %arg17[%swap3A_2304, %swap3A_2305], %broadcast_in_dim3A_3 {strides = array<i32>} : memref<16x112xf32, #tpu.memory_space<vmem>>, vector<16xf32>,
    %swap3A_2307 = arith.constant 5 : i32
    %swap3A_2308 = arith.index_cast %swap3A_2307 : i32 to index
    %swap3A_2309 = arith.constant 16 : index
    %swap3A_2310 = tpu.vector_load %arg18[%swap3A_2308, %swap3A_2309] {strides = array<i32>} : memref<16x112xf32, #tpu.memory_space<vmem>>, vector<16xf32>,
    tpu.vector_store %arg18[%swap3A_2308, %swap3A_2309], %broadcast_in_dim3A_3 {strides = array<i32>} : memref<16x112xf32, #tpu.memory_space<vmem>>, vector<16xf32>,
    %swap3A_2311 = arith.constant 5 : i32
    %swap3A_2312 = arith.index_cast %swap3A_2311 : i32 to index
    %swap3A_2313 = arith.constant 32 : index
    %swap3A_2314 = tpu.vector_load %arg16[%swap3A_2312, %swap3A_2313] {strides = array<i32>} : memref<16x112xf32, #tpu.memory_space<vmem>>, vector<16xf32>,
    tpu.vector_store %arg16[%swap3A_2312, %swap3A_2313], %broadcast_in_dim3A_3 {strides = array<i32>} : memref<16x112xf32, #tpu.memory_space<vmem>>, vector<16xf32>,
    %swap3A_2315 = arith.constant 5 : i32
    %swap3A_2316 = arith.index_cast %swap3A_2315 : i32 to index
    %swap3A_2317 = arith.constant 32 : index
    %swap3A_2318 = tpu.vector_load %arg17[%swap3A_2316, %swap3A_2317] {strides = array<i32>} : memref<16x112xf32, #tpu.memory_space<vmem>>, vector<16xf32>,
    tpu.vector_store %arg17[%swap3A_2316, %swap3A_2317], %broadcast_in_dim3A_3 {strides = array<i32>} : memref<16x112xf32, #tpu.memory_space<vmem>>, vector<16xf32>,
    %swap3A_2319 = arith.constant 5 : i32
    %swap3A_2320 = arith.index_cast %swap3A_2319 : i32 to index
    %swap3A_2321 = arith.constant 32 : index
    %swap3A_2322 = tpu.vector_load %arg18[%swap3A_2320, %swap3A_2321] {strides = array<i32>} : memref<16x112xf32, #tpu.memory_space<vmem>>, vector<16xf32>,
    tpu.vector_store %arg18[%swap3A_2320, %swap3A_2321], %broadcast_in_dim3A_3 {strides = array<i32>} : memref<16x112xf32, #tpu.memory_space<vmem>>, vector<16xf32>,
    %swap3A_2323 = arith.constant 5 : i32
    %swap3A_2324 = arith.index_cast %swap3A_2323 : i32 to index
    %swap3A_2325 = arith.constant 48 : index
    %swap3A_2326 = tpu.vector_load %arg16[%swap3A_2324, %swap3A_2325] {strides = array<i32>} : memref<16x112xf32, #tpu.memory_space<vmem>>, vector<16xf32>,
    tpu.vector_store %arg16[%swap3A_2324, %swap3A_2325], %broadcast_in_dim3A_3 {strides = array<i32>} : memref<16x112xf32, #tpu.memory_space<vmem>>, vector<16xf32>,
    %swap3A_2327 = arith.constant 5 : i32
    %swap3A_2328 = arith.index_cast %swap3A_2327 : i32 to index
    %swap3A_2329 = arith.constant 48 : index
    %swap3A_2330 = tpu.vector_load %arg17[%swap3A_2328, %swap3A_2329] {strides = array<i32>} : memref<16x112xf32, #tpu.memory_space<vmem>>, vector<16xf32>,
    tpu.vector_store %arg17[%swap3A_2328, %swap3A_2329], %broadcast_in_dim3A_3 {strides = array<i32>} : memref<16x112xf32, #tpu.memory_space<vmem>>, vector<16xf32>,
    %swap3A_2331 = arith.constant 5 : i32
    %swap3A_2332 = arith.index_cast %swap3A_2331 : i32 to index
    %swap3A_2333 = arith.constant 48 : index
    %swap3A_2334 = tpu.vector_load %arg18[%swap3A_2332, %swap3A_2333] {strides = array<i32>} : memref<16x112xf32, #tpu.memory_space<vmem>>, vector<16xf32>,
    tpu.vector_store %arg18[%swap3A_2332, %swap3A_2333], %broadcast_in_dim3A_3 {strides = array<i32>} : memref<16x112xf32, #tpu.memory_space<vmem>>, vector<16xf32>,
    %swap3A_2335 = arith.constant 5 : i32
    %swap3A_2336 = arith.index_cast %swap3A_2335 : i32 to index
    %swap3A_2337 = arith.constant 64 : index
    %swap3A_2338 = tpu.vector_load %arg16[%swap3A_2336, %swap3A_2337] {strides = array<i32>} : memref<16x112xf32, #tpu.memory_space<vmem>>, vector<16xf32>,
    tpu.vector_store %arg16[%swap3A_2336, %swap3A_2337], %broadcast_in_dim3A_3 {strides = array<i32>} : memref<16x112xf32, #tpu.memory_space<vmem>>, vector<16xf32>,
    %swap3A_2339 = arith.constant 5 : i32
    %swap3A_2340 = arith.index_cast %swap3A_2339 : i32 to index
    %swap3A_2341 = arith.constant 64 : index
    %swap3A_2342 = tpu.vector_load %arg17[%swap3A_2340, %swap3A_2341] {strides = array<i32>} : memref<16x112xf32, #tpu.memory_space<vmem>>, vector<16xf32>,
    tpu.vector_store %arg17[%swap3A_2340, %swap3A_2341], %broadcast_in_dim3A_3 {strides = array<i32>} : memref<16x112xf32, #tpu.memory_space<vmem>>, vector<16xf32>,
    %swap3A_2343 = arith.constant 5 : i32
    %swap3A_2344 = arith.index_cast %swap3A_2343 : i32 to index
    %swap3A_2345 = arith.constant 64 : index
    %swap3A_2346 = tpu.vector_load %arg18[%swap3A_2344, %swap3A_2345] {strides = array<i32>} : memref<16x112xf32, #tpu.memory_space<vmem>>, vector<16xf32>,
    tpu.vector_store %arg18[%swap3A_2344, %swap3A_2345], %broadcast_in_dim3A_3 {strides = array<i32>} : memref<16x112xf32, #tpu.memory_space<vmem>>, vector<16xf32>,
    %swap3A_2347 = arith.constant 5 : i32
    %swap3A_2348 = arith.index_cast %swap3A_2347 : i32 to index
    %swap3A_2349 = arith.constant 80 : index
    %swap3A_2350 = tpu.vector_load %arg16[%swap3A_2348, %swap3A_2349] {strides = array<i32>} : memref<16x112xf32, #tpu.memory_space<vmem>>, vector<16xf32>,
    tpu.vector_store %arg16[%swap3A_2348, %swap3A_2349], %broadcast_in_dim3A_3 {strides = array<i32>} : memref<16x112xf32, #tpu.memory_space<vmem>>, vector<16xf32>,
    %swap3A_2351 = arith.constant 5 : i32
    %swap3A_2352 = arith.index_cast %swap3A_2351 : i32 to index
    %swap3A_2353 = arith.constant 80 : index
    %swap3A_2354 = tpu.vector_load %arg17[%swap3A_2352, %swap3A_2353] {strides = array<i32>} : memref<16x112xf32, #tpu.memory_space<vmem>>, vector<16xf32>,
    tpu.vector_store %arg17[%swap3A_2352, %swap3A_2353], %broadcast_in_dim3A_3 {strides = array<i32>} : memref<16x112xf32, #tpu.memory_space<vmem>>, vector<16xf32>,
    %swap3A_2355 = arith.constant 5 : i32
    %swap3A_2356 = arith.index_cast %swap3A_2355 : i32 to index
    %swap3A_2357 = arith.constant 80 : index
    %swap3A_2358 = tpu.vector_load %arg18[%swap3A_2356, %swap3A_2357] {strides = array<i32>} : memref<16x112xf32, #tpu.memory_space<vmem>>, vector<16xf32>,
    tpu.vector_store %arg18[%swap3A_2356, %swap3A_2357], %broadcast_in_dim3A_3 {strides = array<i32>} : memref<16x112xf32, #tpu.memory_space<vmem>>, vector<16xf32>,
    %swap3A_2359 = arith.constant 5 : i32
    %swap3A_2360 = arith.index_cast %swap3A_2359 : i32 to index
    %swap3A_2361 = arith.constant 96 : index
    %swap3A_2362 = tpu.vector_load %arg16[%swap3A_2360, %swap3A_2361] {strides = array<i32>} : memref<16x112xf32, #tpu.memory_space<vmem>>, vector<16xf32>,
    tpu.vector_store %arg16[%swap3A_2360, %swap3A_2361], %broadcast_in_dim3A_3 {strides = array<i32>} : memref<16x112xf32, #tpu.memory_space<vmem>>, vector<16xf32>,
    %swap3A_2363 = arith.constant 5 : i32
    %swap3A_2364 = arith.index_cast %swap3A_2363 : i32 to index
    %swap3A_2365 = arith.constant 96 : index
    %swap3A_2366 = tpu.vector_load %arg17[%swap3A_2364, %swap3A_2365] {strides = array<i32>} : memref<16x112xf32, #tpu.memory_space<vmem>>, vector<16xf32>,
    tpu.vector_store %arg17[%swap3A_2364, %swap3A_2365], %broadcast_in_dim3A_3 {strides = array<i32>} : memref<16x112xf32, #tpu.memory_space<vmem>>, vector<16xf32>,
    %swap3A_2367 = arith.constant 5 : i32
    %swap3A_2368 = arith.index_cast %swap3A_2367 : i32 to index
    %swap3A_2369 = arith.constant 96 : index
    %swap3A_2370 = tpu.vector_load %arg18[%swap3A_2368, %swap3A_2369] {strides = array<i32>} : memref<16x112xf32, #tpu.memory_space<vmem>>, vector<16xf32>,
    tpu.vector_store %arg18[%swap3A_2368, %swap3A_2369], %broadcast_in_dim3A_3 {strides = array<i32>} : memref<16x112xf32, #tpu.memory_space<vmem>>, vector<16xf32>,
    %swap3A_2371 = arith.constant 5 : i32
    %swap3A_2372 = arith.index_cast %swap3A_2371 : i32 to index
    %swap3A_2373 = arith.constant 0 : index
    %swap3A_2374 = tpu.vector_load %arg19[%swap3A_2372, %swap3A_2373] {strides = array<i32>} : memref<16x32xf32, #tpu.memory_space<vmem>>, vector<16xf32>,
    tpu.vector_store %arg19[%swap3A_2372, %swap3A_2373], %broadcast_in_dim3A_3 {strides = array<i32>} : memref<16x32xf32, #tpu.memory_space<vmem>>, vector<16xf32>,
    %swap3A_2375 = arith.constant 5 : i32
    %swap3A_2376 = arith.index_cast %swap3A_2375 : i32 to index
    %swap3A_2377 = arith.constant 0 : index
    %swap3A_2378 = tpu.vector_load %arg20[%swap3A_2376, %swap3A_2377] {strides = array<i32>} : memref<16x32xf32, #tpu.memory_space<vmem>>, vector<16xf32>,
    tpu.vector_store %arg20[%swap3A_2376, %swap3A_2377], %broadcast_in_dim3A_3 {strides = array<i32>} : memref<16x32xf32, #tpu.memory_space<vmem>>, vector<16xf32>,
    %swap3A_2379 = arith.constant 5 : i32
    %swap3A_2380 = arith.index_cast %swap3A_2379 : i32 to index
    %swap3A_2381 = arith.constant 0 : index
    %swap3A_2382 = tpu.vector_load %arg21[%swap3A_2380, %swap3A_2381] {strides = array<i32>} : memref<16x32xf32, #tpu.memory_space<vmem>>, vector<16xf32>,
    tpu.vector_store %arg21[%swap3A_2380, %swap3A_2381], %broadcast_in_dim3A_3 {strides = array<i32>} : memref<16x32xf32, #tpu.memory_space<vmem>>, vector<16xf32>,
    %swap3A_2383 = arith.constant 5 : i32
    %swap3A_2384 = arith.index_cast %swap3A_2383 : i32 to index
    %swap3A_2385 = arith.constant 16 : index
    %swap3A_2386 = tpu.vector_load %arg19[%swap3A_2384, %swap3A_2385] {strides = array<i32>} : memref<16x32xf32, #tpu.memory_space<vmem>>, vector<16xf32>,
    tpu.vector_store %arg19[%swap3A_2384, %swap3A_2385], %broadcast_in_dim3A_3 {strides = array<i32>} : memref<16x32xf32, #tpu.memory_space<vmem>>, vector<16xf32>,
    %swap3A_2387 = arith.constant 5 : i32
    %swap3A_2388 = arith.index_cast %swap3A_2387 : i32 to index
    %swap3A_2389 = arith.constant 16 : index
    %swap3A_2390 = tpu.vector_load %arg20[%swap3A_2388, %swap3A_2389] {strides = array<i32>} : memref<16x32xf32, #tpu.memory_space<vmem>>, vector<16xf32>,
    tpu.vector_store %arg20[%swap3A_2388, %swap3A_2389], %broadcast_in_dim3A_3 {strides = array<i32>} : memref<16x32xf32, #tpu.memory_space<vmem>>, vector<16xf32>,
    %swap3A_2391 = arith.constant 5 : i32
    %swap3A_2392 = arith.index_cast %swap3A_2391 : i32 to index
    %swap3A_2393 = arith.constant 16 : index
    %swap3A_2394 = tpu.vector_load %arg21[%swap3A_2392, %swap3A_2393] {strides = array<i32>} : memref<16x32xf32, #tpu.memory_space<vmem>>, vector<16xf32>,
    tpu.vector_store %arg21[%swap3A_2392, %swap3A_2393], %broadcast_in_dim3A_3 {strides = array<i32>} : memref<16x32xf32, #tpu.memory_space<vmem>>, vector<16xf32>,
    %swap3A_2395 = arith.constant 6 : i32
    %swap3A_2396 = arith.index_cast %swap3A_2395 : i32 to index
    %swap3A_2397 = arith.constant 0 : index
    %swap3A_2398 = tpu.vector_load %arg16[%swap3A_2396, %swap3A_2397] {strides = array<i32>} : memref<16x112xf32, #tpu.memory_space<vmem>>, vector<16xf32>,
    tpu.vector_store %arg16[%swap3A_2396, %swap3A_2397], %broadcast_in_dim3A_3 {strides = array<i32>} : memref<16x112xf32, #tpu.memory_space<vmem>>, vector<16xf32>,
    %swap3A_2399 = arith.constant 6 : i32
    %swap3A_2400 = arith.index_cast %swap3A_2399 : i32 to index
    %swap3A_2401 = arith.constant 0 : index
    %swap3A_2402 = tpu.vector_load %arg17[%swap3A_2400, %swap3A_2401] {strides = array<i32>} : memref<16x112xf32, #tpu.memory_space<vmem>>, vector<16xf32>,
    tpu.vector_store %arg17[%swap3A_2400, %swap3A_2401], %broadcast_in_dim3A_3 {strides = array<i32>} : memref<16x112xf32, #tpu.memory_space<vmem>>, vector<16xf32>,
    %swap3A_2403 = arith.constant 6 : i32
    %swap3A_2404 = arith.index_cast %swap3A_2403 : i32 to index
    %swap3A_2405 = arith.constant 0 : index
    %swap3A_2406 = tpu.vector_load %arg18[%swap3A_2404, %swap3A_2405] {strides = array<i32>} : memref<16x112xf32, #tpu.memory_space<vmem>>, vector<16xf32>,
    tpu.vector_store %arg18[%swap3A_2404, %swap3A_2405], %broadcast_in_dim3A_3 {strides = array<i32>} : memref<16x112xf32, #tpu.memory_space<vmem>>, vector<16xf32>,
    %swap3A_2407 = arith.constant 6 : i32
    %swap3A_2408 = arith.index_cast %swap3A_2407 : i32 to index
    %swap3A_2409 = arith.constant 16 : index
    %swap3A_2410 = tpu.vector_load %arg16[%swap3A_2408, %swap3A_2409] {strides = array<i32>} : memref<16x112xf32, #tpu.memory_space<vmem>>, vector<16xf32>,
    tpu.vector_store %arg16[%swap3A_2408, %swap3A_2409], %broadcast_in_dim3A_3 {strides = array<i32>} : memref<16x112xf32, #tpu.memory_space<vmem>>, vector<16xf32>,
    %swap3A_2411 = arith.constant 6 : i32
    %swap3A_2412 = arith.index_cast %swap3A_2411 : i32 to index
    %swap3A_2413 = arith.constant 16 : index
    %swap3A_2414 = tpu.vector_load %arg17[%swap3A_2412, %swap3A_2413] {strides = array<i32>} : memref<16x112xf32, #tpu.memory_space<vmem>>, vector<16xf32>,
    tpu.vector_store %arg17[%swap3A_2412, %swap3A_2413], %broadcast_in_dim3A_3 {strides = array<i32>} : memref<16x112xf32, #tpu.memory_space<vmem>>, vector<16xf32>,
    %swap3A_2415 = arith.constant 6 : i32
    %swap3A_2416 = arith.index_cast %swap3A_2415 : i32 to index
    %swap3A_2417 = arith.constant 16 : index
    %swap3A_2418 = tpu.vector_load %arg18[%swap3A_2416, %swap3A_2417] {strides = array<i32>} : memref<16x112xf32, #tpu.memory_space<vmem>>, vector<16xf32>,
    tpu.vector_store %arg18[%swap3A_2416, %swap3A_2417], %broadcast_in_dim3A_3 {strides = array<i32>} : memref<16x112xf32, #tpu.memory_space<vmem>>, vector<16xf32>,
    %swap3A_2419 = arith.constant 6 : i32
    %swap3A_2420 = arith.index_cast %swap3A_2419 : i32 to index
    %swap3A_2421 = arith.constant 32 : index
    %swap3A_2422 = tpu.vector_load %arg16[%swap3A_2420, %swap3A_2421] {strides = array<i32>} : memref<16x112xf32, #tpu.memory_space<vmem>>, vector<16xf32>,
    tpu.vector_store %arg16[%swap3A_2420, %swap3A_2421], %broadcast_in_dim3A_3 {strides = array<i32>} : memref<16x112xf32, #tpu.memory_space<vmem>>, vector<16xf32>,
    %swap3A_2423 = arith.constant 6 : i32
    %swap3A_2424 = arith.index_cast %swap3A_2423 : i32 to index
    %swap3A_2425 = arith.constant 32 : index
    %swap3A_2426 = tpu.vector_load %arg17[%swap3A_2424, %swap3A_2425] {strides = array<i32>} : memref<16x112xf32, #tpu.memory_space<vmem>>, vector<16xf32>,
    tpu.vector_store %arg17[%swap3A_2424, %swap3A_2425], %broadcast_in_dim3A_3 {strides = array<i32>} : memref<16x112xf32, #tpu.memory_space<vmem>>, vector<16xf32>,
    %swap3A_2427 = arith.constant 6 : i32
    %swap3A_2428 = arith.index_cast %swap3A_2427 : i32 to index
    %swap3A_2429 = arith.constant 32 : index
    %swap3A_2430 = tpu.vector_load %arg18[%swap3A_2428, %swap3A_2429] {strides = array<i32>} : memref<16x112xf32, #tpu.memory_space<vmem>>, vector<16xf32>,
    tpu.vector_store %arg18[%swap3A_2428, %swap3A_2429], %broadcast_in_dim3A_3 {strides = array<i32>} : memref<16x112xf32, #tpu.memory_space<vmem>>, vector<16xf32>,
    %swap3A_2431 = arith.constant 6 : i32
    %swap3A_2432 = arith.index_cast %swap3A_2431 : i32 to index
    %swap3A_2433 = arith.constant 48 : index
    %swap3A_2434 = tpu.vector_load %arg16[%swap3A_2432, %swap3A_2433] {strides = array<i32>} : memref<16x112xf32, #tpu.memory_space<vmem>>, vector<16xf32>,
    tpu.vector_store %arg16[%swap3A_2432, %swap3A_2433], %broadcast_in_dim3A_3 {strides = array<i32>} : memref<16x112xf32, #tpu.memory_space<vmem>>, vector<16xf32>,
    %swap3A_2435 = arith.constant 6 : i32
    %swap3A_2436 = arith.index_cast %swap3A_2435 : i32 to index
    %swap3A_2437 = arith.constant 48 : index
    %swap3A_2438 = tpu.vector_load %arg17[%swap3A_2436, %swap3A_2437] {strides = array<i32>} : memref<16x112xf32, #tpu.memory_space<vmem>>, vector<16xf32>,
    tpu.vector_store %arg17[%swap3A_2436, %swap3A_2437], %broadcast_in_dim3A_3 {strides = array<i32>} : memref<16x112xf32, #tpu.memory_space<vmem>>, vector<16xf32>,
    %swap3A_2439 = arith.constant 6 : i32
    %swap3A_2440 = arith.index_cast %swap3A_2439 : i32 to index
    %swap3A_2441 = arith.constant 48 : index
    %swap3A_2442 = tpu.vector_load %arg18[%swap3A_2440, %swap3A_2441] {strides = array<i32>} : memref<16x112xf32, #tpu.memory_space<vmem>>, vector<16xf32>,
    tpu.vector_store %arg18[%swap3A_2440, %swap3A_2441], %broadcast_in_dim3A_3 {strides = array<i32>} : memref<16x112xf32, #tpu.memory_space<vmem>>, vector<16xf32>,
    %swap3A_2443 = arith.constant 6 : i32
    %swap3A_2444 = arith.index_cast %swap3A_2443 : i32 to index
    %swap3A_2445 = arith.constant 64 : index
    %swap3A_2446 = tpu.vector_load %arg16[%swap3A_2444, %swap3A_2445] {strides = array<i32>} : memref<16x112xf32, #tpu.memory_space<vmem>>, vector<16xf32>,
    tpu.vector_store %arg16[%swap3A_2444, %swap3A_2445], %broadcast_in_dim3A_3 {strides = array<i32>} : memref<16x112xf32, #tpu.memory_space<vmem>>, vector<16xf32>,
    %swap3A_2447 = arith.constant 6 : i32
    %swap3A_2448 = arith.index_cast %swap3A_2447 : i32 to index
    %swap3A_2449 = arith.constant 64 : index
    %swap3A_2450 = tpu.vector_load %arg17[%swap3A_2448, %swap3A_2449] {strides = array<i32>} : memref<16x112xf32, #tpu.memory_space<vmem>>, vector<16xf32>,
    tpu.vector_store %arg17[%swap3A_2448, %swap3A_2449], %broadcast_in_dim3A_3 {strides = array<i32>} : memref<16x112xf32, #tpu.memory_space<vmem>>, vector<16xf32>,
    %swap3A_2451 = arith.constant 6 : i32
    %swap3A_2452 = arith.index_cast %swap3A_2451 : i32 to index
    %swap3A_2453 = arith.constant 64 : index
    %swap3A_2454 = tpu.vector_load %arg18[%swap3A_2452, %swap3A_2453] {strides = array<i32>} : memref<16x112xf32, #tpu.memory_space<vmem>>, vector<16xf32>,
    tpu.vector_store %arg18[%swap3A_2452, %swap3A_2453], %broadcast_in_dim3A_3 {strides = array<i32>} : memref<16x112xf32, #tpu.memory_space<vmem>>, vector<16xf32>,
    %swap3A_2455 = arith.constant 6 : i32
    %swap3A_2456 = arith.index_cast %swap3A_2455 : i32 to index
    %swap3A_2457 = arith.constant 80 : index
    %swap3A_2458 = tpu.vector_load %arg16[%swap3A_2456, %swap3A_2457] {strides = array<i32>} : memref<16x112xf32, #tpu.memory_space<vmem>>, vector<16xf32>,
    tpu.vector_store %arg16[%swap3A_2456, %swap3A_2457], %broadcast_in_dim3A_3 {strides = array<i32>} : memref<16x112xf32, #tpu.memory_space<vmem>>, vector<16xf32>,
    %swap3A_2459 = arith.constant 6 : i32
    %swap3A_2460 = arith.index_cast %swap3A_2459 : i32 to index
    %swap3A_2461 = arith.constant 80 : index
    %swap3A_2462 = tpu.vector_load %arg17[%swap3A_2460, %swap3A_2461] {strides = array<i32>} : memref<16x112xf32, #tpu.memory_space<vmem>>, vector<16xf32>,
    tpu.vector_store %arg17[%swap3A_2460, %swap3A_2461], %broadcast_in_dim3A_3 {strides = array<i32>} : memref<16x112xf32, #tpu.memory_space<vmem>>, vector<16xf32>,
    %swap3A_2463 = arith.constant 6 : i32
    %swap3A_2464 = arith.index_cast %swap3A_2463 : i32 to index
    %swap3A_2465 = arith.constant 80 : index
    %swap3A_2466 = tpu.vector_load %arg18[%swap3A_2464, %swap3A_2465] {strides = array<i32>} : memref<16x112xf32, #tpu.memory_space<vmem>>, vector<16xf32>,
    tpu.vector_store %arg18[%swap3A_2464, %swap3A_2465], %broadcast_in_dim3A_3 {strides = array<i32>} : memref<16x112xf32, #tpu.memory_space<vmem>>, vector<16xf32>,
    %swap3A_2467 = arith.constant 6 : i32
    %swap3A_2468 = arith.index_cast %swap3A_2467 : i32 to index
    %swap3A_2469 = arith.constant 96 : index
    %swap3A_2470 = tpu.vector_load %arg16[%swap3A_2468, %swap3A_2469] {strides = array<i32>} : memref<16x112xf32, #tpu.memory_space<vmem>>, vector<16xf32>,
    tpu.vector_store %arg16[%swap3A_2468, %swap3A_2469], %broadcast_in_dim3A_3 {strides = array<i32>} : memref<16x112xf32, #tpu.memory_space<vmem>>, vector<16xf32>,
    %swap3A_2471 = arith.constant 6 : i32
    %swap3A_2472 = arith.index_cast %swap3A_2471 : i32 to index
    %swap3A_2473 = arith.constant 96 : index
    %swap3A_2474 = tpu.vector_load %arg17[%swap3A_2472, %swap3A_2473] {strides = array<i32>} : memref<16x112xf32, #tpu.memory_space<vmem>>, vector<16xf32>,
    tpu.vector_store %arg17[%swap3A_2472, %swap3A_2473], %broadcast_in_dim3A_3 {strides = array<i32>} : memref<16x112xf32, #tpu.memory_space<vmem>>, vector<16xf32>,
    %swap3A_2475 = arith.constant 6 : i32
    %swap3A_2476 = arith.index_cast %swap3A_2475 : i32 to index
    %swap3A_2477 = arith.constant 96 : index
    %swap3A_2478 = tpu.vector_load %arg18[%swap3A_2476, %swap3A_2477] {strides = array<i32>} : memref<16x112xf32, #tpu.memory_space<vmem>>, vector<16xf32>,
    tpu.vector_store %arg18[%swap3A_2476, %swap3A_2477], %broadcast_in_dim3A_3 {strides = array<i32>} : memref<16x112xf32, #tpu.memory_space<vmem>>, vector<16xf32>,
    %swap3A_2479 = arith.constant 6 : i32
    %swap3A_2480 = arith.index_cast %swap3A_2479 : i32 to index
    %swap3A_2481 = arith.constant 0 : index
    %swap3A_2482 = tpu.vector_load %arg19[%swap3A_2480, %swap3A_2481] {strides = array<i32>} : memref<16x32xf32, #tpu.memory_space<vmem>>, vector<16xf32>,
    tpu.vector_store %arg19[%swap3A_2480, %swap3A_2481], %broadcast_in_dim3A_3 {strides = array<i32>} : memref<16x32xf32, #tpu.memory_space<vmem>>, vector<16xf32>,
    %swap3A_2483 = arith.constant 6 : i32
    %swap3A_2484 = arith.index_cast %swap3A_2483 : i32 to index
    %swap3A_2485 = arith.constant 0 : index
    %swap3A_2486 = tpu.vector_load %arg20[%swap3A_2484, %swap3A_2485] {strides = array<i32>} : memref<16x32xf32, #tpu.memory_space<vmem>>, vector<16xf32>,
    tpu.vector_store %arg20[%swap3A_2484, %swap3A_2485], %broadcast_in_dim3A_3 {strides = array<i32>} : memref<16x32xf32, #tpu.memory_space<vmem>>, vector<16xf32>,
    %swap3A_2487 = arith.constant 6 : i32
    %swap3A_2488 = arith.index_cast %swap3A_2487 : i32 to index
    %swap3A_2489 = arith.constant 0 : index
    %swap3A_2490 = tpu.vector_load %arg21[%swap3A_2488, %swap3A_2489] {strides = array<i32>} : memref<16x32xf32, #tpu.memory_space<vmem>>, vector<16xf32>,
    tpu.vector_store %arg21[%swap3A_2488, %swap3A_2489], %broadcast_in_dim3A_3 {strides = array<i32>} : memref<16x32xf32, #tpu.memory_space<vmem>>, vector<16xf32>,
    %swap3A_2491 = arith.constant 6 : i32
    %swap3A_2492 = arith.index_cast %swap3A_2491 : i32 to index
    %swap3A_2493 = arith.constant 16 : index
    %swap3A_2494 = tpu.vector_load %arg19[%swap3A_2492, %swap3A_2493] {strides = array<i32>} : memref<16x32xf32, #tpu.memory_space<vmem>>, vector<16xf32>,
    tpu.vector_store %arg19[%swap3A_2492, %swap3A_2493], %broadcast_in_dim3A_3 {strides = array<i32>} : memref<16x32xf32, #tpu.memory_space<vmem>>, vector<16xf32>,
    %swap3A_2495 = arith.constant 6 : i32
    %swap3A_2496 = arith.index_cast %swap3A_2495 : i32 to index
    %swap3A_2497 = arith.constant 16 : index
    %swap3A_2498 = tpu.vector_load %arg20[%swap3A_2496, %swap3A_2497] {strides = array<i32>} : memref<16x32xf32, #tpu.memory_space<vmem>>, vector<16xf32>,
    tpu.vector_store %arg20[%swap3A_2496, %swap3A_2497], %broadcast_in_dim3A_3 {strides = array<i32>} : memref<16x32xf32, #tpu.memory_space<vmem>>, vector<16xf32>,
    %swap3A_2499 = arith.constant 6 : i32
    %swap3A_2500 = arith.index_cast %swap3A_2499 : i32 to index
    %swap3A_2501 = arith.constant 16 : index
    %swap3A_2502 = tpu.vector_load %arg21[%swap3A_2500, %swap3A_2501] {strides = array<i32>} : memref<16x32xf32, #tpu.memory_space<vmem>>, vector<16xf32>,
    tpu.vector_store %arg21[%swap3A_2500, %swap3A_2501], %broadcast_in_dim3A_3 {strides = array<i32>} : memref<16x32xf32, #tpu.memory_space<vmem>>, vector<16xf32>,
    %swap3A_2503 = arith.constant 7 : i32
    %swap3A_2504 = arith.index_cast %swap3A_2503 : i32 to index
    %swap3A_2505 = arith.constant 0 : index
    %swap3A_2506 = tpu.vector_load %arg16[%swap3A_2504, %swap3A_2505] {strides = array<i32>} : memref<16x112xf32, #tpu.memory_space<vmem>>, vector<16xf32>,
    tpu.vector_store %arg16[%swap3A_2504, %swap3A_2505], %broadcast_in_dim3A_3 {strides = array<i32>} : memref<16x112xf32, #tpu.memory_space<vmem>>, vector<16xf32>,
    %swap3A_2507 = arith.constant 7 : i32
    %swap3A_2508 = arith.index_cast %swap3A_2507 : i32 to index
    %swap3A_2509 = arith.constant 0 : index
    %swap3A_2510 = tpu.vector_load %arg17[%swap3A_2508, %swap3A_2509] {strides = array<i32>} : memref<16x112xf32, #tpu.memory_space<vmem>>, vector<16xf32>,
    tpu.vector_store %arg17[%swap3A_2508, %swap3A_2509], %broadcast_in_dim3A_3 {strides = array<i32>} : memref<16x112xf32, #tpu.memory_space<vmem>>, vector<16xf32>,
    %swap3A_2511 = arith.constant 7 : i32
    %swap3A_2512 = arith.index_cast %swap3A_2511 : i32 to index
    %swap3A_2513 = arith.constant 0 : index
    %swap3A_2514 = tpu.vector_load %arg18[%swap3A_2512, %swap3A_2513] {strides = array<i32>} : memref<16x112xf32, #tpu.memory_space<vmem>>, vector<16xf32>,
    tpu.vector_store %arg18[%swap3A_2512, %swap3A_2513], %broadcast_in_dim3A_3 {strides = array<i32>} : memref<16x112xf32, #tpu.memory_space<vmem>>, vector<16xf32>,
    %swap3A_2515 = arith.constant 7 : i32
    %swap3A_2516 = arith.index_cast %swap3A_2515 : i32 to index
    %swap3A_2517 = arith.constant 16 : index
    %swap3A_2518 = tpu.vector_load %arg16[%swap3A_2516, %swap3A_2517] {strides = array<i32>} : memref<16x112xf32, #tpu.memory_space<vmem>>, vector<16xf32>,
    tpu.vector_store %arg16[%swap3A_2516, %swap3A_2517], %broadcast_in_dim3A_3 {strides = array<i32>} : memref<16x112xf32, #tpu.memory_space<vmem>>, vector<16xf32>,
    %swap3A_2519 = arith.constant 7 : i32
    %swap3A_2520 = arith.index_cast %swap3A_2519 : i32 to index
    %swap3A_2521 = arith.constant 16 : index
    %swap3A_2522 = tpu.vector_load %arg17[%swap3A_2520, %swap3A_2521] {strides = array<i32>} : memref<16x112xf32, #tpu.memory_space<vmem>>, vector<16xf32>,
    tpu.vector_store %arg17[%swap3A_2520, %swap3A_2521], %broadcast_in_dim3A_3 {strides = array<i32>} : memref<16x112xf32, #tpu.memory_space<vmem>>, vector<16xf32>,
    %swap3A_2523 = arith.constant 7 : i32
    %swap3A_2524 = arith.index_cast %swap3A_2523 : i32 to index
    %swap3A_2525 = arith.constant 16 : index
    %swap3A_2526 = tpu.vector_load %arg18[%swap3A_2524, %swap3A_2525] {strides = array<i32>} : memref<16x112xf32, #tpu.memory_space<vmem>>, vector<16xf32>,
    tpu.vector_store %arg18[%swap3A_2524, %swap3A_2525], %broadcast_in_dim3A_3 {strides = array<i32>} : memref<16x112xf32, #tpu.memory_space<vmem>>, vector<16xf32>,
    %swap3A_2527 = arith.constant 7 : i32
    %swap3A_2528 = arith.index_cast %swap3A_2527 : i32 to index
    %swap3A_2529 = arith.constant 32 : index
    %swap3A_2530 = tpu.vector_load %arg16[%swap3A_2528, %swap3A_2529] {strides = array<i32>} : memref<16x112xf32, #tpu.memory_space<vmem>>, vector<16xf32>,
    tpu.vector_store %arg16[%swap3A_2528, %swap3A_2529], %broadcast_in_dim3A_3 {strides = array<i32>} : memref<16x112xf32, #tpu.memory_space<vmem>>, vector<16xf32>,
    %swap3A_2531 = arith.constant 7 : i32
    %swap3A_2532 = arith.index_cast %swap3A_2531 : i32 to index
    %swap3A_2533 = arith.constant 32 : index
    %swap3A_2534 = tpu.vector_load %arg17[%swap3A_2532, %swap3A_2533] {strides = array<i32>} : memref<16x112xf32, #tpu.memory_space<vmem>>, vector<16xf32>,
    tpu.vector_store %arg17[%swap3A_2532, %swap3A_2533], %broadcast_in_dim3A_3 {strides = array<i32>} : memref<16x112xf32, #tpu.memory_space<vmem>>, vector<16xf32>,
    %swap3A_2535 = arith.constant 7 : i32
    %swap3A_2536 = arith.index_cast %swap3A_2535 : i32 to index
    %swap3A_2537 = arith.constant 32 : index
    %swap3A_2538 = tpu.vector_load %arg18[%swap3A_2536, %swap3A_2537] {strides = array<i32>} : memref<16x112xf32, #tpu.memory_space<vmem>>, vector<16xf32>,
    tpu.vector_store %arg18[%swap3A_2536, %swap3A_2537], %broadcast_in_dim3A_3 {strides = array<i32>} : memref<16x112xf32, #tpu.memory_space<vmem>>, vector<16xf32>,
    %swap3A_2539 = arith.constant 7 : i32
    %swap3A_2540 = arith.index_cast %swap3A_2539 : i32 to index
    %swap3A_2541 = arith.constant 48 : index
    %swap3A_2542 = tpu.vector_load %arg16[%swap3A_2540, %swap3A_2541] {strides = array<i32>} : memref<16x112xf32, #tpu.memory_space<vmem>>, vector<16xf32>,
    tpu.vector_store %arg16[%swap3A_2540, %swap3A_2541], %broadcast_in_dim3A_3 {strides = array<i32>} : memref<16x112xf32, #tpu.memory_space<vmem>>, vector<16xf32>,
    %swap3A_2543 = arith.constant 7 : i32
    %swap3A_2544 = arith.index_cast %swap3A_2543 : i32 to index
    %swap3A_2545 = arith.constant 48 : index
    %swap3A_2546 = tpu.vector_load %arg17[%swap3A_2544, %swap3A_2545] {strides = array<i32>} : memref<16x112xf32, #tpu.memory_space<vmem>>, vector<16xf32>,
    tpu.vector_store %arg17[%swap3A_2544, %swap3A_2545], %broadcast_in_dim3A_3 {strides = array<i32>} : memref<16x112xf32, #tpu.memory_space<vmem>>, vector<16xf32>,
    %swap3A_2547 = arith.constant 7 : i32
    %swap3A_2548 = arith.index_cast %swap3A_2547 : i32 to index
    %swap3A_2549 = arith.constant 48 : index
    %swap3A_2550 = tpu.vector_load %arg18[%swap3A_2548, %swap3A_2549] {strides = array<i32>} : memref<16x112xf32, #tpu.memory_space<vmem>>, vector<16xf32>,
    tpu.vector_store %arg18[%swap3A_2548, %swap3A_2549], %broadcast_in_dim3A_3 {strides = array<i32>} : memref<16x112xf32, #tpu.memory_space<vmem>>, vector<16xf32>,
    %swap3A_2551 = arith.constant 7 : i32
    %swap3A_2552 = arith.index_cast %swap3A_2551 : i32 to index
    %swap3A_2553 = arith.constant 64 : index
    %swap3A_2554 = tpu.vector_load %arg16[%swap3A_2552, %swap3A_2553] {strides = array<i32>} : memref<16x112xf32, #tpu.memory_space<vmem>>, vector<16xf32>,
    tpu.vector_store %arg16[%swap3A_2552, %swap3A_2553], %broadcast_in_dim3A_3 {strides = array<i32>} : memref<16x112xf32, #tpu.memory_space<vmem>>, vector<16xf32>,
    %swap3A_2555 = arith.constant 7 : i32
    %swap3A_2556 = arith.index_cast %swap3A_2555 : i32 to index
    %swap3A_2557 = arith.constant 64 : index
    %swap3A_2558 = tpu.vector_load %arg17[%swap3A_2556, %swap3A_2557] {strides = array<i32>} : memref<16x112xf32, #tpu.memory_space<vmem>>, vector<16xf32>,
    tpu.vector_store %arg17[%swap3A_2556, %swap3A_2557], %broadcast_in_dim3A_3 {strides = array<i32>} : memref<16x112xf32, #tpu.memory_space<vmem>>, vector<16xf32>,
    %swap3A_2559 = arith.constant 7 : i32
    %swap3A_2560 = arith.index_cast %swap3A_2559 : i32 to index
    %swap3A_2561 = arith.constant 64 : index
    %swap3A_2562 = tpu.vector_load %arg18[%swap3A_2560, %swap3A_2561] {strides = array<i32>} : memref<16x112xf32, #tpu.memory_space<vmem>>, vector<16xf32>,
    tpu.vector_store %arg18[%swap3A_2560, %swap3A_2561], %broadcast_in_dim3A_3 {strides = array<i32>} : memref<16x112xf32, #tpu.memory_space<vmem>>, vector<16xf32>,
    %swap3A_2563 = arith.constant 7 : i32
    %swap3A_2564 = arith.index_cast %swap3A_2563 : i32 to index
    %swap3A_2565 = arith.constant 80 : index
    %swap3A_2566 = tpu.vector_load %arg16[%swap3A_2564, %swap3A_2565] {strides = array<i32>} : memref<16x112xf32, #tpu.memory_space<vmem>>, vector<16xf32>,
    tpu.vector_store %arg16[%swap3A_2564, %swap3A_2565], %broadcast_in_dim3A_3 {strides = array<i32>} : memref<16x112xf32, #tpu.memory_space<vmem>>, vector<16xf32>,
    %swap3A_2567 = arith.constant 7 : i32
    %swap3A_2568 = arith.index_cast %swap3A_2567 : i32 to index
    %swap3A_2569 = arith.constant 80 : index
    %swap3A_2570 = tpu.vector_load %arg17[%swap3A_2568, %swap3A_2569] {strides = array<i32>} : memref<16x112xf32, #tpu.memory_space<vmem>>, vector<16xf32>,
    tpu.vector_store %arg17[%swap3A_2568, %swap3A_2569], %broadcast_in_dim3A_3 {strides = array<i32>} : memref<16x112xf32, #tpu.memory_space<vmem>>, vector<16xf32>,
    %swap3A_2571 = arith.constant 7 : i32
    %swap3A_2572 = arith.index_cast %swap3A_2571 : i32 to index
    %swap3A_2573 = arith.constant 80 : index
    %swap3A_2574 = tpu.vector_load %arg18[%swap3A_2572, %swap3A_2573] {strides = array<i32>} : memref<16x112xf32, #tpu.memory_space<vmem>>, vector<16xf32>,
    tpu.vector_store %arg18[%swap3A_2572, %swap3A_2573], %broadcast_in_dim3A_3 {strides = array<i32>} : memref<16x112xf32, #tpu.memory_space<vmem>>, vector<16xf32>,
    %swap3A_2575 = arith.constant 7 : i32
    %swap3A_2576 = arith.index_cast %swap3A_2575 : i32 to index
    %swap3A_2577 = arith.constant 96 : index
    %swap3A_2578 = tpu.vector_load %arg16[%swap3A_2576, %swap3A_2577] {strides = array<i32>} : memref<16x112xf32, #tpu.memory_space<vmem>>, vector<16xf32>,
    tpu.vector_store %arg16[%swap3A_2576, %swap3A_2577], %broadcast_in_dim3A_3 {strides = array<i32>} : memref<16x112xf32, #tpu.memory_space<vmem>>, vector<16xf32>,
    %swap3A_2579 = arith.constant 7 : i32
    %swap3A_2580 = arith.index_cast %swap3A_2579 : i32 to index
    %swap3A_2581 = arith.constant 96 : index
    %swap3A_2582 = tpu.vector_load %arg17[%swap3A_2580, %swap3A_2581] {strides = array<i32>} : memref<16x112xf32, #tpu.memory_space<vmem>>, vector<16xf32>,
    tpu.vector_store %arg17[%swap3A_2580, %swap3A_2581], %broadcast_in_dim3A_3 {strides = array<i32>} : memref<16x112xf32, #tpu.memory_space<vmem>>, vector<16xf32>,
    %swap3A_2583 = arith.constant 7 : i32
    %swap3A_2584 = arith.index_cast %swap3A_2583 : i32 to index
    %swap3A_2585 = arith.constant 96 : index
    %swap3A_2586 = tpu.vector_load %arg18[%swap3A_2584, %swap3A_2585] {strides = array<i32>} : memref<16x112xf32, #tpu.memory_space<vmem>>, vector<16xf32>,
    tpu.vector_store %arg18[%swap3A_2584, %swap3A_2585], %broadcast_in_dim3A_3 {strides = array<i32>} : memref<16x112xf32, #tpu.memory_space<vmem>>, vector<16xf32>,
    %swap3A_2587 = arith.constant 7 : i32
    %swap3A_2588 = arith.index_cast %swap3A_2587 : i32 to index
    %swap3A_2589 = arith.constant 0 : index
    %swap3A_2590 = tpu.vector_load %arg19[%swap3A_2588, %swap3A_2589] {strides = array<i32>} : memref<16x32xf32, #tpu.memory_space<vmem>>, vector<16xf32>,
    tpu.vector_store %arg19[%swap3A_2588, %swap3A_2589], %broadcast_in_dim3A_3 {strides = array<i32>} : memref<16x32xf32, #tpu.memory_space<vmem>>, vector<16xf32>,
    %swap3A_2591 = arith.constant 7 : i32
    %swap3A_2592 = arith.index_cast %swap3A_2591 : i32 to index
    %swap3A_2593 = arith.constant 0 : index
    %swap3A_2594 = tpu.vector_load %arg20[%swap3A_2592, %swap3A_2593] {strides = array<i32>} : memref<16x32xf32, #tpu.memory_space<vmem>>, vector<16xf32>,
    tpu.vector_store %arg20[%swap3A_2592, %swap3A_2593], %broadcast_in_dim3A_3 {strides = array<i32>} : memref<16x32xf32, #tpu.memory_space<vmem>>, vector<16xf32>,
    %swap3A_2595 = arith.constant 7 : i32
    %swap3A_2596 = arith.index_cast %swap3A_2595 : i32 to index
    %swap3A_2597 = arith.constant 0 : index
    %swap3A_2598 = tpu.vector_load %arg21[%swap3A_2596, %swap3A_2597] {strides = array<i32>} : memref<16x32xf32, #tpu.memory_space<vmem>>, vector<16xf32>,
    tpu.vector_store %arg21[%swap3A_2596, %swap3A_2597], %broadcast_in_dim3A_3 {strides = array<i32>} : memref<16x32xf32, #tpu.memory_space<vmem>>, vector<16xf32>,
    %swap3A_2599 = arith.constant 7 : i32
    %swap3A_2600 = arith.index_cast %swap3A_2599 : i32 to index
    %swap3A_2601 = arith.constant 16 : index
    %swap3A_2602 = tpu.vector_load %arg19[%swap3A_2600, %swap3A_2601] {strides = array<i32>} : memref<16x32xf32, #tpu.memory_space<vmem>>, vector<16xf32>,
    tpu.vector_store %arg19[%swap3A_2600, %swap3A_2601], %broadcast_in_dim3A_3 {strides = array<i32>} : memref<16x32xf32, #tpu.memory_space<vmem>>, vector<16xf32>,
    %swap3A_2603 = arith.constant 7 : i32
    %swap3A_2604 = arith.index_cast %swap3A_2603 : i32 to index
    %swap3A_2605 = arith.constant 16 : index
    %swap3A_2606 = tpu.vector_load %arg20[%swap3A_2604, %swap3A_2605] {strides = array<i32>} : memref<16x32xf32, #tpu.memory_space<vmem>>, vector<16xf32>,
    tpu.vector_store %arg20[%swap3A_2604, %swap3A_2605], %broadcast_in_dim3A_3 {strides = array<i32>} : memref<16x32xf32, #tpu.memory_space<vmem>>, vector<16xf32>,
    %swap3A_2607 = arith.constant 7 : i32
    %swap3A_2608 = arith.index_cast %swap3A_2607 : i32 to index
    %swap3A_2609 = arith.constant 16 : index
    %swap3A_2610 = tpu.vector_load %arg21[%swap3A_2608, %swap3A_2609] {strides = array<i32>} : memref<16x32xf32, #tpu.memory_space<vmem>>, vector<16xf32>,
    tpu.vector_store %arg21[%swap3A_2608, %swap3A_2609], %broadcast_in_dim3A_3 {strides = array<i32>} : memref<16x32xf32, #tpu.memory_space<vmem>>, vector<16xf32>,
    %swap3A_2611 = arith.constant 8 : i32
    %swap3A_2612 = arith.index_cast %swap3A_2611 : i32 to index
    %swap3A_2613 = arith.constant 0 : index
    %swap3A_2614 = tpu.vector_load %arg16[%swap3A_2612, %swap3A_2613] {strides = array<i32>} : memref<16x112xf32, #tpu.memory_space<vmem>>, vector<16xf32>,
    tpu.vector_store %arg16[%swap3A_2612, %swap3A_2613], %broadcast_in_dim3A_3 {strides = array<i32>} : memref<16x112xf32, #tpu.memory_space<vmem>>, vector<16xf32>,
    %swap3A_2615 = arith.constant 8 : i32
    %swap3A_2616 = arith.index_cast %swap3A_2615 : i32 to index
    %swap3A_2617 = arith.constant 0 : index
    %swap3A_2618 = tpu.vector_load %arg17[%swap3A_2616, %swap3A_2617] {strides = array<i32>} : memref<16x112xf32, #tpu.memory_space<vmem>>, vector<16xf32>,
    tpu.vector_store %arg17[%swap3A_2616, %swap3A_2617], %broadcast_in_dim3A_3 {strides = array<i32>} : memref<16x112xf32, #tpu.memory_space<vmem>>, vector<16xf32>,
    %swap3A_2619 = arith.constant 8 : i32
    %swap3A_2620 = arith.index_cast %swap3A_2619 : i32 to index
    %swap3A_2621 = arith.constant 0 : index
    %swap3A_2622 = tpu.vector_load %arg18[%swap3A_2620, %swap3A_2621] {strides = array<i32>} : memref<16x112xf32, #tpu.memory_space<vmem>>, vector<16xf32>,
    tpu.vector_store %arg18[%swap3A_2620, %swap3A_2621], %broadcast_in_dim3A_3 {strides = array<i32>} : memref<16x112xf32, #tpu.memory_space<vmem>>, vector<16xf32>,
    %swap3A_2623 = arith.constant 8 : i32
    %swap3A_2624 = arith.index_cast %swap3A_2623 : i32 to index
    %swap3A_2625 = arith.constant 16 : index
    %swap3A_2626 = tpu.vector_load %arg16[%swap3A_2624, %swap3A_2625] {strides = array<i32>} : memref<16x112xf32, #tpu.memory_space<vmem>>, vector<16xf32>,
    tpu.vector_store %arg16[%swap3A_2624, %swap3A_2625], %broadcast_in_dim3A_3 {strides = array<i32>} : memref<16x112xf32, #tpu.memory_space<vmem>>, vector<16xf32>,
    %swap3A_2627 = arith.constant 8 : i32
    %swap3A_2628 = arith.index_cast %swap3A_2627 : i32 to index
    %swap3A_2629 = arith.constant 16 : index
    %swap3A_2630 = tpu.vector_load %arg17[%swap3A_2628, %swap3A_2629] {strides = array<i32>} : memref<16x112xf32, #tpu.memory_space<vmem>>, vector<16xf32>,
    tpu.vector_store %arg17[%swap3A_2628, %swap3A_2629], %broadcast_in_dim3A_3 {strides = array<i32>} : memref<16x112xf32, #tpu.memory_space<vmem>>, vector<16xf32>,
    %swap3A_2631 = arith.constant 8 : i32
    %swap3A_2632 = arith.index_cast %swap3A_2631 : i32 to index
    %swap3A_2633 = arith.constant 16 : index
    %swap3A_2634 = tpu.vector_load %arg18[%swap3A_2632, %swap3A_2633] {strides = array<i32>} : memref<16x112xf32, #tpu.memory_space<vmem>>, vector<16xf32>,
    tpu.vector_store %arg18[%swap3A_2632, %swap3A_2633], %broadcast_in_dim3A_3 {strides = array<i32>} : memref<16x112xf32, #tpu.memory_space<vmem>>, vector<16xf32>,
    %swap3A_2635 = arith.constant 8 : i32
    %swap3A_2636 = arith.index_cast %swap3A_2635 : i32 to index
    %swap3A_2637 = arith.constant 32 : index
    %swap3A_2638 = tpu.vector_load %arg16[%swap3A_2636, %swap3A_2637] {strides = array<i32>} : memref<16x112xf32, #tpu.memory_space<vmem>>, vector<16xf32>,
    tpu.vector_store %arg16[%swap3A_2636, %swap3A_2637], %broadcast_in_dim3A_3 {strides = array<i32>} : memref<16x112xf32, #tpu.memory_space<vmem>>, vector<16xf32>,
    %swap3A_2639 = arith.constant 8 : i32
    %swap3A_2640 = arith.index_cast %swap3A_2639 : i32 to index
    %swap3A_2641 = arith.constant 32 : index
    %swap3A_2642 = tpu.vector_load %arg17[%swap3A_2640, %swap3A_2641] {strides = array<i32>} : memref<16x112xf32, #tpu.memory_space<vmem>>, vector<16xf32>,
    tpu.vector_store %arg17[%swap3A_2640, %swap3A_2641], %broadcast_in_dim3A_3 {strides = array<i32>} : memref<16x112xf32, #tpu.memory_space<vmem>>, vector<16xf32>,
    %swap3A_2643 = arith.constant 8 : i32
    %swap3A_2644 = arith.index_cast %swap3A_2643 : i32 to index
    %swap3A_2645 = arith.constant 32 : index
    %swap3A_2646 = tpu.vector_load %arg18[%swap3A_2644, %swap3A_2645] {strides = array<i32>} : memref<16x112xf32, #tpu.memory_space<vmem>>, vector<16xf32>,
    tpu.vector_store %arg18[%swap3A_2644, %swap3A_2645], %broadcast_in_dim3A_3 {strides = array<i32>} : memref<16x112xf32, #tpu.memory_space<vmem>>, vector<16xf32>,
    %swap3A_2647 = arith.constant 8 : i32
    %swap3A_2648 = arith.index_cast %swap3A_2647 : i32 to index
    %swap3A_2649 = arith.constant 48 : index
    %swap3A_2650 = tpu.vector_load %arg16[%swap3A_2648, %swap3A_2649] {strides = array<i32>} : memref<16x112xf32, #tpu.memory_space<vmem>>, vector<16xf32>,
    tpu.vector_store %arg16[%swap3A_2648, %swap3A_2649], %broadcast_in_dim3A_3 {strides = array<i32>} : memref<16x112xf32, #tpu.memory_space<vmem>>, vector<16xf32>,
    %swap3A_2651 = arith.constant 8 : i32
    %swap3A_2652 = arith.index_cast %swap3A_2651 : i32 to index
    %swap3A_2653 = arith.constant 48 : index
    %swap3A_2654 = tpu.vector_load %arg17[%swap3A_2652, %swap3A_2653] {strides = array<i32>} : memref<16x112xf32, #tpu.memory_space<vmem>>, vector<16xf32>,
    tpu.vector_store %arg17[%swap3A_2652, %swap3A_2653], %broadcast_in_dim3A_3 {strides = array<i32>} : memref<16x112xf32, #tpu.memory_space<vmem>>, vector<16xf32>,
    %swap3A_2655 = arith.constant 8 : i32
    %swap3A_2656 = arith.index_cast %swap3A_2655 : i32 to index
    %swap3A_2657 = arith.constant 48 : index
    %swap3A_2658 = tpu.vector_load %arg18[%swap3A_2656, %swap3A_2657] {strides = array<i32>} : memref<16x112xf32, #tpu.memory_space<vmem>>, vector<16xf32>,
    tpu.vector_store %arg18[%swap3A_2656, %swap3A_2657], %broadcast_in_dim3A_3 {strides = array<i32>} : memref<16x112xf32, #tpu.memory_space<vmem>>, vector<16xf32>,
    %swap3A_2659 = arith.constant 8 : i32
    %swap3A_2660 = arith.index_cast %swap3A_2659 : i32 to index
    %swap3A_2661 = arith.constant 64 : index
    %swap3A_2662 = tpu.vector_load %arg16[%swap3A_2660, %swap3A_2661] {strides = array<i32>} : memref<16x112xf32, #tpu.memory_space<vmem>>, vector<16xf32>,
    tpu.vector_store %arg16[%swap3A_2660, %swap3A_2661], %broadcast_in_dim3A_3 {strides = array<i32>} : memref<16x112xf32, #tpu.memory_space<vmem>>, vector<16xf32>,
    %swap3A_2663 = arith.constant 8 : i32
    %swap3A_2664 = arith.index_cast %swap3A_2663 : i32 to index
    %swap3A_2665 = arith.constant 64 : index
    %swap3A_2666 = tpu.vector_load %arg17[%swap3A_2664, %swap3A_2665] {strides = array<i32>} : memref<16x112xf32, #tpu.memory_space<vmem>>, vector<16xf32>,
    tpu.vector_store %arg17[%swap3A_2664, %swap3A_2665], %broadcast_in_dim3A_3 {strides = array<i32>} : memref<16x112xf32, #tpu.memory_space<vmem>>, vector<16xf32>,
    %swap3A_2667 = arith.constant 8 : i32
    %swap3A_2668 = arith.index_cast %swap3A_2667 : i32 to index
    %swap3A_2669 = arith.constant 64 : index
    %swap3A_2670 = tpu.vector_load %arg18[%swap3A_2668, %swap3A_2669] {strides = array<i32>} : memref<16x112xf32, #tpu.memory_space<vmem>>, vector<16xf32>,
    tpu.vector_store %arg18[%swap3A_2668, %swap3A_2669], %broadcast_in_dim3A_3 {strides = array<i32>} : memref<16x112xf32, #tpu.memory_space<vmem>>, vector<16xf32>,
    %swap3A_2671 = arith.constant 8 : i32
    %swap3A_2672 = arith.index_cast %swap3A_2671 : i32 to index
    %swap3A_2673 = arith.constant 80 : index
    %swap3A_2674 = tpu.vector_load %arg16[%swap3A_2672, %swap3A_2673] {strides = array<i32>} : memref<16x112xf32, #tpu.memory_space<vmem>>, vector<16xf32>,
    tpu.vector_store %arg16[%swap3A_2672, %swap3A_2673], %broadcast_in_dim3A_3 {strides = array<i32>} : memref<16x112xf32, #tpu.memory_space<vmem>>, vector<16xf32>,
    %swap3A_2675 = arith.constant 8 : i32
    %swap3A_2676 = arith.index_cast %swap3A_2675 : i32 to index
    %swap3A_2677 = arith.constant 80 : index
    %swap3A_2678 = tpu.vector_load %arg17[%swap3A_2676, %swap3A_2677] {strides = array<i32>} : memref<16x112xf32, #tpu.memory_space<vmem>>, vector<16xf32>,
    tpu.vector_store %arg17[%swap3A_2676, %swap3A_2677], %broadcast_in_dim3A_3 {strides = array<i32>} : memref<16x112xf32, #tpu.memory_space<vmem>>, vector<16xf32>,
    %swap3A_2679 = arith.constant 8 : i32
    %swap3A_2680 = arith.index_cast %swap3A_2679 : i32 to index
    %swap3A_2681 = arith.constant 80 : index
    %swap3A_2682 = tpu.vector_load %arg18[%swap3A_2680, %swap3A_2681] {strides = array<i32>} : memref<16x112xf32, #tpu.memory_space<vmem>>, vector<16xf32>,
    tpu.vector_store %arg18[%swap3A_2680, %swap3A_2681], %broadcast_in_dim3A_3 {strides = array<i32>} : memref<16x112xf32, #tpu.memory_space<vmem>>, vector<16xf32>,
    %swap3A_2683 = arith.constant 8 : i32
    %swap3A_2684 = arith.index_cast %swap3A_2683 : i32 to index
    %swap3A_2685 = arith.constant 96 : index
    %swap3A_2686 = tpu.vector_load %arg16[%swap3A_2684, %swap3A_2685] {strides = array<i32>} : memref<16x112xf32, #tpu.memory_space<vmem>>, vector<16xf32>,
    tpu.vector_store %arg16[%swap3A_2684, %swap3A_2685], %broadcast_in_dim3A_3 {strides = array<i32>} : memref<16x112xf32, #tpu.memory_space<vmem>>, vector<16xf32>,
    %swap3A_2687 = arith.constant 8 : i32
    %swap3A_2688 = arith.index_cast %swap3A_2687 : i32 to index
    %swap3A_2689 = arith.constant 96 : index
    %swap3A_2690 = tpu.vector_load %arg17[%swap3A_2688, %swap3A_2689] {strides = array<i32>} : memref<16x112xf32, #tpu.memory_space<vmem>>, vector<16xf32>,
    tpu.vector_store %arg17[%swap3A_2688, %swap3A_2689], %broadcast_in_dim3A_3 {strides = array<i32>} : memref<16x112xf32, #tpu.memory_space<vmem>>, vector<16xf32>,
    %swap3A_2691 = arith.constant 8 : i32
    %swap3A_2692 = arith.index_cast %swap3A_2691 : i32 to index
    %swap3A_2693 = arith.constant 96 : index
    %swap3A_2694 = tpu.vector_load %arg18[%swap3A_2692, %swap3A_2693] {strides = array<i32>} : memref<16x112xf32, #tpu.memory_space<vmem>>, vector<16xf32>,
    tpu.vector_store %arg18[%swap3A_2692, %swap3A_2693], %broadcast_in_dim3A_3 {strides = array<i32>} : memref<16x112xf32, #tpu.memory_space<vmem>>, vector<16xf32>,
    %swap3A_2695 = arith.constant 8 : i32
    %swap3A_2696 = arith.index_cast %swap3A_2695 : i32 to index
    %swap3A_2697 = arith.constant 0 : index
    %swap3A_2698 = tpu.vector_load %arg19[%swap3A_2696, %swap3A_2697] {strides = array<i32>} : memref<16x32xf32, #tpu.memory_space<vmem>>, vector<16xf32>,
    tpu.vector_store %arg19[%swap3A_2696, %swap3A_2697], %broadcast_in_dim3A_3 {strides = array<i32>} : memref<16x32xf32, #tpu.memory_space<vmem>>, vector<16xf32>,
    %swap3A_2699 = arith.constant 8 : i32
    %swap3A_2700 = arith.index_cast %swap3A_2699 : i32 to index
    %swap3A_2701 = arith.constant 0 : index
    %swap3A_2702 = tpu.vector_load %arg20[%swap3A_2700, %swap3A_2701] {strides = array<i32>} : memref<16x32xf32, #tpu.memory_space<vmem>>, vector<16xf32>,
    tpu.vector_store %arg20[%swap3A_2700, %swap3A_2701], %broadcast_in_dim3A_3 {strides = array<i32>} : memref<16x32xf32, #tpu.memory_space<vmem>>, vector<16xf32>,
    %swap3A_2703 = arith.constant 8 : i32
    %swap3A_2704 = arith.index_cast %swap3A_2703 : i32 to index
    %swap3A_2705 = arith.constant 0 : index
    %swap3A_2706 = tpu.vector_load %arg21[%swap3A_2704, %swap3A_2705] {strides = array<i32>} : memref<16x32xf32, #tpu.memory_space<vmem>>, vector<16xf32>,
    tpu.vector_store %arg21[%swap3A_2704, %swap3A_2705], %broadcast_in_dim3A_3 {strides = array<i32>} : memref<16x32xf32, #tpu.memory_space<vmem>>, vector<16xf32>,
    %swap3A_2707 = arith.constant 8 : i32
    %swap3A_2708 = arith.index_cast %swap3A_2707 : i32 to index
    %swap3A_2709 = arith.constant 16 : index
    %swap3A_2710 = tpu.vector_load %arg19[%swap3A_2708, %swap3A_2709] {strides = array<i32>} : memref<16x32xf32, #tpu.memory_space<vmem>>, vector<16xf32>,
    tpu.vector_store %arg19[%swap3A_2708, %swap3A_2709], %broadcast_in_dim3A_3 {strides = array<i32>} : memref<16x32xf32, #tpu.memory_space<vmem>>, vector<16xf32>,
    %swap3A_2711 = arith.constant 8 : i32
    %swap3A_2712 = arith.index_cast %swap3A_2711 : i32 to index
    %swap3A_2713 = arith.constant 16 : index
    %swap3A_2714 = tpu.vector_load %arg20[%swap3A_2712, %swap3A_2713] {strides = array<i32>} : memref<16x32xf32, #tpu.memory_space<vmem>>, vector<16xf32>,
    tpu.vector_store %arg20[%swap3A_2712, %swap3A_2713], %broadcast_in_dim3A_3 {strides = array<i32>} : memref<16x32xf32, #tpu.memory_space<vmem>>, vector<16xf32>,
    %swap3A_2715 = arith.constant 8 : i32
    %swap3A_2716 = arith.index_cast %swap3A_2715 : i32 to index
    %swap3A_2717 = arith.constant 16 : index
    %swap3A_2718 = tpu.vector_load %arg21[%swap3A_2716, %swap3A_2717] {strides = array<i32>} : memref<16x32xf32, #tpu.memory_space<vmem>>, vector<16xf32>,
    tpu.vector_store %arg21[%swap3A_2716, %swap3A_2717], %broadcast_in_dim3A_3 {strides = array<i32>} : memref<16x32xf32, #tpu.memory_space<vmem>>, vector<16xf32>,
    %swap3A_2719 = arith.constant 9 : i32
    %swap3A_2720 = arith.index_cast %swap3A_2719 : i32 to index
    %swap3A_2721 = arith.constant 0 : index
    %swap3A_2722 = tpu.vector_load %arg16[%swap3A_2720, %swap3A_2721] {strides = array<i32>} : memref<16x112xf32, #tpu.memory_space<vmem>>, vector<16xf32>,
    tpu.vector_store %arg16[%swap3A_2720, %swap3A_2721], %broadcast_in_dim3A_3 {strides = array<i32>} : memref<16x112xf32, #tpu.memory_space<vmem>>, vector<16xf32>,
    %swap3A_2723 = arith.constant 9 : i32
    %swap3A_2724 = arith.index_cast %swap3A_2723 : i32 to index
    %swap3A_2725 = arith.constant 0 : index
    %swap3A_2726 = tpu.vector_load %arg17[%swap3A_2724, %swap3A_2725] {strides = array<i32>} : memref<16x112xf32, #tpu.memory_space<vmem>>, vector<16xf32>,
    tpu.vector_store %arg17[%swap3A_2724, %swap3A_2725], %broadcast_in_dim3A_3 {strides = array<i32>} : memref<16x112xf32, #tpu.memory_space<vmem>>, vector<16xf32>,
    %swap3A_2727 = arith.constant 9 : i32
    %swap3A_2728 = arith.index_cast %swap3A_2727 : i32 to index
    %swap3A_2729 = arith.constant 0 : index
    %swap3A_2730 = tpu.vector_load %arg18[%swap3A_2728, %swap3A_2729] {strides = array<i32>} : memref<16x112xf32, #tpu.memory_space<vmem>>, vector<16xf32>,
    tpu.vector_store %arg18[%swap3A_2728, %swap3A_2729], %broadcast_in_dim3A_3 {strides = array<i32>} : memref<16x112xf32, #tpu.memory_space<vmem>>, vector<16xf32>,
    %swap3A_2731 = arith.constant 9 : i32
    %swap3A_2732 = arith.index_cast %swap3A_2731 : i32 to index
    %swap3A_2733 = arith.constant 16 : index
    %swap3A_2734 = tpu.vector_load %arg16[%swap3A_2732, %swap3A_2733] {strides = array<i32>} : memref<16x112xf32, #tpu.memory_space<vmem>>, vector<16xf32>,
    tpu.vector_store %arg16[%swap3A_2732, %swap3A_2733], %broadcast_in_dim3A_3 {strides = array<i32>} : memref<16x112xf32, #tpu.memory_space<vmem>>, vector<16xf32>,
    %swap3A_2735 = arith.constant 9 : i32
    %swap3A_2736 = arith.index_cast %swap3A_2735 : i32 to index
    %swap3A_2737 = arith.constant 16 : index
    %swap3A_2738 = tpu.vector_load %arg17[%swap3A_2736, %swap3A_2737] {strides = array<i32>} : memref<16x112xf32, #tpu.memory_space<vmem>>, vector<16xf32>,
    tpu.vector_store %arg17[%swap3A_2736, %swap3A_2737], %broadcast_in_dim3A_3 {strides = array<i32>} : memref<16x112xf32, #tpu.memory_space<vmem>>, vector<16xf32>,
    %swap3A_2739 = arith.constant 9 : i32
    %swap3A_2740 = arith.index_cast %swap3A_2739 : i32 to index
    %swap3A_2741 = arith.constant 16 : index
    %swap3A_2742 = tpu.vector_load %arg18[%swap3A_2740, %swap3A_2741] {strides = array<i32>} : memref<16x112xf32, #tpu.memory_space<vmem>>, vector<16xf32>,
    tpu.vector_store %arg18[%swap3A_2740, %swap3A_2741], %broadcast_in_dim3A_3 {strides = array<i32>} : memref<16x112xf32, #tpu.memory_space<vmem>>, vector<16xf32>,
    %swap3A_2743 = arith.constant 9 : i32
    %swap3A_2744 = arith.index_cast %swap3A_2743 : i32 to index
    %swap3A_2745 = arith.constant 32 : index
    %swap3A_2746 = tpu.vector_load %arg16[%swap3A_2744, %swap3A_2745] {strides = array<i32>} : memref<16x112xf32, #tpu.memory_space<vmem>>, vector<16xf32>,
    tpu.vector_store %arg16[%swap3A_2744, %swap3A_2745], %broadcast_in_dim3A_3 {strides = array<i32>} : memref<16x112xf32, #tpu.memory_space<vmem>>, vector<16xf32>,
    %swap3A_2747 = arith.constant 9 : i32
    %swap3A_2748 = arith.index_cast %swap3A_2747 : i32 to index
    %swap3A_2749 = arith.constant 32 : index
    %swap3A_2750 = tpu.vector_load %arg17[%swap3A_2748, %swap3A_2749] {strides = array<i32>} : memref<16x112xf32, #tpu.memory_space<vmem>>, vector<16xf32>,
    tpu.vector_store %arg17[%swap3A_2748, %swap3A_2749], %broadcast_in_dim3A_3 {strides = array<i32>} : memref<16x112xf32, #tpu.memory_space<vmem>>, vector<16xf32>,
    %swap3A_2751 = arith.constant 9 : i32
    %swap3A_2752 = arith.index_cast %swap3A_2751 : i32 to index
    %swap3A_2753 = arith.constant 32 : index
    %swap3A_2754 = tpu.vector_load %arg18[%swap3A_2752, %swap3A_2753] {strides = array<i32>} : memref<16x112xf32, #tpu.memory_space<vmem>>, vector<16xf32>,
    tpu.vector_store %arg18[%swap3A_2752, %swap3A_2753], %broadcast_in_dim3A_3 {strides = array<i32>} : memref<16x112xf32, #tpu.memory_space<vmem>>, vector<16xf32>,
    %swap3A_2755 = arith.constant 9 : i32
    %swap3A_2756 = arith.index_cast %swap3A_2755 : i32 to index
    %swap3A_2757 = arith.constant 48 : index
    %swap3A_2758 = tpu.vector_load %arg16[%swap3A_2756, %swap3A_2757] {strides = array<i32>} : memref<16x112xf32, #tpu.memory_space<vmem>>, vector<16xf32>,
    tpu.vector_store %arg16[%swap3A_2756, %swap3A_2757], %broadcast_in_dim3A_3 {strides = array<i32>} : memref<16x112xf32, #tpu.memory_space<vmem>>, vector<16xf32>,
    %swap3A_2759 = arith.constant 9 : i32
    %swap3A_2760 = arith.index_cast %swap3A_2759 : i32 to index
    %swap3A_2761 = arith.constant 48 : index
    %swap3A_2762 = tpu.vector_load %arg17[%swap3A_2760, %swap3A_2761] {strides = array<i32>} : memref<16x112xf32, #tpu.memory_space<vmem>>, vector<16xf32>,
    tpu.vector_store %arg17[%swap3A_2760, %swap3A_2761], %broadcast_in_dim3A_3 {strides = array<i32>} : memref<16x112xf32, #tpu.memory_space<vmem>>, vector<16xf32>,
    %swap3A_2763 = arith.constant 9 : i32
    %swap3A_2764 = arith.index_cast %swap3A_2763 : i32 to index
    %swap3A_2765 = arith.constant 48 : index
    %swap3A_2766 = tpu.vector_load %arg18[%swap3A_2764, %swap3A_2765] {strides = array<i32>} : memref<16x112xf32, #tpu.memory_space<vmem>>, vector<16xf32>,
    tpu.vector_store %arg18[%swap3A_2764, %swap3A_2765], %broadcast_in_dim3A_3 {strides = array<i32>} : memref<16x112xf32, #tpu.memory_space<vmem>>, vector<16xf32>,
    %swap3A_2767 = arith.constant 9 : i32
    %swap3A_2768 = arith.index_cast %swap3A_2767 : i32 to index
    %swap3A_2769 = arith.constant 64 : index
    %swap3A_2770 = tpu.vector_load %arg16[%swap3A_2768, %swap3A_2769] {strides = array<i32>} : memref<16x112xf32, #tpu.memory_space<vmem>>, vector<16xf32>,
    tpu.vector_store %arg16[%swap3A_2768, %swap3A_2769], %broadcast_in_dim3A_3 {strides = array<i32>} : memref<16x112xf32, #tpu.memory_space<vmem>>, vector<16xf32>,
    %swap3A_2771 = arith.constant 9 : i32
    %swap3A_2772 = arith.index_cast %swap3A_2771 : i32 to index
    %swap3A_2773 = arith.constant 64 : index
    %swap3A_2774 = tpu.vector_load %arg17[%swap3A_2772, %swap3A_2773] {strides = array<i32>} : memref<16x112xf32, #tpu.memory_space<vmem>>, vector<16xf32>,
    tpu.vector_store %arg17[%swap3A_2772, %swap3A_2773], %broadcast_in_dim3A_3 {strides = array<i32>} : memref<16x112xf32, #tpu.memory_space<vmem>>, vector<16xf32>,
    %swap3A_2775 = arith.constant 9 : i32
    %swap3A_2776 = arith.index_cast %swap3A_2775 : i32 to index
    %swap3A_2777 = arith.constant 64 : index
    %swap3A_2778 = tpu.vector_load %arg18[%swap3A_2776, %swap3A_2777] {strides = array<i32>} : memref<16x112xf32, #tpu.memory_space<vmem>>, vector<16xf32>,
    tpu.vector_store %arg18[%swap3A_2776, %swap3A_2777], %broadcast_in_dim3A_3 {strides = array<i32>} : memref<16x112xf32, #tpu.memory_space<vmem>>, vector<16xf32>,
    %swap3A_2779 = arith.constant 9 : i32
    %swap3A_2780 = arith.index_cast %swap3A_2779 : i32 to index
    %swap3A_2781 = arith.constant 80 : index
    %swap3A_2782 = tpu.vector_load %arg16[%swap3A_2780, %swap3A_2781] {strides = array<i32>} : memref<16x112xf32, #tpu.memory_space<vmem>>, vector<16xf32>,
    tpu.vector_store %arg16[%swap3A_2780, %swap3A_2781], %broadcast_in_dim3A_3 {strides = array<i32>} : memref<16x112xf32, #tpu.memory_space<vmem>>, vector<16xf32>,
    %swap3A_2783 = arith.constant 9 : i32
    %swap3A_2784 = arith.index_cast %swap3A_2783 : i32 to index
    %swap3A_2785 = arith.constant 80 : index
    %swap3A_2786 = tpu.vector_load %arg17[%swap3A_2784, %swap3A_2785] {strides = array<i32>} : memref<16x112xf32, #tpu.memory_space<vmem>>, vector<16xf32>,
    tpu.vector_store %arg17[%swap3A_2784, %swap3A_2785], %broadcast_in_dim3A_3 {strides = array<i32>} : memref<16x112xf32, #tpu.memory_space<vmem>>, vector<16xf32>,
    %swap3A_2787 = arith.constant 9 : i32
    %swap3A_2788 = arith.index_cast %swap3A_2787 : i32 to index
    %swap3A_2789 = arith.constant 80 : index
    %swap3A_2790 = tpu.vector_load %arg18[%swap3A_2788, %swap3A_2789] {strides = array<i32>} : memref<16x112xf32, #tpu.memory_space<vmem>>, vector<16xf32>,
    tpu.vector_store %arg18[%swap3A_2788, %swap3A_2789], %broadcast_in_dim3A_3 {strides = array<i32>} : memref<16x112xf32, #tpu.memory_space<vmem>>, vector<16xf32>,
    %swap3A_2791 = arith.constant 9 : i32
    %swap3A_2792 = arith.index_cast %swap3A_2791 : i32 to index
    %swap3A_2793 = arith.constant 96 : index
    %swap3A_2794 = tpu.vector_load %arg16[%swap3A_2792, %swap3A_2793] {strides = array<i32>} : memref<16x112xf32, #tpu.memory_space<vmem>>, vector<16xf32>,
    tpu.vector_store %arg16[%swap3A_2792, %swap3A_2793], %broadcast_in_dim3A_3 {strides = array<i32>} : memref<16x112xf32, #tpu.memory_space<vmem>>, vector<16xf32>,
    %swap3A_2795 = arith.constant 9 : i32
    %swap3A_2796 = arith.index_cast %swap3A_2795 : i32 to index
    %swap3A_2797 = arith.constant 96 : index
    %swap3A_2798 = tpu.vector_load %arg17[%swap3A_2796, %swap3A_2797] {strides = array<i32>} : memref<16x112xf32, #tpu.memory_space<vmem>>, vector<16xf32>,
    tpu.vector_store %arg17[%swap3A_2796, %swap3A_2797], %broadcast_in_dim3A_3 {strides = array<i32>} : memref<16x112xf32, #tpu.memory_space<vmem>>, vector<16xf32>,
    %swap3A_2799 = arith.constant 9 : i32
    %swap3A_2800 = arith.index_cast %swap3A_2799 : i32 to index
    %swap3A_2801 = arith.constant 96 : index
    %swap3A_2802 = tpu.vector_load %arg18[%swap3A_2800, %swap3A_2801] {strides = array<i32>} : memref<16x112xf32, #tpu.memory_space<vmem>>, vector<16xf32>,
    tpu.vector_store %arg18[%swap3A_2800, %swap3A_2801], %broadcast_in_dim3A_3 {strides = array<i32>} : memref<16x112xf32, #tpu.memory_space<vmem>>, vector<16xf32>,
    %swap3A_2803 = arith.constant 9 : i32
    %swap3A_2804 = arith.index_cast %swap3A_2803 : i32 to index
    %swap3A_2805 = arith.constant 0 : index
    %swap3A_2806 = tpu.vector_load %arg19[%swap3A_2804, %swap3A_2805] {strides = array<i32>} : memref<16x32xf32, #tpu.memory_space<vmem>>, vector<16xf32>,
    tpu.vector_store %arg19[%swap3A_2804, %swap3A_2805], %broadcast_in_dim3A_3 {strides = array<i32>} : memref<16x32xf32, #tpu.memory_space<vmem>>, vector<16xf32>,
    %swap3A_2807 = arith.constant 9 : i32
    %swap3A_2808 = arith.index_cast %swap3A_2807 : i32 to index
    %swap3A_2809 = arith.constant 0 : index
    %swap3A_2810 = tpu.vector_load %arg20[%swap3A_2808, %swap3A_2809] {strides = array<i32>} : memref<16x32xf32, #tpu.memory_space<vmem>>, vector<16xf32>,
    tpu.vector_store %arg20[%swap3A_2808, %swap3A_2809], %broadcast_in_dim3A_3 {strides = array<i32>} : memref<16x32xf32, #tpu.memory_space<vmem>>, vector<16xf32>,
    %swap3A_2811 = arith.constant 9 : i32
    %swap3A_2812 = arith.index_cast %swap3A_2811 : i32 to index
    %swap3A_2813 = arith.constant 0 : index
    %swap3A_2814 = tpu.vector_load %arg21[%swap3A_2812, %swap3A_2813] {strides = array<i32>} : memref<16x32xf32, #tpu.memory_space<vmem>>, vector<16xf32>,
    tpu.vector_store %arg21[%swap3A_2812, %swap3A_2813], %broadcast_in_dim3A_3 {strides = array<i32>} : memref<16x32xf32, #tpu.memory_space<vmem>>, vector<16xf32>,
    %swap3A_2815 = arith.constant 9 : i32
    %swap3A_2816 = arith.index_cast %swap3A_2815 : i32 to index
    %swap3A_2817 = arith.constant 16 : index
    %swap3A_2818 = tpu.vector_load %arg19[%swap3A_2816, %swap3A_2817] {strides = array<i32>} : memref<16x32xf32, #tpu.memory_space<vmem>>, vector<16xf32>,
    tpu.vector_store %arg19[%swap3A_2816, %swap3A_2817], %broadcast_in_dim3A_3 {strides = array<i32>} : memref<16x32xf32, #tpu.memory_space<vmem>>, vector<16xf32>,
    %swap3A_2819 = arith.constant 9 : i32
    %swap3A_2820 = arith.index_cast %swap3A_2819 : i32 to index
    %swap3A_2821 = arith.constant 16 : index
    %swap3A_2822 = tpu.vector_load %arg20[%swap3A_2820, %swap3A_2821] {strides = array<i32>} : memref<16x32xf32, #tpu.memory_space<vmem>>, vector<16xf32>,
    tpu.vector_store %arg20[%swap3A_2820, %swap3A_2821], %broadcast_in_dim3A_3 {strides = array<i32>} : memref<16x32xf32, #tpu.memory_space<vmem>>, vector<16xf32>,
    %swap3A_2823 = arith.constant 9 : i32
    %swap3A_2824 = arith.index_cast %swap3A_2823 : i32 to index
    %swap3A_2825 = arith.constant 16 : index
    %swap3A_2826 = tpu.vector_load %arg21[%swap3A_2824, %swap3A_2825] {strides = array<i32>} : memref<16x32xf32, #tpu.memory_space<vmem>>, vector<16xf32>,
    tpu.vector_store %arg21[%swap3A_2824, %swap3A_2825], %broadcast_in_dim3A_3 {strides = array<i32>} : memref<16x32xf32, #tpu.memory_space<vmem>>, vector<16xf32>,
    %swap3A_2827 = arith.constant 10 : i32
    %swap3A_2828 = arith.index_cast %swap3A_2827 : i32 to index
    %swap3A_2829 = arith.constant 0 : index
    %swap3A_2830 = tpu.vector_load %arg16[%swap3A_2828, %swap3A_2829] {strides = array<i32>} : memref<16x112xf32, #tpu.memory_space<vmem>>, vector<16xf32>,
    tpu.vector_store %arg16[%swap3A_2828, %swap3A_2829], %broadcast_in_dim3A_3 {strides = array<i32>} : memref<16x112xf32, #tpu.memory_space<vmem>>, vector<16xf32>,
    %swap3A_2831 = arith.constant 10 : i32
    %swap3A_2832 = arith.index_cast %swap3A_2831 : i32 to index
    %swap3A_2833 = arith.constant 0 : index
    %swap3A_2834 = tpu.vector_load %arg17[%swap3A_2832, %swap3A_2833] {strides = array<i32>} : memref<16x112xf32, #tpu.memory_space<vmem>>, vector<16xf32>,
    tpu.vector_store %arg17[%swap3A_2832, %swap3A_2833], %broadcast_in_dim3A_3 {strides = array<i32>} : memref<16x112xf32, #tpu.memory_space<vmem>>, vector<16xf32>,
    %swap3A_2835 = arith.constant 10 : i32
    %swap3A_2836 = arith.index_cast %swap3A_2835 : i32 to index
    %swap3A_2837 = arith.constant 0 : index
    %swap3A_2838 = tpu.vector_load %arg18[%swap3A_2836, %swap3A_2837] {strides = array<i32>} : memref<16x112xf32, #tpu.memory_space<vmem>>, vector<16xf32>,
    tpu.vector_store %arg18[%swap3A_2836, %swap3A_2837], %broadcast_in_dim3A_3 {strides = array<i32>} : memref<16x112xf32, #tpu.memory_space<vmem>>, vector<16xf32>,
    %swap3A_2839 = arith.constant 10 : i32
    %swap3A_2840 = arith.index_cast %swap3A_2839 : i32 to index
    %swap3A_2841 = arith.constant 16 : index
    %swap3A_2842 = tpu.vector_load %arg16[%swap3A_2840, %swap3A_2841] {strides = array<i32>} : memref<16x112xf32, #tpu.memory_space<vmem>>, vector<16xf32>,
    tpu.vector_store %arg16[%swap3A_2840, %swap3A_2841], %broadcast_in_dim3A_3 {strides = array<i32>} : memref<16x112xf32, #tpu.memory_space<vmem>>, vector<16xf32>,
    %swap3A_2843 = arith.constant 10 : i32
    %swap3A_2844 = arith.index_cast %swap3A_2843 : i32 to index
    %swap3A_2845 = arith.constant 16 : index
    %swap3A_2846 = tpu.vector_load %arg17[%swap3A_2844, %swap3A_2845] {strides = array<i32>} : memref<16x112xf32, #tpu.memory_space<vmem>>, vector<16xf32>,
    tpu.vector_store %arg17[%swap3A_2844, %swap3A_2845], %broadcast_in_dim3A_3 {strides = array<i32>} : memref<16x112xf32, #tpu.memory_space<vmem>>, vector<16xf32>,
    %swap3A_2847 = arith.constant 10 : i32
    %swap3A_2848 = arith.index_cast %swap3A_2847 : i32 to index
    %swap3A_2849 = arith.constant 16 : index
    %swap3A_2850 = tpu.vector_load %arg18[%swap3A_2848, %swap3A_2849] {strides = array<i32>} : memref<16x112xf32, #tpu.memory_space<vmem>>, vector<16xf32>,
    tpu.vector_store %arg18[%swap3A_2848, %swap3A_2849], %broadcast_in_dim3A_3 {strides = array<i32>} : memref<16x112xf32, #tpu.memory_space<vmem>>, vector<16xf32>,
    %swap3A_2851 = arith.constant 10 : i32
    %swap3A_2852 = arith.index_cast %swap3A_2851 : i32 to index
    %swap3A_2853 = arith.constant 32 : index
    %swap3A_2854 = tpu.vector_load %arg16[%swap3A_2852, %swap3A_2853] {strides = array<i32>} : memref<16x112xf32, #tpu.memory_space<vmem>>, vector<16xf32>,
    tpu.vector_store %arg16[%swap3A_2852, %swap3A_2853], %broadcast_in_dim3A_3 {strides = array<i32>} : memref<16x112xf32, #tpu.memory_space<vmem>>, vector<16xf32>,
    %swap3A_2855 = arith.constant 10 : i32
    %swap3A_2856 = arith.index_cast %swap3A_2855 : i32 to index
    %swap3A_2857 = arith.constant 32 : index
    %swap3A_2858 = tpu.vector_load %arg17[%swap3A_2856, %swap3A_2857] {strides = array<i32>} : memref<16x112xf32, #tpu.memory_space<vmem>>, vector<16xf32>,
    tpu.vector_store %arg17[%swap3A_2856, %swap3A_2857], %broadcast_in_dim3A_3 {strides = array<i32>} : memref<16x112xf32, #tpu.memory_space<vmem>>, vector<16xf32>,
    %swap3A_2859 = arith.constant 10 : i32
    %swap3A_2860 = arith.index_cast %swap3A_2859 : i32 to index
    %swap3A_2861 = arith.constant 32 : index
    %swap3A_2862 = tpu.vector_load %arg18[%swap3A_2860, %swap3A_2861] {strides = array<i32>} : memref<16x112xf32, #tpu.memory_space<vmem>>, vector<16xf32>,
    tpu.vector_store %arg18[%swap3A_2860, %swap3A_2861], %broadcast_in_dim3A_3 {strides = array<i32>} : memref<16x112xf32, #tpu.memory_space<vmem>>, vector<16xf32>,
    %swap3A_2863 = arith.constant 10 : i32
    %swap3A_2864 = arith.index_cast %swap3A_2863 : i32 to index
    %swap3A_2865 = arith.constant 48 : index
    %swap3A_2866 = tpu.vector_load %arg16[%swap3A_2864, %swap3A_2865] {strides = array<i32>} : memref<16x112xf32, #tpu.memory_space<vmem>>, vector<16xf32>,
    tpu.vector_store %arg16[%swap3A_2864, %swap3A_2865], %broadcast_in_dim3A_3 {strides = array<i32>} : memref<16x112xf32, #tpu.memory_space<vmem>>, vector<16xf32>,
    %swap3A_2867 = arith.constant 10 : i32
    %swap3A_2868 = arith.index_cast %swap3A_2867 : i32 to index
    %swap3A_2869 = arith.constant 48 : index
    %swap3A_2870 = tpu.vector_load %arg17[%swap3A_2868, %swap3A_2869] {strides = array<i32>} : memref<16x112xf32, #tpu.memory_space<vmem>>, vector<16xf32>,
    tpu.vector_store %arg17[%swap3A_2868, %swap3A_2869], %broadcast_in_dim3A_3 {strides = array<i32>} : memref<16x112xf32, #tpu.memory_space<vmem>>, vector<16xf32>,
    %swap3A_2871 = arith.constant 10 : i32
    %swap3A_2872 = arith.index_cast %swap3A_2871 : i32 to index
    %swap3A_2873 = arith.constant 48 : index
    %swap3A_2874 = tpu.vector_load %arg18[%swap3A_2872, %swap3A_2873] {strides = array<i32>} : memref<16x112xf32, #tpu.memory_space<vmem>>, vector<16xf32>,
    tpu.vector_store %arg18[%swap3A_2872, %swap3A_2873], %broadcast_in_dim3A_3 {strides = array<i32>} : memref<16x112xf32, #tpu.memory_space<vmem>>, vector<16xf32>,
    %swap3A_2875 = arith.constant 10 : i32
    %swap3A_2876 = arith.index_cast %swap3A_2875 : i32 to index
    %swap3A_2877 = arith.constant 64 : index
    %swap3A_2878 = tpu.vector_load %arg16[%swap3A_2876, %swap3A_2877] {strides = array<i32>} : memref<16x112xf32, #tpu.memory_space<vmem>>, vector<16xf32>,
    tpu.vector_store %arg16[%swap3A_2876, %swap3A_2877], %broadcast_in_dim3A_3 {strides = array<i32>} : memref<16x112xf32, #tpu.memory_space<vmem>>, vector<16xf32>,
    %swap3A_2879 = arith.constant 10 : i32
    %swap3A_2880 = arith.index_cast %swap3A_2879 : i32 to index
    %swap3A_2881 = arith.constant 64 : index
    %swap3A_2882 = tpu.vector_load %arg17[%swap3A_2880, %swap3A_2881] {strides = array<i32>} : memref<16x112xf32, #tpu.memory_space<vmem>>, vector<16xf32>,
    tpu.vector_store %arg17[%swap3A_2880, %swap3A_2881], %broadcast_in_dim3A_3 {strides = array<i32>} : memref<16x112xf32, #tpu.memory_space<vmem>>, vector<16xf32>,
    %swap3A_2883 = arith.constant 10 : i32
    %swap3A_2884 = arith.index_cast %swap3A_2883 : i32 to index
    %swap3A_2885 = arith.constant 64 : index
    %swap3A_2886 = tpu.vector_load %arg18[%swap3A_2884, %swap3A_2885] {strides = array<i32>} : memref<16x112xf32, #tpu.memory_space<vmem>>, vector<16xf32>,
    tpu.vector_store %arg18[%swap3A_2884, %swap3A_2885], %broadcast_in_dim3A_3 {strides = array<i32>} : memref<16x112xf32, #tpu.memory_space<vmem>>, vector<16xf32>,
    %swap3A_2887 = arith.constant 10 : i32
    %swap3A_2888 = arith.index_cast %swap3A_2887 : i32 to index
    %swap3A_2889 = arith.constant 80 : index
    %swap3A_2890 = tpu.vector_load %arg16[%swap3A_2888, %swap3A_2889] {strides = array<i32>} : memref<16x112xf32, #tpu.memory_space<vmem>>, vector<16xf32>,
    tpu.vector_store %arg16[%swap3A_2888, %swap3A_2889], %broadcast_in_dim3A_3 {strides = array<i32>} : memref<16x112xf32, #tpu.memory_space<vmem>>, vector<16xf32>,
    %swap3A_2891 = arith.constant 10 : i32
    %swap3A_2892 = arith.index_cast %swap3A_2891 : i32 to index
    %swap3A_2893 = arith.constant 80 : index
    %swap3A_2894 = tpu.vector_load %arg17[%swap3A_2892, %swap3A_2893] {strides = array<i32>} : memref<16x112xf32, #tpu.memory_space<vmem>>, vector<16xf32>,
    tpu.vector_store %arg17[%swap3A_2892, %swap3A_2893], %broadcast_in_dim3A_3 {strides = array<i32>} : memref<16x112xf32, #tpu.memory_space<vmem>>, vector<16xf32>,
    %swap3A_2895 = arith.constant 10 : i32
    %swap3A_2896 = arith.index_cast %swap3A_2895 : i32 to index
    %swap3A_2897 = arith.constant 80 : index
    %swap3A_2898 = tpu.vector_load %arg18[%swap3A_2896, %swap3A_2897] {strides = array<i32>} : memref<16x112xf32, #tpu.memory_space<vmem>>, vector<16xf32>,
    tpu.vector_store %arg18[%swap3A_2896, %swap3A_2897], %broadcast_in_dim3A_3 {strides = array<i32>} : memref<16x112xf32, #tpu.memory_space<vmem>>, vector<16xf32>,
    %swap3A_2899 = arith.constant 10 : i32
    %swap3A_2900 = arith.index_cast %swap3A_2899 : i32 to index
    %swap3A_2901 = arith.constant 96 : index
    %swap3A_2902 = tpu.vector_load %arg16[%swap3A_2900, %swap3A_2901] {strides = array<i32>} : memref<16x112xf32, #tpu.memory_space<vmem>>, vector<16xf32>,
    tpu.vector_store %arg16[%swap3A_2900, %swap3A_2901], %broadcast_in_dim3A_3 {strides = array<i32>} : memref<16x112xf32, #tpu.memory_space<vmem>>, vector<16xf32>,
    %swap3A_2903 = arith.constant 10 : i32
    %swap3A_2904 = arith.index_cast %swap3A_2903 : i32 to index
    %swap3A_2905 = arith.constant 96 : index
    %swap3A_2906 = tpu.vector_load %arg17[%swap3A_2904, %swap3A_2905] {strides = array<i32>} : memref<16x112xf32, #tpu.memory_space<vmem>>, vector<16xf32>,
    tpu.vector_store %arg17[%swap3A_2904, %swap3A_2905], %broadcast_in_dim3A_3 {strides = array<i32>} : memref<16x112xf32, #tpu.memory_space<vmem>>, vector<16xf32>,
    %swap3A_2907 = arith.constant 10 : i32
    %swap3A_2908 = arith.index_cast %swap3A_2907 : i32 to index
    %swap3A_2909 = arith.constant 96 : index
    %swap3A_2910 = tpu.vector_load %arg18[%swap3A_2908, %swap3A_2909] {strides = array<i32>} : memref<16x112xf32, #tpu.memory_space<vmem>>, vector<16xf32>,
    tpu.vector_store %arg18[%swap3A_2908, %swap3A_2909], %broadcast_in_dim3A_3 {strides = array<i32>} : memref<16x112xf32, #tpu.memory_space<vmem>>, vector<16xf32>,
    %swap3A_2911 = arith.constant 10 : i32
    %swap3A_2912 = arith.index_cast %swap3A_2911 : i32 to index
    %swap3A_2913 = arith.constant 0 : index
    %swap3A_2914 = tpu.vector_load %arg19[%swap3A_2912, %swap3A_2913] {strides = array<i32>} : memref<16x32xf32, #tpu.memory_space<vmem>>, vector<16xf32>,
    tpu.vector_store %arg19[%swap3A_2912, %swap3A_2913], %broadcast_in_dim3A_3 {strides = array<i32>} : memref<16x32xf32, #tpu.memory_space<vmem>>, vector<16xf32>,
    %swap3A_2915 = arith.constant 10 : i32
    %swap3A_2916 = arith.index_cast %swap3A_2915 : i32 to index
    %swap3A_2917 = arith.constant 0 : index
    %swap3A_2918 = tpu.vector_load %arg20[%swap3A_2916, %swap3A_2917] {strides = array<i32>} : memref<16x32xf32, #tpu.memory_space<vmem>>, vector<16xf32>,
    tpu.vector_store %arg20[%swap3A_2916, %swap3A_2917], %broadcast_in_dim3A_3 {strides = array<i32>} : memref<16x32xf32, #tpu.memory_space<vmem>>, vector<16xf32>,
    %swap3A_2919 = arith.constant 10 : i32
    %swap3A_2920 = arith.index_cast %swap3A_2919 : i32 to index
    %swap3A_2921 = arith.constant 0 : index
    %swap3A_2922 = tpu.vector_load %arg21[%swap3A_2920, %swap3A_2921] {strides = array<i32>} : memref<16x32xf32, #tpu.memory_space<vmem>>, vector<16xf32>,
    tpu.vector_store %arg21[%swap3A_2920, %swap3A_2921], %broadcast_in_dim3A_3 {strides = array<i32>} : memref<16x32xf32, #tpu.memory_space<vmem>>, vector<16xf32>,
    %swap3A_2923 = arith.constant 10 : i32
    %swap3A_2924 = arith.index_cast %swap3A_2923 : i32 to index
    %swap3A_2925 = arith.constant 16 : index
    %swap3A_2926 = tpu.vector_load %arg19[%swap3A_2924, %swap3A_2925] {strides = array<i32>} : memref<16x32xf32, #tpu.memory_space<vmem>>, vector<16xf32>,
    tpu.vector_store %arg19[%swap3A_2924, %swap3A_2925], %broadcast_in_dim3A_3 {strides = array<i32>} : memref<16x32xf32, #tpu.memory_space<vmem>>, vector<16xf32>,
    %swap3A_2927 = arith.constant 10 : i32
    %swap3A_2928 = arith.index_cast %swap3A_2927 : i32 to index
    %swap3A_2929 = arith.constant 16 : index
    %swap3A_2930 = tpu.vector_load %arg20[%swap3A_2928, %swap3A_2929] {strides = array<i32>} : memref<16x32xf32, #tpu.memory_space<vmem>>, vector<16xf32>,
    tpu.vector_store %arg20[%swap3A_2928, %swap3A_2929], %broadcast_in_dim3A_3 {strides = array<i32>} : memref<16x32xf32, #tpu.memory_space<vmem>>, vector<16xf32>,
    %swap3A_2931 = arith.constant 10 : i32
    %swap3A_2932 = arith.index_cast %swap3A_2931 : i32 to index
    %swap3A_2933 = arith.constant 16 : index
    %swap3A_2934 = tpu.vector_load %arg21[%swap3A_2932, %swap3A_2933] {strides = array<i32>} : memref<16x32xf32, #tpu.memory_space<vmem>>, vector<16xf32>,
    tpu.vector_store %arg21[%swap3A_2932, %swap3A_2933], %broadcast_in_dim3A_3 {strides = array<i32>} : memref<16x32xf32, #tpu.memory_space<vmem>>, vector<16xf32>,
    %swap3A_2935 = arith.constant 11 : i32
    %swap3A_2936 = arith.index_cast %swap3A_2935 : i32 to index
    %swap3A_2937 = arith.constant 0 : index
    %swap3A_2938 = tpu.vector_load %arg16[%swap3A_2936, %swap3A_2937] {strides = array<i32>} : memref<16x112xf32, #tpu.memory_space<vmem>>, vector<16xf32>,
    tpu.vector_store %arg16[%swap3A_2936, %swap3A_2937], %broadcast_in_dim3A_3 {strides = array<i32>} : memref<16x112xf32, #tpu.memory_space<vmem>>, vector<16xf32>,
    %swap3A_2939 = arith.constant 11 : i32
    %swap3A_2940 = arith.index_cast %swap3A_2939 : i32 to index
    %swap3A_2941 = arith.constant 0 : index
    %swap3A_2942 = tpu.vector_load %arg17[%swap3A_2940, %swap3A_2941] {strides = array<i32>} : memref<16x112xf32, #tpu.memory_space<vmem>>, vector<16xf32>,
    tpu.vector_store %arg17[%swap3A_2940, %swap3A_2941], %broadcast_in_dim3A_3 {strides = array<i32>} : memref<16x112xf32, #tpu.memory_space<vmem>>, vector<16xf32>,
    %swap3A_2943 = arith.constant 11 : i32
    %swap3A_2944 = arith.index_cast %swap3A_2943 : i32 to index
    %swap3A_2945 = arith.constant 0 : index
    %swap3A_2946 = tpu.vector_load %arg18[%swap3A_2944, %swap3A_2945] {strides = array<i32>} : memref<16x112xf32, #tpu.memory_space<vmem>>, vector<16xf32>,
    tpu.vector_store %arg18[%swap3A_2944, %swap3A_2945], %broadcast_in_dim3A_3 {strides = array<i32>} : memref<16x112xf32, #tpu.memory_space<vmem>>, vector<16xf32>,
    %swap3A_2947 = arith.constant 11 : i32
    %swap3A_2948 = arith.index_cast %swap3A_2947 : i32 to index
    %swap3A_2949 = arith.constant 16 : index
    %swap3A_2950 = tpu.vector_load %arg16[%swap3A_2948, %swap3A_2949] {strides = array<i32>} : memref<16x112xf32, #tpu.memory_space<vmem>>, vector<16xf32>,
    tpu.vector_store %arg16[%swap3A_2948, %swap3A_2949], %broadcast_in_dim3A_3 {strides = array<i32>} : memref<16x112xf32, #tpu.memory_space<vmem>>, vector<16xf32>,
    %swap3A_2951 = arith.constant 11 : i32
    %swap3A_2952 = arith.index_cast %swap3A_2951 : i32 to index
    %swap3A_2953 = arith.constant 16 : index
    %swap3A_2954 = tpu.vector_load %arg17[%swap3A_2952, %swap3A_2953] {strides = array<i32>} : memref<16x112xf32, #tpu.memory_space<vmem>>, vector<16xf32>,
    tpu.vector_store %arg17[%swap3A_2952, %swap3A_2953], %broadcast_in_dim3A_3 {strides = array<i32>} : memref<16x112xf32, #tpu.memory_space<vmem>>, vector<16xf32>,
    %swap3A_2955 = arith.constant 11 : i32
    %swap3A_2956 = arith.index_cast %swap3A_2955 : i32 to index
    %swap3A_2957 = arith.constant 16 : index
    %swap3A_2958 = tpu.vector_load %arg18[%swap3A_2956, %swap3A_2957] {strides = array<i32>} : memref<16x112xf32, #tpu.memory_space<vmem>>, vector<16xf32>,
    tpu.vector_store %arg18[%swap3A_2956, %swap3A_2957], %broadcast_in_dim3A_3 {strides = array<i32>} : memref<16x112xf32, #tpu.memory_space<vmem>>, vector<16xf32>,
    %swap3A_2959 = arith.constant 11 : i32
    %swap3A_2960 = arith.index_cast %swap3A_2959 : i32 to index
    %swap3A_2961 = arith.constant 32 : index
    %swap3A_2962 = tpu.vector_load %arg16[%swap3A_2960, %swap3A_2961] {strides = array<i32>} : memref<16x112xf32, #tpu.memory_space<vmem>>, vector<16xf32>,
    tpu.vector_store %arg16[%swap3A_2960, %swap3A_2961], %broadcast_in_dim3A_3 {strides = array<i32>} : memref<16x112xf32, #tpu.memory_space<vmem>>, vector<16xf32>,
    %swap3A_2963 = arith.constant 11 : i32
    %swap3A_2964 = arith.index_cast %swap3A_2963 : i32 to index
    %swap3A_2965 = arith.constant 32 : index
    %swap3A_2966 = tpu.vector_load %arg17[%swap3A_2964, %swap3A_2965] {strides = array<i32>} : memref<16x112xf32, #tpu.memory_space<vmem>>, vector<16xf32>,
    tpu.vector_store %arg17[%swap3A_2964, %swap3A_2965], %broadcast_in_dim3A_3 {strides = array<i32>} : memref<16x112xf32, #tpu.memory_space<vmem>>, vector<16xf32>,
    %swap3A_2967 = arith.constant 11 : i32
    %swap3A_2968 = arith.index_cast %swap3A_2967 : i32 to index
    %swap3A_2969 = arith.constant 32 : index
    %swap3A_2970 = tpu.vector_load %arg18[%swap3A_2968, %swap3A_2969] {strides = array<i32>} : memref<16x112xf32, #tpu.memory_space<vmem>>, vector<16xf32>,
    tpu.vector_store %arg18[%swap3A_2968, %swap3A_2969], %broadcast_in_dim3A_3 {strides = array<i32>} : memref<16x112xf32, #tpu.memory_space<vmem>>, vector<16xf32>,
    %swap3A_2971 = arith.constant 11 : i32
    %swap3A_2972 = arith.index_cast %swap3A_2971 : i32 to index
    %swap3A_2973 = arith.constant 48 : index
    %swap3A_2974 = tpu.vector_load %arg16[%swap3A_2972, %swap3A_2973] {strides = array<i32>} : memref<16x112xf32, #tpu.memory_space<vmem>>, vector<16xf32>,
    tpu.vector_store %arg16[%swap3A_2972, %swap3A_2973], %broadcast_in_dim3A_3 {strides = array<i32>} : memref<16x112xf32, #tpu.memory_space<vmem>>, vector<16xf32>,
    %swap3A_2975 = arith.constant 11 : i32
    %swap3A_2976 = arith.index_cast %swap3A_2975 : i32 to index
    %swap3A_2977 = arith.constant 48 : index
    %swap3A_2978 = tpu.vector_load %arg17[%swap3A_2976, %swap3A_2977] {strides = array<i32>} : memref<16x112xf32, #tpu.memory_space<vmem>>, vector<16xf32>,
    tpu.vector_store %arg17[%swap3A_2976, %swap3A_2977], %broadcast_in_dim3A_3 {strides = array<i32>} : memref<16x112xf32, #tpu.memory_space<vmem>>, vector<16xf32>,
    %swap3A_2979 = arith.constant 11 : i32
    %swap3A_2980 = arith.index_cast %swap3A_2979 : i32 to index
    %swap3A_2981 = arith.constant 48 : index
    %swap3A_2982 = tpu.vector_load %arg18[%swap3A_2980, %swap3A_2981] {strides = array<i32>} : memref<16x112xf32, #tpu.memory_space<vmem>>, vector<16xf32>,
    tpu.vector_store %arg18[%swap3A_2980, %swap3A_2981], %broadcast_in_dim3A_3 {strides = array<i32>} : memref<16x112xf32, #tpu.memory_space<vmem>>, vector<16xf32>,
    %swap3A_2983 = arith.constant 11 : i32
    %swap3A_2984 = arith.index_cast %swap3A_2983 : i32 to index
    %swap3A_2985 = arith.constant 64 : index
    %swap3A_2986 = tpu.vector_load %arg16[%swap3A_2984, %swap3A_2985] {strides = array<i32>} : memref<16x112xf32, #tpu.memory_space<vmem>>, vector<16xf32>,
    tpu.vector_store %arg16[%swap3A_2984, %swap3A_2985], %broadcast_in_dim3A_3 {strides = array<i32>} : memref<16x112xf32, #tpu.memory_space<vmem>>, vector<16xf32>,
    %swap3A_2987 = arith.constant 11 : i32
    %swap3A_2988 = arith.index_cast %swap3A_2987 : i32 to index
    %swap3A_2989 = arith.constant 64 : index
    %swap3A_2990 = tpu.vector_load %arg17[%swap3A_2988, %swap3A_2989] {strides = array<i32>} : memref<16x112xf32, #tpu.memory_space<vmem>>, vector<16xf32>,
    tpu.vector_store %arg17[%swap3A_2988, %swap3A_2989], %broadcast_in_dim3A_3 {strides = array<i32>} : memref<16x112xf32, #tpu.memory_space<vmem>>, vector<16xf32>,
    %swap3A_2991 = arith.constant 11 : i32
    %swap3A_2992 = arith.index_cast %swap3A_2991 : i32 to index
    %swap3A_2993 = arith.constant 64 : index
    %swap3A_2994 = tpu.vector_load %arg18[%swap3A_2992, %swap3A_2993] {strides = array<i32>} : memref<16x112xf32, #tpu.memory_space<vmem>>, vector<16xf32>,
    tpu.vector_store %arg18[%swap3A_2992, %swap3A_2993], %broadcast_in_dim3A_3 {strides = array<i32>} : memref<16x112xf32, #tpu.memory_space<vmem>>, vector<16xf32>,
    %swap3A_2995 = arith.constant 11 : i32
    %swap3A_2996 = arith.index_cast %swap3A_2995 : i32 to index
    %swap3A_2997 = arith.constant 80 : index
    %swap3A_2998 = tpu.vector_load %arg16[%swap3A_2996, %swap3A_2997] {strides = array<i32>} : memref<16x112xf32, #tpu.memory_space<vmem>>, vector<16xf32>,
    tpu.vector_store %arg16[%swap3A_2996, %swap3A_2997], %broadcast_in_dim3A_3 {strides = array<i32>} : memref<16x112xf32, #tpu.memory_space<vmem>>, vector<16xf32>,
    %swap3A_2999 = arith.constant 11 : i32
    %swap3A_3000 = arith.index_cast %swap3A_2999 : i32 to index
    %swap3A_3001 = arith.constant 80 : index
    %swap3A_3002 = tpu.vector_load %arg17[%swap3A_3000, %swap3A_3001] {strides = array<i32>} : memref<16x112xf32, #tpu.memory_space<vmem>>, vector<16xf32>,
    tpu.vector_store %arg17[%swap3A_3000, %swap3A_3001], %broadcast_in_dim3A_3 {strides = array<i32>} : memref<16x112xf32, #tpu.memory_space<vmem>>, vector<16xf32>,
    %swap3A_3003 = arith.constant 11 : i32
    %swap3A_3004 = arith.index_cast %swap3A_3003 : i32 to index
    %swap3A_3005 = arith.constant 80 : index
    %swap3A_3006 = tpu.vector_load %arg18[%swap3A_3004, %swap3A_3005] {strides = array<i32>} : memref<16x112xf32, #tpu.memory_space<vmem>>, vector<16xf32>,
    tpu.vector_store %arg18[%swap3A_3004, %swap3A_3005], %broadcast_in_dim3A_3 {strides = array<i32>} : memref<16x112xf32, #tpu.memory_space<vmem>>, vector<16xf32>,
    %swap3A_3007 = arith.constant 11 : i32
    %swap3A_3008 = arith.index_cast %swap3A_3007 : i32 to index
    %swap3A_3009 = arith.constant 96 : index
    %swap3A_3010 = tpu.vector_load %arg16[%swap3A_3008, %swap3A_3009] {strides = array<i32>} : memref<16x112xf32, #tpu.memory_space<vmem>>, vector<16xf32>,
    tpu.vector_store %arg16[%swap3A_3008, %swap3A_3009], %broadcast_in_dim3A_3 {strides = array<i32>} : memref<16x112xf32, #tpu.memory_space<vmem>>, vector<16xf32>,
    %swap3A_3011 = arith.constant 11 : i32
    %swap3A_3012 = arith.index_cast %swap3A_3011 : i32 to index
    %swap3A_3013 = arith.constant 96 : index
    %swap3A_3014 = tpu.vector_load %arg17[%swap3A_3012, %swap3A_3013] {strides = array<i32>} : memref<16x112xf32, #tpu.memory_space<vmem>>, vector<16xf32>,
    tpu.vector_store %arg17[%swap3A_3012, %swap3A_3013], %broadcast_in_dim3A_3 {strides = array<i32>} : memref<16x112xf32, #tpu.memory_space<vmem>>, vector<16xf32>,
    %swap3A_3015 = arith.constant 11 : i32
    %swap3A_3016 = arith.index_cast %swap3A_3015 : i32 to index
    %swap3A_3017 = arith.constant 96 : index
    %swap3A_3018 = tpu.vector_load %arg18[%swap3A_3016, %swap3A_3017] {strides = array<i32>} : memref<16x112xf32, #tpu.memory_space<vmem>>, vector<16xf32>,
    tpu.vector_store %arg18[%swap3A_3016, %swap3A_3017], %broadcast_in_dim3A_3 {strides = array<i32>} : memref<16x112xf32, #tpu.memory_space<vmem>>, vector<16xf32>,
    %swap3A_3019 = arith.constant 11 : i32
    %swap3A_3020 = arith.index_cast %swap3A_3019 : i32 to index
    %swap3A_3021 = arith.constant 0 : index
    %swap3A_3022 = tpu.vector_load %arg19[%swap3A_3020, %swap3A_3021] {strides = array<i32>} : memref<16x32xf32, #tpu.memory_space<vmem>>, vector<16xf32>,
    tpu.vector_store %arg19[%swap3A_3020, %swap3A_3021], %broadcast_in_dim3A_3 {strides = array<i32>} : memref<16x32xf32, #tpu.memory_space<vmem>>, vector<16xf32>,
    %swap3A_3023 = arith.constant 11 : i32
    %swap3A_3024 = arith.index_cast %swap3A_3023 : i32 to index
    %swap3A_3025 = arith.constant 0 : index
    %swap3A_3026 = tpu.vector_load %arg20[%swap3A_3024, %swap3A_3025] {strides = array<i32>} : memref<16x32xf32, #tpu.memory_space<vmem>>, vector<16xf32>,
    tpu.vector_store %arg20[%swap3A_3024, %swap3A_3025], %broadcast_in_dim3A_3 {strides = array<i32>} : memref<16x32xf32, #tpu.memory_space<vmem>>, vector<16xf32>,
    %swap3A_3027 = arith.constant 11 : i32
    %swap3A_3028 = arith.index_cast %swap3A_3027 : i32 to index
    %swap3A_3029 = arith.constant 0 : index
    %swap3A_3030 = tpu.vector_load %arg21[%swap3A_3028, %swap3A_3029] {strides = array<i32>} : memref<16x32xf32, #tpu.memory_space<vmem>>, vector<16xf32>,
    tpu.vector_store %arg21[%swap3A_3028, %swap3A_3029], %broadcast_in_dim3A_3 {strides = array<i32>} : memref<16x32xf32, #tpu.memory_space<vmem>>, vector<16xf32>,
    %swap3A_3031 = arith.constant 11 : i32
    %swap3A_3032 = arith.index_cast %swap3A_3031 : i32 to index
    %swap3A_3033 = arith.constant 16 : index
    %swap3A_3034 = tpu.vector_load %arg19[%swap3A_3032, %swap3A_3033] {strides = array<i32>} : memref<16x32xf32, #tpu.memory_space<vmem>>, vector<16xf32>,
    tpu.vector_store %arg19[%swap3A_3032, %swap3A_3033], %broadcast_in_dim3A_3 {strides = array<i32>} : memref<16x32xf32, #tpu.memory_space<vmem>>, vector<16xf32>,
    %swap3A_3035 = arith.constant 11 : i32
    %swap3A_3036 = arith.index_cast %swap3A_3035 : i32 to index
    %swap3A_3037 = arith.constant 16 : index
    %swap3A_3038 = tpu.vector_load %arg20[%swap3A_3036, %swap3A_3037] {strides = array<i32>} : memref<16x32xf32, #tpu.memory_space<vmem>>, vector<16xf32>,
    tpu.vector_store %arg20[%swap3A_3036, %swap3A_3037], %broadcast_in_dim3A_3 {strides = array<i32>} : memref<16x32xf32, #tpu.memory_space<vmem>>, vector<16xf32>,
    %swap3A_3039 = arith.constant 11 : i32
    %swap3A_3040 = arith.index_cast %swap3A_3039 : i32 to index
    %swap3A_3041 = arith.constant 16 : index
    %swap3A_3042 = tpu.vector_load %arg21[%swap3A_3040, %swap3A_3041] {strides = array<i32>} : memref<16x32xf32, #tpu.memory_space<vmem>>, vector<16xf32>,
    tpu.vector_store %arg21[%swap3A_3040, %swap3A_3041], %broadcast_in_dim3A_3 {strides = array<i32>} : memref<16x32xf32, #tpu.memory_space<vmem>>, vector<16xf32>,
    %swap3A_3043 = arith.constant 12 : i32
    %swap3A_3044 = arith.index_cast %swap3A_3043 : i32 to index
    %swap3A_3045 = arith.constant 0 : index
    %swap3A_3046 = tpu.vector_load %arg16[%swap3A_3044, %swap3A_3045] {strides = array<i32>} : memref<16x112xf32, #tpu.memory_space<vmem>>, vector<16xf32>,
    tpu.vector_store %arg16[%swap3A_3044, %swap3A_3045], %broadcast_in_dim3A_3 {strides = array<i32>} : memref<16x112xf32, #tpu.memory_space<vmem>>, vector<16xf32>,
    %swap3A_3047 = arith.constant 12 : i32
    %swap3A_3048 = arith.index_cast %swap3A_3047 : i32 to index
    %swap3A_3049 = arith.constant 0 : index
    %swap3A_3050 = tpu.vector_load %arg17[%swap3A_3048, %swap3A_3049] {strides = array<i32>} : memref<16x112xf32, #tpu.memory_space<vmem>>, vector<16xf32>,
    tpu.vector_store %arg17[%swap3A_3048, %swap3A_3049], %broadcast_in_dim3A_3 {strides = array<i32>} : memref<16x112xf32, #tpu.memory_space<vmem>>, vector<16xf32>,
    %swap3A_3051 = arith.constant 12 : i32
    %swap3A_3052 = arith.index_cast %swap3A_3051 : i32 to index
    %swap3A_3053 = arith.constant 0 : index
    %swap3A_3054 = tpu.vector_load %arg18[%swap3A_3052, %swap3A_3053] {strides = array<i32>} : memref<16x112xf32, #tpu.memory_space<vmem>>, vector<16xf32>,
    tpu.vector_store %arg18[%swap3A_3052, %swap3A_3053], %broadcast_in_dim3A_3 {strides = array<i32>} : memref<16x112xf32, #tpu.memory_space<vmem>>, vector<16xf32>,
    %swap3A_3055 = arith.constant 12 : i32
    %swap3A_3056 = arith.index_cast %swap3A_3055 : i32 to index
    %swap3A_3057 = arith.constant 16 : index
    %swap3A_3058 = tpu.vector_load %arg16[%swap3A_3056, %swap3A_3057] {strides = array<i32>} : memref<16x112xf32, #tpu.memory_space<vmem>>, vector<16xf32>,
    tpu.vector_store %arg16[%swap3A_3056, %swap3A_3057], %broadcast_in_dim3A_3 {strides = array<i32>} : memref<16x112xf32, #tpu.memory_space<vmem>>, vector<16xf32>,
    %swap3A_3059 = arith.constant 12 : i32
    %swap3A_3060 = arith.index_cast %swap3A_3059 : i32 to index
    %swap3A_3061 = arith.constant 16 : index
    %swap3A_3062 = tpu.vector_load %arg17[%swap3A_3060, %swap3A_3061] {strides = array<i32>} : memref<16x112xf32, #tpu.memory_space<vmem>>, vector<16xf32>,
    tpu.vector_store %arg17[%swap3A_3060, %swap3A_3061], %broadcast_in_dim3A_3 {strides = array<i32>} : memref<16x112xf32, #tpu.memory_space<vmem>>, vector<16xf32>,
    %swap3A_3063 = arith.constant 12 : i32
    %swap3A_3064 = arith.index_cast %swap3A_3063 : i32 to index
    %swap3A_3065 = arith.constant 16 : index
    %swap3A_3066 = tpu.vector_load %arg18[%swap3A_3064, %swap3A_3065] {strides = array<i32>} : memref<16x112xf32, #tpu.memory_space<vmem>>, vector<16xf32>,
    tpu.vector_store %arg18[%swap3A_3064, %swap3A_3065], %broadcast_in_dim3A_3 {strides = array<i32>} : memref<16x112xf32, #tpu.memory_space<vmem>>, vector<16xf32>,
    %swap3A_3067 = arith.constant 12 : i32
    %swap3A_3068 = arith.index_cast %swap3A_3067 : i32 to index
    %swap3A_3069 = arith.constant 32 : index
    %swap3A_3070 = tpu.vector_load %arg16[%swap3A_3068, %swap3A_3069] {strides = array<i32>} : memref<16x112xf32, #tpu.memory_space<vmem>>, vector<16xf32>,
    tpu.vector_store %arg16[%swap3A_3068, %swap3A_3069], %broadcast_in_dim3A_3 {strides = array<i32>} : memref<16x112xf32, #tpu.memory_space<vmem>>, vector<16xf32>,
    %swap3A_3071 = arith.constant 12 : i32
    %swap3A_3072 = arith.index_cast %swap3A_3071 : i32 to index
    %swap3A_3073 = arith.constant 32 : index
    %swap3A_3074 = tpu.vector_load %arg17[%swap3A_3072, %swap3A_3073] {strides = array<i32>} : memref<16x112xf32, #tpu.memory_space<vmem>>, vector<16xf32>,
    tpu.vector_store %arg17[%swap3A_3072, %swap3A_3073], %broadcast_in_dim3A_3 {strides = array<i32>} : memref<16x112xf32, #tpu.memory_space<vmem>>, vector<16xf32>,
    %swap3A_3075 = arith.constant 12 : i32
    %swap3A_3076 = arith.index_cast %swap3A_3075 : i32 to index
    %swap3A_3077 = arith.constant 32 : index
    %swap3A_3078 = tpu.vector_load %arg18[%swap3A_3076, %swap3A_3077] {strides = array<i32>} : memref<16x112xf32, #tpu.memory_space<vmem>>, vector<16xf32>,
    tpu.vector_store %arg18[%swap3A_3076, %swap3A_3077], %broadcast_in_dim3A_3 {strides = array<i32>} : memref<16x112xf32, #tpu.memory_space<vmem>>, vector<16xf32>,
    %swap3A_3079 = arith.constant 12 : i32
    %swap3A_3080 = arith.index_cast %swap3A_3079 : i32 to index
    %swap3A_3081 = arith.constant 48 : index
    %swap3A_3082 = tpu.vector_load %arg16[%swap3A_3080, %swap3A_3081] {strides = array<i32>} : memref<16x112xf32, #tpu.memory_space<vmem>>, vector<16xf32>,
    tpu.vector_store %arg16[%swap3A_3080, %swap3A_3081], %broadcast_in_dim3A_3 {strides = array<i32>} : memref<16x112xf32, #tpu.memory_space<vmem>>, vector<16xf32>,
    %swap3A_3083 = arith.constant 12 : i32
    %swap3A_3084 = arith.index_cast %swap3A_3083 : i32 to index
    %swap3A_3085 = arith.constant 48 : index
    %swap3A_3086 = tpu.vector_load %arg17[%swap3A_3084, %swap3A_3085] {strides = array<i32>} : memref<16x112xf32, #tpu.memory_space<vmem>>, vector<16xf32>,
    tpu.vector_store %arg17[%swap3A_3084, %swap3A_3085], %broadcast_in_dim3A_3 {strides = array<i32>} : memref<16x112xf32, #tpu.memory_space<vmem>>, vector<16xf32>,
    %swap3A_3087 = arith.constant 12 : i32
    %swap3A_3088 = arith.index_cast %swap3A_3087 : i32 to index
    %swap3A_3089 = arith.constant 48 : index
    %swap3A_3090 = tpu.vector_load %arg18[%swap3A_3088, %swap3A_3089] {strides = array<i32>} : memref<16x112xf32, #tpu.memory_space<vmem>>, vector<16xf32>,
    tpu.vector_store %arg18[%swap3A_3088, %swap3A_3089], %broadcast_in_dim3A_3 {strides = array<i32>} : memref<16x112xf32, #tpu.memory_space<vmem>>, vector<16xf32>,
    %swap3A_3091 = arith.constant 12 : i32
    %swap3A_3092 = arith.index_cast %swap3A_3091 : i32 to index
    %swap3A_3093 = arith.constant 64 : index
    %swap3A_3094 = tpu.vector_load %arg16[%swap3A_3092, %swap3A_3093] {strides = array<i32>} : memref<16x112xf32, #tpu.memory_space<vmem>>, vector<16xf32>,
    tpu.vector_store %arg16[%swap3A_3092, %swap3A_3093], %broadcast_in_dim3A_3 {strides = array<i32>} : memref<16x112xf32, #tpu.memory_space<vmem>>, vector<16xf32>,
    %swap3A_3095 = arith.constant 12 : i32
    %swap3A_3096 = arith.index_cast %swap3A_3095 : i32 to index
    %swap3A_3097 = arith.constant 64 : index
    %swap3A_3098 = tpu.vector_load %arg17[%swap3A_3096, %swap3A_3097] {strides = array<i32>} : memref<16x112xf32, #tpu.memory_space<vmem>>, vector<16xf32>,
    tpu.vector_store %arg17[%swap3A_3096, %swap3A_3097], %broadcast_in_dim3A_3 {strides = array<i32>} : memref<16x112xf32, #tpu.memory_space<vmem>>, vector<16xf32>,
    %swap3A_3099 = arith.constant 12 : i32
    %swap3A_3100 = arith.index_cast %swap3A_3099 : i32 to index
    %swap3A_3101 = arith.constant 64 : index
    %swap3A_3102 = tpu.vector_load %arg18[%swap3A_3100, %swap3A_3101] {strides = array<i32>} : memref<16x112xf32, #tpu.memory_space<vmem>>, vector<16xf32>,
    tpu.vector_store %arg18[%swap3A_3100, %swap3A_3101], %broadcast_in_dim3A_3 {strides = array<i32>} : memref<16x112xf32, #tpu.memory_space<vmem>>, vector<16xf32>,
    %swap3A_3103 = arith.constant 12 : i32
    %swap3A_3104 = arith.index_cast %swap3A_3103 : i32 to index
    %swap3A_3105 = arith.constant 80 : index
    %swap3A_3106 = tpu.vector_load %arg16[%swap3A_3104, %swap3A_3105] {strides = array<i32>} : memref<16x112xf32, #tpu.memory_space<vmem>>, vector<16xf32>,
    tpu.vector_store %arg16[%swap3A_3104, %swap3A_3105], %broadcast_in_dim3A_3 {strides = array<i32>} : memref<16x112xf32, #tpu.memory_space<vmem>>, vector<16xf32>,
    %swap3A_3107 = arith.constant 12 : i32
    %swap3A_3108 = arith.index_cast %swap3A_3107 : i32 to index
    %swap3A_3109 = arith.constant 80 : index
    %swap3A_3110 = tpu.vector_load %arg17[%swap3A_3108, %swap3A_3109] {strides = array<i32>} : memref<16x112xf32, #tpu.memory_space<vmem>>, vector<16xf32>,
    tpu.vector_store %arg17[%swap3A_3108, %swap3A_3109], %broadcast_in_dim3A_3 {strides = array<i32>} : memref<16x112xf32, #tpu.memory_space<vmem>>, vector<16xf32>,
    %swap3A_3111 = arith.constant 12 : i32
    %swap3A_3112 = arith.index_cast %swap3A_3111 : i32 to index
    %swap3A_3113 = arith.constant 80 : index
    %swap3A_3114 = tpu.vector_load %arg18[%swap3A_3112, %swap3A_3113] {strides = array<i32>} : memref<16x112xf32, #tpu.memory_space<vmem>>, vector<16xf32>,
    tpu.vector_store %arg18[%swap3A_3112, %swap3A_3113], %broadcast_in_dim3A_3 {strides = array<i32>} : memref<16x112xf32, #tpu.memory_space<vmem>>, vector<16xf32>,
    %swap3A_3115 = arith.constant 12 : i32
    %swap3A_3116 = arith.index_cast %swap3A_3115 : i32 to index
    %swap3A_3117 = arith.constant 96 : index
    %swap3A_3118 = tpu.vector_load %arg16[%swap3A_3116, %swap3A_3117] {strides = array<i32>} : memref<16x112xf32, #tpu.memory_space<vmem>>, vector<16xf32>,
    tpu.vector_store %arg16[%swap3A_3116, %swap3A_3117], %broadcast_in_dim3A_3 {strides = array<i32>} : memref<16x112xf32, #tpu.memory_space<vmem>>, vector<16xf32>,
    %swap3A_3119 = arith.constant 12 : i32
    %swap3A_3120 = arith.index_cast %swap3A_3119 : i32 to index
    %swap3A_3121 = arith.constant 96 : index
    %swap3A_3122 = tpu.vector_load %arg17[%swap3A_3120, %swap3A_3121] {strides = array<i32>} : memref<16x112xf32, #tpu.memory_space<vmem>>, vector<16xf32>,
    tpu.vector_store %arg17[%swap3A_3120, %swap3A_3121], %broadcast_in_dim3A_3 {strides = array<i32>} : memref<16x112xf32, #tpu.memory_space<vmem>>, vector<16xf32>,
    %swap3A_3123 = arith.constant 12 : i32
    %swap3A_3124 = arith.index_cast %swap3A_3123 : i32 to index
    %swap3A_3125 = arith.constant 96 : index
    %swap3A_3126 = tpu.vector_load %arg18[%swap3A_3124, %swap3A_3125] {strides = array<i32>} : memref<16x112xf32, #tpu.memory_space<vmem>>, vector<16xf32>,
    tpu.vector_store %arg18[%swap3A_3124, %swap3A_3125], %broadcast_in_dim3A_3 {strides = array<i32>} : memref<16x112xf32, #tpu.memory_space<vmem>>, vector<16xf32>,
    %swap3A_3127 = arith.constant 12 : i32
    %swap3A_3128 = arith.index_cast %swap3A_3127 : i32 to index
    %swap3A_3129 = arith.constant 0 : index
    %swap3A_3130 = tpu.vector_load %arg19[%swap3A_3128, %swap3A_3129] {strides = array<i32>} : memref<16x32xf32, #tpu.memory_space<vmem>>, vector<16xf32>,
    tpu.vector_store %arg19[%swap3A_3128, %swap3A_3129], %broadcast_in_dim3A_3 {strides = array<i32>} : memref<16x32xf32, #tpu.memory_space<vmem>>, vector<16xf32>,
    %swap3A_3131 = arith.constant 12 : i32
    %swap3A_3132 = arith.index_cast %swap3A_3131 : i32 to index
    %swap3A_3133 = arith.constant 0 : index
    %swap3A_3134 = tpu.vector_load %arg20[%swap3A_3132, %swap3A_3133] {strides = array<i32>} : memref<16x32xf32, #tpu.memory_space<vmem>>, vector<16xf32>,
    tpu.vector_store %arg20[%swap3A_3132, %swap3A_3133], %broadcast_in_dim3A_3 {strides = array<i32>} : memref<16x32xf32, #tpu.memory_space<vmem>>, vector<16xf32>,
    %swap3A_3135 = arith.constant 12 : i32
    %swap3A_3136 = arith.index_cast %swap3A_3135 : i32 to index
    %swap3A_3137 = arith.constant 0 : index
    %swap3A_3138 = tpu.vector_load %arg21[%swap3A_3136, %swap3A_3137] {strides = array<i32>} : memref<16x32xf32, #tpu.memory_space<vmem>>, vector<16xf32>,
    tpu.vector_store %arg21[%swap3A_3136, %swap3A_3137], %broadcast_in_dim3A_3 {strides = array<i32>} : memref<16x32xf32, #tpu.memory_space<vmem>>, vector<16xf32>,
    %swap3A_3139 = arith.constant 12 : i32
    %swap3A_3140 = arith.index_cast %swap3A_3139 : i32 to index
    %swap3A_3141 = arith.constant 16 : index
    %swap3A_3142 = tpu.vector_load %arg19[%swap3A_3140, %swap3A_3141] {strides = array<i32>} : memref<16x32xf32, #tpu.memory_space<vmem>>, vector<16xf32>,
    tpu.vector_store %arg19[%swap3A_3140, %swap3A_3141], %broadcast_in_dim3A_3 {strides = array<i32>} : memref<16x32xf32, #tpu.memory_space<vmem>>, vector<16xf32>,
    %swap3A_3143 = arith.constant 12 : i32
    %swap3A_3144 = arith.index_cast %swap3A_3143 : i32 to index
    %swap3A_3145 = arith.constant 16 : index
    %swap3A_3146 = tpu.vector_load %arg20[%swap3A_3144, %swap3A_3145] {strides = array<i32>} : memref<16x32xf32, #tpu.memory_space<vmem>>, vector<16xf32>,
    tpu.vector_store %arg20[%swap3A_3144, %swap3A_3145], %broadcast_in_dim3A_3 {strides = array<i32>} : memref<16x32xf32, #tpu.memory_space<vmem>>, vector<16xf32>,
    %swap3A_3147 = arith.constant 12 : i32
    %swap3A_3148 = arith.index_cast %swap3A_3147 : i32 to index
    %swap3A_3149 = arith.constant 16 : index
    %swap3A_3150 = tpu.vector_load %arg21[%swap3A_3148, %swap3A_3149] {strides = array<i32>} : memref<16x32xf32, #tpu.memory_space<vmem>>, vector<16xf32>,
    tpu.vector_store %arg21[%swap3A_3148, %swap3A_3149], %broadcast_in_dim3A_3 {strides = array<i32>} : memref<16x32xf32, #tpu.memory_space<vmem>>, vector<16xf32>,
    %swap3A_3151 = arith.constant 13 : i32
    %swap3A_3152 = arith.index_cast %swap3A_3151 : i32 to index
    %swap3A_3153 = arith.constant 0 : index
    %swap3A_3154 = tpu.vector_load %arg16[%swap3A_3152, %swap3A_3153] {strides = array<i32>} : memref<16x112xf32, #tpu.memory_space<vmem>>, vector<16xf32>,
    tpu.vector_store %arg16[%swap3A_3152, %swap3A_3153], %broadcast_in_dim3A_3 {strides = array<i32>} : memref<16x112xf32, #tpu.memory_space<vmem>>, vector<16xf32>,
    %swap3A_3155 = arith.constant 13 : i32
    %swap3A_3156 = arith.index_cast %swap3A_3155 : i32 to index
    %swap3A_3157 = arith.constant 0 : index
    %swap3A_3158 = tpu.vector_load %arg17[%swap3A_3156, %swap3A_3157] {strides = array<i32>} : memref<16x112xf32, #tpu.memory_space<vmem>>, vector<16xf32>,
    tpu.vector_store %arg17[%swap3A_3156, %swap3A_3157], %broadcast_in_dim3A_3 {strides = array<i32>} : memref<16x112xf32, #tpu.memory_space<vmem>>, vector<16xf32>,
    %swap3A_3159 = arith.constant 13 : i32
    %swap3A_3160 = arith.index_cast %swap3A_3159 : i32 to index
    %swap3A_3161 = arith.constant 0 : index
    %swap3A_3162 = tpu.vector_load %arg18[%swap3A_3160, %swap3A_3161] {strides = array<i32>} : memref<16x112xf32, #tpu.memory_space<vmem>>, vector<16xf32>,
    tpu.vector_store %arg18[%swap3A_3160, %swap3A_3161], %broadcast_in_dim3A_3 {strides = array<i32>} : memref<16x112xf32, #tpu.memory_space<vmem>>, vector<16xf32>,
    %swap3A_3163 = arith.constant 13 : i32
    %swap3A_3164 = arith.index_cast %swap3A_3163 : i32 to index
    %swap3A_3165 = arith.constant 16 : index
    %swap3A_3166 = tpu.vector_load %arg16[%swap3A_3164, %swap3A_3165] {strides = array<i32>} : memref<16x112xf32, #tpu.memory_space<vmem>>, vector<16xf32>,
    tpu.vector_store %arg16[%swap3A_3164, %swap3A_3165], %broadcast_in_dim3A_3 {strides = array<i32>} : memref<16x112xf32, #tpu.memory_space<vmem>>, vector<16xf32>,
    %swap3A_3167 = arith.constant 13 : i32
    %swap3A_3168 = arith.index_cast %swap3A_3167 : i32 to index
    %swap3A_3169 = arith.constant 16 : index
    %swap3A_3170 = tpu.vector_load %arg17[%swap3A_3168, %swap3A_3169] {strides = array<i32>} : memref<16x112xf32, #tpu.memory_space<vmem>>, vector<16xf32>,
    tpu.vector_store %arg17[%swap3A_3168, %swap3A_3169], %broadcast_in_dim3A_3 {strides = array<i32>} : memref<16x112xf32, #tpu.memory_space<vmem>>, vector<16xf32>,
    %swap3A_3171 = arith.constant 13 : i32
    %swap3A_3172 = arith.index_cast %swap3A_3171 : i32 to index
    %swap3A_3173 = arith.constant 16 : index
    %swap3A_3174 = tpu.vector_load %arg18[%swap3A_3172, %swap3A_3173] {strides = array<i32>} : memref<16x112xf32, #tpu.memory_space<vmem>>, vector<16xf32>,
    tpu.vector_store %arg18[%swap3A_3172, %swap3A_3173], %broadcast_in_dim3A_3 {strides = array<i32>} : memref<16x112xf32, #tpu.memory_space<vmem>>, vector<16xf32>,
    %swap3A_3175 = arith.constant 13 : i32
    %swap3A_3176 = arith.index_cast %swap3A_3175 : i32 to index
    %swap3A_3177 = arith.constant 32 : index
    %swap3A_3178 = tpu.vector_load %arg16[%swap3A_3176, %swap3A_3177] {strides = array<i32>} : memref<16x112xf32, #tpu.memory_space<vmem>>, vector<16xf32>,
    tpu.vector_store %arg16[%swap3A_3176, %swap3A_3177], %broadcast_in_dim3A_3 {strides = array<i32>} : memref<16x112xf32, #tpu.memory_space<vmem>>, vector<16xf32>,
    %swap3A_3179 = arith.constant 13 : i32
    %swap3A_3180 = arith.index_cast %swap3A_3179 : i32 to index
    %swap3A_3181 = arith.constant 32 : index
    %swap3A_3182 = tpu.vector_load %arg17[%swap3A_3180, %swap3A_3181] {strides = array<i32>} : memref<16x112xf32, #tpu.memory_space<vmem>>, vector<16xf32>,
    tpu.vector_store %arg17[%swap3A_3180, %swap3A_3181], %broadcast_in_dim3A_3 {strides = array<i32>} : memref<16x112xf32, #tpu.memory_space<vmem>>, vector<16xf32>,
    %swap3A_3183 = arith.constant 13 : i32
    %swap3A_3184 = arith.index_cast %swap3A_3183 : i32 to index
    %swap3A_3185 = arith.constant 32 : index
    %swap3A_3186 = tpu.vector_load %arg18[%swap3A_3184, %swap3A_3185] {strides = array<i32>} : memref<16x112xf32, #tpu.memory_space<vmem>>, vector<16xf32>,
    tpu.vector_store %arg18[%swap3A_3184, %swap3A_3185], %broadcast_in_dim3A_3 {strides = array<i32>} : memref<16x112xf32, #tpu.memory_space<vmem>>, vector<16xf32>,
    %swap3A_3187 = arith.constant 13 : i32
    %swap3A_3188 = arith.index_cast %swap3A_3187 : i32 to index
    %swap3A_3189 = arith.constant 48 : index
    %swap3A_3190 = tpu.vector_load %arg16[%swap3A_3188, %swap3A_3189] {strides = array<i32>} : memref<16x112xf32, #tpu.memory_space<vmem>>, vector<16xf32>,
    tpu.vector_store %arg16[%swap3A_3188, %swap3A_3189], %broadcast_in_dim3A_3 {strides = array<i32>} : memref<16x112xf32, #tpu.memory_space<vmem>>, vector<16xf32>,
    %swap3A_3191 = arith.constant 13 : i32
    %swap3A_3192 = arith.index_cast %swap3A_3191 : i32 to index
    %swap3A_3193 = arith.constant 48 : index
    %swap3A_3194 = tpu.vector_load %arg17[%swap3A_3192, %swap3A_3193] {strides = array<i32>} : memref<16x112xf32, #tpu.memory_space<vmem>>, vector<16xf32>,
    tpu.vector_store %arg17[%swap3A_3192, %swap3A_3193], %broadcast_in_dim3A_3 {strides = array<i32>} : memref<16x112xf32, #tpu.memory_space<vmem>>, vector<16xf32>,
    %swap3A_3195 = arith.constant 13 : i32
    %swap3A_3196 = arith.index_cast %swap3A_3195 : i32 to index
    %swap3A_3197 = arith.constant 48 : index
    %swap3A_3198 = tpu.vector_load %arg18[%swap3A_3196, %swap3A_3197] {strides = array<i32>} : memref<16x112xf32, #tpu.memory_space<vmem>>, vector<16xf32>,
    tpu.vector_store %arg18[%swap3A_3196, %swap3A_3197], %broadcast_in_dim3A_3 {strides = array<i32>} : memref<16x112xf32, #tpu.memory_space<vmem>>, vector<16xf32>,
    %swap3A_3199 = arith.constant 13 : i32
    %swap3A_3200 = arith.index_cast %swap3A_3199 : i32 to index
    %swap3A_3201 = arith.constant 64 : index
    %swap3A_3202 = tpu.vector_load %arg16[%swap3A_3200, %swap3A_3201] {strides = array<i32>} : memref<16x112xf32, #tpu.memory_space<vmem>>, vector<16xf32>,
    tpu.vector_store %arg16[%swap3A_3200, %swap3A_3201], %broadcast_in_dim3A_3 {strides = array<i32>} : memref<16x112xf32, #tpu.memory_space<vmem>>, vector<16xf32>,
    %swap3A_3203 = arith.constant 13 : i32
    %swap3A_3204 = arith.index_cast %swap3A_3203 : i32 to index
    %swap3A_3205 = arith.constant 64 : index
    %swap3A_3206 = tpu.vector_load %arg17[%swap3A_3204, %swap3A_3205] {strides = array<i32>} : memref<16x112xf32, #tpu.memory_space<vmem>>, vector<16xf32>,
    tpu.vector_store %arg17[%swap3A_3204, %swap3A_3205], %broadcast_in_dim3A_3 {strides = array<i32>} : memref<16x112xf32, #tpu.memory_space<vmem>>, vector<16xf32>,
    %swap3A_3207 = arith.constant 13 : i32
    %swap3A_3208 = arith.index_cast %swap3A_3207 : i32 to index
    %swap3A_3209 = arith.constant 64 : index
    %swap3A_3210 = tpu.vector_load %arg18[%swap3A_3208, %swap3A_3209] {strides = array<i32>} : memref<16x112xf32, #tpu.memory_space<vmem>>, vector<16xf32>,
    tpu.vector_store %arg18[%swap3A_3208, %swap3A_3209], %broadcast_in_dim3A_3 {strides = array<i32>} : memref<16x112xf32, #tpu.memory_space<vmem>>, vector<16xf32>,
    %swap3A_3211 = arith.constant 13 : i32
    %swap3A_3212 = arith.index_cast %swap3A_3211 : i32 to index
    %swap3A_3213 = arith.constant 80 : index
    %swap3A_3214 = tpu.vector_load %arg16[%swap3A_3212, %swap3A_3213] {strides = array<i32>} : memref<16x112xf32, #tpu.memory_space<vmem>>, vector<16xf32>,
    tpu.vector_store %arg16[%swap3A_3212, %swap3A_3213], %broadcast_in_dim3A_3 {strides = array<i32>} : memref<16x112xf32, #tpu.memory_space<vmem>>, vector<16xf32>,
    %swap3A_3215 = arith.constant 13 : i32
    %swap3A_3216 = arith.index_cast %swap3A_3215 : i32 to index
    %swap3A_3217 = arith.constant 80 : index
    %swap3A_3218 = tpu.vector_load %arg17[%swap3A_3216, %swap3A_3217] {strides = array<i32>} : memref<16x112xf32, #tpu.memory_space<vmem>>, vector<16xf32>,
    tpu.vector_store %arg17[%swap3A_3216, %swap3A_3217], %broadcast_in_dim3A_3 {strides = array<i32>} : memref<16x112xf32, #tpu.memory_space<vmem>>, vector<16xf32>,
    %swap3A_3219 = arith.constant 13 : i32
    %swap3A_3220 = arith.index_cast %swap3A_3219 : i32 to index
    %swap3A_3221 = arith.constant 80 : index
    %swap3A_3222 = tpu.vector_load %arg18[%swap3A_3220, %swap3A_3221] {strides = array<i32>} : memref<16x112xf32, #tpu.memory_space<vmem>>, vector<16xf32>,
    tpu.vector_store %arg18[%swap3A_3220, %swap3A_3221], %broadcast_in_dim3A_3 {strides = array<i32>} : memref<16x112xf32, #tpu.memory_space<vmem>>, vector<16xf32>,
    %swap3A_3223 = arith.constant 13 : i32
    %swap3A_3224 = arith.index_cast %swap3A_3223 : i32 to index
    %swap3A_3225 = arith.constant 96 : index
    %swap3A_3226 = tpu.vector_load %arg16[%swap3A_3224, %swap3A_3225] {strides = array<i32>} : memref<16x112xf32, #tpu.memory_space<vmem>>, vector<16xf32>,
    tpu.vector_store %arg16[%swap3A_3224, %swap3A_3225], %broadcast_in_dim3A_3 {strides = array<i32>} : memref<16x112xf32, #tpu.memory_space<vmem>>, vector<16xf32>,
    %swap3A_3227 = arith.constant 13 : i32
    %swap3A_3228 = arith.index_cast %swap3A_3227 : i32 to index
    %swap3A_3229 = arith.constant 96 : index
    %swap3A_3230 = tpu.vector_load %arg17[%swap3A_3228, %swap3A_3229] {strides = array<i32>} : memref<16x112xf32, #tpu.memory_space<vmem>>, vector<16xf32>,
    tpu.vector_store %arg17[%swap3A_3228, %swap3A_3229], %broadcast_in_dim3A_3 {strides = array<i32>} : memref<16x112xf32, #tpu.memory_space<vmem>>, vector<16xf32>,
    %swap3A_3231 = arith.constant 13 : i32
    %swap3A_3232 = arith.index_cast %swap3A_3231 : i32 to index
    %swap3A_3233 = arith.constant 96 : index
    %swap3A_3234 = tpu.vector_load %arg18[%swap3A_3232, %swap3A_3233] {strides = array<i32>} : memref<16x112xf32, #tpu.memory_space<vmem>>, vector<16xf32>,
    tpu.vector_store %arg18[%swap3A_3232, %swap3A_3233], %broadcast_in_dim3A_3 {strides = array<i32>} : memref<16x112xf32, #tpu.memory_space<vmem>>, vector<16xf32>,
    %swap3A_3235 = arith.constant 13 : i32
    %swap3A_3236 = arith.index_cast %swap3A_3235 : i32 to index
    %swap3A_3237 = arith.constant 0 : index
    %swap3A_3238 = tpu.vector_load %arg19[%swap3A_3236, %swap3A_3237] {strides = array<i32>} : memref<16x32xf32, #tpu.memory_space<vmem>>, vector<16xf32>,
    tpu.vector_store %arg19[%swap3A_3236, %swap3A_3237], %broadcast_in_dim3A_3 {strides = array<i32>} : memref<16x32xf32, #tpu.memory_space<vmem>>, vector<16xf32>,
    %swap3A_3239 = arith.constant 13 : i32
    %swap3A_3240 = arith.index_cast %swap3A_3239 : i32 to index
    %swap3A_3241 = arith.constant 0 : index
    %swap3A_3242 = tpu.vector_load %arg20[%swap3A_3240, %swap3A_3241] {strides = array<i32>} : memref<16x32xf32, #tpu.memory_space<vmem>>, vector<16xf32>,
    tpu.vector_store %arg20[%swap3A_3240, %swap3A_3241], %broadcast_in_dim3A_3 {strides = array<i32>} : memref<16x32xf32, #tpu.memory_space<vmem>>, vector<16xf32>,
    %swap3A_3243 = arith.constant 13 : i32
    %swap3A_3244 = arith.index_cast %swap3A_3243 : i32 to index
    %swap3A_3245 = arith.constant 0 : index
    %swap3A_3246 = tpu.vector_load %arg21[%swap3A_3244, %swap3A_3245] {strides = array<i32>} : memref<16x32xf32, #tpu.memory_space<vmem>>, vector<16xf32>,
    tpu.vector_store %arg21[%swap3A_3244, %swap3A_3245], %broadcast_in_dim3A_3 {strides = array<i32>} : memref<16x32xf32, #tpu.memory_space<vmem>>, vector<16xf32>,
    %swap3A_3247 = arith.constant 13 : i32
    %swap3A_3248 = arith.index_cast %swap3A_3247 : i32 to index
    %swap3A_3249 = arith.constant 16 : index
    %swap3A_3250 = tpu.vector_load %arg19[%swap3A_3248, %swap3A_3249] {strides = array<i32>} : memref<16x32xf32, #tpu.memory_space<vmem>>, vector<16xf32>,
    tpu.vector_store %arg19[%swap3A_3248, %swap3A_3249], %broadcast_in_dim3A_3 {strides = array<i32>} : memref<16x32xf32, #tpu.memory_space<vmem>>, vector<16xf32>,
    %swap3A_3251 = arith.constant 13 : i32
    %swap3A_3252 = arith.index_cast %swap3A_3251 : i32 to index
    %swap3A_3253 = arith.constant 16 : index
    %swap3A_3254 = tpu.vector_load %arg20[%swap3A_3252, %swap3A_3253] {strides = array<i32>} : memref<16x32xf32, #tpu.memory_space<vmem>>, vector<16xf32>,
    tpu.vector_store %arg20[%swap3A_3252, %swap3A_3253], %broadcast_in_dim3A_3 {strides = array<i32>} : memref<16x32xf32, #tpu.memory_space<vmem>>, vector<16xf32>,
    %swap3A_3255 = arith.constant 13 : i32
    %swap3A_3256 = arith.index_cast %swap3A_3255 : i32 to index
    %swap3A_3257 = arith.constant 16 : index
    %swap3A_3258 = tpu.vector_load %arg21[%swap3A_3256, %swap3A_3257] {strides = array<i32>} : memref<16x32xf32, #tpu.memory_space<vmem>>, vector<16xf32>,
    tpu.vector_store %arg21[%swap3A_3256, %swap3A_3257], %broadcast_in_dim3A_3 {strides = array<i32>} : memref<16x32xf32, #tpu.memory_space<vmem>>, vector<16xf32>,
    %swap3A_3259 = arith.constant 14 : i32
    %swap3A_3260 = arith.index_cast %swap3A_3259 : i32 to index
    %swap3A_3261 = arith.constant 0 : index
    %swap3A_3262 = tpu.vector_load %arg16[%swap3A_3260, %swap3A_3261] {strides = array<i32>} : memref<16x112xf32, #tpu.memory_space<vmem>>, vector<16xf32>,
    tpu.vector_store %arg16[%swap3A_3260, %swap3A_3261], %broadcast_in_dim3A_3 {strides = array<i32>} : memref<16x112xf32, #tpu.memory_space<vmem>>, vector<16xf32>,
    %swap3A_3263 = arith.constant 14 : i32
    %swap3A_3264 = arith.index_cast %swap3A_3263 : i32 to index
    %swap3A_3265 = arith.constant 0 : index
    %swap3A_3266 = tpu.vector_load %arg17[%swap3A_3264, %swap3A_3265] {strides = array<i32>} : memref<16x112xf32, #tpu.memory_space<vmem>>, vector<16xf32>,
    tpu.vector_store %arg17[%swap3A_3264, %swap3A_3265], %broadcast_in_dim3A_3 {strides = array<i32>} : memref<16x112xf32, #tpu.memory_space<vmem>>, vector<16xf32>,
    %swap3A_3267 = arith.constant 14 : i32
    %swap3A_3268 = arith.index_cast %swap3A_3267 : i32 to index
    %swap3A_3269 = arith.constant 0 : index
    %swap3A_3270 = tpu.vector_load %arg18[%swap3A_3268, %swap3A_3269] {strides = array<i32>} : memref<16x112xf32, #tpu.memory_space<vmem>>, vector<16xf32>,
    tpu.vector_store %arg18[%swap3A_3268, %swap3A_3269], %broadcast_in_dim3A_3 {strides = array<i32>} : memref<16x112xf32, #tpu.memory_space<vmem>>, vector<16xf32>,
    %swap3A_3271 = arith.constant 14 : i32
    %swap3A_3272 = arith.index_cast %swap3A_3271 : i32 to index
    %swap3A_3273 = arith.constant 16 : index
    %swap3A_3274 = tpu.vector_load %arg16[%swap3A_3272, %swap3A_3273] {strides = array<i32>} : memref<16x112xf32, #tpu.memory_space<vmem>>, vector<16xf32>,
    tpu.vector_store %arg16[%swap3A_3272, %swap3A_3273], %broadcast_in_dim3A_3 {strides = array<i32>} : memref<16x112xf32, #tpu.memory_space<vmem>>, vector<16xf32>,
    %swap3A_3275 = arith.constant 14 : i32
    %swap3A_3276 = arith.index_cast %swap3A_3275 : i32 to index
    %swap3A_3277 = arith.constant 16 : index
    %swap3A_3278 = tpu.vector_load %arg17[%swap3A_3276, %swap3A_3277] {strides = array<i32>} : memref<16x112xf32, #tpu.memory_space<vmem>>, vector<16xf32>,
    tpu.vector_store %arg17[%swap3A_3276, %swap3A_3277], %broadcast_in_dim3A_3 {strides = array<i32>} : memref<16x112xf32, #tpu.memory_space<vmem>>, vector<16xf32>,
    %swap3A_3279 = arith.constant 14 : i32
    %swap3A_3280 = arith.index_cast %swap3A_3279 : i32 to index
    %swap3A_3281 = arith.constant 16 : index
    %swap3A_3282 = tpu.vector_load %arg18[%swap3A_3280, %swap3A_3281] {strides = array<i32>} : memref<16x112xf32, #tpu.memory_space<vmem>>, vector<16xf32>,
    tpu.vector_store %arg18[%swap3A_3280, %swap3A_3281], %broadcast_in_dim3A_3 {strides = array<i32>} : memref<16x112xf32, #tpu.memory_space<vmem>>, vector<16xf32>,
    %swap3A_3283 = arith.constant 14 : i32
    %swap3A_3284 = arith.index_cast %swap3A_3283 : i32 to index
    %swap3A_3285 = arith.constant 32 : index
    %swap3A_3286 = tpu.vector_load %arg16[%swap3A_3284, %swap3A_3285] {strides = array<i32>} : memref<16x112xf32, #tpu.memory_space<vmem>>, vector<16xf32>,
    tpu.vector_store %arg16[%swap3A_3284, %swap3A_3285], %broadcast_in_dim3A_3 {strides = array<i32>} : memref<16x112xf32, #tpu.memory_space<vmem>>, vector<16xf32>,
    %swap3A_3287 = arith.constant 14 : i32
    %swap3A_3288 = arith.index_cast %swap3A_3287 : i32 to index
    %swap3A_3289 = arith.constant 32 : index
    %swap3A_3290 = tpu.vector_load %arg17[%swap3A_3288, %swap3A_3289] {strides = array<i32>} : memref<16x112xf32, #tpu.memory_space<vmem>>, vector<16xf32>,
    tpu.vector_store %arg17[%swap3A_3288, %swap3A_3289], %broadcast_in_dim3A_3 {strides = array<i32>} : memref<16x112xf32, #tpu.memory_space<vmem>>, vector<16xf32>,
    %swap3A_3291 = arith.constant 14 : i32
    %swap3A_3292 = arith.index_cast %swap3A_3291 : i32 to index
    %swap3A_3293 = arith.constant 32 : index
    %swap3A_3294 = tpu.vector_load %arg18[%swap3A_3292, %swap3A_3293] {strides = array<i32>} : memref<16x112xf32, #tpu.memory_space<vmem>>, vector<16xf32>,
    tpu.vector_store %arg18[%swap3A_3292, %swap3A_3293], %broadcast_in_dim3A_3 {strides = array<i32>} : memref<16x112xf32, #tpu.memory_space<vmem>>, vector<16xf32>,
    %swap3A_3295 = arith.constant 14 : i32
    %swap3A_3296 = arith.index_cast %swap3A_3295 : i32 to index
    %swap3A_3297 = arith.constant 48 : index
    %swap3A_3298 = tpu.vector_load %arg16[%swap3A_3296, %swap3A_3297] {strides = array<i32>} : memref<16x112xf32, #tpu.memory_space<vmem>>, vector<16xf32>,
    tpu.vector_store %arg16[%swap3A_3296, %swap3A_3297], %broadcast_in_dim3A_3 {strides = array<i32>} : memref<16x112xf32, #tpu.memory_space<vmem>>, vector<16xf32>,
    %swap3A_3299 = arith.constant 14 : i32
    %swap3A_3300 = arith.index_cast %swap3A_3299 : i32 to index
    %swap3A_3301 = arith.constant 48 : index
    %swap3A_3302 = tpu.vector_load %arg17[%swap3A_3300, %swap3A_3301] {strides = array<i32>} : memref<16x112xf32, #tpu.memory_space<vmem>>, vector<16xf32>,
    tpu.vector_store %arg17[%swap3A_3300, %swap3A_3301], %broadcast_in_dim3A_3 {strides = array<i32>} : memref<16x112xf32, #tpu.memory_space<vmem>>, vector<16xf32>,
    %swap3A_3303 = arith.constant 14 : i32
    %swap3A_3304 = arith.index_cast %swap3A_3303 : i32 to index
    %swap3A_3305 = arith.constant 48 : index
    %swap3A_3306 = tpu.vector_load %arg18[%swap3A_3304, %swap3A_3305] {strides = array<i32>} : memref<16x112xf32, #tpu.memory_space<vmem>>, vector<16xf32>,
    tpu.vector_store %arg18[%swap3A_3304, %swap3A_3305], %broadcast_in_dim3A_3 {strides = array<i32>} : memref<16x112xf32, #tpu.memory_space<vmem>>, vector<16xf32>,
    %swap3A_3307 = arith.constant 14 : i32
    %swap3A_3308 = arith.index_cast %swap3A_3307 : i32 to index
    %swap3A_3309 = arith.constant 64 : index
    %swap3A_3310 = tpu.vector_load %arg16[%swap3A_3308, %swap3A_3309] {strides = array<i32>} : memref<16x112xf32, #tpu.memory_space<vmem>>, vector<16xf32>,
    tpu.vector_store %arg16[%swap3A_3308, %swap3A_3309], %broadcast_in_dim3A_3 {strides = array<i32>} : memref<16x112xf32, #tpu.memory_space<vmem>>, vector<16xf32>,
    %swap3A_3311 = arith.constant 14 : i32
    %swap3A_3312 = arith.index_cast %swap3A_3311 : i32 to index
    %swap3A_3313 = arith.constant 64 : index
    %swap3A_3314 = tpu.vector_load %arg17[%swap3A_3312, %swap3A_3313] {strides = array<i32>} : memref<16x112xf32, #tpu.memory_space<vmem>>, vector<16xf32>,
    tpu.vector_store %arg17[%swap3A_3312, %swap3A_3313], %broadcast_in_dim3A_3 {strides = array<i32>} : memref<16x112xf32, #tpu.memory_space<vmem>>, vector<16xf32>,
    %swap3A_3315 = arith.constant 14 : i32
    %swap3A_3316 = arith.index_cast %swap3A_3315 : i32 to index
    %swap3A_3317 = arith.constant 64 : index
    %swap3A_3318 = tpu.vector_load %arg18[%swap3A_3316, %swap3A_3317] {strides = array<i32>} : memref<16x112xf32, #tpu.memory_space<vmem>>, vector<16xf32>,
    tpu.vector_store %arg18[%swap3A_3316, %swap3A_3317], %broadcast_in_dim3A_3 {strides = array<i32>} : memref<16x112xf32, #tpu.memory_space<vmem>>, vector<16xf32>,
    %swap3A_3319 = arith.constant 14 : i32
    %swap3A_3320 = arith.index_cast %swap3A_3319 : i32 to index
    %swap3A_3321 = arith.constant 80 : index
    %swap3A_3322 = tpu.vector_load %arg16[%swap3A_3320, %swap3A_3321] {strides = array<i32>} : memref<16x112xf32, #tpu.memory_space<vmem>>, vector<16xf32>,
    tpu.vector_store %arg16[%swap3A_3320, %swap3A_3321], %broadcast_in_dim3A_3 {strides = array<i32>} : memref<16x112xf32, #tpu.memory_space<vmem>>, vector<16xf32>,
    %swap3A_3323 = arith.constant 14 : i32
    %swap3A_3324 = arith.index_cast %swap3A_3323 : i32 to index
    %swap3A_3325 = arith.constant 80 : index
    %swap3A_3326 = tpu.vector_load %arg17[%swap3A_3324, %swap3A_3325] {strides = array<i32>} : memref<16x112xf32, #tpu.memory_space<vmem>>, vector<16xf32>,
    tpu.vector_store %arg17[%swap3A_3324, %swap3A_3325], %broadcast_in_dim3A_3 {strides = array<i32>} : memref<16x112xf32, #tpu.memory_space<vmem>>, vector<16xf32>,
    %swap3A_3327 = arith.constant 14 : i32
    %swap3A_3328 = arith.index_cast %swap3A_3327 : i32 to index
    %swap3A_3329 = arith.constant 80 : index
    %swap3A_3330 = tpu.vector_load %arg18[%swap3A_3328, %swap3A_3329] {strides = array<i32>} : memref<16x112xf32, #tpu.memory_space<vmem>>, vector<16xf32>,
    tpu.vector_store %arg18[%swap3A_3328, %swap3A_3329], %broadcast_in_dim3A_3 {strides = array<i32>} : memref<16x112xf32, #tpu.memory_space<vmem>>, vector<16xf32>,
    %swap3A_3331 = arith.constant 14 : i32
    %swap3A_3332 = arith.index_cast %swap3A_3331 : i32 to index
    %swap3A_3333 = arith.constant 96 : index
    %swap3A_3334 = tpu.vector_load %arg16[%swap3A_3332, %swap3A_3333] {strides = array<i32>} : memref<16x112xf32, #tpu.memory_space<vmem>>, vector<16xf32>,
    tpu.vector_store %arg16[%swap3A_3332, %swap3A_3333], %broadcast_in_dim3A_3 {strides = array<i32>} : memref<16x112xf32, #tpu.memory_space<vmem>>, vector<16xf32>,
    %swap3A_3335 = arith.constant 14 : i32
    %swap3A_3336 = arith.index_cast %swap3A_3335 : i32 to index
    %swap3A_3337 = arith.constant 96 : index
    %swap3A_3338 = tpu.vector_load %arg17[%swap3A_3336, %swap3A_3337] {strides = array<i32>} : memref<16x112xf32, #tpu.memory_space<vmem>>, vector<16xf32>,
    tpu.vector_store %arg17[%swap3A_3336, %swap3A_3337], %broadcast_in_dim3A_3 {strides = array<i32>} : memref<16x112xf32, #tpu.memory_space<vmem>>, vector<16xf32>,
    %swap3A_3339 = arith.constant 14 : i32
    %swap3A_3340 = arith.index_cast %swap3A_3339 : i32 to index
    %swap3A_3341 = arith.constant 96 : index
    %swap3A_3342 = tpu.vector_load %arg18[%swap3A_3340, %swap3A_3341] {strides = array<i32>} : memref<16x112xf32, #tpu.memory_space<vmem>>, vector<16xf32>,
    tpu.vector_store %arg18[%swap3A_3340, %swap3A_3341], %broadcast_in_dim3A_3 {strides = array<i32>} : memref<16x112xf32, #tpu.memory_space<vmem>>, vector<16xf32>,
    %swap3A_3343 = arith.constant 14 : i32
    %swap3A_3344 = arith.index_cast %swap3A_3343 : i32 to index
    %swap3A_3345 = arith.constant 0 : index
    %swap3A_3346 = tpu.vector_load %arg19[%swap3A_3344, %swap3A_3345] {strides = array<i32>} : memref<16x32xf32, #tpu.memory_space<vmem>>, vector<16xf32>,
    tpu.vector_store %arg19[%swap3A_3344, %swap3A_3345], %broadcast_in_dim3A_3 {strides = array<i32>} : memref<16x32xf32, #tpu.memory_space<vmem>>, vector<16xf32>,
    %swap3A_3347 = arith.constant 14 : i32
    %swap3A_3348 = arith.index_cast %swap3A_3347 : i32 to index
    %swap3A_3349 = arith.constant 0 : index
    %swap3A_3350 = tpu.vector_load %arg20[%swap3A_3348, %swap3A_3349] {strides = array<i32>} : memref<16x32xf32, #tpu.memory_space<vmem>>, vector<16xf32>,
    tpu.vector_store %arg20[%swap3A_3348, %swap3A_3349], %broadcast_in_dim3A_3 {strides = array<i32>} : memref<16x32xf32, #tpu.memory_space<vmem>>, vector<16xf32>,
    %swap3A_3351 = arith.constant 14 : i32
    %swap3A_3352 = arith.index_cast %swap3A_3351 : i32 to index
    %swap3A_3353 = arith.constant 0 : index
    %swap3A_3354 = tpu.vector_load %arg21[%swap3A_3352, %swap3A_3353] {strides = array<i32>} : memref<16x32xf32, #tpu.memory_space<vmem>>, vector<16xf32>,
    tpu.vector_store %arg21[%swap3A_3352, %swap3A_3353], %broadcast_in_dim3A_3 {strides = array<i32>} : memref<16x32xf32, #tpu.memory_space<vmem>>, vector<16xf32>,
    %swap3A_3355 = arith.constant 14 : i32
    %swap3A_3356 = arith.index_cast %swap3A_3355 : i32 to index
    %swap3A_3357 = arith.constant 16 : index
    %swap3A_3358 = tpu.vector_load %arg19[%swap3A_3356, %swap3A_3357] {strides = array<i32>} : memref<16x32xf32, #tpu.memory_space<vmem>>, vector<16xf32>,
    tpu.vector_store %arg19[%swap3A_3356, %swap3A_3357], %broadcast_in_dim3A_3 {strides = array<i32>} : memref<16x32xf32, #tpu.memory_space<vmem>>, vector<16xf32>,
    %swap3A_3359 = arith.constant 14 : i32
    %swap3A_3360 = arith.index_cast %swap3A_3359 : i32 to index
    %swap3A_3361 = arith.constant 16 : index
    %swap3A_3362 = tpu.vector_load %arg20[%swap3A_3360, %swap3A_3361] {strides = array<i32>} : memref<16x32xf32, #tpu.memory_space<vmem>>, vector<16xf32>,
    tpu.vector_store %arg20[%swap3A_3360, %swap3A_3361], %broadcast_in_dim3A_3 {strides = array<i32>} : memref<16x32xf32, #tpu.memory_space<vmem>>, vector<16xf32>,
    %swap3A_3363 = arith.constant 14 : i32
    %swap3A_3364 = arith.index_cast %swap3A_3363 : i32 to index
    %swap3A_3365 = arith.constant 16 : index
    %swap3A_3366 = tpu.vector_load %arg21[%swap3A_3364, %swap3A_3365] {strides = array<i32>} : memref<16x32xf32, #tpu.memory_space<vmem>>, vector<16xf32>,
    tpu.vector_store %arg21[%swap3A_3364, %swap3A_3365], %broadcast_in_dim3A_3 {strides = array<i32>} : memref<16x32xf32, #tpu.memory_space<vmem>>, vector<16xf32>,
    %swap3A_3367 = arith.constant 15 : i32
    %swap3A_3368 = arith.index_cast %swap3A_3367 : i32 to index
    %swap3A_3369 = arith.constant 0 : index
    %swap3A_3370 = tpu.vector_load %arg16[%swap3A_3368, %swap3A_3369] {strides = array<i32>} : memref<16x112xf32, #tpu.memory_space<vmem>>, vector<16xf32>,
    tpu.vector_store %arg16[%swap3A_3368, %swap3A_3369], %broadcast_in_dim3A_3 {strides = array<i32>} : memref<16x112xf32, #tpu.memory_space<vmem>>, vector<16xf32>,
    %swap3A_3371 = arith.constant 15 : i32
    %swap3A_3372 = arith.index_cast %swap3A_3371 : i32 to index
    %swap3A_3373 = arith.constant 0 : index
    %swap3A_3374 = tpu.vector_load %arg17[%swap3A_3372, %swap3A_3373] {strides = array<i32>} : memref<16x112xf32, #tpu.memory_space<vmem>>, vector<16xf32>,
    tpu.vector_store %arg17[%swap3A_3372, %swap3A_3373], %broadcast_in_dim3A_3 {strides = array<i32>} : memref<16x112xf32, #tpu.memory_space<vmem>>, vector<16xf32>,
    %swap3A_3375 = arith.constant 15 : i32
    %swap3A_3376 = arith.index_cast %swap3A_3375 : i32 to index
    %swap3A_3377 = arith.constant 0 : index
    %swap3A_3378 = tpu.vector_load %arg18[%swap3A_3376, %swap3A_3377] {strides = array<i32>} : memref<16x112xf32, #tpu.memory_space<vmem>>, vector<16xf32>,
    tpu.vector_store %arg18[%swap3A_3376, %swap3A_3377], %broadcast_in_dim3A_3 {strides = array<i32>} : memref<16x112xf32, #tpu.memory_space<vmem>>, vector<16xf32>,
    %swap3A_3379 = arith.constant 15 : i32
    %swap3A_3380 = arith.index_cast %swap3A_3379 : i32 to index
    %swap3A_3381 = arith.constant 16 : index
    %swap3A_3382 = tpu.vector_load %arg16[%swap3A_3380, %swap3A_3381] {strides = array<i32>} : memref<16x112xf32, #tpu.memory_space<vmem>>, vector<16xf32>,
    tpu.vector_store %arg16[%swap3A_3380, %swap3A_3381], %broadcast_in_dim3A_3 {strides = array<i32>} : memref<16x112xf32, #tpu.memory_space<vmem>>, vector<16xf32>,
    %swap3A_3383 = arith.constant 15 : i32
    %swap3A_3384 = arith.index_cast %swap3A_3383 : i32 to index
    %swap3A_3385 = arith.constant 16 : index
    %swap3A_3386 = tpu.vector_load %arg17[%swap3A_3384, %swap3A_3385] {strides = array<i32>} : memref<16x112xf32, #tpu.memory_space<vmem>>, vector<16xf32>,
    tpu.vector_store %arg17[%swap3A_3384, %swap3A_3385], %broadcast_in_dim3A_3 {strides = array<i32>} : memref<16x112xf32, #tpu.memory_space<vmem>>, vector<16xf32>,
    %swap3A_3387 = arith.constant 15 : i32
    %swap3A_3388 = arith.index_cast %swap3A_3387 : i32 to index
    %swap3A_3389 = arith.constant 16 : index
    %swap3A_3390 = tpu.vector_load %arg18[%swap3A_3388, %swap3A_3389] {strides = array<i32>} : memref<16x112xf32, #tpu.memory_space<vmem>>, vector<16xf32>,
    tpu.vector_store %arg18[%swap3A_3388, %swap3A_3389], %broadcast_in_dim3A_3 {strides = array<i32>} : memref<16x112xf32, #tpu.memory_space<vmem>>, vector<16xf32>,
    %swap3A_3391 = arith.constant 15 : i32
    %swap3A_3392 = arith.index_cast %swap3A_3391 : i32 to index
    %swap3A_3393 = arith.constant 32 : index
    %swap3A_3394 = tpu.vector_load %arg16[%swap3A_3392, %swap3A_3393] {strides = array<i32>} : memref<16x112xf32, #tpu.memory_space<vmem>>, vector<16xf32>,
    tpu.vector_store %arg16[%swap3A_3392, %swap3A_3393], %broadcast_in_dim3A_3 {strides = array<i32>} : memref<16x112xf32, #tpu.memory_space<vmem>>, vector<16xf32>,
    %swap3A_3395 = arith.constant 15 : i32
    %swap3A_3396 = arith.index_cast %swap3A_3395 : i32 to index
    %swap3A_3397 = arith.constant 32 : index
    %swap3A_3398 = tpu.vector_load %arg17[%swap3A_3396, %swap3A_3397] {strides = array<i32>} : memref<16x112xf32, #tpu.memory_space<vmem>>, vector<16xf32>,
    tpu.vector_store %arg17[%swap3A_3396, %swap3A_3397], %broadcast_in_dim3A_3 {strides = array<i32>} : memref<16x112xf32, #tpu.memory_space<vmem>>, vector<16xf32>,
    %swap3A_3399 = arith.constant 15 : i32
    %swap3A_3400 = arith.index_cast %swap3A_3399 : i32 to index
    %swap3A_3401 = arith.constant 32 : index
    %swap3A_3402 = tpu.vector_load %arg18[%swap3A_3400, %swap3A_3401] {strides = array<i32>} : memref<16x112xf32, #tpu.memory_space<vmem>>, vector<16xf32>,
    tpu.vector_store %arg18[%swap3A_3400, %swap3A_3401], %broadcast_in_dim3A_3 {strides = array<i32>} : memref<16x112xf32, #tpu.memory_space<vmem>>, vector<16xf32>,
    %swap3A_3403 = arith.constant 15 : i32
    %swap3A_3404 = arith.index_cast %swap3A_3403 : i32 to index
    %swap3A_3405 = arith.constant 48 : index
    %swap3A_3406 = tpu.vector_load %arg16[%swap3A_3404, %swap3A_3405] {strides = array<i32>} : memref<16x112xf32, #tpu.memory_space<vmem>>, vector<16xf32>,
    tpu.vector_store %arg16[%swap3A_3404, %swap3A_3405], %broadcast_in_dim3A_3 {strides = array<i32>} : memref<16x112xf32, #tpu.memory_space<vmem>>, vector<16xf32>,
    %swap3A_3407 = arith.constant 15 : i32
    %swap3A_3408 = arith.index_cast %swap3A_3407 : i32 to index
    %swap3A_3409 = arith.constant 48 : index
    %swap3A_3410 = tpu.vector_load %arg17[%swap3A_3408, %swap3A_3409] {strides = array<i32>} : memref<16x112xf32, #tpu.memory_space<vmem>>, vector<16xf32>,
    tpu.vector_store %arg17[%swap3A_3408, %swap3A_3409], %broadcast_in_dim3A_3 {strides = array<i32>} : memref<16x112xf32, #tpu.memory_space<vmem>>, vector<16xf32>,
    %swap3A_3411 = arith.constant 15 : i32
    %swap3A_3412 = arith.index_cast %swap3A_3411 : i32 to index
    %swap3A_3413 = arith.constant 48 : index
    %swap3A_3414 = tpu.vector_load %arg18[%swap3A_3412, %swap3A_3413] {strides = array<i32>} : memref<16x112xf32, #tpu.memory_space<vmem>>, vector<16xf32>,
    tpu.vector_store %arg18[%swap3A_3412, %swap3A_3413], %broadcast_in_dim3A_3 {strides = array<i32>} : memref<16x112xf32, #tpu.memory_space<vmem>>, vector<16xf32>,
    %swap3A_3415 = arith.constant 15 : i32
    %swap3A_3416 = arith.index_cast %swap3A_3415 : i32 to index
    %swap3A_3417 = arith.constant 64 : index
    %swap3A_3418 = tpu.vector_load %arg16[%swap3A_3416, %swap3A_3417] {strides = array<i32>} : memref<16x112xf32, #tpu.memory_space<vmem>>, vector<16xf32>,
    tpu.vector_store %arg16[%swap3A_3416, %swap3A_3417], %broadcast_in_dim3A_3 {strides = array<i32>} : memref<16x112xf32, #tpu.memory_space<vmem>>, vector<16xf32>,
    %swap3A_3419 = arith.constant 15 : i32
    %swap3A_3420 = arith.index_cast %swap3A_3419 : i32 to index
    %swap3A_3421 = arith.constant 64 : index
    %swap3A_3422 = tpu.vector_load %arg17[%swap3A_3420, %swap3A_3421] {strides = array<i32>} : memref<16x112xf32, #tpu.memory_space<vmem>>, vector<16xf32>,
    tpu.vector_store %arg17[%swap3A_3420, %swap3A_3421], %broadcast_in_dim3A_3 {strides = array<i32>} : memref<16x112xf32, #tpu.memory_space<vmem>>, vector<16xf32>,
    %swap3A_3423 = arith.constant 15 : i32
    %swap3A_3424 = arith.index_cast %swap3A_3423 : i32 to index
    %swap3A_3425 = arith.constant 64 : index
    %swap3A_3426 = tpu.vector_load %arg18[%swap3A_3424, %swap3A_3425] {strides = array<i32>} : memref<16x112xf32, #tpu.memory_space<vmem>>, vector<16xf32>,
    tpu.vector_store %arg18[%swap3A_3424, %swap3A_3425], %broadcast_in_dim3A_3 {strides = array<i32>} : memref<16x112xf32, #tpu.memory_space<vmem>>, vector<16xf32>,
    %swap3A_3427 = arith.constant 15 : i32
    %swap3A_3428 = arith.index_cast %swap3A_3427 : i32 to index
    %swap3A_3429 = arith.constant 80 : index
    %swap3A_3430 = tpu.vector_load %arg16[%swap3A_3428, %swap3A_3429] {strides = array<i32>} : memref<16x112xf32, #tpu.memory_space<vmem>>, vector<16xf32>,
    tpu.vector_store %arg16[%swap3A_3428, %swap3A_3429], %broadcast_in_dim3A_3 {strides = array<i32>} : memref<16x112xf32, #tpu.memory_space<vmem>>, vector<16xf32>,
    %swap3A_3431 = arith.constant 15 : i32
    %swap3A_3432 = arith.index_cast %swap3A_3431 : i32 to index
    %swap3A_3433 = arith.constant 80 : index
    %swap3A_3434 = tpu.vector_load %arg17[%swap3A_3432, %swap3A_3433] {strides = array<i32>} : memref<16x112xf32, #tpu.memory_space<vmem>>, vector<16xf32>,
    tpu.vector_store %arg17[%swap3A_3432, %swap3A_3433], %broadcast_in_dim3A_3 {strides = array<i32>} : memref<16x112xf32, #tpu.memory_space<vmem>>, vector<16xf32>,
    %swap3A_3435 = arith.constant 15 : i32
    %swap3A_3436 = arith.index_cast %swap3A_3435 : i32 to index
    %swap3A_3437 = arith.constant 80 : index
    %swap3A_3438 = tpu.vector_load %arg18[%swap3A_3436, %swap3A_3437] {strides = array<i32>} : memref<16x112xf32, #tpu.memory_space<vmem>>, vector<16xf32>,
    tpu.vector_store %arg18[%swap3A_3436, %swap3A_3437], %broadcast_in_dim3A_3 {strides = array<i32>} : memref<16x112xf32, #tpu.memory_space<vmem>>, vector<16xf32>,
    %swap3A_3439 = arith.constant 15 : i32
    %swap3A_3440 = arith.index_cast %swap3A_3439 : i32 to index
    %swap3A_3441 = arith.constant 96 : index
    %swap3A_3442 = tpu.vector_load %arg16[%swap3A_3440, %swap3A_3441] {strides = array<i32>} : memref<16x112xf32, #tpu.memory_space<vmem>>, vector<16xf32>,
    tpu.vector_store %arg16[%swap3A_3440, %swap3A_3441], %broadcast_in_dim3A_3 {strides = array<i32>} : memref<16x112xf32, #tpu.memory_space<vmem>>, vector<16xf32>,
    %swap3A_3443 = arith.constant 15 : i32
    %swap3A_3444 = arith.index_cast %swap3A_3443 : i32 to index
    %swap3A_3445 = arith.constant 96 : index
    %swap3A_3446 = tpu.vector_load %arg17[%swap3A_3444, %swap3A_3445] {strides = array<i32>} : memref<16x112xf32, #tpu.memory_space<vmem>>, vector<16xf32>,
    tpu.vector_store %arg17[%swap3A_3444, %swap3A_3445], %broadcast_in_dim3A_3 {strides = array<i32>} : memref<16x112xf32, #tpu.memory_space<vmem>>, vector<16xf32>,
    %swap3A_3447 = arith.constant 15 : i32
    %swap3A_3448 = arith.index_cast %swap3A_3447 : i32 to index
    %swap3A_3449 = arith.constant 96 : index
    %swap3A_3450 = tpu.vector_load %arg18[%swap3A_3448, %swap3A_3449] {strides = array<i32>} : memref<16x112xf32, #tpu.memory_space<vmem>>, vector<16xf32>,
    tpu.vector_store %arg18[%swap3A_3448, %swap3A_3449], %broadcast_in_dim3A_3 {strides = array<i32>} : memref<16x112xf32, #tpu.memory_space<vmem>>, vector<16xf32>,
    %swap3A_3451 = arith.constant 15 : i32
    %swap3A_3452 = arith.index_cast %swap3A_3451 : i32 to index
    %swap3A_3453 = arith.constant 0 : index
    %swap3A_3454 = tpu.vector_load %arg19[%swap3A_3452, %swap3A_3453] {strides = array<i32>} : memref<16x32xf32, #tpu.memory_space<vmem>>, vector<16xf32>,
    tpu.vector_store %arg19[%swap3A_3452, %swap3A_3453], %broadcast_in_dim3A_3 {strides = array<i32>} : memref<16x32xf32, #tpu.memory_space<vmem>>, vector<16xf32>,
    %swap3A_3455 = arith.constant 15 : i32
    %swap3A_3456 = arith.index_cast %swap3A_3455 : i32 to index
    %swap3A_3457 = arith.constant 0 : index
    %swap3A_3458 = tpu.vector_load %arg20[%swap3A_3456, %swap3A_3457] {strides = array<i32>} : memref<16x32xf32, #tpu.memory_space<vmem>>, vector<16xf32>,
    tpu.vector_store %arg20[%swap3A_3456, %swap3A_3457], %broadcast_in_dim3A_3 {strides = array<i32>} : memref<16x32xf32, #tpu.memory_space<vmem>>, vector<16xf32>,
    %swap3A_3459 = arith.constant 15 : i32
    %swap3A_3460 = arith.index_cast %swap3A_3459 : i32 to index
    %swap3A_3461 = arith.constant 0 : index
    %swap3A_3462 = tpu.vector_load %arg21[%swap3A_3460, %swap3A_3461] {strides = array<i32>} : memref<16x32xf32, #tpu.memory_space<vmem>>, vector<16xf32>,
    tpu.vector_store %arg21[%swap3A_3460, %swap3A_3461], %broadcast_in_dim3A_3 {strides = array<i32>} : memref<16x32xf32, #tpu.memory_space<vmem>>, vector<16xf32>,
    %swap3A_3463 = arith.constant 15 : i32
    %swap3A_3464 = arith.index_cast %swap3A_3463 : i32 to index
    %swap3A_3465 = arith.constant 16 : index
    %swap3A_3466 = tpu.vector_load %arg19[%swap3A_3464, %swap3A_3465] {strides = array<i32>} : memref<16x32xf32, #tpu.memory_space<vmem>>, vector<16xf32>,
    tpu.vector_store %arg19[%swap3A_3464, %swap3A_3465], %broadcast_in_dim3A_3 {strides = array<i32>} : memref<16x32xf32, #tpu.memory_space<vmem>>, vector<16xf32>,
    %swap3A_3467 = arith.constant 15 : i32
    %swap3A_3468 = arith.index_cast %swap3A_3467 : i32 to index
    %swap3A_3469 = arith.constant 16 : index
    %swap3A_3470 = tpu.vector_load %arg20[%swap3A_3468, %swap3A_3469] {strides = array<i32>} : memref<16x32xf32, #tpu.memory_space<vmem>>, vector<16xf32>,
    tpu.vector_store %arg20[%swap3A_3468, %swap3A_3469], %broadcast_in_dim3A_3 {strides = array<i32>} : memref<16x32xf32, #tpu.memory_space<vmem>>, vector<16xf32>,
    %swap3A_3471 = arith.constant 15 : i32
    %swap3A_3472 = arith.index_cast %swap3A_3471 : i32 to index
    %swap3A_3473 = arith.constant 16 : index
    %swap3A_3474 = tpu.vector_load %arg21[%swap3A_3472, %swap3A_3473] {strides = array<i32>} : memref<16x32xf32, #tpu.memory_space<vmem>>, vector<16xf32>,
    tpu.vector_store %arg21[%swap3A_3472, %swap3A_3473], %broadcast_in_dim3A_3 {strides = array<i32>} : memref<16x32xf32, #tpu.memory_space<vmem>>, vector<16xf32>,
    %add3A_3475 = arith.constant 16 : i32
    %add3A_3476 = vector.broadcast %add3A_3475 : i32 to vector<16xi32>
    %add3A_3477 = arith.addi %iota3A, %add3A_3476 : vector<16xi32>
    %scan3A_3478 = arith.constant 0 : i32
    %scan3A_3479 = arith.constant 200 : i32
    %scan3A_3480 = arith.addi %scan3A_3478, %scan3A_3479 : i32
    %scan3A_3481 = arith.constant 1 : i32
    %scan3A_3482:2 = scf.for %scan3A_3490 = %scan3A_3478 to %scan3A_3480 step %scan3A_3481 iter_args(%scan3A_3491 = %broadcast_in_dim3A_3, %scan3A_3492 = %broadcast_in_dim3A_3) -> (vector<16xf32>, vector<16xf32>)  : i32 {
      %broadcast_in_dim3A_3493 = vector.broadcast %scan3A_3490 : i32 to vector<16xi32>
      %gather3A = tpu.vector_load_idx %arg13[%add3A_3477, %broadcast_in_dim3A_3493] : memref<32x200xf32, #tpu.memory_space<vmem>>[vector<16xi32>, vector<16xi32>], vector<16xf32>,
      %gather3A_3494 = tpu.vector_load_idx %arg14[%add3A_3477, %broadcast_in_dim3A_3493] : memref<32x200xi32, #tpu.memory_space<vmem>>[vector<16xi32>, vector<16xi32>], vector<16xi32>,
      %gather3A_3495 = tpu.vector_load_idx %arg15[%add3A_3477, %broadcast_in_dim3A_3493] : memref<32x200xi32, #tpu.memory_space<vmem>>[vector<16xi32>, vector<16xi32>], vector<16xi32>,
      %abs3A = math.absf %gather3A : vector<16xf32>
      %exp3A = math.exp %abs3A : vector<16xf32>
      %sub3A = arith.constant 1.000000e+00 : f32
      %sub3A_3496 = vector.broadcast %sub3A : f32 to vector<16xf32>
      %sub3A_3497 = arith.subf %exp3A, %sub3A_3496 : vector<16xf32>
      %sign3A = tpu.bitcast %gather3A : vector<16xf32> -> vector<16xi32>
      %sign3A_3498 = arith.constant -2147483648 : i32
      %sign3A_3499 = vector.broadcast %sign3A_3498 : i32 to vector<16xi32>
      %sign3A_3500 = arith.andi %sign3A, %sign3A_3499 : vector<16xi32>
      %sign3A_3501 = arith.constant 1065353216 : i32
      %sign3A_3502 = vector.broadcast %sign3A_3501 : i32 to vector<16xi32>
      %sign3A_3503 = arith.ori %sign3A_3502, %sign3A_3500 : vector<16xi32>
      %sign3A_3504 = tpu.bitcast %sign3A_3503 : vector<16xi32> -> vector<16xf32>
      %sign3A_3505 = math.absf %gather3A : vector<16xf32>
      %sign3A_3506 = arith.constant 0.000000e+00 : f32
      %sign3A_3507 = vector.broadcast %sign3A_3506 : f32 to vector<16xf32>
      %sign3A_3508 = arith.cmpf ogt, %sign3A_3505, %sign3A_3507 : vector<16xf32>
      %sign3A_3509 = arith.select %sign3A_3508, %sign3A_3504, %gather3A : vector<16xi1>, vector<16xf32>
      %mul3A_3510 = arith.mulf %sub3A_3497, %sign3A_3509 : vector<16xf32>
      %mul3A_3511 = arith.mulf %mul3A_3510, %mul3A_3510 : vector<16xf32>
      tpu.vector_store_idx %arg16[%iota3A, %gather3A_3494], %broadcast_in_dim3A_5 {add = true} : memref<16x112xf32, #tpu.memory_space<vmem>>[vector<16xi32>, vector<16xi32>], vector<16xf32>,
      tpu.vector_store_idx %arg17[%iota3A, %gather3A_3494], %mul3A_3510 {add = true} : memref<16x112xf32, #tpu.memory_space<vmem>>[vector<16xi32>, vector<16xi32>], vector<16xf32>,
      tpu.vector_store_idx %arg18[%iota3A, %gather3A_3494], %mul3A_3511 {add = true} : memref<16x112xf32, #tpu.memory_space<vmem>>[vector<16xi32>, vector<16xi32>], vector<16xf32>,
      tpu.vector_store_idx %arg19[%iota3A, %gather3A_3495], %broadcast_in_dim3A_5 {add = true} : memref<16x32xf32, #tpu.memory_space<vmem>>[vector<16xi32>, vector<16xi32>], vector<16xf32>,
      tpu.vector_store_idx %arg20[%iota3A, %gather3A_3495], %mul3A_3510 {add = true} : memref<16x32xf32, #tpu.memory_space<vmem>>[vector<16xi32>, vector<16xi32>], vector<16xf32>,
      tpu.vector_store_idx %arg21[%iota3A, %gather3A_3495], %mul3A_3511 {add = true} : memref<16x32xf32, #tpu.memory_space<vmem>>[vector<16xi32>, vector<16xi32>], vector<16xf32>,
      %add3A_3512 = arith.addf %scan3A_3491, %mul3A_3510 : vector<16xf32>
      %add3A_3513 = arith.addf %scan3A_3492, %mul3A_3511 : vector<16xf32>
      scf.yield %add3A_3512, %add3A_3513 : vector<16xf32>, vector<16xf32>
    }
    %scan3A_3483 = arith.constant 200 : i32
    %swap3A_3484 = arith.constant 0 : index
    %swap3A_3485 = tpu.vector_load %arg22[%swap3A_3484] {strides = array<i32>} : memref<16xf32, #tpu.memory_space<vmem>>, vector<16xf32>,
    tpu.vector_store %arg22[%swap3A_3484], %scan3A_3482#0 {strides = array<i32>} : memref<16xf32, #tpu.memory_space<vmem>>, vector<16xf32>,
    %swap3A_3486 = arith.constant 0 : index
    %swap3A_3487 = tpu.vector_load %arg23[%swap3A_3486] {strides = array<i32>} : memref<16xf32, #tpu.memory_space<vmem>>, vector<16xf32>,
    tpu.vector_store %arg23[%swap3A_3486], %scan3A_3482#1 {strides = array<i32>} : memref<16xf32, #tpu.memory_space<vmem>>, vector<16xf32>,
    %add3A_3488 = arith.constant 16 : i32
    %add3A_3489 = arith.addi %mul3A_2, %add3A_3488 : i32
    "tpu.region"() ({
      %run_scoped3A = tpu.sem_alloc : memref<!tpu.dma_semaphore, #tpu.memory_space<semaphore_mem>>
      %dma_start3A = tpu.memref_slice %arg5[%add3A_3489] : memref<1024xf32, #tpu.memory_space<hbm>> -> memref<16xf32, #tpu.memory_space<hbm>>
      %dma_start3A_3490 = tpu.memref_slice %arg5[%add3A_3489] : memref<1024xf32, #tpu.memory_space<hbm>> -> memref<16xf32, #tpu.memory_space<hbm>>
      tpu.enqueue_dma source(%arg22 : memref<16xf32, #tpu.memory_space<vmem>>) target(%dma_start3A_3490 : memref<16xf32, #tpu.memory_space<hbm>>) target_semaphore(%run_scoped3A : memref<!tpu.dma_semaphore, #tpu.memory_space<semaphore_mem>>)
      %dma_wait3A = tpu.memref_slice %arg5[%add3A_3489] : memref<1024xf32, #tpu.memory_space<hbm>> -> memref<16xf32, #tpu.memory_space<hbm>>
      %dma_wait3A_3491 = tpu.memref_slice %arg5[%add3A_3489] : memref<1024xf32, #tpu.memory_space<hbm>> -> memref<16xf32, #tpu.memory_space<hbm>>
      tpu.wait_dma2 semaphore(%run_scoped3A : memref<!tpu.dma_semaphore, #tpu.memory_space<semaphore_mem>>) src(%arg22 : memref<16xf32, #tpu.memory_space<vmem>>) dst(%dma_wait3A_3491 : memref<16xf32, #tpu.memory_space<hbm>>)
      tpu.yield
    }) : () -> ()
    "tpu.region"() ({
      %run_scoped3A = tpu.sem_alloc : memref<!tpu.dma_semaphore, #tpu.memory_space<semaphore_mem>>
      %dma_start3A = tpu.memref_slice %arg6[%add3A_3489] : memref<1024xf32, #tpu.memory_space<hbm>> -> memref<16xf32, #tpu.memory_space<hbm>>
      %dma_start3A_3490 = tpu.memref_slice %arg6[%add3A_3489] : memref<1024xf32, #tpu.memory_space<hbm>> -> memref<16xf32, #tpu.memory_space<hbm>>
      tpu.enqueue_dma source(%arg23 : memref<16xf32, #tpu.memory_space<vmem>>) target(%dma_start3A_3490 : memref<16xf32, #tpu.memory_space<hbm>>) target_semaphore(%run_scoped3A : memref<!tpu.dma_semaphore, #tpu.memory_space<semaphore_mem>>)
      %dma_wait3A = tpu.memref_slice %arg6[%add3A_3489] : memref<1024xf32, #tpu.memory_space<hbm>> -> memref<16xf32, #tpu.memory_space<hbm>>
      %dma_wait3A_3491 = tpu.memref_slice %arg6[%add3A_3489] : memref<1024xf32, #tpu.memory_space<hbm>> -> memref<16xf32, #tpu.memory_space<hbm>>
      tpu.wait_dma2 semaphore(%run_scoped3A : memref<!tpu.dma_semaphore, #tpu.memory_space<semaphore_mem>>) src(%arg23 : memref<16xf32, #tpu.memory_space<vmem>>) dst(%dma_wait3A_3491 : memref<16xf32, #tpu.memory_space<hbm>>)
      tpu.yield
    }) : () -> ()
    "tpu.region"() ({
      %run_scoped3A = tpu.sem_alloc : memref<!tpu.dma_semaphore, #tpu.memory_space<semaphore_mem>>
      %dma_start3A = arith.constant 0 : i32
      %dma_start3A_3490 = tpu.memref_slice %arg7[%add3A_3489, %dma_start3A] : memref<1024x112xf32, #tpu.memory_space<hbm>> -> memref<16x112xf32, #tpu.memory_space<hbm>>
      %dma_start3A_3491 = arith.constant 0 : i32
      %dma_start3A_3492 = tpu.memref_slice %arg7[%add3A_3489, %dma_start3A_3491] : memref<1024x112xf32, #tpu.memory_space<hbm>> -> memref<16x112xf32, #tpu.memory_space<hbm>>
      tpu.enqueue_dma source(%arg16 : memref<16x112xf32, #tpu.memory_space<vmem>>) target(%dma_start3A_3492 : memref<16x112xf32, #tpu.memory_space<hbm>>) target_semaphore(%run_scoped3A : memref<!tpu.dma_semaphore, #tpu.memory_space<semaphore_mem>>)
      %dma_wait3A = arith.constant 0 : i32
      %dma_wait3A_3493 = tpu.memref_slice %arg7[%add3A_3489, %dma_wait3A] : memref<1024x112xf32, #tpu.memory_space<hbm>> -> memref<16x112xf32, #tpu.memory_space<hbm>>
      %dma_wait3A_3494 = arith.constant 0 : i32
      %dma_wait3A_3495 = tpu.memref_slice %arg7[%add3A_3489, %dma_wait3A_3494] : memref<1024x112xf32, #tpu.memory_space<hbm>> -> memref<16x112xf32, #tpu.memory_space<hbm>>
      tpu.wait_dma2 semaphore(%run_scoped3A : memref<!tpu.dma_semaphore, #tpu.memory_space<semaphore_mem>>) src(%arg16 : memref<16x112xf32, #tpu.memory_space<vmem>>) dst(%dma_wait3A_3495 : memref<16x112xf32, #tpu.memory_space<hbm>>)
      tpu.yield
    }) : () -> ()
    "tpu.region"() ({
      %run_scoped3A = tpu.sem_alloc : memref<!tpu.dma_semaphore, #tpu.memory_space<semaphore_mem>>
      %dma_start3A = arith.constant 0 : i32
      %dma_start3A_3490 = tpu.memref_slice %arg8[%add3A_3489, %dma_start3A] : memref<1024x112xf32, #tpu.memory_space<hbm>> -> memref<16x112xf32, #tpu.memory_space<hbm>>
      %dma_start3A_3491 = arith.constant 0 : i32
      %dma_start3A_3492 = tpu.memref_slice %arg8[%add3A_3489, %dma_start3A_3491] : memref<1024x112xf32, #tpu.memory_space<hbm>> -> memref<16x112xf32, #tpu.memory_space<hbm>>
      tpu.enqueue_dma source(%arg17 : memref<16x112xf32, #tpu.memory_space<vmem>>) target(%dma_start3A_3492 : memref<16x112xf32, #tpu.memory_space<hbm>>) target_semaphore(%run_scoped3A : memref<!tpu.dma_semaphore, #tpu.memory_space<semaphore_mem>>)
      %dma_wait3A = arith.constant 0 : i32
      %dma_wait3A_3493 = tpu.memref_slice %arg8[%add3A_3489, %dma_wait3A] : memref<1024x112xf32, #tpu.memory_space<hbm>> -> memref<16x112xf32, #tpu.memory_space<hbm>>
      %dma_wait3A_3494 = arith.constant 0 : i32
      %dma_wait3A_3495 = tpu.memref_slice %arg8[%add3A_3489, %dma_wait3A_3494] : memref<1024x112xf32, #tpu.memory_space<hbm>> -> memref<16x112xf32, #tpu.memory_space<hbm>>
      tpu.wait_dma2 semaphore(%run_scoped3A : memref<!tpu.dma_semaphore, #tpu.memory_space<semaphore_mem>>) src(%arg17 : memref<16x112xf32, #tpu.memory_space<vmem>>) dst(%dma_wait3A_3495 : memref<16x112xf32, #tpu.memory_space<hbm>>)
      tpu.yield
    }) : () -> ()
    "tpu.region"() ({
      %run_scoped3A = tpu.sem_alloc : memref<!tpu.dma_semaphore, #tpu.memory_space<semaphore_mem>>
      %dma_start3A = arith.constant 0 : i32
      %dma_start3A_3490 = tpu.memref_slice %arg9[%add3A_3489, %dma_start3A] : memref<1024x112xf32, #tpu.memory_space<hbm>> -> memref<16x112xf32, #tpu.memory_space<hbm>>
      %dma_start3A_3491 = arith.constant 0 : i32
      %dma_start3A_3492 = tpu.memref_slice %arg9[%add3A_3489, %dma_start3A_3491] : memref<1024x112xf32, #tpu.memory_space<hbm>> -> memref<16x112xf32, #tpu.memory_space<hbm>>
      tpu.enqueue_dma source(%arg18 : memref<16x112xf32, #tpu.memory_space<vmem>>) target(%dma_start3A_3492 : memref<16x112xf32, #tpu.memory_space<hbm>>) target_semaphore(%run_scoped3A : memref<!tpu.dma_semaphore, #tpu.memory_space<semaphore_mem>>)
      %dma_wait3A = arith.constant 0 : i32
      %dma_wait3A_3493 = tpu.memref_slice %arg9[%add3A_3489, %dma_wait3A] : memref<1024x112xf32, #tpu.memory_space<hbm>> -> memref<16x112xf32, #tpu.memory_space<hbm>>
      %dma_wait3A_3494 = arith.constant 0 : i32
      %dma_wait3A_3495 = tpu.memref_slice %arg9[%add3A_3489, %dma_wait3A_3494] : memref<1024x112xf32, #tpu.memory_space<hbm>> -> memref<16x112xf32, #tpu.memory_space<hbm>>
      tpu.wait_dma2 semaphore(%run_scoped3A : memref<!tpu.dma_semaphore, #tpu.memory_space<semaphore_mem>>) src(%arg18 : memref<16x112xf32, #tpu.memory_space<vmem>>) dst(%dma_wait3A_3495 : memref<16x112xf32, #tpu.memory_space<hbm>>)
      tpu.yield
    }) : () -> ()
    "tpu.region"() ({
      %run_scoped3A = tpu.sem_alloc : memref<!tpu.dma_semaphore, #tpu.memory_space<semaphore_mem>>
      %dma_start3A = arith.constant 0 : i32
      %dma_start3A_3490 = tpu.memref_slice %arg10[%add3A_3489, %dma_start3A] : memref<1024x32xf32, #tpu.memory_space<hbm>> -> memref<16x32xf32, #tpu.memory_space<hbm>>
      %dma_start3A_3491 = arith.constant 0 : i32
      %dma_start3A_3492 = tpu.memref_slice %arg10[%add3A_3489, %dma_start3A_3491] : memref<1024x32xf32, #tpu.memory_space<hbm>> -> memref<16x32xf32, #tpu.memory_space<hbm>>
      tpu.enqueue_dma source(%arg19 : memref<16x32xf32, #tpu.memory_space<vmem>>) target(%dma_start3A_3492 : memref<16x32xf32, #tpu.memory_space<hbm>>) target_semaphore(%run_scoped3A : memref<!tpu.dma_semaphore, #tpu.memory_space<semaphore_mem>>)
      %dma_wait3A = arith.constant 0 : i32
      %dma_wait3A_3493 = tpu.memref_slice %arg10[%add3A_3489, %dma_wait3A] : memref<1024x32xf32, #tpu.memory_space<hbm>> -> memref<16x32xf32, #tpu.memory_space<hbm>>
      %dma_wait3A_3494 = arith.constant 0 : i32
      %dma_wait3A_3495 = tpu.memref_slice %arg10[%add3A_3489, %dma_wait3A_3494] : memref<1024x32xf32, #tpu.memory_space<hbm>> -> memref<16x32xf32, #tpu.memory_space<hbm>>
      tpu.wait_dma2 semaphore(%run_scoped3A : memref<!tpu.dma_semaphore, #tpu.memory_space<semaphore_mem>>) src(%arg19 : memref<16x32xf32, #tpu.memory_space<vmem>>) dst(%dma_wait3A_3495 : memref<16x32xf32, #tpu.memory_space<hbm>>)
      tpu.yield
    }) : () -> ()
    "tpu.region"() ({
      %run_scoped3A = tpu.sem_alloc : memref<!tpu.dma_semaphore, #tpu.memory_space<semaphore_mem>>
      %dma_start3A = arith.constant 0 : i32
      %dma_start3A_3490 = tpu.memref_slice %arg11[%add3A_3489, %dma_start3A] : memref<1024x32xf32, #tpu.memory_space<hbm>> -> memref<16x32xf32, #tpu.memory_space<hbm>>
      %dma_start3A_3491 = arith.constant 0 : i32
      %dma_start3A_3492 = tpu.memref_slice %arg11[%add3A_3489, %dma_start3A_3491] : memref<1024x32xf32, #tpu.memory_space<hbm>> -> memref<16x32xf32, #tpu.memory_space<hbm>>
      tpu.enqueue_dma source(%arg20 : memref<16x32xf32, #tpu.memory_space<vmem>>) target(%dma_start3A_3492 : memref<16x32xf32, #tpu.memory_space<hbm>>) target_semaphore(%run_scoped3A : memref<!tpu.dma_semaphore, #tpu.memory_space<semaphore_mem>>)
      %dma_wait3A = arith.constant 0 : i32
      %dma_wait3A_3493 = tpu.memref_slice %arg11[%add3A_3489, %dma_wait3A] : memref<1024x32xf32, #tpu.memory_space<hbm>> -> memref<16x32xf32, #tpu.memory_space<hbm>>
      %dma_wait3A_3494 = arith.constant 0 : i32
      %dma_wait3A_3495 = tpu.memref_slice %arg11[%add3A_3489, %dma_wait3A_3494] : memref<1024x32xf32, #tpu.memory_space<hbm>> -> memref<16x32xf32, #tpu.memory_space<hbm>>
      tpu.wait_dma2 semaphore(%run_scoped3A : memref<!tpu.dma_semaphore, #tpu.memory_space<semaphore_mem>>) src(%arg20 : memref<16x32xf32, #tpu.memory_space<vmem>>) dst(%dma_wait3A_3495 : memref<16x32xf32, #tpu.memory_space<hbm>>)
      tpu.yield
    }) : () -> ()
    "tpu.region"() ({
      %run_scoped3A = tpu.sem_alloc : memref<!tpu.dma_semaphore, #tpu.memory_space<semaphore_mem>>
      %dma_start3A = arith.constant 0 : i32
      %dma_start3A_3490 = tpu.memref_slice %arg12[%add3A_3489, %dma_start3A] : memref<1024x32xf32, #tpu.memory_space<hbm>> -> memref<16x32xf32, #tpu.memory_space<hbm>>
      %dma_start3A_3491 = arith.constant 0 : i32
      %dma_start3A_3492 = tpu.memref_slice %arg12[%add3A_3489, %dma_start3A_3491] : memref<1024x32xf32, #tpu.memory_space<hbm>> -> memref<16x32xf32, #tpu.memory_space<hbm>>
      tpu.enqueue_dma source(%arg21 : memref<16x32xf32, #tpu.memory_space<vmem>>) target(%dma_start3A_3492 : memref<16x32xf32, #tpu.memory_space<hbm>>) target_semaphore(%run_scoped3A : memref<!tpu.dma_semaphore, #tpu.memory_space<semaphore_mem>>)
      %dma_wait3A = arith.constant 0 : i32
      %dma_wait3A_3493 = tpu.memref_slice %arg12[%add3A_3489, %dma_wait3A] : memref<1024x32xf32, #tpu.memory_space<hbm>> -> memref<16x32xf32, #tpu.memory_space<hbm>>
      %dma_wait3A_3494 = arith.constant 0 : i32
      %dma_wait3A_3495 = tpu.memref_slice %arg12[%add3A_3489, %dma_wait3A_3494] : memref<1024x32xf32, #tpu.memory_space<hbm>> -> memref<16x32xf32, #tpu.memory_space<hbm>>
      tpu.wait_dma2 semaphore(%run_scoped3A : memref<!tpu.dma_semaphore, #tpu.memory_space<semaphore_mem>>) src(%arg21 : memref<16x32xf32, #tpu.memory_space<vmem>>) dst(%dma_wait3A_3495 : memref<16x32xf32, #tpu.memory_space<hbm>>)
      tpu.yield
    }) : () -> ()
    return
  }
}

module attributes {stable_mosaic.version = 14 : i64} {
  func.func @_tc_finalize_body(%arg0: memref<1024x1xf32, #tpu.memory_space<vmem>>, %arg1: memref<1024x1xf32, #tpu.memory_space<vmem>>, %arg2: memref<1024x1xf32, #tpu.memory_space<vmem>>, %arg3: memref<1024x112xf32, #tpu.memory_space<vmem>>, %arg4: memref<1024x112xf32, #tpu.memory_space<vmem>>, %arg5: memref<1024x112xf32, #tpu.memory_space<vmem>>, %arg6: memref<1024x32xf32, #tpu.memory_space<vmem>>, %arg7: memref<1024x32xf32, #tpu.memory_space<vmem>>, %arg8: memref<1024x32xf32, #tpu.memory_space<vmem>>, %arg9: memref<1024x402xf32, #tpu.memory_space<vmem>>) attributes {dimension_semantics = [], scalar_prefetch = 0 : i64, scratch_operands = 0 : i64, tpu.core_type = #tpu.core_type<tc>} {
    %get3A = arith.constant 0 : index
    %get3A_0 = arith.constant 0 : index
    %get3A_1 = vector.load %arg0[%get3A, %get3A_0] : memref<1024x1xf32, #tpu.memory_space<vmem>>, vector<1024x1xf32>
    %get3A_2 = arith.constant 0 : index
    %get3A_3 = arith.constant 0 : index
    %get3A_4 = vector.load %arg1[%get3A_2, %get3A_3] : memref<1024x1xf32, #tpu.memory_space<vmem>>, vector<1024x1xf32>
    %get3A_5 = arith.constant 0 : index
    %get3A_6 = arith.constant 0 : index
    %get3A_7 = vector.load %arg2[%get3A_5, %get3A_6] : memref<1024x1xf32, #tpu.memory_space<vmem>>, vector<1024x1xf32>
    %add3A = arith.constant 9.99999971E-10 : f32
    %add3A_8 = vector.broadcast %add3A : f32 to vector<1024x1xf32>
    %add3A_9 = arith.addf %get3A_1, %add3A_8 : vector<1024x1xf32>
    %div3A = arith.divf %get3A_4, %add3A_9 : vector<1024x1xf32>
    %mul3A = arith.mulf %get3A_4, %get3A_4 : vector<1024x1xf32>
    %div3A_10 = arith.divf %mul3A, %add3A_9 : vector<1024x1xf32>
    %sub3A = arith.subf %get3A_7, %div3A_10 : vector<1024x1xf32>
    %jit3A = arith.constant 0.000000e+00 : f32
    %max3A = vector.broadcast %jit3A : f32 to vector<1024x1xf32>
    %max3A_11 = arith.maximumf %max3A, %sub3A : vector<1024x1xf32>
    %sub3A_12 = arith.constant 1.000000e+00 : f32
    %sub3A_13 = vector.broadcast %sub3A_12 : f32 to vector<1024x1xf32>
    %sub3A_14 = arith.subf %get3A_1, %sub3A_13 : vector<1024x1xf32>
    %jit3A_15 = arith.constant 0.000000e+00 : f32
    %max3A_16 = vector.broadcast %jit3A_15 : f32 to vector<1024x1xf32>
    %max3A_17 = arith.maximumf %max3A_16, %sub3A_14 : vector<1024x1xf32>
    %add3A_18 = arith.constant 9.99999971E-10 : f32
    %add3A_19 = vector.broadcast %add3A_18 : f32 to vector<1024x1xf32>
    %add3A_20 = arith.addf %max3A_17, %add3A_19 : vector<1024x1xf32>
    %div3A_21 = arith.divf %max3A_11, %add3A_20 : vector<1024x1xf32>
    %sqrt3A = math.sqrt %div3A_21 : vector<1024x1xf32>
    %get3A_22 = arith.constant 0 : index
    %get3A_23 = arith.constant 0 : index
    %get3A_24 = vector.load %arg3[%get3A_22, %get3A_23] : memref<1024x112xf32, #tpu.memory_space<vmem>>, vector<1024x112xf32>
    %get3A_25 = arith.constant 0 : index
    %get3A_26 = arith.constant 0 : index
    %get3A_27 = vector.load %arg4[%get3A_25, %get3A_26] : memref<1024x112xf32, #tpu.memory_space<vmem>>, vector<1024x112xf32>
    %get3A_28 = arith.constant 0 : index
    %get3A_29 = arith.constant 0 : index
    %get3A_30 = vector.load %arg5[%get3A_28, %get3A_29] : memref<1024x112xf32, #tpu.memory_space<vmem>>, vector<1024x112xf32>
    %iota3A = tpu.iota {dimensions = array<i32: 1>} : vector<1024x112xi32>
    %eq3A = arith.constant 0 : i32
    %eq3A_31 = vector.broadcast %eq3A : i32 to vector<1024x112xi32>
    %eq3A_32 = arith.cmpi eq, %iota3A, %eq3A_31 : vector<1024x112xi32>
    %jit3A_33 = arith.constant 0.000000e+00 : f32
    %broadcast_in_dim3A = vector.broadcast %jit3A_33 : f32 to vector<1024x112xf32>
    %select_n3A = arith.select %eq3A_32, %broadcast_in_dim3A, %get3A_24 : vector<1024x112xi1>, vector<1024x112xf32>
    %add3A_34 = arith.constant 9.99999971E-10 : f32
    %add3A_35 = vector.broadcast %add3A_34 : f32 to vector<1024x112xf32>
    %add3A_36 = arith.addf %select_n3A, %add3A_35 : vector<1024x112xf32>
    %div3A_37 = arith.divf %get3A_27, %add3A_36 : vector<1024x112xf32>
    %mul3A_38 = arith.mulf %get3A_27, %get3A_27 : vector<1024x112xf32>
    %add3A_39 = arith.constant 9.99999971E-10 : f32
    %add3A_40 = vector.broadcast %add3A_39 : f32 to vector<1024x112xf32>
    %add3A_41 = arith.addf %select_n3A, %add3A_40 : vector<1024x112xf32>
    %div3A_42 = arith.divf %mul3A_38, %add3A_41 : vector<1024x112xf32>
    %sub3A_43 = arith.subf %get3A_30, %div3A_42 : vector<1024x112xf32>
    %jit3A_44 = arith.constant 0.000000e+00 : f32
    %max3A_45 = vector.broadcast %jit3A_44 : f32 to vector<1024x112xf32>
    %max3A_46 = arith.maximumf %max3A_45, %sub3A_43 : vector<1024x112xf32>
    %sub3A_47 = arith.constant 1.000000e+00 : f32
    %sub3A_48 = vector.broadcast %sub3A_47 : f32 to vector<1024x112xf32>
    %sub3A_49 = arith.subf %select_n3A, %sub3A_48 : vector<1024x112xf32>
    %jit3A_50 = arith.constant 0.000000e+00 : f32
    %max3A_51 = vector.broadcast %jit3A_50 : f32 to vector<1024x112xf32>
    %max3A_52 = arith.maximumf %max3A_51, %sub3A_49 : vector<1024x112xf32>
    %add3A_53 = arith.constant 9.99999971E-10 : f32
    %add3A_54 = vector.broadcast %add3A_53 : f32 to vector<1024x112xf32>
    %add3A_55 = arith.addf %max3A_52, %add3A_54 : vector<1024x112xf32>
    %div3A_56 = arith.divf %max3A_46, %add3A_55 : vector<1024x112xf32>
    %sqrt3A_57 = math.sqrt %div3A_56 : vector<1024x112xf32>
    %gt3A = arith.constant 0.000000e+00 : f32
    %gt3A_58 = vector.broadcast %gt3A : f32 to vector<1024x112xf32>
    %gt3A_59 = arith.cmpf ogt, %select_n3A, %gt3A_58 : vector<1024x112xf32>
    %convert_element_type3A = arith.extui %gt3A_59 : vector<1024x112xi1> to vector<1024x112xi32>
    %convert_element_type3A_60 = arith.sitofp %convert_element_type3A : vector<1024x112xi32> to vector<1024x112xf32>
    %reduce_sum3A = arith.constant dense<0.000000e+00> : vector<1024xf32>
    %reduce_sum3A_61 = vector.multi_reduction <add>, %convert_element_type3A_60, %reduce_sum3A [1] : vector<1024x112xf32> to vector<1024xf32>
    %broadcast_in_dim3A_62 = vector.shape_cast %reduce_sum3A_61 : vector<1024xf32> to vector<1024x1xf32>
    %slice3A = vector.extract_strided_slice %select_n3A {offsets = [0, 0], sizes = [1024, 100], strides = [1, 1]} : vector<1024x112xf32> to vector<1024x100xf32>
    %slice3A_63 = vector.extract_strided_slice %div3A_37 {offsets = [0, 0], sizes = [1024, 100], strides = [1, 1]} : vector<1024x112xf32> to vector<1024x100xf32>
    %slice3A_64 = vector.extract_strided_slice %sqrt3A_57 {offsets = [0, 0], sizes = [1024, 100], strides = [1, 1]} : vector<1024x112xf32> to vector<1024x100xf32>
    %get3A_65 = arith.constant 0 : index
    %get3A_66 = arith.constant 0 : index
    %get3A_67 = vector.load %arg6[%get3A_65, %get3A_66] : memref<1024x32xf32, #tpu.memory_space<vmem>>, vector<1024x32xf32>
    %get3A_68 = arith.constant 0 : index
    %get3A_69 = arith.constant 0 : index
    %get3A_70 = vector.load %arg7[%get3A_68, %get3A_69] : memref<1024x32xf32, #tpu.memory_space<vmem>>, vector<1024x32xf32>
    %get3A_71 = arith.constant 0 : index
    %get3A_72 = arith.constant 0 : index
    %get3A_73 = vector.load %arg8[%get3A_71, %get3A_72] : memref<1024x32xf32, #tpu.memory_space<vmem>>, vector<1024x32xf32>
    %iota3A_74 = tpu.iota {dimensions = array<i32: 1>} : vector<1024x32xi32>
    %eq3A_75 = arith.constant 0 : i32
    %eq3A_76 = vector.broadcast %eq3A_75 : i32 to vector<1024x32xi32>
    %eq3A_77 = arith.cmpi eq, %iota3A_74, %eq3A_76 : vector<1024x32xi32>
    %jit3A_78 = arith.constant 0.000000e+00 : f32
    %broadcast_in_dim3A_79 = vector.broadcast %jit3A_78 : f32 to vector<1024x32xf32>
    %select_n3A_80 = arith.select %eq3A_77, %broadcast_in_dim3A_79, %get3A_67 : vector<1024x32xi1>, vector<1024x32xf32>
    %add3A_81 = arith.constant 9.99999971E-10 : f32
    %add3A_82 = vector.broadcast %add3A_81 : f32 to vector<1024x32xf32>
    %add3A_83 = arith.addf %select_n3A_80, %add3A_82 : vector<1024x32xf32>
    %div3A_84 = arith.divf %get3A_70, %add3A_83 : vector<1024x32xf32>
    %mul3A_85 = arith.mulf %get3A_70, %get3A_70 : vector<1024x32xf32>
    %add3A_86 = arith.constant 9.99999971E-10 : f32
    %add3A_87 = vector.broadcast %add3A_86 : f32 to vector<1024x32xf32>
    %add3A_88 = arith.addf %select_n3A_80, %add3A_87 : vector<1024x32xf32>
    %div3A_89 = arith.divf %mul3A_85, %add3A_88 : vector<1024x32xf32>
    %sub3A_90 = arith.subf %get3A_73, %div3A_89 : vector<1024x32xf32>
    %jit3A_91 = arith.constant 0.000000e+00 : f32
    %max3A_92 = vector.broadcast %jit3A_91 : f32 to vector<1024x32xf32>
    %max3A_93 = arith.maximumf %max3A_92, %sub3A_90 : vector<1024x32xf32>
    %sub3A_94 = arith.constant 1.000000e+00 : f32
    %sub3A_95 = vector.broadcast %sub3A_94 : f32 to vector<1024x32xf32>
    %sub3A_96 = arith.subf %select_n3A_80, %sub3A_95 : vector<1024x32xf32>
    %jit3A_97 = arith.constant 0.000000e+00 : f32
    %max3A_98 = vector.broadcast %jit3A_97 : f32 to vector<1024x32xf32>
    %max3A_99 = arith.maximumf %max3A_98, %sub3A_96 : vector<1024x32xf32>
    %add3A_100 = arith.constant 9.99999971E-10 : f32
    %add3A_101 = vector.broadcast %add3A_100 : f32 to vector<1024x32xf32>
    %add3A_102 = arith.addf %max3A_99, %add3A_101 : vector<1024x32xf32>
    %div3A_103 = arith.divf %max3A_93, %add3A_102 : vector<1024x32xf32>
    %sqrt3A_104 = math.sqrt %div3A_103 : vector<1024x32xf32>
    %gt3A_105 = arith.constant 0.000000e+00 : f32
    %gt3A_106 = vector.broadcast %gt3A_105 : f32 to vector<1024x32xf32>
    %gt3A_107 = arith.cmpf ogt, %select_n3A_80, %gt3A_106 : vector<1024x32xf32>
    %convert_element_type3A_108 = arith.extui %gt3A_107 : vector<1024x32xi1> to vector<1024x32xi32>
    %convert_element_type3A_109 = arith.sitofp %convert_element_type3A_108 : vector<1024x32xi32> to vector<1024x32xf32>
    %reduce_sum3A_110 = arith.constant dense<0.000000e+00> : vector<1024xf32>
    %reduce_sum3A_111 = vector.multi_reduction <add>, %convert_element_type3A_109, %reduce_sum3A_110 [1] : vector<1024x32xf32> to vector<1024xf32>
    %broadcast_in_dim3A_112 = vector.shape_cast %reduce_sum3A_111 : vector<1024xf32> to vector<1024x1xf32>
    %concatenate3A = tpu.concatenate %get3A_1, %get3A_4, %div3A, %sqrt3A, %slice3A, %slice3A_63, %slice3A_64, %select_n3A_80, %div3A_84, %sqrt3A_104, %broadcast_in_dim3A_62, %broadcast_in_dim3A_112 in 1 : vector<1024x1xf32>, vector<1024x1xf32>, vector<1024x1xf32>, vector<1024x1xf32>, vector<1024x100xf32>, vector<1024x100xf32>, vector<1024x100xf32>, vector<1024x32xf32>, vector<1024x32xf32>, vector<1024x32xf32>, vector<1024x1xf32>, vector<1024x1xf32> -> vector<1024x402xf32>
    %swap3A = arith.constant 0 : index
    %swap3A_113 = arith.constant 0 : index
    %swap3A_114 = vector.load %arg9[%swap3A, %swap3A_113] : memref<1024x402xf32, #tpu.memory_space<vmem>>, vector<1024x402xf32>
    tpu.vector_store %arg9[%swap3A, %swap3A_113], %concatenate3A {strides = array<i32>} : memref<1024x402xf32, #tpu.memory_space<vmem>>, vector<1024x402xf32>,
    return
  }
}

</mosaic_0001>

<sc_bundles>
// kernel: kernel.4.cloned.1.call-start
scs
__scs_entry_jumppad:
0x0: {  	(pc) =	sbr.rel $0x88, $3  }
0x1: {  	(tag) =	ssettag $0x0;
	lr =	simm.s32 $0x1  }
0x2: {  	[smem:$0x3F9D] =	sst lr;
	_ =	strace $0xD0000000  }
0x3: {  	_ = 	snop  }
0x4: {  	_ = 	snop  }
0x5: {  	_ = 	snop  }
0x6: {  	_ = 	snop  }
0x7: {  	_ = 	snop  }
__scs_overlays_trampoline_lowered:
0x8: {  	[smem:$0x3FAC] =	sst s0  }
0x9: {  	[smem:$0x3FAD] =	sst s1  }
0xa: {  	[smem:$0x3FAE] =	sst s2  }
0xb: {  	[smem:$0x3FAF] =	sst s3  }
0xc: {  	[smem:$0x3FB0] =	sst s4  }
0xd: {  	[smem:$0x3FB1] =	sst s5  }
0xe: {  	[smem:$0x3FB2] =	sst s6  }
0xf: {  	[smem:$0x3FB3] =	sst s7  }
0x10: {  	[smem:$0x3FB4] =	sst s8  }
0x11: {  	[smem:$0x3FB5] =	sst s9;
	s0 =	simm.s32 @!p0 $0x0  }
0x12: {  	s1 =	sld [smem:$0x3F9B];
	s0 =	simm.s32 @p0 $0x1  }
0x13: {  	[smem:$0x3FB6] =	sst s0;
	s0 =	simm.s32 @!p1 $0x0  }
0x14: {  	s2 =	sld [smem:$0x3F9A];
	s0 =	simm.s32 @p1 $0x1  }
0x15: {  	[smem:$0x3FB7] =	sst s0;
	s0 =	simm.s32 @!p2 $0x0  }
0x16: {  	s3 =	sld [smem:$0x3FDB];
	s0 =	simm.s32 @p2 $0x1  }
0x17: {  	s4 =	simm.s32 $0x1BF5;
	[smem:$0x3FB9] =	sst s0  }
0x18: {  	s0 =	sld [smem:$0x3F9C];
	_ =	swait.ge [sflag:s4], $0x0  }
0x19: {  	s7 =	sld [smem:$0x3F9D]  }
0x1a: {  	s8 =	sadd.s32 $0xFFFFE003, lr  }
0x1b: {  	s9 =	sadd.s32 $0xFFFFFEF7, lr;
	s5 =	simm.s32 $0xFFFFFFFF;
	p2 =	slt.u32 s8, $0xFFFFF086  }
0x1c: {  	p1 =	slt.u32 s9, $0xF7A;
	s5 =	simm.s32 @!p2 $0x0  }
0x1d: {  	s5 =	simm.s32 @p1 $0x1;
	p0 =	seq.s32 s7, s2  }
0x1e: {  	s7 =	smul.u32 @!p0 $0xF7A, s2;
	p2 =	seq.s32 @!p0 s5, $0x0  }
0x1f: {  	s9 =	smul.u32 $0xF7A, s1;
	s8 =	simm.s32 @!p0 $0x1BF5;
	p2 =	por !p2, p0  }
0x20: {  	[sflag:s8] =	ssyncset.s32 @!p0 $0xFFFFF086;
	s6 =	sadd.s32 @!p0 s3, s7;
	s7 =	simm.s32 @!p0 $0x108  }
0x21: {  	s3 =	sadd.s32 s3, s9;
	s6 =	sadd.s32 @!p0 $0x88, s6;
	s7 =	simm.s32 @p2 $0x1082  }
0x22: {  	[simem:s7], [sflag:s8] =	dma.local @!p0 [hbm:s6], $0xF7A  }
0x23: {  	s9 =	sor.u32 $0xD0000000, s2;
	s6 =	simm.s32 $0x108;
	_ =	swait.ge @!p0 [sflag:s8], $0x0  }
0x24: {  	s3 =	sadd.s32 $0x88, s3;
	s6 =	simm.s32 @!p1 $0x1082;
	[sflag:s4] =	ssyncset.s32 $0xFFFFF086  }
0x25: {  	[simem:s6], [sflag:s4] =	dma.local [hbm:s3], $0xF7A  }
0x26: {  	[smem:$0x3F9D] =	sst s1;
	(tag) =	ssettag s2;
	_ =	strace s9  }
0x27: {  	s1 =	sld [smem:$0x3FAD]  }
0x28: {  	s2 =	sld [smem:$0x3FAE]  }
0x29: {  	s4 =	sld [smem:$0x3FB0]  }
0x2a: {  	p0 =	seq.s32 s5, $0x0;
	s5 =	sld [smem:$0x3FB1]  }
0x2b: {  	s6 =	sld [smem:$0x3FB2]  }
0x2c: {  	s7 =	sld [smem:$0x3FB3]  }
0x2d: {  	s3 =	simm.s32 $0x108;
	s8 =	sld [smem:$0x3FB4]  }
0x2e: {  	s3 =	simm.s32 @!p0 $0x1082;
	s9 =	sld [smem:$0x3FB5]  }
0x2f: {  	lr =	sadd.s32 s0, s3;
	s0 =	sld [smem:$0x3FAC]  }
0x30: {  	s3 =	sld [smem:$0x3FAF]  }
0x31: {  	[smem:$0x3FB8] =	sst s10  }
0x32: {  	s10 =	sld [smem:$0x3FB6];
	_ =	sdelay $0x3  }
0x33: {  	p0 =	seq.s32 s10, $0x1;
	s10 =	sld [smem:$0x3FB8];
	_ =	sdelay $0x3  }
0x34: {  	[smem:$0x3FB8] =	sst s10  }
0x35: {  	s10 =	sld [smem:$0x3FB7];
	_ =	sdelay $0x3  }
0x36: {  	p1 =	seq.s32 s10, $0x1;
	s10 =	sld [smem:$0x3FB8];
	_ =	sdelay $0x3  }
0x37: {  	[smem:$0x3FB8] =	sst s10  }
0x38: {  	s10 =	sld [smem:$0x3FB9]  }
0x39: {  	_ = 	snop;
	(pc) =	sbr.ind lr, $3  }
0x3a: {  	_ = 	snop  }
0x3b: {  	_ = 	snop  }
0x3c: {  	p2 =	seq.s32 s10, $0x1;
	s10 =	sld [smem:$0x3FB8]  }
0x3d: {  	_ =	shalt  }
0x3e: {  	_ =	shalt  }
0x3f: {  	_ =	shalt  }
0x40: {  	_ =	shalt  }
0x41: {  	_ =	shalt  }
0x42: {  	_ =	shalt  }
0x43: {  	_ =	shalt  }
0x44: {  	_ =	shalt  }
0x45: {  	_ =	shalt  }
0x46: {  	_ =	shalt  }
0x47: {  	_ =	shalt  }
0x48: {  	_ =	shalt  }
0x49: {  	_ =	shalt  }
0x4a: {  	_ =	shalt  }
0x4b: {  	_ =	shalt  }
0x4c: {  	_ =	shalt  }
0x4d: {  	_ =	shalt  }
0x4e: {  	_ =	shalt  }
0x4f: {  	_ =	shalt  }
0x50: {  	_ =	shalt  }
0x51: {  	_ =	shalt  }
0x52: {  	_ =	shalt  }
0x53: {  	_ =	shalt  }
0x54: {  	_ =	shalt  }
0x55: {  	_ =	shalt  }
0x56: {  	_ =	shalt  }
0x57: {  	_ =	shalt  }
0x58: {  	_ =	shalt  }
0x59: {  	_ =	shalt  }
0x5a: {  	_ =	shalt  }
0x5b: {  	_ =	shalt  }
0x5c: {  	_ =	shalt  }
0x5d: {  	_ =	shalt  }
0x5e: {  	_ =	shalt  }
0x5f: {  	_ =	shalt  }
0x60: {  	_ =	shalt  }
0x61: {  	_ =	shalt  }
0x62: {  	_ =	shalt  }
0x63: {  	_ =	shalt  }
0x64: {  	_ =	shalt  }
0x65: {  	_ =	shalt  }
0x66: {  	_ =	shalt  }
0x67: {  	_ =	shalt  }
0x68: {  	_ =	shalt  }
0x69: {  	_ =	shalt  }
0x6a: {  	_ =	shalt  }
0x6b: {  	_ =	shalt  }
0x6c: {  	_ =	shalt  }
0x6d: {  	_ =	shalt  }
0x6e: {  	_ =	shalt  }
0x6f: {  	_ =	shalt  }
0x70: {  	_ =	shalt  }
0x71: {  	_ =	shalt  }
0x72: {  	_ =	shalt  }
0x73: {  	_ =	shalt  }
0x74: {  	_ =	shalt  }
0x75: {  	_ =	shalt  }
0x76: {  	_ =	shalt  }
0x77: {  	_ =	shalt  }
0x78: {  	_ =	shalt  }
0x79: {  	_ =	shalt  }
0x7a: {  	_ =	shalt  }
0x7b: {  	_ =	shalt  }
0x7c: {  	_ =	shalt  }
0x7d: {  	_ =	shalt  }
0x7e: {  	_ =	shalt  }
0x7f: {  	_ =	shalt  }
0x80: {  	_ =	shalt  }
0x81: {  	_ =	shalt  }
0x82: {  	_ =	shalt  }
0x83: {  	_ =	shalt  }
0x84: {  	_ =	shalt  }
0x85: {  	_ =	shalt  }
0x86: {  	_ =	shalt  }
0x87: {  	_ =	shalt  }
.Lfunc_end0:
.L_simem_size_0:
called_computation_lowered:
.L_overlay_start_0:
0x88: {  	s2 =	sld [smem:$0x3FD9]  }
0x89: {  	s3 =	sld [smem:$0x3FFE];
	_ =	sdelay $0x1  }
0x8a: {  	s1 =	srdreg.scid  }
0x8b: {  	s0 =	sand.u32 $0x1, s1  }
0x8c: {  	s17 =	sshll.u32 s0, $0xA;
	s2 =	sadd.s32 s3, s2  }
0x8d: {  	s2 =	sadd.s32 s2, s17  }
0x8e: {  	[smem:$0x3FC4] =	sst s2  }
0x8f: {  	_ = 	snop  }
0x90: {  	s2 =	sld [smem:$0x3FD0];
	(tm) =	ssettm $0x1  }
0x91: {  	s18 =	sld [smem:$0x3FFB];
	_ =	sdelay $0x3  }
0x92: {  	_ =	strace s18  }
0x93: {  	s3 =	sld [smem:$0x3FFC];
	_ =	sdelay $0x3  }
0x94: {  	_ =	strace s3  }
0x95: {  	s3 =	sld [smem:$0x3FFD];
	_ =	sdelay $0x3  }
0x96: {  	_ =	strace s3  }
0x97: {  	_ =	strace $0x8FFFFFFF  }
0x98: {  	s19 =	sld [smem:$0x3FDB];
	_ =	sdelay $0x1  }
0x99: {  	s4 =	simm.s32 $_scs_section_size  }
0x9a: {  	s5 =	simm.s32 $_size__tile_overlayer_lowered;
	s6 =	simm.s32 $_tile_overlayer_lowered  }
0x9b: {  	s22 =	simm.s32 $0x1BFF;
	s21 =	sshll.u32 s6, $0x1;
	s3 =	sadd.s32 s4, s19  }
0x9c: {  	s7 =	simm.s32 $0x0;
	s20 =	sshll.u32 s5, $0x1;
	s5 =	sadd.s32 s21, s3  }
0x9d: {  	[timem:s7], [sflag:s22] =	dma.local [hbm:s5], s20  }
0x9e: {  	_ =	swait.ge [sflag:s22], s20  }
0x9f: {  	s4 =	ssub.s32 $0x0, s20;
	[sflag:s22] =	ssyncset.done $0x0  }
0xa0: {  	[sflag:s22] =	ssyncadd.s32 s4;
	_ =	sdelay $0x1  }
0xa1: {  	s23 =	simm.s32 $0x1B8B  }
0xa2: {  	_ =	swait.ge [sflag:s23], $0x1  }
0xa3: {  	[sflag:s23] =	ssyncset.done $0x0  }
0xa4: {  	s25 =	simm.s32 $0x1B8E;
	s24 =	sld [smem:$0x3FFE];
	[sflag:s23] =	ssyncadd.s32 $0xFFFFFFFF  }
0xa5: {  	s26 =	simm.s32 $execute0_lowered;
	[smem:$0x3FD2] =	sst s25  }
0xa6: {  	s5 =	sshll.u32 s26, $0x1;
	_ =	strace $0x80000046;
	[dreg:$0x1] =	wrdreg $0xFFFFFFFF  }
0xa7: {  	s28 =	simm.s32 $_size_execute0_lowered;
	s3 =	sadd.s32 s3, s5;
	[dreg:$0x0] =	wrdreg $0x0  }
0xa8: {  	s5 =	sshll.u32 s28, $0x1;
	[dreg:$0x2] =	wrdreg s3  }
0xa9: {  	[dreg:$0x3] =	wrdreg s5  }
0xaa: {  	[dreg:$0x4] =	wrdreg $0xC0  }
0xab: {  	_ =	task [dreg:s7], $0x5FFFF  }
0xac: {  	[dreg:$0x1] =	wrdreg $0xFFFFFFFF  }
0xad: {  	[dreg:$0x0] =	wrdreg $0x60  }
0xae: {  	[dreg:$0x2] =	wrdreg s2  }
0xaf: {  	[dreg:$0x3] =	wrdreg s24  }
0xb0: {  	[dreg:$0x4] =	wrdreg $0x9  }
0xb1: {  	_ =	task.clear_ibuf [dreg:s7], $0x5FFFF;
	_ =	strace $0x90000046  }
0xb2: {  	s29 =	simm.s32 $0x9;
	_ =	strace $0x80000048  }
0xb3: {  	_ =	swait.ge [sflag:s29], $0x1  }
0xb4: {  	[sflag:s29] =	ssyncadd.s32 $0xFFFFFFFF  }
0xb5: {  	_ =	strace $0x90000048  }
0xb6: {  	_ =	sfence  }
0xb7: {  	s30 =	sld [smem:$0x0];
	_ =	sdelay $0x2  }
0xb8: {  	s31 =	sshll.u32 s1, $0xD;
	s1 =	sshrl.u32 s1, $0x2  }
0xb9: {  	s3 =	sand.u32 $0x4000, s31;
	s1 =	sadd.s32 s1, s30  }
0xba: {  	s0 =	sor.u32 s3, s0;
	s1 =	sshll.u32 s1, $0x11  }
0xbb: {  	s0 =	sor.u32 s1, s0  }
0xbc: {  	s0 =	sadd.s32 $0x8F2B, s0  }
0xbd: {  	[sflag:s0] =	ssyncadd.remote.s32 $0x1  }
0xbe: {  	_ =	sfence.sel $0xFFFF  }
0xbf: {  	[dreg:$0x0] =	wrdreg $0xFFFFFFFF;
	(pc) =	sbr.abs _section_cstart, $3  }
0xc0: {  	[dreg:$0x1] =	wrdreg $0xFFFFFFFF  }
0xc1: {  	_ =	task.clear_ibuf [dreg:s7], $0x2FFFF;
	_ =	strace $0x9FFFFFFF  }
0xc2: {  	(tm) =	ssettm $0x7FFFFFFF  }
0xc3: {  	_ =	shalt  }
tec
execute0_lowered:
.L_overlay_start_1:
0x0: {  	(tag) =	ssettag $0x1  }
0x1: {  	s0 =	srdreg.scid;
	s1 =	rddreg [dreg:$0x0]  }
0x2: {  	s2 =	stileid.u32;
	s3 =	rddreg [dreg:$0x1]  }
0x3: {  	s28 =	simm.s32 $0x5200;
	s29 =	simm.s32 $0x5900;
	s30 =	simm.s32 $0x6000  }
0x4: {  	s31 =	simm.s32 $0x6200;
	s0 =	sand.u32 $0x1, s0;
	s4 =	sshll.u32 s2, $0x6  }
0x5: {  	s2 =	simm.s32 $0x0;
	s14 =	sadd.s32 $0xE200, s3;
	s15 =	sadd.s32 $0xE000, s3  }
0x6: {  	s16 =	sadd.s32 $0xE400, s3;
	s17 =	sadd.s32 $0x11C00, s3;
	s18 =	sadd.s32 $0x15400, s3  }
0x7: {  	s19 =	sadd.s32 $0x18C00, s3;
	s20 =	sadd.s32 $0x19C00, s3;
	s5 =	sshll.u32 s0, $0x5  }
0x8: {  	[smem:$0x7FF] =	sst s2;
	s0 =	ssub.s32 $0x2, s0;
	s4 =	sor.u32 s5, s4  }
0x9: {  	_ =	strace $0x80000047;
	s7 =	sshrl.u32 s0, $0x1;
	s5 =	smul.u32 $0x19, s4  }
0xa: {  	s0 =	ssub.s32 s0, s7;
	s13 =	sshrl.u32 s4, $0x3;
	s21 =	smul.u32 $0xE, s4  }
0xb: {  	s24 =	sshll.u32 s4, $0x2;
	s4 =	sor.u32 $0x10, s4;
	s23 =	sadd.s32 s14, s13  }
0xc: {  	s7 =	sadd.s32 s15, s13;
	s11 =	sadd.s32 s19, s24;
	s25 =	sshrl.u32 s4, $0x3  }
0xd: {  	s12 =	sadd.s32 s20, s24;
	s26 =	sshll.u32 s4, $0x2;
	s6 =	sadd.s32 s5, s3  }
0xe: {  	s3 =	sadd.s32 $0x1AC00, s3;
	s1 =	sadd.s32 s1, s5;
	[dreg:$0x6] =	wrdreg s23  }
0xf: {  	s8 =	sadd.s32 s16, s21;
	s9 =	sadd.s32 s17, s21;
	s10 =	sadd.s32 s18, s21  }
0x10: {  	s21 =	smul.u32 $0xE, s4;
	s14 =	sadd.s32 s14, s25;
	s15 =	sadd.s32 s15, s25  }
0x11: {  	s19 =	sadd.s32 s19, s26;
	s20 =	sadd.s32 s20, s26;
	s23 =	simm.s32 $0x1  }
0x12: {  	s25 =	simm.s32 $0x3200;
	s4 =	simm.s32 $0x0;
	[dreg:$0x3] =	wrdreg s1  }
0x13: {  	s22 =	sadd.s32 $0x1800, s6;
	s6 =	sadd.s32 $0x7C00, s6;
	s13 =	sadd.s32 s3, s24  }
0x14: {  	v4 =	vlaneseq.u32;
	s24 =	simm.s32 $0x1900;
	s1 =	simm.s32 $0x6400;
	[dreg:$0x4] =	wrdreg s22  }
0x15: {  	v1 =	vimm.f32 $1.000000000e+00;
	v0 =	vmul.u32 $0xC8, v4;
	[dreg:$0x5] =	wrdreg s6;
	s16 =	sadd.s32 s16, s21;
	s17 =	sadd.s32 s17, s21  }
0x16: {  	v2 =	vand.u32 $0x7FFFFFFF, v1;
	s18 =	sadd.s32 s18, s21;
	s21 =	sadd.s32 s3, s26;
	s22 =	smax.u32 s0, $0x1  }
0x17: {  	v3 =	vmul.u32 $0x70, v4;
	v4 =	vmul.u32 $0x20, v4;
	v5 =	vadd.s32 $0xC80, v0;
	s26 =	simm.s32 $0x4B00;
	s0 =	simm.s32 $0x6600;
	s3 =	simm.s32 $0x6610  }
.LBB2_1:
0x18: {  	s5 =	rddreg [dreg:$0x3]  }
0x19: {  	[tilespmem:s2], [sflag:$0x1] =	stream.linear.gather [hbm4b:s5+s2], $0x1900, $0x38;
	[tilespmem:$0x6620] =	vst v63  }
0x1a: {  	_ =	swait.ge [sflag:s23], $0x1900  }
0x1b: {  	[sflag:s23] =	ssyncset.done $0x0  }
0x1c: {  	s6 =	rddreg [dreg:$0x4];
	[sflag:s23] =	ssyncadd.s32 $0xFFFFE700  }
0x1d: {  	[tilespmem:s24], [sflag:$0x1] =	stream.linear.gather [hbm4b:s6+s2], $0x1900, $0x38;
	[tilespmem:$0x6620] =	vst v63  }
0x1e: {  	_ =	swait.ge [sflag:s23], $0x1900  }
0x1f: {  	[sflag:s23] =	ssyncset.done $0x0  }
0x20: {  	s6 =	rddreg [dreg:$0x5];
	[sflag:s23] =	ssyncadd.s32 $0xFFFFE700  }
0x21: {  	[tilespmem:s25], [sflag:$0x1] =	stream.linear.gather [hbm4b:s6+s2], $0x1900, $0x38;
	[tilespmem:$0x6620] =	vst v63  }
0x22: {  	_ =	swait.ge [sflag:s23], $0x1900  }
0x23: {  	[sflag:s23] =	ssyncset.done $0x0  }
0x24: {  	v6 =	vimm.f32 $0.0e+00;
	[sflag:s23] =	ssyncadd.s32 $0xFFFFE700  }
0x25: {  	[tilespmem:$0x4B00] =	vst v6  }
0x26: {  	[tilespmem:$0x5200] =	vst v6  }
0x27: {  	[tilespmem:$0x5900] =	vst v6  }
0x28: {  	[tilespmem:$0x4B10] =	vst v6  }
0x29: {  	[tilespmem:$0x5210] =	vst v6  }
0x2a: {  	[tilespmem:$0x5910] =	vst v6  }
0x2b: {  	[tilespmem:$0x4B20] =	vst v6  }
0x2c: {  	[tilespmem:$0x5220] =	vst v6  }
0x2d: {  	[tilespmem:$0x5920] =	vst v6  }
0x2e: {  	[tilespmem:$0x4B30] =	vst v6  }
0x2f: {  	[tilespmem:$0x5230] =	vst v6  }
0x30: {  	[tilespmem:$0x5930] =	vst v6  }
0x31: {  	[tilespmem:$0x4B40] =	vst v6  }
0x32: {  	[tilespmem:$0x5240] =	vst v6  }
0x33: {  	[tilespmem:$0x5940] =	vst v6  }
0x34: {  	[tilespmem:$0x4B50] =	vst v6  }
0x35: {  	[tilespmem:$0x5250] =	vst v6  }
0x36: {  	[tilespmem:$0x5950] =	vst v6  }
0x37: {  	[tilespmem:$0x4B60] =	vst v6  }
0x38: {  	[tilespmem:$0x5260] =	vst v6  }
0x39: {  	[tilespmem:$0x5960] =	vst v6  }
0x3a: {  	[tilespmem:$0x6000] =	vst v6  }
0x3b: {  	[tilespmem:$0x6200] =	vst v6  }
0x3c: {  	[tilespmem:$0x6400] =	vst v6  }
0x3d: {  	[tilespmem:$0x6010] =	vst v6  }
0x3e: {  	[tilespmem:$0x6210] =	vst v6  }
0x3f: {  	[tilespmem:$0x6410] =	vst v6  }
0x40: {  	[tilespmem:$0x4B70] =	vst v6  }
0x41: {  	[tilespmem:$0x5270] =	vst v6  }
0x42: {  	[tilespmem:$0x5970] =	vst v6  }
0x43: {  	[tilespmem:$0x4B80] =	vst v6  }
0x44: {  	[tilespmem:$0x5280] =	vst v6  }
0x45: {  	[tilespmem:$0x5980] =	vst v6  }
0x46: {  	[tilespmem:$0x4B90] =	vst v6  }
0x47: {  	[tilespmem:$0x5290] =	vst v6  }
0x48: {  	[tilespmem:$0x5990] =	vst v6  }
0x49: {  	[tilespmem:$0x4BA0] =	vst v6  }
0x4a: {  	[tilespmem:$0x52A0] =	vst v6  }
0x4b: {  	[tilespmem:$0x59A0] =	vst v6  }
0x4c: {  	[tilespmem:$0x4BB0] =	vst v6  }
0x4d: {  	[tilespmem:$0x52B0] =	vst v6  }
0x4e: {  	[tilespmem:$0x59B0] =	vst v6  }
0x4f: {  	[tilespmem:$0x4BC0] =	vst v6  }
0x50: {  	[tilespmem:$0x52C0] =	vst v6  }
0x51: {  	[tilespmem:$0x59C0] =	vst v6  }
0x52: {  	[tilespmem:$0x4BD0] =	vst v6  }
0x53: {  	[tilespmem:$0x52D0] =	vst v6  }
0x54: {  	[tilespmem:$0x59D0] =	vst v6  }
0x55: {  	[tilespmem:$0x6020] =	vst v6  }
0x56: {  	[tilespmem:$0x6220] =	vst v6  }
0x57: {  	[tilespmem:$0x6420] =	vst v6  }
0x58: {  	[tilespmem:$0x6030] =	vst v6  }
0x59: {  	[tilespmem:$0x6230] =	vst v6  }
0x5a: {  	[tilespmem:$0x6430] =	vst v6  }
0x5b: {  	[tilespmem:$0x4BE0] =	vst v6  }
0x5c: {  	[tilespmem:$0x52E0] =	vst v6  }
0x5d: {  	[tilespmem:$0x59E0] =	vst v6  }
0x5e: {  	[tilespmem:$0x4BF0] =	vst v6  }
0x5f: {  	[tilespmem:$0x52F0] =	vst v6  }
0x60: {  	[tilespmem:$0x59F0] =	vst v6  }
0x61: {  	[tilespmem:$0x4C00] =	vst v6  }
0x62: {  	[tilespmem:$0x5300] =	vst v6  }
0x63: {  	[tilespmem:$0x5A00] =	vst v6  }
0x64: {  	[tilespmem:$0x4C10] =	vst v6  }
0x65: {  	[tilespmem:$0x5310] =	vst v6  }
0x66: {  	[tilespmem:$0x5A10] =	vst v6  }
0x67: {  	[tilespmem:$0x4C20] =	vst v6  }
0x68: {  	[tilespmem:$0x5320] =	vst v6  }
0x69: {  	[tilespmem:$0x5A20] =	vst v6  }
0x6a: {  	[tilespmem:$0x4C30] =	vst v6  }
0x6b: {  	[tilespmem:$0x5330] =	vst v6  }
0x6c: {  	[tilespmem:$0x5A30] =	vst v6  }
0x6d: {  	[tilespmem:$0x4C40] =	vst v6  }
0x6e: {  	[tilespmem:$0x5340] =	vst v6  }
0x6f: {  	[tilespmem:$0x5A40] =	vst v6  }
0x70: {  	[tilespmem:$0x6040] =	vst v6  }
0x71: {  	[tilespmem:$0x6240] =	vst v6  }
0x72: {  	[tilespmem:$0x6440] =	vst v6  }
0x73: {  	[tilespmem:$0x6050] =	vst v6  }
0x74: {  	[tilespmem:$0x6250] =	vst v6  }
0x75: {  	[tilespmem:$0x6450] =	vst v6  }
0x76: {  	[tilespmem:$0x4C50] =	vst v6  }
0x77: {  	[tilespmem:$0x5350] =	vst v6  }
0x78: {  	[tilespmem:$0x5A50] =	vst v6  }
0x79: {  	[tilespmem:$0x4C60] =	vst v6  }
0x7a: {  	[tilespmem:$0x5360] =	vst v6  }
0x7b: {  	[tilespmem:$0x5A60] =	vst v6  }
0x7c: {  	[tilespmem:$0x4C70] =	vst v6  }
0x7d: {  	[tilespmem:$0x5370] =	vst v6  }
0x7e: {  	[tilespmem:$0x5A70] =	vst v6  }
0x7f: {  	[tilespmem:$0x4C80] =	vst v6  }
0x80: {  	[tilespmem:$0x5380] =	vst v6  }
0x81: {  	[tilespmem:$0x5A80] =	vst v6  }
0x82: {  	[tilespmem:$0x4C90] =	vst v6  }
0x83: {  	[tilespmem:$0x5390] =	vst v6  }
0x84: {  	[tilespmem:$0x5A90] =	vst v6  }
0x85: {  	[tilespmem:$0x4CA0] =	vst v6  }
0x86: {  	[tilespmem:$0x53A0] =	vst v6  }
0x87: {  	[tilespmem:$0x5AA0] =	vst v6  }
0x88: {  	[tilespmem:$0x4CB0] =	vst v6  }
0x89: {  	[tilespmem:$0x53B0] =	vst v6  }
0x8a: {  	[tilespmem:$0x5AB0] =	vst v6  }
0x8b: {  	[tilespmem:$0x6060] =	vst v6  }
0x8c: {  	[tilespmem:$0x6260] =	vst v6  }
0x8d: {  	[tilespmem:$0x6460] =	vst v6  }
0x8e: {  	[tilespmem:$0x6070] =	vst v6  }
0x8f: {  	[tilespmem:$0x6270] =	vst v6  }
0x90: {  	[tilespmem:$0x6470] =	vst v6  }
0x91: {  	[tilespmem:$0x4CC0] =	vst v6  }
0x92: {  	[tilespmem:$0x53C0] =	vst v6  }
0x93: {  	[tilespmem:$0x5AC0] =	vst v6  }
0x94: {  	[tilespmem:$0x4CD0] =	vst v6  }
0x95: {  	[tilespmem:$0x53D0] =	vst v6  }
0x96: {  	[tilespmem:$0x5AD0] =	vst v6  }
0x97: {  	[tilespmem:$0x4CE0] =	vst v6  }
0x98: {  	[tilespmem:$0x53E0] =	vst v6  }
0x99: {  	[tilespmem:$0x5AE0] =	vst v6  }
0x9a: {  	[tilespmem:$0x4CF0] =	vst v6  }
0x9b: {  	[tilespmem:$0x53F0] =	vst v6  }
0x9c: {  	[tilespmem:$0x5AF0] =	vst v6  }
0x9d: {  	[tilespmem:$0x4D00] =	vst v6  }
0x9e: {  	[tilespmem:$0x5400] =	vst v6  }
0x9f: {  	[tilespmem:$0x5B00] =	vst v6  }
0xa0: {  	[tilespmem:$0x4D10] =	vst v6  }
0xa1: {  	[tilespmem:$0x5410] =	vst v6  }
0xa2: {  	[tilespmem:$0x5B10] =	vst v6  }
0xa3: {  	[tilespmem:$0x4D20] =	vst v6  }
0xa4: {  	[tilespmem:$0x5420] =	vst v6  }
0xa5: {  	[tilespmem:$0x5B20] =	vst v6  }
0xa6: {  	[tilespmem:$0x6080] =	vst v6  }
0xa7: {  	[tilespmem:$0x6280] =	vst v6  }
0xa8: {  	[tilespmem:$0x6480] =	vst v6  }
0xa9: {  	[tilespmem:$0x6090] =	vst v6  }
0xaa: {  	[tilespmem:$0x6290] =	vst v6  }
0xab: {  	[tilespmem:$0x6490] =	vst v6  }
0xac: {  	[tilespmem:$0x4D30] =	vst v6  }
0xad: {  	[tilespmem:$0x5430] =	vst v6  }
0xae: {  	[tilespmem:$0x5B30] =	vst v6  }
0xaf: {  	[tilespmem:$0x4D40] =	vst v6  }
0xb0: {  	[tilespmem:$0x5440] =	vst v6  }
0xb1: {  	[tilespmem:$0x5B40] =	vst v6  }
0xb2: {  	[tilespmem:$0x4D50] =	vst v6  }
0xb3: {  	[tilespmem:$0x5450] =	vst v6  }
0xb4: {  	[tilespmem:$0x5B50] =	vst v6  }
0xb5: {  	[tilespmem:$0x4D60] =	vst v6  }
0xb6: {  	[tilespmem:$0x5460] =	vst v6  }
0xb7: {  	[tilespmem:$0x5B60] =	vst v6  }
0xb8: {  	[tilespmem:$0x4D70] =	vst v6  }
0xb9: {  	[tilespmem:$0x5470] =	vst v6  }
0xba: {  	[tilespmem:$0x5B70] =	vst v6  }
0xbb: {  	[tilespmem:$0x4D80] =	vst v6  }
0xbc: {  	[tilespmem:$0x5480] =	vst v6  }
0xbd: {  	[tilespmem:$0x5B80] =	vst v6  }
0xbe: {  	[tilespmem:$0x4D90] =	vst v6  }
0xbf: {  	[tilespmem:$0x5490] =	vst v6  }
0xc0: {  	[tilespmem:$0x5B90] =	vst v6  }
0xc1: {  	[tilespmem:$0x60A0] =	vst v6  }
0xc2: {  	[tilespmem:$0x62A0] =	vst v6  }
0xc3: {  	[tilespmem:$0x64A0] =	vst v6  }
0xc4: {  	[tilespmem:$0x60B0] =	vst v6  }
0xc5: {  	[tilespmem:$0x62B0] =	vst v6  }
0xc6: {  	[tilespmem:$0x64B0] =	vst v6  }
0xc7: {  	[tilespmem:$0x4DA0] =	vst v6  }
0xc8: {  	[tilespmem:$0x54A0] =	vst v6  }
0xc9: {  	[tilespmem:$0x5BA0] =	vst v6  }
0xca: {  	[tilespmem:$0x4DB0] =	vst v6  }
0xcb: {  	[tilespmem:$0x54B0] =	vst v6  }
0xcc: {  	[tilespmem:$0x5BB0] =	vst v6  }
0xcd: {  	[tilespmem:$0x4DC0] =	vst v6  }
0xce: {  	[tilespmem:$0x54C0] =	vst v6  }
0xcf: {  	[tilespmem:$0x5BC0] =	vst v6  }
0xd0: {  	[tilespmem:$0x4DD0] =	vst v6  }
0xd1: {  	[tilespmem:$0x54D0] =	vst v6  }
0xd2: {  	[tilespmem:$0x5BD0] =	vst v6  }
0xd3: {  	[tilespmem:$0x4DE0] =	vst v6  }
0xd4: {  	[tilespmem:$0x54E0] =	vst v6  }
0xd5: {  	[tilespmem:$0x5BE0] =	vst v6  }
0xd6: {  	[tilespmem:$0x4DF0] =	vst v6  }
0xd7: {  	[tilespmem:$0x54F0] =	vst v6  }
0xd8: {  	[tilespmem:$0x5BF0] =	vst v6  }
0xd9: {  	[tilespmem:$0x4E00] =	vst v6  }
0xda: {  	[tilespmem:$0x5500] =	vst v6  }
0xdb: {  	[tilespmem:$0x5C00] =	vst v6  }
0xdc: {  	[tilespmem:$0x60C0] =	vst v6  }
0xdd: {  	[tilespmem:$0x62C0] =	vst v6  }
0xde: {  	[tilespmem:$0x64C0] =	vst v6  }
0xdf: {  	[tilespmem:$0x60D0] =	vst v6  }
0xe0: {  	[tilespmem:$0x62D0] =	vst v6  }
0xe1: {  	[tilespmem:$0x64D0] =	vst v6  }
0xe2: {  	[tilespmem:$0x4E10] =	vst v6  }
0xe3: {  	[tilespmem:$0x5510] =	vst v6  }
0xe4: {  	[tilespmem:$0x5C10] =	vst v6  }
0xe5: {  	[tilespmem:$0x4E20] =	vst v6  }
0xe6: {  	[tilespmem:$0x5520] =	vst v6  }
0xe7: {  	[tilespmem:$0x5C20] =	vst v6  }
0xe8: {  	[tilespmem:$0x4E30] =	vst v6  }
0xe9: {  	[tilespmem:$0x5530] =	vst v6  }
0xea: {  	[tilespmem:$0x5C30] =	vst v6  }
0xeb: {  	[tilespmem:$0x4E40] =	vst v6  }
0xec: {  	[tilespmem:$0x5540] =	vst v6  }
0xed: {  	[tilespmem:$0x5C40] =	vst v6  }
0xee: {  	[tilespmem:$0x4E50] =	vst v6  }
0xef: {  	[tilespmem:$0x5550] =	vst v6  }
0xf0: {  	[tilespmem:$0x5C50] =	vst v6  }
0xf1: {  	[tilespmem:$0x4E60] =	vst v6  }
0xf2: {  	[tilespmem:$0x5560] =	vst v6  }
0xf3: {  	[tilespmem:$0x5C60] =	vst v6  }
0xf4: {  	[tilespmem:$0x4E70] =	vst v6  }
0xf5: {  	[tilespmem:$0x5570] =	vst v6  }
0xf6: {  	[tilespmem:$0x5C70] =	vst v6  }
0xf7: {  	[tilespmem:$0x60E0] =	vst v6  }
0xf8: {  	[tilespmem:$0x62E0] =	vst v6  }
0xf9: {  	[tilespmem:$0x64E0] =	vst v6  }
0xfa: {  	[tilespmem:$0x60F0] =	vst v6  }
0xfb: {  	[tilespmem:$0x62F0] =	vst v6  }
0xfc: {  	[tilespmem:$0x64F0] =	vst v6  }
0xfd: {  	[tilespmem:$0x4E80] =	vst v6  }
0xfe: {  	[tilespmem:$0x5580] =	vst v6  }
0xff: {  	[tilespmem:$0x5C80] =	vst v6  }
0x100: {  	[tilespmem:$0x4E90] =	vst v6  }
0x101: {  	[tilespmem:$0x5590] =	vst v6  }
0x102: {  	[tilespmem:$0x5C90] =	vst v6  }
0x103: {  	[tilespmem:$0x4EA0] =	vst v6  }
0x104: {  	[tilespmem:$0x55A0] =	vst v6  }
0x105: {  	[tilespmem:$0x5CA0] =	vst v6  }
0x106: {  	[tilespmem:$0x4EB0] =	vst v6  }
0x107: {  	[tilespmem:$0x55B0] =	vst v6  }
0x108: {  	[tilespmem:$0x5CB0] =	vst v6  }
0x109: {  	[tilespmem:$0x4EC0] =	vst v6  }
0x10a: {  	[tilespmem:$0x55C0] =	vst v6  }
0x10b: {  	[tilespmem:$0x5CC0] =	vst v6  }
0x10c: {  	[tilespmem:$0x4ED0] =	vst v6  }
0x10d: {  	[tilespmem:$0x55D0] =	vst v6  }
0x10e: {  	[tilespmem:$0x5CD0] =	vst v6  }
0x10f: {  	[tilespmem:$0x4EE0] =	vst v6  }
0x110: {  	[tilespmem:$0x55E0] =	vst v6  }
0x111: {  	[tilespmem:$0x5CE0] =	vst v6  }
0x112: {  	[tilespmem:$0x6100] =	vst v6  }
0x113: {  	[tilespmem:$0x6300] =	vst v6  }
0x114: {  	[tilespmem:$0x6500] =	vst v6  }
0x115: {  	[tilespmem:$0x6110] =	vst v6  }
0x116: {  	[tilespmem:$0x6310] =	vst v6  }
0x117: {  	[tilespmem:$0x6510] =	vst v6  }
0x118: {  	[tilespmem:$0x4EF0] =	vst v6  }
0x119: {  	[tilespmem:$0x55F0] =	vst v6  }
0x11a: {  	[tilespmem:$0x5CF0] =	vst v6  }
0x11b: {  	[tilespmem:$0x4F00] =	vst v6  }
0x11c: {  	[tilespmem:$0x5600] =	vst v6  }
0x11d: {  	[tilespmem:$0x5D00] =	vst v6  }
0x11e: {  	[tilespmem:$0x4F10] =	vst v6  }
0x11f: {  	[tilespmem:$0x5610] =	vst v6  }
0x120: {  	[tilespmem:$0x5D10] =	vst v6  }
0x121: {  	[tilespmem:$0x4F20] =	vst v6  }
0x122: {  	[tilespmem:$0x5620] =	vst v6  }
0x123: {  	[tilespmem:$0x61E0] =	vst v6  }
0x124: {  	[tilespmem:$0x4F30] =	vst v6  }
0x125: {  	[tilespmem:$0x5630] =	vst v6  }
0x126: {  	[tilespmem:$0x5D30] =	vst v6  }
0x127: {  	[tilespmem:$0x5FF0] =	vst v6  }
0x128: {  	[tilespmem:$0x5640] =	vst v6  }
0x129: {  	[tilespmem:$0x5D40] =	vst v6  }
0x12a: {  	[tilespmem:$0x4F50] =	vst v6  }
0x12b: {  	[tilespmem:$0x5650] =	vst v6  }
0x12c: {  	[tilespmem:$0x5D50] =	vst v6  }
0x12d: {  	[tilespmem:$0x6120] =	vst v6  }
0x12e: {  	[tilespmem:$0x6320] =	vst v6  }
0x12f: {  	[tilespmem:$0x6520] =	vst v6  }
0x130: {  	[tilespmem:$0x6130] =	vst v6  }
0x131: {  	[tilespmem:$0x6330] =	vst v6  }
0x132: {  	[tilespmem:$0x6530] =	vst v6  }
0x133: {  	[tilespmem:$0x4F60] =	vst v6  }
0x134: {  	[tilespmem:$0x5660] =	vst v6  }
0x135: {  	[tilespmem:$0x5D60] =	vst v6  }
0x136: {  	[tilespmem:$0x4F70] =	vst v6  }
0x137: {  	[tilespmem:$0x5670] =	vst v6  }
0x138: {  	[tilespmem:$0x5D70] =	vst v6  }
0x139: {  	[tilespmem:$0x4F80] =	vst v6  }
0x13a: {  	[tilespmem:$0x5680] =	vst v6  }
0x13b: {  	[tilespmem:$0x5D80] =	vst v6  }
0x13c: {  	[tilespmem:$0x4F90] =	vst v6  }
0x13d: {  	[tilespmem:$0x5690] =	vst v6  }
0x13e: {  	[tilespmem:$0x5D90] =	vst v6  }
0x13f: {  	[tilespmem:$0x4FA0] =	vst v6  }
0x140: {  	[tilespmem:$0x56A0] =	vst v6  }
0x141: {  	[tilespmem:$0x5DA0] =	vst v6  }
0x142: {  	[tilespmem:$0x4FB0] =	vst v6  }
0x143: {  	[tilespmem:$0x56B0] =	vst v6  }
0x144: {  	[tilespmem:$0x5DB0] =	vst v6  }
0x145: {  	[tilespmem:$0x4FC0] =	vst v6  }
0x146: {  	[tilespmem:$0x56C0] =	vst v6  }
0x147: {  	[tilespmem:$0x5DC0] =	vst v6  }
0x148: {  	[tilespmem:$0x6140] =	vst v6  }
0x149: {  	[tilespmem:$0x6340] =	vst v6  }
0x14a: {  	[tilespmem:$0x6540] =	vst v6  }
0x14b: {  	[tilespmem:$0x6150] =	vst v6  }
0x14c: {  	[tilespmem:$0x6350] =	vst v6  }
0x14d: {  	[tilespmem:$0x6550] =	vst v6  }
0x14e: {  	[tilespmem:$0x4FD0] =	vst v6  }
0x14f: {  	[tilespmem:$0x56D0] =	vst v6  }
0x150: {  	[tilespmem:$0x5DD0] =	vst v6  }
0x151: {  	[tilespmem:$0x4FE0] =	vst v6  }
0x152: {  	[tilespmem:$0x56E0] =	vst v6  }
0x153: {  	[tilespmem:$0x5DE0] =	vst v6  }
0x154: {  	[tilespmem:$0x4FF0] =	vst v6  }
0x155: {  	[tilespmem:$0x56F0] =	vst v6  }
0x156: {  	[tilespmem:$0x5DF0] =	vst v6  }
0x157: {  	[tilespmem:$0x5000] =	vst v6  }
0x158: {  	[tilespmem:$0x5700] =	vst v6  }
0x159: {  	[tilespmem:$0x5E00] =	vst v6  }
0x15a: {  	[tilespmem:$0x5010] =	vst v6  }
0x15b: {  	[tilespmem:$0x5710] =	vst v6  }
0x15c: {  	[tilespmem:$0x5E10] =	vst v6  }
0x15d: {  	[tilespmem:$0x5020] =	vst v6  }
0x15e: {  	[tilespmem:$0x5720] =	vst v6  }
0x15f: {  	[tilespmem:$0x5E20] =	vst v6  }
0x160: {  	[tilespmem:$0x5030] =	vst v6  }
0x161: {  	[tilespmem:$0x5730] =	vst v6  }
0x162: {  	[tilespmem:$0x5E30] =	vst v6  }
0x163: {  	[tilespmem:$0x6160] =	vst v6  }
0x164: {  	[tilespmem:$0x6360] =	vst v6  }
0x165: {  	[tilespmem:$0x6560] =	vst v6  }
0x166: {  	[tilespmem:$0x6170] =	vst v6  }
0x167: {  	[tilespmem:$0x6370] =	vst v6  }
0x168: {  	[tilespmem:$0x6570] =	vst v6  }
0x169: {  	[tilespmem:$0x5040] =	vst v6  }
0x16a: {  	[tilespmem:$0x5740] =	vst v6  }
0x16b: {  	[tilespmem:$0x5E40] =	vst v6  }
0x16c: {  	[tilespmem:$0x5050] =	vst v6  }
0x16d: {  	[tilespmem:$0x5750] =	vst v6  }
0x16e: {  	[tilespmem:$0x5E50] =	vst v6  }
0x16f: {  	[tilespmem:$0x5060] =	vst v6  }
0x170: {  	[tilespmem:$0x5760] =	vst v6  }
0x171: {  	[tilespmem:$0x5E60] =	vst v6  }
0x172: {  	[tilespmem:$0x5070] =	vst v6  }
0x173: {  	[tilespmem:$0x5770] =	vst v6  }
0x174: {  	[tilespmem:$0x5E70] =	vst v6  }
0x175: {  	[tilespmem:$0x5080] =	vst v6  }
0x176: {  	[tilespmem:$0x5780] =	vst v6  }
0x177: {  	[tilespmem:$0x5E80] =	vst v6  }
0x178: {  	[tilespmem:$0x5090] =	vst v6  }
0x179: {  	[tilespmem:$0x5790] =	vst v6  }
0x17a: {  	[tilespmem:$0x5E90] =	vst v6  }
0x17b: {  	[tilespmem:$0x50A0] =	vst v6  }
0x17c: {  	[tilespmem:$0x57A0] =	vst v6  }
0x17d: {  	[tilespmem:$0x5EA0] =	vst v6  }
0x17e: {  	[tilespmem:$0x6180] =	vst v6  }
0x17f: {  	[tilespmem:$0x6380] =	vst v6  }
0x180: {  	[tilespmem:$0x6580] =	vst v6  }
0x181: {  	[tilespmem:$0x6190] =	vst v6  }
0x182: {  	[tilespmem:$0x6390] =	vst v6  }
0x183: {  	[tilespmem:$0x6590] =	vst v6  }
0x184: {  	[tilespmem:$0x50B0] =	vst v6  }
0x185: {  	[tilespmem:$0x57B0] =	vst v6  }
0x186: {  	[tilespmem:$0x5EB0] =	vst v6  }
0x187: {  	[tilespmem:$0x50C0] =	vst v6  }
0x188: {  	[tilespmem:$0x57C0] =	vst v6  }
0x189: {  	[tilespmem:$0x5EC0] =	vst v6  }
0x18a: {  	[tilespmem:$0x50D0] =	vst v6  }
0x18b: {  	[tilespmem:$0x57D0] =	vst v6  }
0x18c: {  	[tilespmem:$0x5ED0] =	vst v6  }
0x18d: {  	[tilespmem:$0x50E0] =	vst v6  }
0x18e: {  	[tilespmem:$0x57E0] =	vst v6  }
0x18f: {  	[tilespmem:$0x5EE0] =	vst v6  }
0x190: {  	[tilespmem:$0x50F0] =	vst v6  }
0x191: {  	[tilespmem:$0x57F0] =	vst v6  }
0x192: {  	[tilespmem:$0x5EF0] =	vst v6  }
0x193: {  	[tilespmem:$0x5100] =	vst v6  }
0x194: {  	[tilespmem:$0x5800] =	vst v6  }
0x195: {  	[tilespmem:$0x5F00] =	vst v6  }
0x196: {  	[tilespmem:$0x5110] =	vst v6  }
0x197: {  	[tilespmem:$0x5810] =	vst v6  }
0x198: {  	[tilespmem:$0x5F10] =	vst v6  }
0x199: {  	[tilespmem:$0x61A0] =	vst v6  }
0x19a: {  	[tilespmem:$0x63A0] =	vst v6  }
0x19b: {  	[tilespmem:$0x65A0] =	vst v6  }
0x19c: {  	[tilespmem:$0x61B0] =	vst v6  }
0x19d: {  	[tilespmem:$0x63B0] =	vst v6  }
0x19e: {  	[tilespmem:$0x65B0] =	vst v6  }
0x19f: {  	[tilespmem:$0x5120] =	vst v6  }
0x1a0: {  	[tilespmem:$0x5820] =	vst v6  }
0x1a1: {  	[tilespmem:$0x5F20] =	vst v6  }
0x1a2: {  	[tilespmem:$0x5130] =	vst v6  }
0x1a3: {  	[tilespmem:$0x5830] =	vst v6  }
0x1a4: {  	[tilespmem:$0x5F30] =	vst v6  }
0x1a5: {  	[tilespmem:$0x5140] =	vst v6  }
0x1a6: {  	[tilespmem:$0x5840] =	vst v6  }
0x1a7: {  	[tilespmem:$0x5F40] =	vst v6  }
0x1a8: {  	[tilespmem:$0x5150] =	vst v6  }
0x1a9: {  	[tilespmem:$0x5850] =	vst v6  }
0x1aa: {  	[tilespmem:$0x5F50] =	vst v6  }
0x1ab: {  	[tilespmem:$0x5160] =	vst v6  }
0x1ac: {  	[tilespmem:$0x5860] =	vst v6  }
0x1ad: {  	[tilespmem:$0x5F60] =	vst v6  }
0x1ae: {  	[tilespmem:$0x5170] =	vst v6  }
0x1af: {  	[tilespmem:$0x5870] =	vst v6  }
0x1b0: {  	[tilespmem:$0x5F70] =	vst v6  }
0x1b1: {  	[tilespmem:$0x5180] =	vst v6  }
0x1b2: {  	[tilespmem:$0x5880] =	vst v6  }
0x1b3: {  	[tilespmem:$0x5F80] =	vst v6  }
0x1b4: {  	[tilespmem:$0x61C0] =	vst v6  }
0x1b5: {  	[tilespmem:$0x63C0] =	vst v6  }
0x1b6: {  	[tilespmem:$0x65C0] =	vst v6  }
0x1b7: {  	[tilespmem:$0x61D0] =	vst v6  }
0x1b8: {  	[tilespmem:$0x63D0] =	vst v6  }
0x1b9: {  	[tilespmem:$0x65D0] =	vst v6  }
0x1ba: {  	[tilespmem:$0x5190] =	vst v6  }
0x1bb: {  	[tilespmem:$0x5890] =	vst v6  }
0x1bc: {  	[tilespmem:$0x5F90] =	vst v6  }
0x1bd: {  	[tilespmem:$0x51A0] =	vst v6  }
0x1be: {  	[tilespmem:$0x58A0] =	vst v6  }
0x1bf: {  	[tilespmem:$0x5FA0] =	vst v6  }
0x1c0: {  	[tilespmem:$0x51B0] =	vst v6  }
0x1c1: {  	[tilespmem:$0x58B0] =	vst v6  }
0x1c2: {  	[tilespmem:$0x5FB0] =	vst v6  }
0x1c3: {  	[tilespmem:$0x51C0] =	vst v6  }
0x1c4: {  	[tilespmem:$0x58C0] =	vst v6  }
0x1c5: {  	[tilespmem:$0x5FC0] =	vst v6  }
0x1c6: {  	[tilespmem:$0x51D0] =	vst v6  }
0x1c7: {  	[tilespmem:$0x58D0] =	vst v6  }
0x1c8: {  	[tilespmem:$0x5FD0] =	vst v6  }
0x1c9: {  	[tilespmem:$0x51E0] =	vst v6  }
0x1ca: {  	[tilespmem:$0x58E0] =	vst v6  }
0x1cb: {  	[tilespmem:$0x5FE0] =	vst v6  }
0x1cc: {  	[tilespmem:$0x51F0] =	vst v6  }
0x1cd: {  	[tilespmem:$0x58F0] =	vst v6  }
0x1ce: {  	v7 =	vmov s2;
	[tilespmem:$0x5D20] =	vst v6  }
0x1cf: {  	v7 =	vand.u32 $0xFF, v7;
	[tilespmem:$0x63E0] =	vst v6  }
0x1d0: {  	v7 =	vadd.s32 v0, v7;
	[tilespmem:$0x65E0] =	vst v6  }
0x1d1: {  	[tilespmem:$0x61F0] =	vst v6  }
0x1d2: {  	[tilespmem:$0x63F0] =	vst v6  }
0x1d3: {  	[tilespmem:$0x4F40] =	vst v6  }
0x1d4: {  	[tilespmem:$0x65F0] =	vst v6  }
0x1d5: {  	v8 =	vld.idx.msk [tilespmem:v7+s2+$0x0], $0xffff;
	_ =	sdelay $0x4  }
0x1d6: {  	v9 =	vand.u32 $0x7FFFFFFF, v8  }
0x1d7: {  	v9 =	vmul.f32 $1.442695020e+00, v9;
	_ =	sdelay $0x1  }
0x1d8: {  	(erf) = vpow2.f32 v9;
	_ =	sdelay $0x3  }
0x1d9: {  	v9 =	vld.idx.msk [tilespmem:v7+s24+$0x0], $0xffff;
	_ =	sdelay $0x2  }
0x1da: {  	v7 =	vld.idx.msk [tilespmem:v7+s25+$0x0], $0xffff  }
0x1db: {  	v10 =	vand.u32 $0x80000000, v8  }
0x1dc: {  	vm0 =	vlt.f32 v8, $0.0e+00;
	vm1 =	vgt.f32 v8, $0.0e+00;
	v11 =	vadd.s32 v3, v9;
	v9 =	vpop (erf)  }
0x1dd: {  	vm0 =	vmor vm1, vm0;
	v10 =	vor.u32 v10, v2;
	v9 =	vadd.f32 $-1.000000000e+00, v9  }
0x1de: {  	v8 =	vsel vm0, v10, v8  }
0x1df: {  	s6 =	simm.s32 $0x1;
	v12 =	vmul.f32 v9, v8;
	v9 =	vadd.s32 v4, v7  }
0x1e0: {  	v7 =	vmov s6  }
0x1e1: {  	[tilespmem:v11+s26+$0x0] =	vst.idx.add.f32.msk $0xffff, v1;
	v8 =	vand.u32 $0xFF, v7;
	v10 =	vmul.f32 v12, v12  }
0x1e2: {  	[tilespmem:v11+s28+$0x0] =	vst.idx.add.f32.msk $0xffff, v12;
	v8 =	vadd.s32 v0, v8  }
0x1e3: {  	[tilespmem:v11+s29+$0x0] =	vst.idx.add.f32.msk $0xffff, v10  }
0x1e4: {  	[tilespmem:v9+s30+$0x0] =	vst.idx.add.f32.msk $0xffff, v1  }
0x1e5: {  	s5 =	simm.s32 $0x2;
	v7 =	vadd.f32 v12, v6;
	v6 =	vadd.f32 v10, v6;
	[tilespmem:v9+s31+$0x0] =	vst.idx.add.f32.msk $0xffff, v12  }
.LBB2_2:
0x1e6: {  	p0 =	sne.s32 s5, $0xC7;
	[tilespmem:v9+s1+$0x0] =	vst.idx.add.f32.msk $0xffff, v10;
	s6 =	smov.u32 s5;
	s5 =	sadd.s32 $0x1, s5  }
0x1e7: {  	v9 =	vld.idx.msk [tilespmem:v8+s2+$0x0], $0xffff;
	_ =	sdelay $0x5  }
0x1e8: {  	v10 =	vand.u32 $0x7FFFFFFF, v9;
	v11 =	vand.u32 $0x80000000, v9;
	vm0 =	vlt.f32 v9, $0.0e+00  }
0x1e9: {  	vm1 =	vgt.f32 v9, $0.0e+00;
	v10 =	vmul.f32 $1.442695020e+00, v10  }
0x1ea: {  	v11 =	vor.u32 v11, v2;
	vm0 =	vmor vm1, vm0  }
0x1eb: {  	v9 =	vsel vm0, v11, v9;
	(erf) = vpow2.f32 v10;
	_ =	sdelay $0x2  }
0x1ec: {  	v10 =	vld.idx.msk [tilespmem:v8+s24+$0x0], $0xffff;
	_ =	sdelay $0x2  }
0x1ed: {  	v8 =	vld.idx.msk [tilespmem:v8+s25+$0x0], $0xffff;
	_ =	sdelay $0x2  }
0x1ee: {  	v11 =	vadd.s32 v3, v10;
	v10 =	vpop (erf)  }
0x1ef: {  	v10 =	vadd.f32 $-1.000000000e+00, v10;
	_ =	sdelay $0x1  }
0x1f0: {  	v12 =	vmul.f32 v10, v9;
	v9 =	vadd.s32 v4, v8  }
0x1f1: {  	v8 =	vmov s6  }
.Ltmp0:
0x1f2: {  	v8 =	vand.u32 $0xFF, v8;
	v10 =	vmul.f32 v12, v12;
	[tilespmem:v11+s26+$0x0] =	vst.idx.add.f32.msk $0xffff, v1;
	v7 =	vadd.f32 v12, v7;
	(pc) =	sbr.rel @p0 .LBB2_2-.Ltmp0, $4  }
0x1f3: {  	v8 =	vadd.s32 v0, v8;
	[tilespmem:v11+s28+$0x0] =	vst.idx.add.f32.msk $0xffff, v12  }
0x1f4: {  	[tilespmem:v11+s29+$0x0] =	vst.idx.add.f32.msk $0xffff, v10;
	v6 =	vadd.f32 v10, v6  }
0x1f5: {  	[tilespmem:v9+s30+$0x0] =	vst.idx.add.f32.msk $0xffff, v1  }
0x1f6: {  	[tilespmem:v9+s31+$0x0] =	vst.idx.add.f32.msk $0xffff, v12  }
0x1f7: {  	_ =	sdelay $0x3  }
0x1f8: {  	[tilespmem:v9+s1+$0x0] =	vst.idx.add.f32.msk $0xffff, v10  }
0x1f9: {  	v9 =	vld.idx.msk [tilespmem:v8+s2+$0x0], $0xffff;
	_ =	sdelay $0x4  }
0x1fa: {  	v10 =	vand.u32 $0x7FFFFFFF, v9  }
0x1fb: {  	v10 =	vmul.f32 $1.442695020e+00, v10;
	_ =	sdelay $0x1  }
0x1fc: {  	(erf) = vpow2.f32 v10;
	_ =	sdelay $0x3  }
0x1fd: {  	v10 =	vld.idx.msk [tilespmem:v8+s24+$0x0], $0xffff;
	_ =	sdelay $0x2  }
0x1fe: {  	v8 =	vld.idx.msk [tilespmem:v8+s25+$0x0], $0xffff  }
0x1ff: {  	v11 =	vand.u32 $0x80000000, v9  }
0x200: {  	vm0 =	vlt.f32 v9, $0.0e+00;
	vm1 =	vgt.f32 v9, $0.0e+00;
	v10 =	vadd.s32 v3, v10;
	v12 =	vpop (erf)  }
0x201: {  	vm0 =	vmor vm1, vm0;
	v11 =	vor.u32 v11, v2;
	v12 =	vadd.f32 $-1.000000000e+00, v12  }
0x202: {  	v9 =	vsel vm0, v11, v9  }
0x203: {  	v8 =	vadd.s32 v4, v8;
	v9 =	vmul.f32 v12, v9;
	_ =	sdelay $0x1  }
0x204: {  	[tilespmem:v10+s26+$0x0] =	vst.idx.add.f32.msk $0xffff, v1;
	v11 =	vmul.f32 v9, v9  }
0x205: {  	[tilespmem:v10+s28+$0x0] =	vst.idx.add.f32.msk $0xffff, v9  }
0x206: {  	[tilespmem:v10+s29+$0x0] =	vst.idx.add.f32.msk $0xffff, v11  }
0x207: {  	[tilespmem:v8+s30+$0x0] =	vst.idx.add.f32.msk $0xffff, v1  }
0x208: {  	v7 =	vadd.f32 v9, v7;
	[tilespmem:v8+s31+$0x0] =	vst.idx.add.f32.msk $0xffff, v9  }
0x209: {  	v6 =	vadd.f32 v11, v6;
	[tilespmem:v8+s1+$0x0] =	vst.idx.add.f32.msk $0xffff, v11  }
0x20a: {  	[tilespmem:$0x6600] =	vst v7  }
0x20b: {  	s5 =	simm.s32 $0x0;
	s6 =	rddreg [dreg:$0x6];
	[tilespmem:$0x6610] =	vst v6  }
0x20c: {  	[hbm4b:s6+s5] =	stream.linear.scatter [tilespmem:s0], [sflag:$0x1], $0x10, $0x38;
	[tilespmem:$0x6620] =	vst v63  }
0x20d: {  	_ =	swait.ge [sflag:s23], $0x10  }
0x20e: {  	[sflag:s23] =	ssyncset.done $0x0  }
0x20f: {  	[sflag:s23] =	ssyncadd.s32 $0xFFFFFFF0  }
0x210: {  	[hbm4b:s7+s5] =	stream.linear.scatter [tilespmem:s3], [sflag:$0x1], $0x10, $0x38;
	[tilespmem:$0x6620] =	vst v63  }
0x211: {  	_ =	swait.ge [sflag:s23], $0x10  }
0x212: {  	[sflag:s23] =	ssyncset.done $0x0  }
0x213: {  	[sflag:s23] =	ssyncadd.s32 $0xFFFFFFF0  }
0x214: {  	[hbm4b:s8+s5] =	stream.linear.scatter [tilespmem:s26], [sflag:$0x1], $0x700, $0x38;
	[tilespmem:$0x6620] =	vst v63  }
0x215: {  	_ =	swait.ge [sflag:s23], $0x700  }
0x216: {  	[sflag:s23] =	ssyncset.done $0x0  }
0x217: {  	[sflag:s23] =	ssyncadd.s32 $0xFFFFF900  }
0x218: {  	[hbm4b:s9+s5] =	stream.linear.scatter [tilespmem:s28], [sflag:$0x1], $0x700, $0x38;
	[tilespmem:$0x6620] =	vst v63  }
0x219: {  	_ =	swait.ge [sflag:s23], $0x700  }
0x21a: {  	[sflag:s23] =	ssyncset.done $0x0  }
0x21b: {  	[sflag:s23] =	ssyncadd.s32 $0xFFFFF900  }
0x21c: {  	[hbm4b:s10+s5] =	stream.linear.scatter [tilespmem:s29], [sflag:$0x1], $0x700, $0x38;
	[tilespmem:$0x6620] =	vst v63  }
0x21d: {  	_ =	swait.ge [sflag:s23], $0x700  }
0x21e: {  	[sflag:s23] =	ssyncset.done $0x0  }
0x21f: {  	[sflag:s23] =	ssyncadd.s32 $0xFFFFF900  }
0x220: {  	[hbm4b:s11+s5] =	stream.linear.scatter [tilespmem:s30], [sflag:$0x1], $0x200, $0x38;
	[tilespmem:$0x6620] =	vst v63  }
0x221: {  	_ =	swait.ge [sflag:s23], $0x200  }
0x222: {  	[sflag:s23] =	ssyncset.done $0x0  }
0x223: {  	[sflag:s23] =	ssyncadd.s32 $0xFFFFFE00  }
0x224: {  	[hbm4b:s12+s5] =	stream.linear.scatter [tilespmem:s31], [sflag:$0x1], $0x200, $0x38;
	[tilespmem:$0x6620] =	vst v63  }
0x225: {  	_ =	swait.ge [sflag:s23], $0x200  }
0x226: {  	[sflag:s23] =	ssyncset.done $0x0  }
0x227: {  	[sflag:s23] =	ssyncadd.s32 $0xFFFFFE00  }
0x228: {  	[hbm4b:s13+s5] =	stream.linear.scatter [tilespmem:s1], [sflag:$0x1], $0x200, $0x38;
	[tilespmem:$0x6620] =	vst v63  }
0x229: {  	_ =	swait.ge [sflag:s23], $0x200  }
0x22a: {  	[sflag:s23] =	ssyncset.done $0x0  }
0x22b: {  	v6 =	vimm.f32 $0.0e+00;
	[sflag:s23] =	ssyncadd.s32 $0xFFFFFE00  }
0x22c: {  	[tilespmem:$0x4B00] =	vst v6  }
0x22d: {  	[tilespmem:$0x5200] =	vst v6  }
0x22e: {  	[tilespmem:$0x5900] =	vst v6  }
0x22f: {  	[tilespmem:$0x4B10] =	vst v6  }
0x230: {  	[tilespmem:$0x5210] =	vst v6  }
0x231: {  	[tilespmem:$0x5910] =	vst v6  }
0x232: {  	[tilespmem:$0x4B20] =	vst v6  }
0x233: {  	[tilespmem:$0x5220] =	vst v6  }
0x234: {  	[tilespmem:$0x5920] =	vst v6  }
0x235: {  	[tilespmem:$0x4B30] =	vst v6  }
0x236: {  	[tilespmem:$0x5230] =	vst v6  }
0x237: {  	[tilespmem:$0x5930] =	vst v6  }
0x238: {  	[tilespmem:$0x4B40] =	vst v6  }
0x239: {  	[tilespmem:$0x5240] =	vst v6  }
0x23a: {  	[tilespmem:$0x5940] =	vst v6  }
0x23b: {  	[tilespmem:$0x4B50] =	vst v6  }
0x23c: {  	[tilespmem:$0x5250] =	vst v6  }
0x23d: {  	[tilespmem:$0x5950] =	vst v6  }
0x23e: {  	[tilespmem:$0x4B60] =	vst v6  }
0x23f: {  	[tilespmem:$0x5260] =	vst v6  }
0x240: {  	[tilespmem:$0x5960] =	vst v6  }
0x241: {  	[tilespmem:$0x6000] =	vst v6  }
0x242: {  	[tilespmem:$0x6200] =	vst v6  }
0x243: {  	[tilespmem:$0x6400] =	vst v6  }
0x244: {  	[tilespmem:$0x6010] =	vst v6  }
0x245: {  	[tilespmem:$0x6210] =	vst v6  }
0x246: {  	[tilespmem:$0x6410] =	vst v6  }
0x247: {  	[tilespmem:$0x4B70] =	vst v6  }
0x248: {  	[tilespmem:$0x5270] =	vst v6  }
0x249: {  	[tilespmem:$0x5970] =	vst v6  }
0x24a: {  	[tilespmem:$0x4B80] =	vst v6  }
0x24b: {  	[tilespmem:$0x5280] =	vst v6  }
0x24c: {  	[tilespmem:$0x5980] =	vst v6  }
0x24d: {  	[tilespmem:$0x4B90] =	vst v6  }
0x24e: {  	[tilespmem:$0x5290] =	vst v6  }
0x24f: {  	[tilespmem:$0x5990] =	vst v6  }
0x250: {  	[tilespmem:$0x4BA0] =	vst v6  }
0x251: {  	[tilespmem:$0x52A0] =	vst v6  }
0x252: {  	[tilespmem:$0x59A0] =	vst v6  }
0x253: {  	[tilespmem:$0x4BB0] =	vst v6  }
0x254: {  	[tilespmem:$0x52B0] =	vst v6  }
0x255: {  	[tilespmem:$0x59B0] =	vst v6  }
0x256: {  	[tilespmem:$0x4BC0] =	vst v6  }
0x257: {  	[tilespmem:$0x52C0] =	vst v6  }
0x258: {  	[tilespmem:$0x59C0] =	vst v6  }
0x259: {  	[tilespmem:$0x4BD0] =	vst v6  }
0x25a: {  	[tilespmem:$0x52D0] =	vst v6  }
0x25b: {  	[tilespmem:$0x59D0] =	vst v6  }
0x25c: {  	[tilespmem:$0x6020] =	vst v6  }
0x25d: {  	[tilespmem:$0x6220] =	vst v6  }
0x25e: {  	[tilespmem:$0x6420] =	vst v6  }
0x25f: {  	[tilespmem:$0x6030] =	vst v6  }
0x260: {  	[tilespmem:$0x6230] =	vst v6  }
0x261: {  	[tilespmem:$0x6430] =	vst v6  }
0x262: {  	[tilespmem:$0x4BE0] =	vst v6  }
0x263: {  	[tilespmem:$0x52E0] =	vst v6  }
0x264: {  	[tilespmem:$0x59E0] =	vst v6  }
0x265: {  	[tilespmem:$0x4BF0] =	vst v6  }
0x266: {  	[tilespmem:$0x52F0] =	vst v6  }
0x267: {  	[tilespmem:$0x59F0] =	vst v6  }
0x268: {  	[tilespmem:$0x4C00] =	vst v6  }
0x269: {  	[tilespmem:$0x5300] =	vst v6  }
0x26a: {  	[tilespmem:$0x5A00] =	vst v6  }
0x26b: {  	[tilespmem:$0x4C10] =	vst v6  }
0x26c: {  	[tilespmem:$0x5310] =	vst v6  }
0x26d: {  	[tilespmem:$0x5A10] =	vst v6  }
0x26e: {  	[tilespmem:$0x4C20] =	vst v6  }
0x26f: {  	[tilespmem:$0x5320] =	vst v6  }
0x270: {  	[tilespmem:$0x5A20] =	vst v6  }
0x271: {  	[tilespmem:$0x4C30] =	vst v6  }
0x272: {  	[tilespmem:$0x5330] =	vst v6  }
0x273: {  	[tilespmem:$0x5A30] =	vst v6  }
0x274: {  	[tilespmem:$0x4C40] =	vst v6  }
0x275: {  	[tilespmem:$0x5340] =	vst v6  }
0x276: {  	[tilespmem:$0x5A40] =	vst v6  }
0x277: {  	[tilespmem:$0x6040] =	vst v6  }
0x278: {  	[tilespmem:$0x6240] =	vst v6  }
0x279: {  	[tilespmem:$0x6440] =	vst v6  }
0x27a: {  	[tilespmem:$0x6050] =	vst v6  }
0x27b: {  	[tilespmem:$0x6250] =	vst v6  }
0x27c: {  	[tilespmem:$0x6450] =	vst v6  }
0x27d: {  	[tilespmem:$0x4C50] =	vst v6  }
0x27e: {  	[tilespmem:$0x5350] =	vst v6  }
0x27f: {  	[tilespmem:$0x5A50] =	vst v6  }
0x280: {  	[tilespmem:$0x4C60] =	vst v6  }
0x281: {  	[tilespmem:$0x5360] =	vst v6  }
0x282: {  	[tilespmem:$0x5A60] =	vst v6  }
0x283: {  	[tilespmem:$0x4C70] =	vst v6  }
0x284: {  	[tilespmem:$0x5370] =	vst v6  }
0x285: {  	[tilespmem:$0x5A70] =	vst v6  }
0x286: {  	[tilespmem:$0x4C80] =	vst v6  }
0x287: {  	[tilespmem:$0x5380] =	vst v6  }
0x288: {  	[tilespmem:$0x5A80] =	vst v6  }
0x289: {  	[tilespmem:$0x4C90] =	vst v6  }
0x28a: {  	[tilespmem:$0x5390] =	vst v6  }
0x28b: {  	[tilespmem:$0x5A90] =	vst v6  }
0x28c: {  	[tilespmem:$0x4CA0] =	vst v6  }
0x28d: {  	[tilespmem:$0x53A0] =	vst v6  }
0x28e: {  	[tilespmem:$0x5AA0] =	vst v6  }
0x28f: {  	[tilespmem:$0x4CB0] =	vst v6  }
0x290: {  	[tilespmem:$0x53B0] =	vst v6  }
0x291: {  	[tilespmem:$0x5AB0] =	vst v6  }
0x292: {  	[tilespmem:$0x6060] =	vst v6  }
0x293: {  	[tilespmem:$0x6260] =	vst v6  }
0x294: {  	[tilespmem:$0x6460] =	vst v6  }
0x295: {  	[tilespmem:$0x6070] =	vst v6  }
0x296: {  	[tilespmem:$0x6270] =	vst v6  }
0x297: {  	[tilespmem:$0x6470] =	vst v6  }
0x298: {  	[tilespmem:$0x4CC0] =	vst v6  }
0x299: {  	[tilespmem:$0x53C0] =	vst v6  }
0x29a: {  	[tilespmem:$0x5AC0] =	vst v6  }
0x29b: {  	[tilespmem:$0x4CD0] =	vst v6  }
0x29c: {  	[tilespmem:$0x53D0] =	vst v6  }
0x29d: {  	[tilespmem:$0x5AD0] =	vst v6  }
0x29e: {  	[tilespmem:$0x4CE0] =	vst v6  }
0x29f: {  	[tilespmem:$0x53E0] =	vst v6  }
0x2a0: {  	[tilespmem:$0x5AE0] =	vst v6  }
0x2a1: {  	[tilespmem:$0x4CF0] =	vst v6  }
0x2a2: {  	[tilespmem:$0x53F0] =	vst v6  }
0x2a3: {  	[tilespmem:$0x5AF0] =	vst v6  }
0x2a4: {  	[tilespmem:$0x4D00] =	vst v6  }
0x2a5: {  	[tilespmem:$0x5400] =	vst v6  }
0x2a6: {  	[tilespmem:$0x5B00] =	vst v6  }
0x2a7: {  	[tilespmem:$0x4D10] =	vst v6  }
0x2a8: {  	[tilespmem:$0x5410] =	vst v6  }
0x2a9: {  	[tilespmem:$0x5B10] =	vst v6  }
0x2aa: {  	[tilespmem:$0x4D20] =	vst v6  }
0x2ab: {  	[tilespmem:$0x5420] =	vst v6  }
0x2ac: {  	[tilespmem:$0x5B20] =	vst v6  }
0x2ad: {  	[tilespmem:$0x6080] =	vst v6  }
0x2ae: {  	[tilespmem:$0x6280] =	vst v6  }
0x2af: {  	[tilespmem:$0x6480] =	vst v6  }
0x2b0: {  	[tilespmem:$0x6090] =	vst v6  }
0x2b1: {  	[tilespmem:$0x6290] =	vst v6  }
0x2b2: {  	[tilespmem:$0x6490] =	vst v6  }
0x2b3: {  	[tilespmem:$0x4D30] =	vst v6  }
0x2b4: {  	[tilespmem:$0x5430] =	vst v6  }
0x2b5: {  	[tilespmem:$0x5B30] =	vst v6  }
0x2b6: {  	[tilespmem:$0x4D40] =	vst v6  }
0x2b7: {  	[tilespmem:$0x5440] =	vst v6  }
0x2b8: {  	[tilespmem:$0x5B40] =	vst v6  }
0x2b9: {  	[tilespmem:$0x4D50] =	vst v6  }
0x2ba: {  	[tilespmem:$0x5450] =	vst v6  }
0x2bb: {  	[tilespmem:$0x5B50] =	vst v6  }
0x2bc: {  	[tilespmem:$0x4D60] =	vst v6  }
0x2bd: {  	[tilespmem:$0x5460] =	vst v6  }
0x2be: {  	[tilespmem:$0x5B60] =	vst v6  }
0x2bf: {  	[tilespmem:$0x4D70] =	vst v6  }
0x2c0: {  	[tilespmem:$0x5470] =	vst v6  }
0x2c1: {  	[tilespmem:$0x5B70] =	vst v6  }
0x2c2: {  	[tilespmem:$0x4D80] =	vst v6  }
0x2c3: {  	[tilespmem:$0x5480] =	vst v6  }
0x2c4: {  	[tilespmem:$0x5B80] =	vst v6  }
0x2c5: {  	[tilespmem:$0x4D90] =	vst v6  }
0x2c6: {  	[tilespmem:$0x5490] =	vst v6  }
0x2c7: {  	[tilespmem:$0x5B90] =	vst v6  }
0x2c8: {  	[tilespmem:$0x60A0] =	vst v6  }
0x2c9: {  	[tilespmem:$0x62A0] =	vst v6  }
0x2ca: {  	[tilespmem:$0x64A0] =	vst v6  }
0x2cb: {  	[tilespmem:$0x60B0] =	vst v6  }
0x2cc: {  	[tilespmem:$0x62B0] =	vst v6  }
0x2cd: {  	[tilespmem:$0x64B0] =	vst v6  }
0x2ce: {  	[tilespmem:$0x4DA0] =	vst v6  }
0x2cf: {  	[tilespmem:$0x54A0] =	vst v6  }
0x2d0: {  	[tilespmem:$0x5BA0] =	vst v6  }
0x2d1: {  	[tilespmem:$0x4DB0] =	vst v6  }
0x2d2: {  	[tilespmem:$0x54B0] =	vst v6  }
0x2d3: {  	[tilespmem:$0x5BB0] =	vst v6  }
0x2d4: {  	[tilespmem:$0x4DC0] =	vst v6  }
0x2d5: {  	[tilespmem:$0x54C0] =	vst v6  }
0x2d6: {  	[tilespmem:$0x5BC0] =	vst v6  }
0x2d7: {  	[tilespmem:$0x4DD0] =	vst v6  }
0x2d8: {  	[tilespmem:$0x54D0] =	vst v6  }
0x2d9: {  	[tilespmem:$0x5BD0] =	vst v6  }
0x2da: {  	[tilespmem:$0x4DE0] =	vst v6  }
0x2db: {  	[tilespmem:$0x54E0] =	vst v6  }
0x2dc: {  	[tilespmem:$0x5BE0] =	vst v6  }
0x2dd: {  	[tilespmem:$0x4DF0] =	vst v6  }
0x2de: {  	[tilespmem:$0x54F0] =	vst v6  }
0x2df: {  	[tilespmem:$0x5BF0] =	vst v6  }
0x2e0: {  	[tilespmem:$0x4E00] =	vst v6  }
0x2e1: {  	[tilespmem:$0x5500] =	vst v6  }
0x2e2: {  	[tilespmem:$0x5C00] =	vst v6  }
0x2e3: {  	[tilespmem:$0x60C0] =	vst v6  }
0x2e4: {  	[tilespmem:$0x62C0] =	vst v6  }
0x2e5: {  	[tilespmem:$0x64C0] =	vst v6  }
0x2e6: {  	[tilespmem:$0x60D0] =	vst v6  }
0x2e7: {  	[tilespmem:$0x62D0] =	vst v6  }
0x2e8: {  	[tilespmem:$0x64D0] =	vst v6  }
0x2e9: {  	[tilespmem:$0x4E10] =	vst v6  }
0x2ea: {  	[tilespmem:$0x5510] =	vst v6  }
0x2eb: {  	[tilespmem:$0x5C10] =	vst v6  }
0x2ec: {  	[tilespmem:$0x4E20] =	vst v6  }
0x2ed: {  	[tilespmem:$0x5520] =	vst v6  }
0x2ee: {  	[tilespmem:$0x5C20] =	vst v6  }
0x2ef: {  	[tilespmem:$0x4E30] =	vst v6  }
0x2f0: {  	[tilespmem:$0x5530] =	vst v6  }
0x2f1: {  	[tilespmem:$0x5C30] =	vst v6  }
0x2f2: {  	[tilespmem:$0x4E40] =	vst v6  }
0x2f3: {  	[tilespmem:$0x5540] =	vst v6  }
0x2f4: {  	[tilespmem:$0x5C40] =	vst v6  }
0x2f5: {  	[tilespmem:$0x4E50] =	vst v6  }
0x2f6: {  	[tilespmem:$0x5550] =	vst v6  }
0x2f7: {  	[tilespmem:$0x5C50] =	vst v6  }
0x2f8: {  	[tilespmem:$0x4E60] =	vst v6  }
0x2f9: {  	[tilespmem:$0x5560] =	vst v6  }
0x2fa: {  	[tilespmem:$0x5C60] =	vst v6  }
0x2fb: {  	[tilespmem:$0x4E70] =	vst v6  }
0x2fc: {  	[tilespmem:$0x5570] =	vst v6  }
0x2fd: {  	[tilespmem:$0x5C70] =	vst v6  }
0x2fe: {  	[tilespmem:$0x60E0] =	vst v6  }
0x2ff: {  	[tilespmem:$0x62E0] =	vst v6  }
0x300: {  	[tilespmem:$0x64E0] =	vst v6  }
0x301: {  	[tilespmem:$0x60F0] =	vst v6  }
0x302: {  	[tilespmem:$0x62F0] =	vst v6  }
0x303: {  	[tilespmem:$0x64F0] =	vst v6  }
0x304: {  	[tilespmem:$0x4E80] =	vst v6  }
0x305: {  	[tilespmem:$0x5580] =	vst v6  }
0x306: {  	[tilespmem:$0x5C80] =	vst v6  }
0x307: {  	[tilespmem:$0x4E90] =	vst v6  }
0x308: {  	[tilespmem:$0x5590] =	vst v6  }
0x309: {  	[tilespmem:$0x5C90] =	vst v6  }
0x30a: {  	[tilespmem:$0x4EA0] =	vst v6  }
0x30b: {  	[tilespmem:$0x55A0] =	vst v6  }
0x30c: {  	[tilespmem:$0x5CA0] =	vst v6  }
0x30d: {  	[tilespmem:$0x4EB0] =	vst v6  }
0x30e: {  	[tilespmem:$0x55B0] =	vst v6  }
0x30f: {  	[tilespmem:$0x5CB0] =	vst v6  }
0x310: {  	[tilespmem:$0x4EC0] =	vst v6  }
0x311: {  	[tilespmem:$0x55C0] =	vst v6  }
0x312: {  	[tilespmem:$0x5CC0] =	vst v6  }
0x313: {  	[tilespmem:$0x4ED0] =	vst v6  }
0x314: {  	[tilespmem:$0x55D0] =	vst v6  }
0x315: {  	[tilespmem:$0x5CD0] =	vst v6  }
0x316: {  	[tilespmem:$0x4EE0] =	vst v6  }
0x317: {  	[tilespmem:$0x55E0] =	vst v6  }
0x318: {  	[tilespmem:$0x5CE0] =	vst v6  }
0x319: {  	[tilespmem:$0x6100] =	vst v6  }
0x31a: {  	[tilespmem:$0x6300] =	vst v6  }
0x31b: {  	[tilespmem:$0x6500] =	vst v6  }
0x31c: {  	[tilespmem:$0x6110] =	vst v6  }
0x31d: {  	[tilespmem:$0x6310] =	vst v6  }
0x31e: {  	[tilespmem:$0x6510] =	vst v6  }
0x31f: {  	[tilespmem:$0x4EF0] =	vst v6  }
0x320: {  	[tilespmem:$0x55F0] =	vst v6  }
0x321: {  	[tilespmem:$0x5CF0] =	vst v6  }
0x322: {  	[tilespmem:$0x4F00] =	vst v6  }
0x323: {  	[tilespmem:$0x5600] =	vst v6  }
0x324: {  	[tilespmem:$0x5D00] =	vst v6  }
0x325: {  	[tilespmem:$0x4F10] =	vst v6  }
0x326: {  	[tilespmem:$0x5610] =	vst v6  }
0x327: {  	[tilespmem:$0x5D10] =	vst v6  }
0x328: {  	[tilespmem:$0x4F20] =	vst v6  }
0x329: {  	[tilespmem:$0x5620] =	vst v6  }
0x32a: {  	[tilespmem:$0x61E0] =	vst v6  }
0x32b: {  	[tilespmem:$0x4F30] =	vst v6  }
0x32c: {  	[tilespmem:$0x5630] =	vst v6  }
0x32d: {  	[tilespmem:$0x5D30] =	vst v6  }
0x32e: {  	[tilespmem:$0x5FF0] =	vst v6  }
0x32f: {  	[tilespmem:$0x5640] =	vst v6  }
0x330: {  	[tilespmem:$0x5D40] =	vst v6  }
0x331: {  	[tilespmem:$0x4F50] =	vst v6  }
0x332: {  	[tilespmem:$0x5650] =	vst v6  }
0x333: {  	[tilespmem:$0x5D50] =	vst v6  }
0x334: {  	[tilespmem:$0x6120] =	vst v6  }
0x335: {  	[tilespmem:$0x6320] =	vst v6  }
0x336: {  	[tilespmem:$0x6520] =	vst v6  }
0x337: {  	[tilespmem:$0x6130] =	vst v6  }
0x338: {  	[tilespmem:$0x6330] =	vst v6  }
0x339: {  	[tilespmem:$0x6530] =	vst v6  }
0x33a: {  	[tilespmem:$0x4F60] =	vst v6  }
0x33b: {  	[tilespmem:$0x5660] =	vst v6  }
0x33c: {  	[tilespmem:$0x5D60] =	vst v6  }
0x33d: {  	[tilespmem:$0x4F70] =	vst v6  }
0x33e: {  	[tilespmem:$0x5670] =	vst v6  }
0x33f: {  	[tilespmem:$0x5D70] =	vst v6  }
0x340: {  	[tilespmem:$0x4F80] =	vst v6  }
0x341: {  	[tilespmem:$0x5680] =	vst v6  }
0x342: {  	[tilespmem:$0x5D80] =	vst v6  }
0x343: {  	[tilespmem:$0x4F90] =	vst v6  }
0x344: {  	[tilespmem:$0x5690] =	vst v6  }
0x345: {  	[tilespmem:$0x5D90] =	vst v6  }
0x346: {  	[tilespmem:$0x4FA0] =	vst v6  }
0x347: {  	[tilespmem:$0x56A0] =	vst v6  }
0x348: {  	[tilespmem:$0x5DA0] =	vst v6  }
0x349: {  	[tilespmem:$0x4FB0] =	vst v6  }
0x34a: {  	[tilespmem:$0x56B0] =	vst v6  }
0x34b: {  	[tilespmem:$0x5DB0] =	vst v6  }
0x34c: {  	[tilespmem:$0x4FC0] =	vst v6  }
0x34d: {  	[tilespmem:$0x56C0] =	vst v6  }
0x34e: {  	[tilespmem:$0x5DC0] =	vst v6  }
0x34f: {  	[tilespmem:$0x6140] =	vst v6  }
0x350: {  	[tilespmem:$0x6340] =	vst v6  }
0x351: {  	[tilespmem:$0x6540] =	vst v6  }
0x352: {  	[tilespmem:$0x6150] =	vst v6  }
0x353: {  	[tilespmem:$0x6350] =	vst v6  }
0x354: {  	[tilespmem:$0x6550] =	vst v6  }
0x355: {  	[tilespmem:$0x4FD0] =	vst v6  }
0x356: {  	[tilespmem:$0x56D0] =	vst v6  }
0x357: {  	[tilespmem:$0x5DD0] =	vst v6  }
0x358: {  	[tilespmem:$0x4FE0] =	vst v6  }
0x359: {  	[tilespmem:$0x56E0] =	vst v6  }
0x35a: {  	[tilespmem:$0x5DE0] =	vst v6  }
0x35b: {  	[tilespmem:$0x4FF0] =	vst v6  }
0x35c: {  	[tilespmem:$0x56F0] =	vst v6  }
0x35d: {  	[tilespmem:$0x5DF0] =	vst v6  }
0x35e: {  	[tilespmem:$0x5000] =	vst v6  }
0x35f: {  	[tilespmem:$0x5700] =	vst v6  }
0x360: {  	[tilespmem:$0x5E00] =	vst v6  }
0x361: {  	[tilespmem:$0x5010] =	vst v6  }
0x362: {  	[tilespmem:$0x5710] =	vst v6  }
0x363: {  	[tilespmem:$0x5E10] =	vst v6  }
0x364: {  	[tilespmem:$0x5020] =	vst v6  }
0x365: {  	[tilespmem:$0x5720] =	vst v6  }
0x366: {  	[tilespmem:$0x5E20] =	vst v6  }
0x367: {  	[tilespmem:$0x5030] =	vst v6  }
0x368: {  	[tilespmem:$0x5730] =	vst v6  }
0x369: {  	[tilespmem:$0x5E30] =	vst v6  }
0x36a: {  	[tilespmem:$0x6160] =	vst v6  }
0x36b: {  	[tilespmem:$0x6360] =	vst v6  }
0x36c: {  	[tilespmem:$0x6560] =	vst v6  }
0x36d: {  	[tilespmem:$0x6170] =	vst v6  }
0x36e: {  	[tilespmem:$0x6370] =	vst v6  }
0x36f: {  	[tilespmem:$0x6570] =	vst v6  }
0x370: {  	[tilespmem:$0x5040] =	vst v6  }
0x371: {  	[tilespmem:$0x5740] =	vst v6  }
0x372: {  	[tilespmem:$0x5E40] =	vst v6  }
0x373: {  	[tilespmem:$0x5050] =	vst v6  }
0x374: {  	[tilespmem:$0x5750] =	vst v6  }
0x375: {  	[tilespmem:$0x5E50] =	vst v6  }
0x376: {  	[tilespmem:$0x5060] =	vst v6  }
0x377: {  	[tilespmem:$0x5760] =	vst v6  }
0x378: {  	[tilespmem:$0x5E60] =	vst v6  }
0x379: {  	[tilespmem:$0x5070] =	vst v6  }
0x37a: {  	[tilespmem:$0x5770] =	vst v6  }
0x37b: {  	[tilespmem:$0x5E70] =	vst v6  }
0x37c: {  	[tilespmem:$0x5080] =	vst v6  }
0x37d: {  	[tilespmem:$0x5780] =	vst v6  }
0x37e: {  	[tilespmem:$0x5E80] =	vst v6  }
0x37f: {  	[tilespmem:$0x5090] =	vst v6  }
0x380: {  	[tilespmem:$0x5790] =	vst v6  }
0x381: {  	[tilespmem:$0x5E90] =	vst v6  }
0x382: {  	[tilespmem:$0x50A0] =	vst v6  }
0x383: {  	[tilespmem:$0x57A0] =	vst v6  }
0x384: {  	[tilespmem:$0x5EA0] =	vst v6  }
0x385: {  	[tilespmem:$0x6180] =	vst v6  }
0x386: {  	[tilespmem:$0x6380] =	vst v6  }
0x387: {  	[tilespmem:$0x6580] =	vst v6  }
0x388: {  	[tilespmem:$0x6190] =	vst v6  }
0x389: {  	[tilespmem:$0x6390] =	vst v6  }
0x38a: {  	[tilespmem:$0x6590] =	vst v6  }
0x38b: {  	[tilespmem:$0x50B0] =	vst v6  }
0x38c: {  	[tilespmem:$0x57B0] =	vst v6  }
0x38d: {  	[tilespmem:$0x5EB0] =	vst v6  }
0x38e: {  	[tilespmem:$0x50C0] =	vst v6  }
0x38f: {  	[tilespmem:$0x57C0] =	vst v6  }
0x390: {  	[tilespmem:$0x5EC0] =	vst v6  }
0x391: {  	[tilespmem:$0x50D0] =	vst v6  }
0x392: {  	[tilespmem:$0x57D0] =	vst v6  }
0x393: {  	[tilespmem:$0x5ED0] =	vst v6  }
0x394: {  	[tilespmem:$0x50E0] =	vst v6  }
0x395: {  	[tilespmem:$0x57E0] =	vst v6  }
0x396: {  	[tilespmem:$0x5EE0] =	vst v6  }
0x397: {  	[tilespmem:$0x50F0] =	vst v6  }
0x398: {  	[tilespmem:$0x57F0] =	vst v6  }
0x399: {  	[tilespmem:$0x5EF0] =	vst v6  }
0x39a: {  	[tilespmem:$0x5100] =	vst v6  }
0x39b: {  	[tilespmem:$0x5800] =	vst v6  }
0x39c: {  	[tilespmem:$0x5F00] =	vst v6  }
0x39d: {  	[tilespmem:$0x5110] =	vst v6  }
0x39e: {  	[tilespmem:$0x5810] =	vst v6  }
0x39f: {  	[tilespmem:$0x5F10] =	vst v6  }
0x3a0: {  	[tilespmem:$0x61A0] =	vst v6  }
0x3a1: {  	[tilespmem:$0x63A0] =	vst v6  }
0x3a2: {  	[tilespmem:$0x65A0] =	vst v6  }
0x3a3: {  	[tilespmem:$0x61B0] =	vst v6  }
0x3a4: {  	[tilespmem:$0x63B0] =	vst v6  }
0x3a5: {  	[tilespmem:$0x65B0] =	vst v6  }
0x3a6: {  	[tilespmem:$0x5120] =	vst v6  }
0x3a7: {  	[tilespmem:$0x5820] =	vst v6  }
0x3a8: {  	[tilespmem:$0x5F20] =	vst v6  }
0x3a9: {  	[tilespmem:$0x5130] =	vst v6  }
0x3aa: {  	[tilespmem:$0x5830] =	vst v6  }
0x3ab: {  	[tilespmem:$0x5F30] =	vst v6  }
0x3ac: {  	[tilespmem:$0x5140] =	vst v6  }
0x3ad: {  	[tilespmem:$0x5840] =	vst v6  }
0x3ae: {  	[tilespmem:$0x5F40] =	vst v6  }
0x3af: {  	[tilespmem:$0x5150] =	vst v6  }
0x3b0: {  	[tilespmem:$0x5850] =	vst v6  }
0x3b1: {  	[tilespmem:$0x5F50] =	vst v6  }
0x3b2: {  	[tilespmem:$0x5160] =	vst v6  }
0x3b3: {  	[tilespmem:$0x5860] =	vst v6  }
0x3b4: {  	[tilespmem:$0x5F60] =	vst v6  }
0x3b5: {  	[tilespmem:$0x5170] =	vst v6  }
0x3b6: {  	[tilespmem:$0x5870] =	vst v6  }
0x3b7: {  	[tilespmem:$0x5F70] =	vst v6  }
0x3b8: {  	[tilespmem:$0x5180] =	vst v6  }
0x3b9: {  	[tilespmem:$0x5880] =	vst v6  }
0x3ba: {  	[tilespmem:$0x5F80] =	vst v6  }
0x3bb: {  	[tilespmem:$0x61C0] =	vst v6  }
0x3bc: {  	[tilespmem:$0x63C0] =	vst v6  }
0x3bd: {  	[tilespmem:$0x65C0] =	vst v6  }
0x3be: {  	[tilespmem:$0x61D0] =	vst v6  }
0x3bf: {  	[tilespmem:$0x63D0] =	vst v6  }
0x3c0: {  	[tilespmem:$0x65D0] =	vst v6  }
0x3c1: {  	[tilespmem:$0x5190] =	vst v6  }
0x3c2: {  	[tilespmem:$0x5890] =	vst v6  }
0x3c3: {  	[tilespmem:$0x5F90] =	vst v6  }
0x3c4: {  	[tilespmem:$0x51A0] =	vst v6  }
0x3c5: {  	[tilespmem:$0x58A0] =	vst v6  }
0x3c6: {  	[tilespmem:$0x5FA0] =	vst v6  }
0x3c7: {  	[tilespmem:$0x51B0] =	vst v6  }
0x3c8: {  	[tilespmem:$0x58B0] =	vst v6  }
0x3c9: {  	[tilespmem:$0x5FB0] =	vst v6  }
0x3ca: {  	[tilespmem:$0x51C0] =	vst v6  }
0x3cb: {  	[tilespmem:$0x58C0] =	vst v6  }
0x3cc: {  	[tilespmem:$0x5FC0] =	vst v6  }
0x3cd: {  	[tilespmem:$0x51D0] =	vst v6  }
0x3ce: {  	[tilespmem:$0x58D0] =	vst v6  }
0x3cf: {  	[tilespmem:$0x5FD0] =	vst v6  }
0x3d0: {  	[tilespmem:$0x51E0] =	vst v6  }
0x3d1: {  	[tilespmem:$0x58E0] =	vst v6  }
0x3d2: {  	[tilespmem:$0x5FE0] =	vst v6  }
0x3d3: {  	[tilespmem:$0x51F0] =	vst v6  }
0x3d4: {  	[tilespmem:$0x58F0] =	vst v6  }
0x3d5: {  	v7 =	vmov s5;
	[tilespmem:$0x5D20] =	vst v6  }
0x3d6: {  	v7 =	vand.u32 $0xFF, v7;
	[tilespmem:$0x63E0] =	vst v6  }
0x3d7: {  	v7 =	vadd.s32 v5, v7;
	[tilespmem:$0x65E0] =	vst v6  }
0x3d8: {  	[tilespmem:$0x61F0] =	vst v6  }
0x3d9: {  	[tilespmem:$0x63F0] =	vst v6  }
0x3da: {  	[tilespmem:$0x4F40] =	vst v6  }
0x3db: {  	[tilespmem:$0x65F0] =	vst v6  }
0x3dc: {  	v8 =	vld.idx.msk [tilespmem:v7+s2+$0x0], $0xffff;
	_ =	sdelay $0x4  }
0x3dd: {  	v9 =	vand.u32 $0x7FFFFFFF, v8  }
0x3de: {  	v9 =	vmul.f32 $1.442695020e+00, v9;
	_ =	sdelay $0x1  }
0x3df: {  	(erf) = vpow2.f32 v9;
	_ =	sdelay $0x3  }
0x3e0: {  	v9 =	vld.idx.msk [tilespmem:v7+s24+$0x0], $0xffff;
	_ =	sdelay $0x2  }
0x3e1: {  	v7 =	vld.idx.msk [tilespmem:v7+s25+$0x0], $0xffff  }
0x3e2: {  	v10 =	vand.u32 $0x80000000, v8  }
0x3e3: {  	vm14 =	vlt.f32 v8, $0.0e+00;
	vm15 =	vgt.f32 v8, $0.0e+00;
	v11 =	vadd.s32 v3, v9;
	v9 =	vpop (erf)  }
0x3e4: {  	v10 =	vor.u32 v10, v2;
	vm0 =	vmor vm15, vm14;
	v9 =	vadd.f32 $-1.000000000e+00, v9  }
0x3e5: {  	v8 =	vsel vm0, v10, v8  }
0x3e6: {  	s6 =	simm.s32 $0x1;
	v63 =	vmul.f32 v9, v8;
	v9 =	vadd.s32 v4, v7  }
0x3e7: {  	v7 =	vmov s6  }
0x3e8: {  	[tilespmem:v11+s26+$0x0] =	vst.idx.add.f32.msk $0xffff, v1;
	v8 =	vand.u32 $0xFF, v7;
	v10 =	vmul.f32 v63, v63  }
0x3e9: {  	[tilespmem:v11+s28+$0x0] =	vst.idx.add.f32.msk $0xffff, v63;
	v8 =	vadd.s32 v5, v8  }
0x3ea: {  	[tilespmem:v11+s29+$0x0] =	vst.idx.add.f32.msk $0xffff, v10  }
0x3eb: {  	[tilespmem:v9+s30+$0x0] =	vst.idx.add.f32.msk $0xffff, v1  }
0x3ec: {  	s5 =	simm.s32 $0x2;
	v7 =	vadd.f32 v63, v6;
	v6 =	vadd.f32 v10, v6;
	[tilespmem:v9+s31+$0x0] =	vst.idx.add.f32.msk $0xffff, v63  }
.LBB2_4:
0x3ed: {  	p0 =	sne.s32 s5, $0xC7;
	[tilespmem:v9+s1+$0x0] =	vst.idx.add.f32.msk $0xffff, v10;
	s6 =	smov.u32 s5;
	s5 =	sadd.s32 $0x1, s5  }
0x3ee: {  	v9 =	vld.idx.msk [tilespmem:v8+s2+$0x0], $0xffff;
	_ =	sdelay $0x5  }
0x3ef: {  	v10 =	vand.u32 $0x7FFFFFFF, v9;
	v11 =	vand.u32 $0x80000000, v9;
	vm0 =	vlt.f32 v9, $0.0e+00  }
0x3f0: {  	vm1 =	vgt.f32 v9, $0.0e+00;
	v10 =	vmul.f32 $1.442695020e+00, v10  }
0x3f1: {  	v11 =	vor.u32 v11, v2;
	vm0 =	vmor vm1, vm0  }
0x3f2: {  	v9 =	vsel vm0, v11, v9;
	(erf) = vpow2.f32 v10;
	_ =	sdelay $0x2  }
0x3f3: {  	v10 =	vld.idx.msk [tilespmem:v8+s24+$0x0], $0xffff;
	_ =	sdelay $0x2  }
0x3f4: {  	v8 =	vld.idx.msk [tilespmem:v8+s25+$0x0], $0xffff;
	_ =	sdelay $0x2  }
0x3f5: {  	v11 =	vadd.s32 v3, v10;
	v10 =	vpop (erf)  }
0x3f6: {  	v10 =	vadd.f32 $-1.000000000e+00, v10;
	_ =	sdelay $0x1  }
0x3f7: {  	v12 =	vmul.f32 v10, v9;
	v9 =	vadd.s32 v4, v8  }
0x3f8: {  	v8 =	vmov s6  }
.Ltmp1:
0x3f9: {  	v8 =	vand.u32 $0xFF, v8;
	v10 =	vmul.f32 v12, v12;
	[tilespmem:v11+s26+$0x0] =	vst.idx.add.f32.msk $0xffff, v1;
	v7 =	vadd.f32 v12, v7;
	(pc) =	sbr.rel @p0 .LBB2_4-.Ltmp1, $4  }
0x3fa: {  	v8 =	vadd.s32 v5, v8;
	[tilespmem:v11+s28+$0x0] =	vst.idx.add.f32.msk $0xffff, v12  }
0x3fb: {  	[tilespmem:v11+s29+$0x0] =	vst.idx.add.f32.msk $0xffff, v10;
	v6 =	vadd.f32 v10, v6  }
0x3fc: {  	[tilespmem:v9+s30+$0x0] =	vst.idx.add.f32.msk $0xffff, v1  }
0x3fd: {  	[tilespmem:v9+s31+$0x0] =	vst.idx.add.f32.msk $0xffff, v12  }
0x3fe: {  	_ =	sdelay $0x3  }
0x3ff: {  	[tilespmem:v9+s1+$0x0] =	vst.idx.add.f32.msk $0xffff, v10  }
0x400: {  	v9 =	vld.idx.msk [tilespmem:v8+s2+$0x0], $0xffff;
	_ =	sdelay $0x4  }
0x401: {  	v60 =	vand.u32 $0x7FFFFFFF, v9  }
0x402: {  	v10 =	vmul.f32 $1.442695020e+00, v60;
	_ =	sdelay $0x1  }
0x403: {  	(erf) = vpow2.f32 v10;
	_ =	sdelay $0x3  }
0x404: {  	v61 =	vld.idx.msk [tilespmem:v8+s24+$0x0], $0xffff;
	_ =	sdelay $0x2  }
0x405: {  	v62 =	vld.idx.msk [tilespmem:v8+s25+$0x0], $0xffff  }
0x406: {  	v11 =	vand.u32 $0x80000000, v9  }
0x407: {  	vm0 =	vlt.f32 v9, $0.0e+00;
	vm1 =	vgt.f32 v9, $0.0e+00;
	v10 =	vadd.s32 v3, v61;
	v12 =	vpop (erf)  }
0x408: {  	vm0 =	vmor vm1, vm0;
	v11 =	vor.u32 v11, v2;
	v12 =	vadd.f32 $-1.000000000e+00, v12  }
0x409: {  	v9 =	vsel vm0, v11, v9  }
0x40a: {  	v8 =	vadd.s32 v4, v62;
	v9 =	vmul.f32 v12, v9;
	_ =	sdelay $0x1  }
0x40b: {  	[tilespmem:v10+s26+$0x0] =	vst.idx.add.f32.msk $0xffff, v1;
	v63 =	vmul.f32 v9, v9  }
0x40c: {  	[tilespmem:v10+s28+$0x0] =	vst.idx.add.f32.msk $0xffff, v9  }
0x40d: {  	[tilespmem:v10+s29+$0x0] =	vst.idx.add.f32.msk $0xffff, v63  }
0x40e: {  	[tilespmem:v8+s30+$0x0] =	vst.idx.add.f32.msk $0xffff, v1  }
0x40f: {  	v7 =	vadd.f32 v9, v7;
	[tilespmem:v8+s31+$0x0] =	vst.idx.add.f32.msk $0xffff, v9  }
0x410: {  	v6 =	vadd.f32 v63, v6;
	[tilespmem:v8+s1+$0x0] =	vst.idx.add.f32.msk $0xffff, v63  }
0x411: {  	[tilespmem:$0x6600] =	vst v7  }
0x412: {  	[tilespmem:$0x6610] =	vst v6  }
0x413: {  	[hbm4b:s14+s2] =	stream.linear.scatter [tilespmem:s0], [sflag:$0x1], $0x10, $0x38;
	[tilespmem:$0x6620] =	vst v63  }
0x414: {  	_ =	swait.ge [sflag:s23], $0x10  }
0x415: {  	[sflag:s23] =	ssyncset.done $0x0  }
0x416: {  	[sflag:s23] =	ssyncadd.s32 $0xFFFFFFF0  }
0x417: {  	[hbm4b:s15+s2] =	stream.linear.scatter [tilespmem:s3], [sflag:$0x1], $0x10, $0x38;
	[tilespmem:$0x6620] =	vst v63  }
0x418: {  	_ =	swait.ge [sflag:s23], $0x10  }
0x419: {  	[sflag:s23] =	ssyncset.done $0x0  }
0x41a: {  	[sflag:s23] =	ssyncadd.s32 $0xFFFFFFF0  }
0x41b: {  	[hbm4b:s16+s2] =	stream.linear.scatter [tilespmem:s26], [sflag:$0x1], $0x700, $0x38;
	[tilespmem:$0x6620] =	vst v63  }
0x41c: {  	_ =	swait.ge [sflag:s23], $0x700  }
0x41d: {  	[sflag:s23] =	ssyncset.done $0x0  }
0x41e: {  	[sflag:s23] =	ssyncadd.s32 $0xFFFFF900  }
0x41f: {  	[hbm4b:s17+s2] =	stream.linear.scatter [tilespmem:s28], [sflag:$0x1], $0x700, $0x38;
	[tilespmem:$0x6620] =	vst v63  }
0x420: {  	_ =	swait.ge [sflag:s23], $0x700  }
0x421: {  	[sflag:s23] =	ssyncset.done $0x0  }
0x422: {  	[sflag:s23] =	ssyncadd.s32 $0xFFFFF900  }
0x423: {  	[hbm4b:s18+s2] =	stream.linear.scatter [tilespmem:s29], [sflag:$0x1], $0x700, $0x38;
	[tilespmem:$0x6620] =	vst v63  }
0x424: {  	_ =	swait.ge [sflag:s23], $0x700  }
0x425: {  	[sflag:s23] =	ssyncset.done $0x0  }
0x426: {  	[sflag:s23] =	ssyncadd.s32 $0xFFFFF900  }
0x427: {  	[hbm4b:s19+s2] =	stream.linear.scatter [tilespmem:s30], [sflag:$0x1], $0x200, $0x38;
	[tilespmem:$0x6620] =	vst v63  }
0x428: {  	_ =	swait.ge [sflag:s23], $0x200  }
0x429: {  	[sflag:s23] =	ssyncset.done $0x0  }
0x42a: {  	[sflag:s23] =	ssyncadd.s32 $0xFFFFFE00  }
0x42b: {  	[hbm4b:s20+s2] =	stream.linear.scatter [tilespmem:s31], [sflag:$0x1], $0x200, $0x38;
	[tilespmem:$0x6620] =	vst v63  }
0x42c: {  	s4 =	sadd.s32 $0x1, s4;
	_ =	swait.ge [sflag:s23], $0x200  }
0x42d: {  	p0 =	sne.s32 s4, s22;
	[sflag:s23] =	ssyncset.done $0x0  }
.Ltmp2:
0x42e: {  	[sflag:s23] =	ssyncadd.s32 $0xFFFFFE00;
	(pc) =	sbr.rel @p0 .LBB2_1-.Ltmp2, $4  }
0x42f: {  	[hbm4b:s21+s2] =	stream.linear.scatter [tilespmem:s1], [sflag:$0x1], $0x200, $0x38;
	[tilespmem:$0x6620] =	vst v63  }
0x430: {  	_ =	swait.ge [sflag:s23], $0x200  }
0x431: {  	[sflag:s23] =	ssyncset.done $0x0  }
0x432: {  	[sflag:s23] =	ssyncadd.s32 $0xFFFFFE00  }
0x433: {  	_ =	sfence.sel $0x180000  }
0x434: {  	[bflag:$0x0] =	sbarrier.arrive $0xFFFF  }
0x435: {  	_ =	strace $0x90000047  }
0x436: {  	s0 =	stileid.u32;
	[bflag:$0x2] =	sbarrier.arrive $0xFFFF  }
0x437: {  	p0 =	sne.s32 s0, $0x0;
	s0 =	rddreg [dreg:$0x2]  }
0x438: {  	s0 =	sadd.s32 @!p0 $0x100000, s0  }
0x439: {  	[sflag:s0] =	ssyncadd.tile.s32 @!p0 $0x1;
	_ =	shalt  }
.Lfunc_end2:
_tile_overlayer_lowered:
.L_overlay_start_2:
0x43a: {  	(tag) =	ssettag $0x2  }
0x43b: {  	s0 =	rddreg [dreg:$0x0];
	s2 =	stileid.u32  }
0x43c: {  	s1 =	rddreg [dreg:$0x1];
	p0 =	sne.s32 s2, $0x0  }
0x43d: {  	s3 =	rddreg [dreg:$0x2];
	[bflag:$0x3] =	sbarrier.arrive $0xFFFF;
	s2 =	simm.s32 @!p0 $0x1C01  }
0x43e: {  	[timem:s3], [sflag:s2] =	dma.local @!p0 [hbm:s0], s1  }
0x43f: {  	s0 =	simm.s32 @!p0 $0x1  }
0x440: {  	_ =	swait.ge @!p0 [sflag:s0], s1  }
0x441: {  	s1 =	ssub.s32 @!p0 $0x0, s1;
	[sflag:s0] =	ssyncset.done @!p0 $0x0  }
0x442: {  	[sflag:s0] =	ssyncadd.s32 @!p0 s1  }
0x443: {  	[bflag:$0x3] =	sbarrier.arrive $0xFFFF  }
0x444: {  	_ =	shalt  }

</sc_bundles>
